<compile_context>
chip_gen: v7x
topology: tpu7x:2x2x1
jax: 0.10.2.dev20260603
libtpu: 0.0.44.dev20260713+nightly
codegen_flags: <defaults>
</compile_context>

<pallas_src>
import functools

import jax
import jax.numpy as jnp
from jax import lax
from jax.experimental import pallas as pl
from jax.experimental.pallas import tpu as pltpu
from jax.experimental.pallas import tpu_sc as plsc


def _tc_body(L, LB, H, hs_ref, wk_ref, bk_ref, wv_ref, bv_ref, rhm_ref,
             v_ref, r0_ref, r1_ref, c0_ref, c1_ref):
    b = pl.program_id(0)
    lb = pl.program_id(1)
    hs = hs_ref[...]
    k = jnp.dot(hs, wk_ref[...], preferred_element_type=jnp.float32)
    k = jnp.maximum(k + bk_ref[...], 0.0)
    hs_hi = hs.astype(jnp.bfloat16)
    v = jnp.dot(hs_hi, wv_ref[...].astype(jnp.bfloat16),
                preferred_element_type=jnp.float32)
    v = jnp.maximum(v + bv_ref[...], 0.0)
    hd = v.shape[1] // H
    vu = lax.bitcast_convert_type(v, jnp.uint32) + jnp.uint32(0x8000)
    pieces = []
    for h in range(H):
        a = vu[:, h * hd: h * hd + hd // 2]
        bhalf = vu[:, h * hd + hd // 2: (h + 1) * hd]
        pieces.append((a >> 16) | (bhalf & jnp.uint32(0xFFFF0000)))
    packed = jnp.concatenate(pieces, axis=1)
    v_ref[...] = lax.bitcast_convert_type(packed, jnp.float32)

    dotp = jnp.dot(k, rhm_ref[...], preferred_element_type=jnp.float32)
    mask = dotp > 0.5

    liota = lb * LB + lax.broadcasted_iota(jnp.int32, (LB, H), 0)
    neg = jnp.full((LB, H), -1, jnp.int32)
    s0 = jnp.where(mask, liota, neg)
    s1 = neg

    d = 1
    while d < LB:
        p0 = jnp.concatenate([neg[:d], s0[: LB - d]], axis=0)
        p1 = jnp.concatenate([neg[:d], s1[: LB - d]], axis=0)
        n0 = jnp.where(s0 >= 0, s0, p0)
        n1 = jnp.where(s0 >= 0, jnp.where(s1 >= 0, s1, p0), p1)
        s0, s1 = n0, n1
        d *= 2

    @pl.when(lb == 0)
    def _reset():
        c0_ref[...] = jnp.full((1, H), -1, jnp.int32)
        c1_ref[...] = jnp.full((1, H), -1, jnp.int32)

    c0 = c0_ref[...]
    c1 = c1_ref[...]
    n0 = jnp.where(s0 >= 0, s0, c0)
    n1 = jnp.where(s0 >= 0, jnp.where(s1 >= 0, s1, c0), c1)
    c0_ref[...] = n0[LB - 1:LB, :]
    c1_ref[...] = n1[LB - 1:LB, :]

    l0 = jnp.maximum(n0, 0)
    l1 = jnp.maximum(n1, 0)
    hiota = lax.broadcasted_iota(jnp.int32, (LB, H), 1)
    base = b * (L * H)
    r0_ref[...] = base + l0 * H + hiota
    r1_ref[...] = base + l1 * H + hiota


def _tc_call(hs2, Wk, bk2, Wv, bv2, rhm, B, L, D, AH, H):
    LB = 1024
    nlb = L // LB
    return pl.pallas_call(
        functools.partial(_tc_body, L, LB, H),
        grid=(B, nlb),
        in_specs=[
            pl.BlockSpec((LB, D), lambda b, lb: (b * (L // LB) + lb, 0)),
            pl.BlockSpec((D, AH), lambda b, lb: (0, 0)),
            pl.BlockSpec((1, AH), lambda b, lb: (0, 0)),
            pl.BlockSpec((D, AH), lambda b, lb: (0, 0)),
            pl.BlockSpec((1, AH), lambda b, lb: (0, 0)),
            pl.BlockSpec((AH, H), lambda b, lb: (0, 0)),
        ],
        out_specs=[
            pl.BlockSpec((LB, AH // 2), lambda b, lb: (b * (L // LB) + lb, 0)),
            pl.BlockSpec((LB, H), lambda b, lb: (b * (L // LB) + lb, 0)),
            pl.BlockSpec((LB, H), lambda b, lb: (b * (L // LB) + lb, 0)),
        ],
        out_shape=[
            jax.ShapeDtypeStruct((B * L, AH // 2), jnp.float32),
            jax.ShapeDtypeStruct((B * L, H), jnp.int32),
            jax.ShapeDtypeStruct((B * L, H), jnp.int32),
        ],
        scratch_shapes=[
            pltpu.VMEM((1, H), jnp.int32),
            pltpu.VMEM((1, H), jnp.int32),
        ],
    )(hs2, Wk, bk2, Wv, bv2, rhm)


_CHUNK = 128


def _sc_call(table, r0m, r1m, w1v, w2v, rows, hd):
    info = plsc.get_sparse_core_info()
    nw = info.num_cores * info.num_subcores
    per_w = rows // nw
    n_chunks = per_w // _CHUNK
    mesh = plsc.VectorSubcoreMesh(core_axis_name="c", subcore_axis_name="s")

    @functools.partial(
        pl.kernel,
        mesh=mesh,
        compiler_params=pltpu.CompilerParams(use_tc_tiling_on_sc=False),
        out_type=jax.ShapeDtypeStruct((rows, hd), jnp.float32),
        scratch_types=[
            pltpu.VMEM((n_chunks, _CHUNK), jnp.int32),
            pltpu.VMEM((n_chunks, _CHUNK), jnp.int32),
            pltpu.VMEM((2, _CHUNK, hd // 2), jnp.float32),
            pltpu.VMEM((2, _CHUNK, hd // 2), jnp.float32),
            pltpu.VMEM((2, _CHUNK, hd), jnp.float32),
            pltpu.VMEM((16,), jnp.float32),
            pltpu.VMEM((16,), jnp.float32),
            pltpu.SemaphoreType.DMA,
            pltpu.SemaphoreType.DMA,
            pltpu.SemaphoreType.DMA,
            pltpu.SemaphoreType.DMA,
        ],
    )
    def sc_kernel(table_hbm, r0_hbm, r1_hbm, w1_hbm, w2_hbm, out_hbm,
                  idx0, idx1, buf_a, buf_b, buf_o, w1s, w2s,
                  sg0, sg1, sw0, sw1):
        wid = lax.axis_index("s") * info.num_cores + lax.axis_index("c")
        ibase = wid * n_chunks
        pltpu.sync_copy(r0_hbm.at[pl.ds(ibase, n_chunks)], idx0)
        pltpu.sync_copy(r1_hbm.at[pl.ds(ibase, n_chunks)], idx1)
        pltpu.sync_copy(w1_hbm, w1s)
        pltpu.sync_copy(w2_hbm, w2s)
        w1x = w1s[...]
        w2x = w2s[...]

        sem_g = (sg0, sg1)
        sem_w = (sw0, sw1)
        gathers = {}
        writes = {}

        def start_gather(c):
            s = c & 1
            a = pltpu.async_copy(table_hbm.at[idx0.at[c]], buf_a.at[s],
                                 sem_g[s])
            b = pltpu.async_copy(table_hbm.at[idx1.at[c]], buf_b.at[s],
                                 sem_g[s])
            gathers[c] = (a, b)

        start_gather(0)
        for c in range(n_chunks):
            if c + 1 < n_chunks:
                start_gather(c + 1)
            ga, gb = gathers.pop(c)
            ga.wait()
            gb.wait()
            if c >= 2:
                writes.pop(c - 2).wait()
            s = c & 1

            def row(i, carry, s=s):
                himask = jnp.uint32(0xFFFF0000)
                for j in range(hd // 32):
                    wa = lax.bitcast_convert_type(
                        buf_a[s, i, pl.ds(j * 16, 16)], jnp.uint32)
                    wb = lax.bitcast_convert_type(
                        buf_b[s, i, pl.ds(j * 16, 16)], jnp.uint32)
                    alo = lax.bitcast_convert_type(wa << 16, jnp.float32)
                    ahi = lax.bitcast_convert_type(wa & himask, jnp.float32)
                    blo = lax.bitcast_convert_type(wb << 16, jnp.float32)
                    bhi = lax.bitcast_convert_type(wb & himask, jnp.float32)
                    buf_o[s, i, pl.ds(j * 16, 16)] = alo * w1x + blo * w2x
                    buf_o[s, i, pl.ds(hd // 2 + j * 16, 16)] = (
                        ahi * w1x + bhi * w2x)
                return carry

            lax.fori_loop(0, _CHUNK, row, 0)
            writes[c] = pltpu.async_copy(
                buf_o.at[s], out_hbm.at[pl.ds(wid * per_w + c * _CHUNK,
                                              _CHUNK)], sem_w[s])
        writes.pop(n_chunks - 2).wait()
        writes.pop(n_chunks - 1).wait()

    return sc_kernel(table, r0m, r1m, w1v, w2v)


def kernel(hidden_states, Wk, bk, Wv, bv, w1, w2, ReadingHead):
    B, L, D = hidden_states.shape
    H, HD = ReadingHead.shape
    AH = H * HD

    hs2 = hidden_states.reshape(B * L, D)
    bk2 = bk.reshape(1, AH)
    bv2 = bv.reshape(1, AH)
    rhm = (ReadingHead[:, :, None]
           * jnp.eye(H, dtype=ReadingHead.dtype)[:, None, :]).reshape(AH, H)

    v1, r0, r1 = _tc_call(hs2, Wk, bk2, Wv, bv2, rhm, B, L, D, AH, H)

    table = v1.reshape(B * L * H, HD // 2)
    r0m = r0.reshape(B * L * H // _CHUNK, _CHUNK)
    r1m = r1.reshape(B * L * H // _CHUNK, _CHUNK)
    w1v = jnp.broadcast_to(w1.reshape(()), (16,)).astype(jnp.float32)
    w2v = jnp.broadcast_to(w2.reshape(()), (16,)).astype(jnp.float32)

    out = _sc_call(table, r0m, r1m, w1v, w2v, B * L * H, HD)
    return (out.reshape(B, L, AH),)

# --- scband reference (transcript-rebuilt; emitter-appended) ---
"""Pipeline reference for scband-roberta-self-attention-match-kv-34703335751974 (READ-ONLY COPY).

The authoritative reference and input builder live on the scoring server;
editing this copy changes nothing except your own understanding.
"""

import jax, jax.numpy as jnp
import numpy as np

B, L, D = 2, 2048, 1024
H, HD = 16, 64
AH = H * HD

def setup_inputs(seed: int = 0):
    key = jax.random.key(seed)
    ks = jax.random.split(key, 6)
    hidden_states = jax.random.normal(ks[0], (B, L, D), dtype=jnp.float32)
    Wk = jax.random.normal(ks[1], (D, AH), dtype=jnp.float32) * (1.0 / np.sqrt(D))
    bk = jnp.zeros((AH,), dtype=jnp.float32)
    Wv = jax.random.normal(ks[2], (D, AH), dtype=jnp.float32) * (1.0 / np.sqrt(D))
    bv = jnp.zeros((AH,), dtype=jnp.float32)
    w1 = jnp.ones((1,), dtype=jnp.float32) * 0.7
    w2 = jnp.ones((1,), dtype=jnp.float32) * 0.3
    ReadingHead = jax.random.normal(ks[3], (H, HD), dtype=jnp.float32) * np.sqrt(2.0 / (H + HD))
    return {"hidden_states": hidden_states, "Wk": Wk, "bk": bk, "Wv": Wv, "bv": bv, "w1": w1, "w2": w2, "ReadingHead": ReadingHead}

def reference(hidden_states, Wk, bk, Wv, bv, w1, w2, ReadingHead):
    bs, length, _ = hidden_states.shape
    n_head, hd = ReadingHead.shape
    # key/value projections + ReLU; transpose_for_scores then permute back -> [B, L, H, hd]
    K = jax.nn.relu(hidden_states @ Wk + bk).reshape(bs, length, n_head, hd)
    V1 = jax.nn.relu(hidden_states @ Wv + bv).reshape(bs, length, n_head, hd)
    dot_products = jnp.einsum('blnh,nh->bln', K, ReadingHead)
    valid_mask = dot_products > 0.5  # [B, L, H]

    def step(carry, inp):
        l0, l1 = carry
        mask, t = inp  # mask: [B, H], t: scalar
        l1 = jnp.where(mask, l0, l1)
        l0 = jnp.where(mask, t, l0)
        return (l0, l1), jnp.stack([l0, l1], axis=-1)  # [B, H, 2]

    init = (jnp.zeros((bs, n_head), dtype=jnp.int32), jnp.zeros((bs, n_head), dtype=jnp.int32))
    ts = jnp.arange(length, dtype=jnp.int32)
    masks = jnp.transpose(valid_mask, (1, 0, 2))  # [L, B, H]
    _, valid_indices = jax.lax.scan(step, init, (masks, ts))  # [L, B, H, 2]
    # torch: [B,H,L,2] -> view [B,H,2L] -> permute [B,2L,H]; equivalent to [B, L, 2, H]
    idx2 = jnp.transpose(valid_indices, (1, 0, 3, 2))  # [B, L, 2, H]

    idx_e = jnp.broadcast_to(idx2[..., None], (bs, length, 2, n_head, hd))
    V1_e = jnp.broadcast_to(V1[:, :, None, :, :], (bs, length, 2, n_head, hd))
    new_states = jnp.take_along_axis(V1_e, idx_e, axis=1)  # [B, L, 2, H, hd]
    new_states = new_states[:, :, 0] * w1 + new_states[:, :, 1] * w2  # [B, L, H, hd]
    context_layer = new_states.reshape(bs, length, n_head * hd)
    return (context_layer,)

if False:  # reference __main__ guard neutralized (emitter)
    out = reference(**setup_inputs())
    print(out[0].shape)

if __name__ == "__main__":
    import jax
    _d = setup_inputs()
    print(jax.jit(kernel)(*tuple(_d.values())))

</pallas_src>

<mosaic_0001>
#map = affine_map<(d0, d1) -> (0, 0)>
#map1 = affine_map<(d0, d1) -> (0)>
module attributes {stable_mosaic.version = 14 : i64} {
  func.func @sc_kernel(%arg0: i32, %arg1: i32, %arg2: memref<65536x32xf32, #tpu.memory_space<hbm>>, %arg3: memref<512x128xi32, #tpu.memory_space<hbm>>, %arg4: memref<512x128xi32, #tpu.memory_space<hbm>>, %arg5: memref<16xf32, #tpu.memory_space<hbm>>, %arg6: memref<16xf32, #tpu.memory_space<hbm>>, %arg7: memref<65536x64xf32, #tpu.memory_space<hbm>>, %arg8: memref<16x128xi32, #tpu.memory_space<vmem>>, %arg9: memref<16x128xi32, #tpu.memory_space<vmem>>, %arg10: memref<2x128x32xf32, #tpu.memory_space<vmem>>, %arg11: memref<2x128x32xf32, #tpu.memory_space<vmem>>, %arg12: memref<2x128x64xf32, #tpu.memory_space<vmem>>, %arg13: memref<16xf32, #tpu.memory_space<vmem>>, %arg14: memref<16xf32, #tpu.memory_space<vmem>>, %arg15: memref<!tpu.dma_semaphore, #tpu.memory_space<semaphore_mem>>, %arg16: memref<!tpu.dma_semaphore, #tpu.memory_space<semaphore_mem>>, %arg17: memref<!tpu.dma_semaphore, #tpu.memory_space<semaphore_mem>>, %arg18: memref<!tpu.dma_semaphore, #tpu.memory_space<semaphore_mem>>) attributes {dimension_semantics = [#tpu.dimension_semantics<core_parallel>, #tpu.dimension_semantics<subcore_parallel>], iteration_bounds = array<i64: 2, 16>, scalar_prefetch = 0 : i64, scratch_operands = 11 : i64, tpu.core_type = #tpu.core_type<sc_vector_subcore>, window_params = [{transform_indices = #map}, {transform_indices = #map}, {transform_indices = #map}, {transform_indices = #map1}, {transform_indices = #map1}, {transform_indices = #map}]} {
    %mul3A = arith.constant 2 : i32
    %mul3A_0 = arith.muli %arg1, %mul3A : i32
    %add3A = arith.addi %mul3A_0, %arg0 : i32
    %mul3A_1 = arith.constant 16 : i32
    %mul3A_2 = arith.muli %add3A, %mul3A_1 : i32
    "tpu.region"() ({
      %run_scoped3A = tpu.sem_alloc : memref<!tpu.dma_semaphore, #tpu.memory_space<semaphore_mem>>
      %dma_start3A_1349 = arith.constant 0 : i32
      %dma_start3A_1350 = tpu.memref_slice %arg3[%mul3A_2, %dma_start3A_1349] : memref<512x128xi32, #tpu.memory_space<hbm>> -> memref<16x128xi32, #tpu.memory_space<hbm>>
      %dma_start3A_1351 = arith.constant 0 : i32
      %dma_start3A_1352 = tpu.memref_slice %arg3[%mul3A_2, %dma_start3A_1351] : memref<512x128xi32, #tpu.memory_space<hbm>> -> memref<16x128xi32, #tpu.memory_space<hbm>>
      tpu.enqueue_dma source(%dma_start3A_1352 : memref<16x128xi32, #tpu.memory_space<hbm>>) target(%arg8 : memref<16x128xi32, #tpu.memory_space<vmem>>) target_semaphore(%run_scoped3A : memref<!tpu.dma_semaphore, #tpu.memory_space<semaphore_mem>>)
      %dma_wait3A_1353 = arith.constant 0 : i32
      %dma_wait3A_1354 = tpu.memref_slice %arg3[%mul3A_2, %dma_wait3A_1353] : memref<512x128xi32, #tpu.memory_space<hbm>> -> memref<16x128xi32, #tpu.memory_space<hbm>>
      %dma_wait3A_1355 = arith.constant 0 : i32
      %dma_wait3A_1356 = tpu.memref_slice %arg3[%mul3A_2, %dma_wait3A_1355] : memref<512x128xi32, #tpu.memory_space<hbm>> -> memref<16x128xi32, #tpu.memory_space<hbm>>
      tpu.wait_dma2 semaphore(%run_scoped3A : memref<!tpu.dma_semaphore, #tpu.memory_space<semaphore_mem>>) src(%dma_wait3A_1356 : memref<16x128xi32, #tpu.memory_space<hbm>>) dst(%arg8 : memref<16x128xi32, #tpu.memory_space<vmem>>)
      tpu.yield
    }) : () -> ()
    "tpu.region"() ({
      %run_scoped3A = tpu.sem_alloc : memref<!tpu.dma_semaphore, #tpu.memory_space<semaphore_mem>>
      %dma_start3A_1349 = arith.constant 0 : i32
      %dma_start3A_1350 = tpu.memref_slice %arg4[%mul3A_2, %dma_start3A_1349] : memref<512x128xi32, #tpu.memory_space<hbm>> -> memref<16x128xi32, #tpu.memory_space<hbm>>
      %dma_start3A_1351 = arith.constant 0 : i32
      %dma_start3A_1352 = tpu.memref_slice %arg4[%mul3A_2, %dma_start3A_1351] : memref<512x128xi32, #tpu.memory_space<hbm>> -> memref<16x128xi32, #tpu.memory_space<hbm>>
      tpu.enqueue_dma source(%dma_start3A_1352 : memref<16x128xi32, #tpu.memory_space<hbm>>) target(%arg9 : memref<16x128xi32, #tpu.memory_space<vmem>>) target_semaphore(%run_scoped3A : memref<!tpu.dma_semaphore, #tpu.memory_space<semaphore_mem>>)
      %dma_wait3A_1353 = arith.constant 0 : i32
      %dma_wait3A_1354 = tpu.memref_slice %arg4[%mul3A_2, %dma_wait3A_1353] : memref<512x128xi32, #tpu.memory_space<hbm>> -> memref<16x128xi32, #tpu.memory_space<hbm>>
      %dma_wait3A_1355 = arith.constant 0 : i32
      %dma_wait3A_1356 = tpu.memref_slice %arg4[%mul3A_2, %dma_wait3A_1355] : memref<512x128xi32, #tpu.memory_space<hbm>> -> memref<16x128xi32, #tpu.memory_space<hbm>>
      tpu.wait_dma2 semaphore(%run_scoped3A : memref<!tpu.dma_semaphore, #tpu.memory_space<semaphore_mem>>) src(%dma_wait3A_1356 : memref<16x128xi32, #tpu.memory_space<hbm>>) dst(%arg9 : memref<16x128xi32, #tpu.memory_space<vmem>>)
      tpu.yield
    }) : () -> ()
    "tpu.region"() ({
      %run_scoped3A = tpu.sem_alloc : memref<!tpu.dma_semaphore, #tpu.memory_space<semaphore_mem>>
      tpu.enqueue_dma source(%arg5 : memref<16xf32, #tpu.memory_space<hbm>>) target(%arg13 : memref<16xf32, #tpu.memory_space<vmem>>) target_semaphore(%run_scoped3A : memref<!tpu.dma_semaphore, #tpu.memory_space<semaphore_mem>>)
      tpu.wait_dma2 semaphore(%run_scoped3A : memref<!tpu.dma_semaphore, #tpu.memory_space<semaphore_mem>>) src(%arg5 : memref<16xf32, #tpu.memory_space<hbm>>) dst(%arg13 : memref<16xf32, #tpu.memory_space<vmem>>)
      tpu.yield
    }) : () -> ()
    "tpu.region"() ({
      %run_scoped3A = tpu.sem_alloc : memref<!tpu.dma_semaphore, #tpu.memory_space<semaphore_mem>>
      tpu.enqueue_dma source(%arg6 : memref<16xf32, #tpu.memory_space<hbm>>) target(%arg14 : memref<16xf32, #tpu.memory_space<vmem>>) target_semaphore(%run_scoped3A : memref<!tpu.dma_semaphore, #tpu.memory_space<semaphore_mem>>)
      tpu.wait_dma2 semaphore(%run_scoped3A : memref<!tpu.dma_semaphore, #tpu.memory_space<semaphore_mem>>) src(%arg6 : memref<16xf32, #tpu.memory_space<hbm>>) dst(%arg14 : memref<16xf32, #tpu.memory_space<vmem>>)
      tpu.yield
    }) : () -> ()
    %get3A = arith.constant 0 : index
    %get3A_3 = tpu.vector_load %arg13[%get3A] {strides = array<i32>} : memref<16xf32, #tpu.memory_space<vmem>>, vector<16xf32>,
    %get3A_4 = vector.shape_cast %get3A_3 : vector<16xf32> to vector<16xf32>
    %get3A_5 = arith.constant 0 : index
    %get3A_6 = tpu.vector_load %arg14[%get3A_5] {strides = array<i32>} : memref<16xf32, #tpu.memory_space<vmem>>, vector<16xf32>,
    %get3A_7 = vector.shape_cast %get3A_6 : vector<16xf32> to vector<16xf32>
    %dma_start3A = arith.constant 0 : i32
    %dma_start3A_8 = arith.constant 0 : i32
    %dma_start3A_9 = arith.constant 0 : i32
    %dma_start3A_10 = arith.constant 0 : i32
    %dma_start3A_11 = tpu.memref_slice %arg10[%dma_start3A_8, %dma_start3A_9, %dma_start3A_10] : memref<2x128x32xf32, #tpu.memory_space<vmem>> -> memref<1x128x32xf32, #tpu.memory_space<vmem>>
    %dma_start3A_12 = tpu.memref_squeeze %dma_start3A_11 : memref<1x128x32xf32, #tpu.memory_space<vmem>> -> memref<128x32xf32, #tpu.memory_space<vmem>>
    %dma_start3A_13 = arith.constant 0 : i32
    %dma_start3A_14 = tpu.memref_slice %arg8[%dma_start3A, %dma_start3A_13] : memref<16x128xi32, #tpu.memory_space<vmem>> -> memref<1x128xi32, #tpu.memory_space<vmem>>
    %dma_start3A_15 = tpu.memref_squeeze %dma_start3A_14 : memref<1x128xi32, #tpu.memory_space<vmem>> -> memref<128xi32, #tpu.memory_space<vmem>>
    %dma_start3A_16 = arith.constant 0 : i32
    %dma_start3A_17 = arith.constant 0 : i32
    %dma_start3A_18 = tpu.memref_slice %arg2[%dma_start3A_16, %dma_start3A_17] : memref<65536x32xf32, #tpu.memory_space<hbm>> -> memref<65536x32xf32, #tpu.memory_space<hbm>>
    tpu.enqueue_indirect_dma source(%dma_start3A_18 : memref<65536x32xf32, #tpu.memory_space<hbm>>) target(%dma_start3A_12 : memref<128x32xf32, #tpu.memory_space<vmem>>) offsets(%dma_start3A_15 : memref<128xi32, #tpu.memory_space<vmem>>) semaphore(%arg15 : memref<!tpu.dma_semaphore, #tpu.memory_space<semaphore_mem>>)
    %dma_start3A_19 = arith.constant 0 : i32
    %dma_start3A_20 = arith.constant 0 : i32
    %dma_start3A_21 = arith.constant 0 : i32
    %dma_start3A_22 = arith.constant 0 : i32
    %dma_start3A_23 = tpu.memref_slice %arg11[%dma_start3A_20, %dma_start3A_21, %dma_start3A_22] : memref<2x128x32xf32, #tpu.memory_space<vmem>> -> memref<1x128x32xf32, #tpu.memory_space<vmem>>
    %dma_start3A_24 = tpu.memref_squeeze %dma_start3A_23 : memref<1x128x32xf32, #tpu.memory_space<vmem>> -> memref<128x32xf32, #tpu.memory_space<vmem>>
    %dma_start3A_25 = arith.constant 0 : i32
    %dma_start3A_26 = tpu.memref_slice %arg9[%dma_start3A_19, %dma_start3A_25] : memref<16x128xi32, #tpu.memory_space<vmem>> -> memref<1x128xi32, #tpu.memory_space<vmem>>
    %dma_start3A_27 = tpu.memref_squeeze %dma_start3A_26 : memref<1x128xi32, #tpu.memory_space<vmem>> -> memref<128xi32, #tpu.memory_space<vmem>>
    %dma_start3A_28 = arith.constant 0 : i32
    %dma_start3A_29 = arith.constant 0 : i32
    %dma_start3A_30 = tpu.memref_slice %arg2[%dma_start3A_28, %dma_start3A_29] : memref<65536x32xf32, #tpu.memory_space<hbm>> -> memref<65536x32xf32, #tpu.memory_space<hbm>>
    tpu.enqueue_indirect_dma source(%dma_start3A_30 : memref<65536x32xf32, #tpu.memory_space<hbm>>) target(%dma_start3A_24 : memref<128x32xf32, #tpu.memory_space<vmem>>) offsets(%dma_start3A_27 : memref<128xi32, #tpu.memory_space<vmem>>) semaphore(%arg15 : memref<!tpu.dma_semaphore, #tpu.memory_space<semaphore_mem>>)
    %dma_start3A_31 = arith.constant 1 : i32
    %dma_start3A_32 = arith.constant 1 : i32
    %dma_start3A_33 = arith.constant 0 : i32
    %dma_start3A_34 = arith.constant 0 : i32
    %dma_start3A_35 = tpu.memref_slice %arg10[%dma_start3A_32, %dma_start3A_33, %dma_start3A_34] : memref<2x128x32xf32, #tpu.memory_space<vmem>> -> memref<1x128x32xf32, #tpu.memory_space<vmem>>
    %dma_start3A_36 = tpu.memref_squeeze %dma_start3A_35 : memref<1x128x32xf32, #tpu.memory_space<vmem>> -> memref<128x32xf32, #tpu.memory_space<vmem>>
    %dma_start3A_37 = arith.constant 0 : i32
    %dma_start3A_38 = tpu.memref_slice %arg8[%dma_start3A_31, %dma_start3A_37] : memref<16x128xi32, #tpu.memory_space<vmem>> -> memref<1x128xi32, #tpu.memory_space<vmem>>
    %dma_start3A_39 = tpu.memref_squeeze %dma_start3A_38 : memref<1x128xi32, #tpu.memory_space<vmem>> -> memref<128xi32, #tpu.memory_space<vmem>>
    %dma_start3A_40 = arith.constant 0 : i32
    %dma_start3A_41 = arith.constant 0 : i32
    %dma_start3A_42 = tpu.memref_slice %arg2[%dma_start3A_40, %dma_start3A_41] : memref<65536x32xf32, #tpu.memory_space<hbm>> -> memref<65536x32xf32, #tpu.memory_space<hbm>>
    tpu.enqueue_indirect_dma source(%dma_start3A_42 : memref<65536x32xf32, #tpu.memory_space<hbm>>) target(%dma_start3A_36 : memref<128x32xf32, #tpu.memory_space<vmem>>) offsets(%dma_start3A_39 : memref<128xi32, #tpu.memory_space<vmem>>) semaphore(%arg16 : memref<!tpu.dma_semaphore, #tpu.memory_space<semaphore_mem>>)
    %dma_start3A_43 = arith.constant 1 : i32
    %dma_start3A_44 = arith.constant 1 : i32
    %dma_start3A_45 = arith.constant 0 : i32
    %dma_start3A_46 = arith.constant 0 : i32
    %dma_start3A_47 = tpu.memref_slice %arg11[%dma_start3A_44, %dma_start3A_45, %dma_start3A_46] : memref<2x128x32xf32, #tpu.memory_space<vmem>> -> memref<1x128x32xf32, #tpu.memory_space<vmem>>
    %dma_start3A_48 = tpu.memref_squeeze %dma_start3A_47 : memref<1x128x32xf32, #tpu.memory_space<vmem>> -> memref<128x32xf32, #tpu.memory_space<vmem>>
    %dma_start3A_49 = arith.constant 0 : i32
    %dma_start3A_50 = tpu.memref_slice %arg9[%dma_start3A_43, %dma_start3A_49] : memref<16x128xi32, #tpu.memory_space<vmem>> -> memref<1x128xi32, #tpu.memory_space<vmem>>
    %dma_start3A_51 = tpu.memref_squeeze %dma_start3A_50 : memref<1x128xi32, #tpu.memory_space<vmem>> -> memref<128xi32, #tpu.memory_space<vmem>>
    %dma_start3A_52 = arith.constant 0 : i32
    %dma_start3A_53 = arith.constant 0 : i32
    %dma_start3A_54 = tpu.memref_slice %arg2[%dma_start3A_52, %dma_start3A_53] : memref<65536x32xf32, #tpu.memory_space<hbm>> -> memref<65536x32xf32, #tpu.memory_space<hbm>>
    tpu.enqueue_indirect_dma source(%dma_start3A_54 : memref<65536x32xf32, #tpu.memory_space<hbm>>) target(%dma_start3A_48 : memref<128x32xf32, #tpu.memory_space<vmem>>) offsets(%dma_start3A_51 : memref<128xi32, #tpu.memory_space<vmem>>) semaphore(%arg16 : memref<!tpu.dma_semaphore, #tpu.memory_space<semaphore_mem>>)
    %dma_wait3A = arith.constant 0 : i32
    %dma_wait3A_55 = arith.constant 0 : i32
    %dma_wait3A_56 = arith.constant 0 : i32
    %dma_wait3A_57 = arith.constant 0 : i32
    %dma_wait3A_58 = tpu.memref_slice %arg10[%dma_wait3A_55, %dma_wait3A_56, %dma_wait3A_57] : memref<2x128x32xf32, #tpu.memory_space<vmem>> -> memref<1x128x32xf32, #tpu.memory_space<vmem>>
    %dma_wait3A_59 = tpu.memref_squeeze %dma_wait3A_58 : memref<1x128x32xf32, #tpu.memory_space<vmem>> -> memref<128x32xf32, #tpu.memory_space<vmem>>
    %dma_wait3A_60 = arith.constant 0 : i32
    %dma_wait3A_61 = tpu.memref_slice %arg8[%dma_wait3A, %dma_wait3A_60] : memref<16x128xi32, #tpu.memory_space<vmem>> -> memref<1x128xi32, #tpu.memory_space<vmem>>
    %dma_wait3A_62 = tpu.memref_squeeze %dma_wait3A_61 : memref<1x128xi32, #tpu.memory_space<vmem>> -> memref<128xi32, #tpu.memory_space<vmem>>
    %dma_wait3A_63 = arith.constant 0 : i32
    %dma_wait3A_64 = arith.constant 0 : i32
    %dma_wait3A_65 = tpu.memref_slice %arg2[%dma_wait3A_63, %dma_wait3A_64] : memref<65536x32xf32, #tpu.memory_space<hbm>> -> memref<65536x32xf32, #tpu.memory_space<hbm>>
    tpu.wait_indirect_dma semaphore(%arg15 : memref<!tpu.dma_semaphore, #tpu.memory_space<semaphore_mem>>) src(%dma_wait3A_65 : memref<65536x32xf32, #tpu.memory_space<hbm>>) dst(%dma_wait3A_59 : memref<128x32xf32, #tpu.memory_space<vmem>>)
    %dma_wait3A_66 = arith.constant 0 : i32
    %dma_wait3A_67 = arith.constant 0 : i32
    %dma_wait3A_68 = arith.constant 0 : i32
    %dma_wait3A_69 = arith.constant 0 : i32
    %dma_wait3A_70 = tpu.memref_slice %arg11[%dma_wait3A_67, %dma_wait3A_68, %dma_wait3A_69] : memref<2x128x32xf32, #tpu.memory_space<vmem>> -> memref<1x128x32xf32, #tpu.memory_space<vmem>>
    %dma_wait3A_71 = tpu.memref_squeeze %dma_wait3A_70 : memref<1x128x32xf32, #tpu.memory_space<vmem>> -> memref<128x32xf32, #tpu.memory_space<vmem>>
    %dma_wait3A_72 = arith.constant 0 : i32
    %dma_wait3A_73 = tpu.memref_slice %arg9[%dma_wait3A_66, %dma_wait3A_72] : memref<16x128xi32, #tpu.memory_space<vmem>> -> memref<1x128xi32, #tpu.memory_space<vmem>>
    %dma_wait3A_74 = tpu.memref_squeeze %dma_wait3A_73 : memref<1x128xi32, #tpu.memory_space<vmem>> -> memref<128xi32, #tpu.memory_space<vmem>>
    %dma_wait3A_75 = arith.constant 0 : i32
    %dma_wait3A_76 = arith.constant 0 : i32
    %dma_wait3A_77 = tpu.memref_slice %arg2[%dma_wait3A_75, %dma_wait3A_76] : memref<65536x32xf32, #tpu.memory_space<hbm>> -> memref<65536x32xf32, #tpu.memory_space<hbm>>
    tpu.wait_indirect_dma semaphore(%arg15 : memref<!tpu.dma_semaphore, #tpu.memory_space<semaphore_mem>>) src(%dma_wait3A_77 : memref<65536x32xf32, #tpu.memory_space<hbm>>) dst(%dma_wait3A_71 : memref<128x32xf32, #tpu.memory_space<vmem>>)
    %scan3A = arith.constant 0 : i32
    %scan3A_78 = arith.constant 0 : i32
    %scan3A_79 = arith.constant 128 : i32
    %scan3A_80 = arith.addi %scan3A_78, %scan3A_79 : i32
    %scan3A_81 = arith.constant 1 : i32
    scf.for %scan3A_1349 = %scan3A_78 to %scan3A_80 step %scan3A_81  : i32 {
      %get3A_1350 = arith.constant 0 : i32
      %get3A_1351 = arith.index_cast %get3A_1350 : i32 to index
      %get3A_1352 = arith.index_cast %scan3A_1349 : i32 to index
      %get3A_1353 = arith.constant 0 : index
      %get3A_1354 = tpu.vector_load %arg10[%get3A_1351, %get3A_1352, %get3A_1353] {strides = array<i32>} : memref<2x128x32xf32, #tpu.memory_space<vmem>>, vector<1x1x16xf32>,
      %get3A_1355 = vector.shape_cast %get3A_1354 : vector<1x1x16xf32> to vector<16xf32>
      %bitcast_convert_type3A = tpu.bitcast %get3A_1355 : vector<16xf32> -> vector<16xi32>
      %get3A_1356 = arith.constant 0 : i32
      %get3A_1357 = arith.index_cast %get3A_1356 : i32 to index
      %get3A_1358 = arith.index_cast %scan3A_1349 : i32 to index
      %get3A_1359 = arith.constant 0 : index
      %get3A_1360 = tpu.vector_load %arg11[%get3A_1357, %get3A_1358, %get3A_1359] {strides = array<i32>} : memref<2x128x32xf32, #tpu.memory_space<vmem>>, vector<1x1x16xf32>,
      %get3A_1361 = vector.shape_cast %get3A_1360 : vector<1x1x16xf32> to vector<16xf32>
      %bitcast_convert_type3A_1362 = tpu.bitcast %get3A_1361 : vector<16xf32> -> vector<16xi32>
      %shift_left3A = arith.constant 16 : i32
      %shift_left3A_1363 = vector.broadcast %shift_left3A : i32 to vector<16xi32>
      %shift_left3A_1364 = arith.shli %bitcast_convert_type3A, %shift_left3A_1363 : vector<16xi32>
      %bitcast_convert_type3A_1365 = tpu.bitcast %shift_left3A_1364 : vector<16xi32> -> vector<16xf32>
      %and3A = arith.constant -65536 : i32
      %and3A_1366 = vector.broadcast %and3A : i32 to vector<16xi32>
      %and3A_1367 = arith.andi %bitcast_convert_type3A, %and3A_1366 : vector<16xi32>
      %bitcast_convert_type3A_1368 = tpu.bitcast %and3A_1367 : vector<16xi32> -> vector<16xf32>
      %shift_left3A_1369 = arith.constant 16 : i32
      %shift_left3A_1370 = vector.broadcast %shift_left3A_1369 : i32 to vector<16xi32>
      %shift_left3A_1371 = arith.shli %bitcast_convert_type3A_1362, %shift_left3A_1370 : vector<16xi32>
      %bitcast_convert_type3A_1372 = tpu.bitcast %shift_left3A_1371 : vector<16xi32> -> vector<16xf32>
      %and3A_1373 = arith.constant -65536 : i32
      %and3A_1374 = vector.broadcast %and3A_1373 : i32 to vector<16xi32>
      %and3A_1375 = arith.andi %bitcast_convert_type3A_1362, %and3A_1374 : vector<16xi32>
      %bitcast_convert_type3A_1376 = tpu.bitcast %and3A_1375 : vector<16xi32> -> vector<16xf32>
      %mul3A_1377 = arith.mulf %bitcast_convert_type3A_1365, %get3A_4 : vector<16xf32>
      %mul3A_1378 = arith.mulf %bitcast_convert_type3A_1372, %get3A_7 : vector<16xf32>
      %add3A_1379 = arith.addf %mul3A_1377, %mul3A_1378 : vector<16xf32>
      %swap3A = arith.constant 0 : i32
      %swap3A_1380 = arith.index_cast %swap3A : i32 to index
      %swap3A_1381 = arith.index_cast %scan3A_1349 : i32 to index
      %swap3A_1382 = arith.constant 0 : index
      %swap3A_1383 = tpu.vector_load %arg12[%swap3A_1380, %swap3A_1381, %swap3A_1382] {strides = array<i32>} : memref<2x128x64xf32, #tpu.memory_space<vmem>>, vector<1x1x16xf32>,
      %swap3A_1384 = vector.shape_cast %swap3A_1383 : vector<1x1x16xf32> to vector<16xf32>
      %swap3A_1385 = vector.shape_cast %add3A_1379 : vector<16xf32> to vector<1x1x16xf32>
      tpu.vector_store %arg12[%swap3A_1380, %swap3A_1381, %swap3A_1382], %swap3A_1385 {strides = array<i32>} : memref<2x128x64xf32, #tpu.memory_space<vmem>>, vector<1x1x16xf32>,
      %mul3A_1386 = arith.mulf %bitcast_convert_type3A_1368, %get3A_4 : vector<16xf32>
      %mul3A_1387 = arith.mulf %bitcast_convert_type3A_1376, %get3A_7 : vector<16xf32>
      %add3A_1388 = arith.addf %mul3A_1386, %mul3A_1387 : vector<16xf32>
      %swap3A_1389 = arith.constant 0 : i32
      %swap3A_1390 = arith.index_cast %swap3A_1389 : i32 to index
      %swap3A_1391 = arith.index_cast %scan3A_1349 : i32 to index
      %swap3A_1392 = arith.constant 32 : index
      %swap3A_1393 = tpu.vector_load %arg12[%swap3A_1390, %swap3A_1391, %swap3A_1392] {strides = array<i32>} : memref<2x128x64xf32, #tpu.memory_space<vmem>>, vector<1x1x16xf32>,
      %swap3A_1394 = vector.shape_cast %swap3A_1393 : vector<1x1x16xf32> to vector<16xf32>
      %swap3A_1395 = vector.shape_cast %add3A_1388 : vector<16xf32> to vector<1x1x16xf32>
      tpu.vector_store %arg12[%swap3A_1390, %swap3A_1391, %swap3A_1392], %swap3A_1395 {strides = array<i32>} : memref<2x128x64xf32, #tpu.memory_space<vmem>>, vector<1x1x16xf32>,
      %get3A_1396 = arith.constant 0 : i32
      %get3A_1397 = arith.index_cast %get3A_1396 : i32 to index
      %get3A_1398 = arith.index_cast %scan3A_1349 : i32 to index
      %get3A_1399 = arith.constant 16 : index
      %get3A_1400 = tpu.vector_load %arg10[%get3A_1397, %get3A_1398, %get3A_1399] {strides = array<i32>} : memref<2x128x32xf32, #tpu.memory_space<vmem>>, vector<1x1x16xf32>,
      %get3A_1401 = vector.shape_cast %get3A_1400 : vector<1x1x16xf32> to vector<16xf32>
      %bitcast_convert_type3A_1402 = tpu.bitcast %get3A_1401 : vector<16xf32> -> vector<16xi32>
      %get3A_1403 = arith.constant 0 : i32
      %get3A_1404 = arith.index_cast %get3A_1403 : i32 to index
      %get3A_1405 = arith.index_cast %scan3A_1349 : i32 to index
      %get3A_1406 = arith.constant 16 : index
      %get3A_1407 = tpu.vector_load %arg11[%get3A_1404, %get3A_1405, %get3A_1406] {strides = array<i32>} : memref<2x128x32xf32, #tpu.memory_space<vmem>>, vector<1x1x16xf32>,
      %get3A_1408 = vector.shape_cast %get3A_1407 : vector<1x1x16xf32> to vector<16xf32>
      %bitcast_convert_type3A_1409 = tpu.bitcast %get3A_1408 : vector<16xf32> -> vector<16xi32>
      %shift_left3A_1410 = arith.constant 16 : i32
      %shift_left3A_1411 = vector.broadcast %shift_left3A_1410 : i32 to vector<16xi32>
      %shift_left3A_1412 = arith.shli %bitcast_convert_type3A_1402, %shift_left3A_1411 : vector<16xi32>
      %bitcast_convert_type3A_1413 = tpu.bitcast %shift_left3A_1412 : vector<16xi32> -> vector<16xf32>
      %and3A_1414 = arith.constant -65536 : i32
      %and3A_1415 = vector.broadcast %and3A_1414 : i32 to vector<16xi32>
      %and3A_1416 = arith.andi %bitcast_convert_type3A_1402, %and3A_1415 : vector<16xi32>
      %bitcast_convert_type3A_1417 = tpu.bitcast %and3A_1416 : vector<16xi32> -> vector<16xf32>
      %shift_left3A_1418 = arith.constant 16 : i32
      %shift_left3A_1419 = vector.broadcast %shift_left3A_1418 : i32 to vector<16xi32>
      %shift_left3A_1420 = arith.shli %bitcast_convert_type3A_1409, %shift_left3A_1419 : vector<16xi32>
      %bitcast_convert_type3A_1421 = tpu.bitcast %shift_left3A_1420 : vector<16xi32> -> vector<16xf32>
      %and3A_1422 = arith.constant -65536 : i32
      %and3A_1423 = vector.broadcast %and3A_1422 : i32 to vector<16xi32>
      %and3A_1424 = arith.andi %bitcast_convert_type3A_1409, %and3A_1423 : vector<16xi32>
      %bitcast_convert_type3A_1425 = tpu.bitcast %and3A_1424 : vector<16xi32> -> vector<16xf32>
      %mul3A_1426 = arith.mulf %bitcast_convert_type3A_1413, %get3A_4 : vector<16xf32>
      %mul3A_1427 = arith.mulf %bitcast_convert_type3A_1421, %get3A_7 : vector<16xf32>
      %add3A_1428 = arith.addf %mul3A_1426, %mul3A_1427 : vector<16xf32>
      %swap3A_1429 = arith.constant 0 : i32
      %swap3A_1430 = arith.index_cast %swap3A_1429 : i32 to index
      %swap3A_1431 = arith.index_cast %scan3A_1349 : i32 to index
      %swap3A_1432 = arith.constant 16 : index
      %swap3A_1433 = tpu.vector_load %arg12[%swap3A_1430, %swap3A_1431, %swap3A_1432] {strides = array<i32>} : memref<2x128x64xf32, #tpu.memory_space<vmem>>, vector<1x1x16xf32>,
      %swap3A_1434 = vector.shape_cast %swap3A_1433 : vector<1x1x16xf32> to vector<16xf32>
      %swap3A_1435 = vector.shape_cast %add3A_1428 : vector<16xf32> to vector<1x1x16xf32>
      tpu.vector_store %arg12[%swap3A_1430, %swap3A_1431, %swap3A_1432], %swap3A_1435 {strides = array<i32>} : memref<2x128x64xf32, #tpu.memory_space<vmem>>, vector<1x1x16xf32>,
      %mul3A_1436 = arith.mulf %bitcast_convert_type3A_1417, %get3A_4 : vector<16xf32>
      %mul3A_1437 = arith.mulf %bitcast_convert_type3A_1425, %get3A_7 : vector<16xf32>
      %add3A_1438 = arith.addf %mul3A_1436, %mul3A_1437 : vector<16xf32>
      %swap3A_1439 = arith.constant 0 : i32
      %swap3A_1440 = arith.index_cast %swap3A_1439 : i32 to index
      %swap3A_1441 = arith.index_cast %scan3A_1349 : i32 to index
      %swap3A_1442 = arith.constant 48 : index
      %swap3A_1443 = tpu.vector_load %arg12[%swap3A_1440, %swap3A_1441, %swap3A_1442] {strides = array<i32>} : memref<2x128x64xf32, #tpu.memory_space<vmem>>, vector<1x1x16xf32>,
      %swap3A_1444 = vector.shape_cast %swap3A_1443 : vector<1x1x16xf32> to vector<16xf32>
      %swap3A_1445 = vector.shape_cast %add3A_1438 : vector<16xf32> to vector<1x1x16xf32>
      tpu.vector_store %arg12[%swap3A_1440, %swap3A_1441, %swap3A_1442], %swap3A_1445 {strides = array<i32>} : memref<2x128x64xf32, #tpu.memory_space<vmem>>, vector<1x1x16xf32>,
    }
    %scan3A_82 = arith.constant 128 : i32
    %mul3A_83 = arith.constant 2048 : i32
    %mul3A_84 = arith.muli %add3A, %mul3A_83 : i32
    %add3A_85 = arith.constant 0 : i32
    %add3A_86 = arith.addi %mul3A_84, %add3A_85 : i32
    %dma_start3A_87 = arith.constant 0 : i32
    %dma_start3A_88 = arith.constant 0 : i32
    %dma_start3A_89 = arith.constant 0 : i32
    %dma_start3A_90 = tpu.memref_slice %arg12[%dma_start3A_87, %dma_start3A_88, %dma_start3A_89] : memref<2x128x64xf32, #tpu.memory_space<vmem>> -> memref<1x128x64xf32, #tpu.memory_space<vmem>>
    %dma_start3A_91 = tpu.memref_squeeze %dma_start3A_90 : memref<1x128x64xf32, #tpu.memory_space<vmem>> -> memref<128x64xf32, #tpu.memory_space<vmem>>
    %dma_start3A_92 = arith.constant 0 : i32
    %dma_start3A_93 = tpu.memref_slice %arg7[%add3A_86, %dma_start3A_92] : memref<65536x64xf32, #tpu.memory_space<hbm>> -> memref<128x64xf32, #tpu.memory_space<hbm>>
    %dma_start3A_94 = arith.constant 0 : i32
    %dma_start3A_95 = tpu.memref_slice %arg7[%add3A_86, %dma_start3A_94] : memref<65536x64xf32, #tpu.memory_space<hbm>> -> memref<128x64xf32, #tpu.memory_space<hbm>>
    %dma_start3A_96 = arith.constant 0 : i32
    %dma_start3A_97 = arith.constant 0 : i32
    %dma_start3A_98 = tpu.memref_slice %arg12[%dma_start3A_87, %dma_start3A_96, %dma_start3A_97] : memref<2x128x64xf32, #tpu.memory_space<vmem>> -> memref<1x128x64xf32, #tpu.memory_space<vmem>>
    %dma_start3A_99 = tpu.memref_squeeze %dma_start3A_98 : memref<1x128x64xf32, #tpu.memory_space<vmem>> -> memref<128x64xf32, #tpu.memory_space<vmem>>
    tpu.enqueue_dma source(%dma_start3A_99 : memref<128x64xf32, #tpu.memory_space<vmem>>) target(%dma_start3A_95 : memref<128x64xf32, #tpu.memory_space<hbm>>) target_semaphore(%arg17 : memref<!tpu.dma_semaphore, #tpu.memory_space<semaphore_mem>>)
    %dma_start3A_100 = arith.constant 2 : i32
    %dma_start3A_101 = arith.constant 0 : i32
    %dma_start3A_102 = arith.constant 0 : i32
    %dma_start3A_103 = arith.constant 0 : i32
    %dma_start3A_104 = tpu.memref_slice %arg10[%dma_start3A_101, %dma_start3A_102, %dma_start3A_103] : memref<2x128x32xf32, #tpu.memory_space<vmem>> -> memref<1x128x32xf32, #tpu.memory_space<vmem>>
    %dma_start3A_105 = tpu.memref_squeeze %dma_start3A_104 : memref<1x128x32xf32, #tpu.memory_space<vmem>> -> memref<128x32xf32, #tpu.memory_space<vmem>>
    %dma_start3A_106 = arith.constant 0 : i32
    %dma_start3A_107 = tpu.memref_slice %arg8[%dma_start3A_100, %dma_start3A_106] : memref<16x128xi32, #tpu.memory_space<vmem>> -> memref<1x128xi32, #tpu.memory_space<vmem>>
    %dma_start3A_108 = tpu.memref_squeeze %dma_start3A_107 : memref<1x128xi32, #tpu.memory_space<vmem>> -> memref<128xi32, #tpu.memory_space<vmem>>
    %dma_start3A_109 = arith.constant 0 : i32
    %dma_start3A_110 = arith.constant 0 : i32
    %dma_start3A_111 = tpu.memref_slice %arg2[%dma_start3A_109, %dma_start3A_110] : memref<65536x32xf32, #tpu.memory_space<hbm>> -> memref<65536x32xf32, #tpu.memory_space<hbm>>
    tpu.enqueue_indirect_dma source(%dma_start3A_111 : memref<65536x32xf32, #tpu.memory_space<hbm>>) target(%dma_start3A_105 : memref<128x32xf32, #tpu.memory_space<vmem>>) offsets(%dma_start3A_108 : memref<128xi32, #tpu.memory_space<vmem>>) semaphore(%arg15 : memref<!tpu.dma_semaphore, #tpu.memory_space<semaphore_mem>>)
    %dma_start3A_112 = arith.constant 2 : i32
    %dma_start3A_113 = arith.constant 0 : i32
    %dma_start3A_114 = arith.constant 0 : i32
    %dma_start3A_115 = arith.constant 0 : i32
    %dma_start3A_116 = tpu.memref_slice %arg11[%dma_start3A_113, %dma_start3A_114, %dma_start3A_115] : memref<2x128x32xf32, #tpu.memory_space<vmem>> -> memref<1x128x32xf32, #tpu.memory_space<vmem>>
    %dma_start3A_117 = tpu.memref_squeeze %dma_start3A_116 : memref<1x128x32xf32, #tpu.memory_space<vmem>> -> memref<128x32xf32, #tpu.memory_space<vmem>>
    %dma_start3A_118 = arith.constant 0 : i32
    %dma_start3A_119 = tpu.memref_slice %arg9[%dma_start3A_112, %dma_start3A_118] : memref<16x128xi32, #tpu.memory_space<vmem>> -> memref<1x128xi32, #tpu.memory_space<vmem>>
    %dma_start3A_120 = tpu.memref_squeeze %dma_start3A_119 : memref<1x128xi32, #tpu.memory_space<vmem>> -> memref<128xi32, #tpu.memory_space<vmem>>
    %dma_start3A_121 = arith.constant 0 : i32
    %dma_start3A_122 = arith.constant 0 : i32
    %dma_start3A_123 = tpu.memref_slice %arg2[%dma_start3A_121, %dma_start3A_122] : memref<65536x32xf32, #tpu.memory_space<hbm>> -> memref<65536x32xf32, #tpu.memory_space<hbm>>
    tpu.enqueue_indirect_dma source(%dma_start3A_123 : memref<65536x32xf32, #tpu.memory_space<hbm>>) target(%dma_start3A_117 : memref<128x32xf32, #tpu.memory_space<vmem>>) offsets(%dma_start3A_120 : memref<128xi32, #tpu.memory_space<vmem>>) semaphore(%arg15 : memref<!tpu.dma_semaphore, #tpu.memory_space<semaphore_mem>>)
    %dma_wait3A_124 = arith.constant 1 : i32
    %dma_wait3A_125 = arith.constant 1 : i32
    %dma_wait3A_126 = arith.constant 0 : i32
    %dma_wait3A_127 = arith.constant 0 : i32
    %dma_wait3A_128 = tpu.memref_slice %arg10[%dma_wait3A_125, %dma_wait3A_126, %dma_wait3A_127] : memref<2x128x32xf32, #tpu.memory_space<vmem>> -> memref<1x128x32xf32, #tpu.memory_space<vmem>>
    %dma_wait3A_129 = tpu.memref_squeeze %dma_wait3A_128 : memref<1x128x32xf32, #tpu.memory_space<vmem>> -> memref<128x32xf32, #tpu.memory_space<vmem>>
    %dma_wait3A_130 = arith.constant 0 : i32
    %dma_wait3A_131 = tpu.memref_slice %arg8[%dma_wait3A_124, %dma_wait3A_130] : memref<16x128xi32, #tpu.memory_space<vmem>> -> memref<1x128xi32, #tpu.memory_space<vmem>>
    %dma_wait3A_132 = tpu.memref_squeeze %dma_wait3A_131 : memref<1x128xi32, #tpu.memory_space<vmem>> -> memref<128xi32, #tpu.memory_space<vmem>>
    %dma_wait3A_133 = arith.constant 0 : i32
    %dma_wait3A_134 = arith.constant 0 : i32
    %dma_wait3A_135 = tpu.memref_slice %arg2[%dma_wait3A_133, %dma_wait3A_134] : memref<65536x32xf32, #tpu.memory_space<hbm>> -> memref<65536x32xf32, #tpu.memory_space<hbm>>
    tpu.wait_indirect_dma semaphore(%arg16 : memref<!tpu.dma_semaphore, #tpu.memory_space<semaphore_mem>>) src(%dma_wait3A_135 : memref<65536x32xf32, #tpu.memory_space<hbm>>) dst(%dma_wait3A_129 : memref<128x32xf32, #tpu.memory_space<vmem>>)
    %dma_wait3A_136 = arith.constant 1 : i32
    %dma_wait3A_137 = arith.constant 1 : i32
    %dma_wait3A_138 = arith.constant 0 : i32
    %dma_wait3A_139 = arith.constant 0 : i32
    %dma_wait3A_140 = tpu.memref_slice %arg11[%dma_wait3A_137, %dma_wait3A_138, %dma_wait3A_139] : memref<2x128x32xf32, #tpu.memory_space<vmem>> -> memref<1x128x32xf32, #tpu.memory_space<vmem>>
    %dma_wait3A_141 = tpu.memref_squeeze %dma_wait3A_140 : memref<1x128x32xf32, #tpu.memory_space<vmem>> -> memref<128x32xf32, #tpu.memory_space<vmem>>
    %dma_wait3A_142 = arith.constant 0 : i32
    %dma_wait3A_143 = tpu.memref_slice %arg9[%dma_wait3A_136, %dma_wait3A_142] : memref<16x128xi32, #tpu.memory_space<vmem>> -> memref<1x128xi32, #tpu.memory_space<vmem>>
    %dma_wait3A_144 = tpu.memref_squeeze %dma_wait3A_143 : memref<1x128xi32, #tpu.memory_space<vmem>> -> memref<128xi32, #tpu.memory_space<vmem>>
    %dma_wait3A_145 = arith.constant 0 : i32
    %dma_wait3A_146 = arith.constant 0 : i32
    %dma_wait3A_147 = tpu.memref_slice %arg2[%dma_wait3A_145, %dma_wait3A_146] : memref<65536x32xf32, #tpu.memory_space<hbm>> -> memref<65536x32xf32, #tpu.memory_space<hbm>>
    tpu.wait_indirect_dma semaphore(%arg16 : memref<!tpu.dma_semaphore, #tpu.memory_space<semaphore_mem>>) src(%dma_wait3A_147 : memref<65536x32xf32, #tpu.memory_space<hbm>>) dst(%dma_wait3A_141 : memref<128x32xf32, #tpu.memory_space<vmem>>)
    %scan3A_148 = arith.constant 0 : i32
    %scan3A_149 = arith.constant 0 : i32
    %scan3A_150 = arith.constant 128 : i32
    %scan3A_151 = arith.addi %scan3A_149, %scan3A_150 : i32
    %scan3A_152 = arith.constant 1 : i32
    scf.for %scan3A_1349 = %scan3A_149 to %scan3A_151 step %scan3A_152  : i32 {
      %get3A_1350 = arith.constant 1 : i32
      %get3A_1351 = arith.index_cast %get3A_1350 : i32 to index
      %get3A_1352 = arith.index_cast %scan3A_1349 : i32 to index
      %get3A_1353 = arith.constant 0 : index
      %get3A_1354 = tpu.vector_load %arg10[%get3A_1351, %get3A_1352, %get3A_1353] {strides = array<i32>} : memref<2x128x32xf32, #tpu.memory_space<vmem>>, vector<1x1x16xf32>,
      %get3A_1355 = vector.shape_cast %get3A_1354 : vector<1x1x16xf32> to vector<16xf32>
      %bitcast_convert_type3A = tpu.bitcast %get3A_1355 : vector<16xf32> -> vector<16xi32>
      %get3A_1356 = arith.constant 1 : i32
      %get3A_1357 = arith.index_cast %get3A_1356 : i32 to index
      %get3A_1358 = arith.index_cast %scan3A_1349 : i32 to index
      %get3A_1359 = arith.constant 0 : index
      %get3A_1360 = tpu.vector_load %arg11[%get3A_1357, %get3A_1358, %get3A_1359] {strides = array<i32>} : memref<2x128x32xf32, #tpu.memory_space<vmem>>, vector<1x1x16xf32>,
      %get3A_1361 = vector.shape_cast %get3A_1360 : vector<1x1x16xf32> to vector<16xf32>
      %bitcast_convert_type3A_1362 = tpu.bitcast %get3A_1361 : vector<16xf32> -> vector<16xi32>
      %shift_left3A = arith.constant 16 : i32
      %shift_left3A_1363 = vector.broadcast %shift_left3A : i32 to vector<16xi32>
      %shift_left3A_1364 = arith.shli %bitcast_convert_type3A, %shift_left3A_1363 : vector<16xi32>
      %bitcast_convert_type3A_1365 = tpu.bitcast %shift_left3A_1364 : vector<16xi32> -> vector<16xf32>
      %and3A = arith.constant -65536 : i32
      %and3A_1366 = vector.broadcast %and3A : i32 to vector<16xi32>
      %and3A_1367 = arith.andi %bitcast_convert_type3A, %and3A_1366 : vector<16xi32>
      %bitcast_convert_type3A_1368 = tpu.bitcast %and3A_1367 : vector<16xi32> -> vector<16xf32>
      %shift_left3A_1369 = arith.constant 16 : i32
      %shift_left3A_1370 = vector.broadcast %shift_left3A_1369 : i32 to vector<16xi32>
      %shift_left3A_1371 = arith.shli %bitcast_convert_type3A_1362, %shift_left3A_1370 : vector<16xi32>
      %bitcast_convert_type3A_1372 = tpu.bitcast %shift_left3A_1371 : vector<16xi32> -> vector<16xf32>
      %and3A_1373 = arith.constant -65536 : i32
      %and3A_1374 = vector.broadcast %and3A_1373 : i32 to vector<16xi32>
      %and3A_1375 = arith.andi %bitcast_convert_type3A_1362, %and3A_1374 : vector<16xi32>
      %bitcast_convert_type3A_1376 = tpu.bitcast %and3A_1375 : vector<16xi32> -> vector<16xf32>
      %mul3A_1377 = arith.mulf %bitcast_convert_type3A_1365, %get3A_4 : vector<16xf32>
      %mul3A_1378 = arith.mulf %bitcast_convert_type3A_1372, %get3A_7 : vector<16xf32>
      %add3A_1379 = arith.addf %mul3A_1377, %mul3A_1378 : vector<16xf32>
      %swap3A = arith.constant 1 : i32
      %swap3A_1380 = arith.index_cast %swap3A : i32 to index
      %swap3A_1381 = arith.index_cast %scan3A_1349 : i32 to index
      %swap3A_1382 = arith.constant 0 : index
      %swap3A_1383 = tpu.vector_load %arg12[%swap3A_1380, %swap3A_1381, %swap3A_1382] {strides = array<i32>} : memref<2x128x64xf32, #tpu.memory_space<vmem>>, vector<1x1x16xf32>,
      %swap3A_1384 = vector.shape_cast %swap3A_1383 : vector<1x1x16xf32> to vector<16xf32>
      %swap3A_1385 = vector.shape_cast %add3A_1379 : vector<16xf32> to vector<1x1x16xf32>
      tpu.vector_store %arg12[%swap3A_1380, %swap3A_1381, %swap3A_1382], %swap3A_1385 {strides = array<i32>} : memref<2x128x64xf32, #tpu.memory_space<vmem>>, vector<1x1x16xf32>,
      %mul3A_1386 = arith.mulf %bitcast_convert_type3A_1368, %get3A_4 : vector<16xf32>
      %mul3A_1387 = arith.mulf %bitcast_convert_type3A_1376, %get3A_7 : vector<16xf32>
      %add3A_1388 = arith.addf %mul3A_1386, %mul3A_1387 : vector<16xf32>
      %swap3A_1389 = arith.constant 1 : i32
      %swap3A_1390 = arith.index_cast %swap3A_1389 : i32 to index
      %swap3A_1391 = arith.index_cast %scan3A_1349 : i32 to index
      %swap3A_1392 = arith.constant 32 : index
      %swap3A_1393 = tpu.vector_load %arg12[%swap3A_1390, %swap3A_1391, %swap3A_1392] {strides = array<i32>} : memref<2x128x64xf32, #tpu.memory_space<vmem>>, vector<1x1x16xf32>,
      %swap3A_1394 = vector.shape_cast %swap3A_1393 : vector<1x1x16xf32> to vector<16xf32>
      %swap3A_1395 = vector.shape_cast %add3A_1388 : vector<16xf32> to vector<1x1x16xf32>
      tpu.vector_store %arg12[%swap3A_1390, %swap3A_1391, %swap3A_1392], %swap3A_1395 {strides = array<i32>} : memref<2x128x64xf32, #tpu.memory_space<vmem>>, vector<1x1x16xf32>,
      %get3A_1396 = arith.constant 1 : i32
      %get3A_1397 = arith.index_cast %get3A_1396 : i32 to index
      %get3A_1398 = arith.index_cast %scan3A_1349 : i32 to index
      %get3A_1399 = arith.constant 16 : index
      %get3A_1400 = tpu.vector_load %arg10[%get3A_1397, %get3A_1398, %get3A_1399] {strides = array<i32>} : memref<2x128x32xf32, #tpu.memory_space<vmem>>, vector<1x1x16xf32>,
      %get3A_1401 = vector.shape_cast %get3A_1400 : vector<1x1x16xf32> to vector<16xf32>
      %bitcast_convert_type3A_1402 = tpu.bitcast %get3A_1401 : vector<16xf32> -> vector<16xi32>
      %get3A_1403 = arith.constant 1 : i32
      %get3A_1404 = arith.index_cast %get3A_1403 : i32 to index
      %get3A_1405 = arith.index_cast %scan3A_1349 : i32 to index
      %get3A_1406 = arith.constant 16 : index
      %get3A_1407 = tpu.vector_load %arg11[%get3A_1404, %get3A_1405, %get3A_1406] {strides = array<i32>} : memref<2x128x32xf32, #tpu.memory_space<vmem>>, vector<1x1x16xf32>,
      %get3A_1408 = vector.shape_cast %get3A_1407 : vector<1x1x16xf32> to vector<16xf32>
      %bitcast_convert_type3A_1409 = tpu.bitcast %get3A_1408 : vector<16xf32> -> vector<16xi32>
      %shift_left3A_1410 = arith.constant 16 : i32
      %shift_left3A_1411 = vector.broadcast %shift_left3A_1410 : i32 to vector<16xi32>
      %shift_left3A_1412 = arith.shli %bitcast_convert_type3A_1402, %shift_left3A_1411 : vector<16xi32>
      %bitcast_convert_type3A_1413 = tpu.bitcast %shift_left3A_1412 : vector<16xi32> -> vector<16xf32>
      %and3A_1414 = arith.constant -65536 : i32
      %and3A_1415 = vector.broadcast %and3A_1414 : i32 to vector<16xi32>
      %and3A_1416 = arith.andi %bitcast_convert_type3A_1402, %and3A_1415 : vector<16xi32>
      %bitcast_convert_type3A_1417 = tpu.bitcast %and3A_1416 : vector<16xi32> -> vector<16xf32>
      %shift_left3A_1418 = arith.constant 16 : i32
      %shift_left3A_1419 = vector.broadcast %shift_left3A_1418 : i32 to vector<16xi32>
      %shift_left3A_1420 = arith.shli %bitcast_convert_type3A_1409, %shift_left3A_1419 : vector<16xi32>
      %bitcast_convert_type3A_1421 = tpu.bitcast %shift_left3A_1420 : vector<16xi32> -> vector<16xf32>
      %and3A_1422 = arith.constant -65536 : i32
      %and3A_1423 = vector.broadcast %and3A_1422 : i32 to vector<16xi32>
      %and3A_1424 = arith.andi %bitcast_convert_type3A_1409, %and3A_1423 : vector<16xi32>
      %bitcast_convert_type3A_1425 = tpu.bitcast %and3A_1424 : vector<16xi32> -> vector<16xf32>
      %mul3A_1426 = arith.mulf %bitcast_convert_type3A_1413, %get3A_4 : vector<16xf32>
      %mul3A_1427 = arith.mulf %bitcast_convert_type3A_1421, %get3A_7 : vector<16xf32>
      %add3A_1428 = arith.addf %mul3A_1426, %mul3A_1427 : vector<16xf32>
      %swap3A_1429 = arith.constant 1 : i32
      %swap3A_1430 = arith.index_cast %swap3A_1429 : i32 to index
      %swap3A_1431 = arith.index_cast %scan3A_1349 : i32 to index
      %swap3A_1432 = arith.constant 16 : index
      %swap3A_1433 = tpu.vector_load %arg12[%swap3A_1430, %swap3A_1431, %swap3A_1432] {strides = array<i32>} : memref<2x128x64xf32, #tpu.memory_space<vmem>>, vector<1x1x16xf32>,
      %swap3A_1434 = vector.shape_cast %swap3A_1433 : vector<1x1x16xf32> to vector<16xf32>
      %swap3A_1435 = vector.shape_cast %add3A_1428 : vector<16xf32> to vector<1x1x16xf32>
      tpu.vector_store %arg12[%swap3A_1430, %swap3A_1431, %swap3A_1432], %swap3A_1435 {strides = array<i32>} : memref<2x128x64xf32, #tpu.memory_space<vmem>>, vector<1x1x16xf32>,
      %mul3A_1436 = arith.mulf %bitcast_convert_type3A_1417, %get3A_4 : vector<16xf32>
      %mul3A_1437 = arith.mulf %bitcast_convert_type3A_1425, %get3A_7 : vector<16xf32>
      %add3A_1438 = arith.addf %mul3A_1436, %mul3A_1437 : vector<16xf32>
      %swap3A_1439 = arith.constant 1 : i32
      %swap3A_1440 = arith.index_cast %swap3A_1439 : i32 to index
      %swap3A_1441 = arith.index_cast %scan3A_1349 : i32 to index
      %swap3A_1442 = arith.constant 48 : index
      %swap3A_1443 = tpu.vector_load %arg12[%swap3A_1440, %swap3A_1441, %swap3A_1442] {strides = array<i32>} : memref<2x128x64xf32, #tpu.memory_space<vmem>>, vector<1x1x16xf32>,
      %swap3A_1444 = vector.shape_cast %swap3A_1443 : vector<1x1x16xf32> to vector<16xf32>
      %swap3A_1445 = vector.shape_cast %add3A_1438 : vector<16xf32> to vector<1x1x16xf32>
      tpu.vector_store %arg12[%swap3A_1440, %swap3A_1441, %swap3A_1442], %swap3A_1445 {strides = array<i32>} : memref<2x128x64xf32, #tpu.memory_space<vmem>>, vector<1x1x16xf32>,
    }
    %scan3A_153 = arith.constant 128 : i32
    %mul3A_154 = arith.constant 2048 : i32
    %mul3A_155 = arith.muli %add3A, %mul3A_154 : i32
    %add3A_156 = arith.constant 128 : i32
    %add3A_157 = arith.addi %mul3A_155, %add3A_156 : i32
    %dma_start3A_158 = arith.constant 1 : i32
    %dma_start3A_159 = arith.constant 0 : i32
    %dma_start3A_160 = arith.constant 0 : i32
    %dma_start3A_161 = tpu.memref_slice %arg12[%dma_start3A_158, %dma_start3A_159, %dma_start3A_160] : memref<2x128x64xf32, #tpu.memory_space<vmem>> -> memref<1x128x64xf32, #tpu.memory_space<vmem>>
    %dma_start3A_162 = tpu.memref_squeeze %dma_start3A_161 : memref<1x128x64xf32, #tpu.memory_space<vmem>> -> memref<128x64xf32, #tpu.memory_space<vmem>>
    %dma_start3A_163 = arith.constant 0 : i32
    %dma_start3A_164 = tpu.memref_slice %arg7[%add3A_157, %dma_start3A_163] : memref<65536x64xf32, #tpu.memory_space<hbm>> -> memref<128x64xf32, #tpu.memory_space<hbm>>
    %dma_start3A_165 = arith.constant 0 : i32
    %dma_start3A_166 = tpu.memref_slice %arg7[%add3A_157, %dma_start3A_165] : memref<65536x64xf32, #tpu.memory_space<hbm>> -> memref<128x64xf32, #tpu.memory_space<hbm>>
    %dma_start3A_167 = arith.constant 0 : i32
    %dma_start3A_168 = arith.constant 0 : i32
    %dma_start3A_169 = tpu.memref_slice %arg12[%dma_start3A_158, %dma_start3A_167, %dma_start3A_168] : memref<2x128x64xf32, #tpu.memory_space<vmem>> -> memref<1x128x64xf32, #tpu.memory_space<vmem>>
    %dma_start3A_170 = tpu.memref_squeeze %dma_start3A_169 : memref<1x128x64xf32, #tpu.memory_space<vmem>> -> memref<128x64xf32, #tpu.memory_space<vmem>>
    tpu.enqueue_dma source(%dma_start3A_170 : memref<128x64xf32, #tpu.memory_space<vmem>>) target(%dma_start3A_166 : memref<128x64xf32, #tpu.memory_space<hbm>>) target_semaphore(%arg18 : memref<!tpu.dma_semaphore, #tpu.memory_space<semaphore_mem>>)
    %dma_start3A_171 = arith.constant 3 : i32
    %dma_start3A_172 = arith.constant 1 : i32
    %dma_start3A_173 = arith.constant 0 : i32
    %dma_start3A_174 = arith.constant 0 : i32
    %dma_start3A_175 = tpu.memref_slice %arg10[%dma_start3A_172, %dma_start3A_173, %dma_start3A_174] : memref<2x128x32xf32, #tpu.memory_space<vmem>> -> memref<1x128x32xf32, #tpu.memory_space<vmem>>
    %dma_start3A_176 = tpu.memref_squeeze %dma_start3A_175 : memref<1x128x32xf32, #tpu.memory_space<vmem>> -> memref<128x32xf32, #tpu.memory_space<vmem>>
    %dma_start3A_177 = arith.constant 0 : i32
    %dma_start3A_178 = tpu.memref_slice %arg8[%dma_start3A_171, %dma_start3A_177] : memref<16x128xi32, #tpu.memory_space<vmem>> -> memref<1x128xi32, #tpu.memory_space<vmem>>
    %dma_start3A_179 = tpu.memref_squeeze %dma_start3A_178 : memref<1x128xi32, #tpu.memory_space<vmem>> -> memref<128xi32, #tpu.memory_space<vmem>>
    %dma_start3A_180 = arith.constant 0 : i32
    %dma_start3A_181 = arith.constant 0 : i32
    %dma_start3A_182 = tpu.memref_slice %arg2[%dma_start3A_180, %dma_start3A_181] : memref<65536x32xf32, #tpu.memory_space<hbm>> -> memref<65536x32xf32, #tpu.memory_space<hbm>>
    tpu.enqueue_indirect_dma source(%dma_start3A_182 : memref<65536x32xf32, #tpu.memory_space<hbm>>) target(%dma_start3A_176 : memref<128x32xf32, #tpu.memory_space<vmem>>) offsets(%dma_start3A_179 : memref<128xi32, #tpu.memory_space<vmem>>) semaphore(%arg16 : memref<!tpu.dma_semaphore, #tpu.memory_space<semaphore_mem>>)
    %dma_start3A_183 = arith.constant 3 : i32
    %dma_start3A_184 = arith.constant 1 : i32
    %dma_start3A_185 = arith.constant 0 : i32
    %dma_start3A_186 = arith.constant 0 : i32
    %dma_start3A_187 = tpu.memref_slice %arg11[%dma_start3A_184, %dma_start3A_185, %dma_start3A_186] : memref<2x128x32xf32, #tpu.memory_space<vmem>> -> memref<1x128x32xf32, #tpu.memory_space<vmem>>
    %dma_start3A_188 = tpu.memref_squeeze %dma_start3A_187 : memref<1x128x32xf32, #tpu.memory_space<vmem>> -> memref<128x32xf32, #tpu.memory_space<vmem>>
    %dma_start3A_189 = arith.constant 0 : i32
    %dma_start3A_190 = tpu.memref_slice %arg9[%dma_start3A_183, %dma_start3A_189] : memref<16x128xi32, #tpu.memory_space<vmem>> -> memref<1x128xi32, #tpu.memory_space<vmem>>
    %dma_start3A_191 = tpu.memref_squeeze %dma_start3A_190 : memref<1x128xi32, #tpu.memory_space<vmem>> -> memref<128xi32, #tpu.memory_space<vmem>>
    %dma_start3A_192 = arith.constant 0 : i32
    %dma_start3A_193 = arith.constant 0 : i32
    %dma_start3A_194 = tpu.memref_slice %arg2[%dma_start3A_192, %dma_start3A_193] : memref<65536x32xf32, #tpu.memory_space<hbm>> -> memref<65536x32xf32, #tpu.memory_space<hbm>>
    tpu.enqueue_indirect_dma source(%dma_start3A_194 : memref<65536x32xf32, #tpu.memory_space<hbm>>) target(%dma_start3A_188 : memref<128x32xf32, #tpu.memory_space<vmem>>) offsets(%dma_start3A_191 : memref<128xi32, #tpu.memory_space<vmem>>) semaphore(%arg16 : memref<!tpu.dma_semaphore, #tpu.memory_space<semaphore_mem>>)
    %dma_wait3A_195 = arith.constant 2 : i32
    %dma_wait3A_196 = arith.constant 0 : i32
    %dma_wait3A_197 = arith.constant 0 : i32
    %dma_wait3A_198 = arith.constant 0 : i32
    %dma_wait3A_199 = tpu.memref_slice %arg10[%dma_wait3A_196, %dma_wait3A_197, %dma_wait3A_198] : memref<2x128x32xf32, #tpu.memory_space<vmem>> -> memref<1x128x32xf32, #tpu.memory_space<vmem>>
    %dma_wait3A_200 = tpu.memref_squeeze %dma_wait3A_199 : memref<1x128x32xf32, #tpu.memory_space<vmem>> -> memref<128x32xf32, #tpu.memory_space<vmem>>
    %dma_wait3A_201 = arith.constant 0 : i32
    %dma_wait3A_202 = tpu.memref_slice %arg8[%dma_wait3A_195, %dma_wait3A_201] : memref<16x128xi32, #tpu.memory_space<vmem>> -> memref<1x128xi32, #tpu.memory_space<vmem>>
    %dma_wait3A_203 = tpu.memref_squeeze %dma_wait3A_202 : memref<1x128xi32, #tpu.memory_space<vmem>> -> memref<128xi32, #tpu.memory_space<vmem>>
    %dma_wait3A_204 = arith.constant 0 : i32
    %dma_wait3A_205 = arith.constant 0 : i32
    %dma_wait3A_206 = tpu.memref_slice %arg2[%dma_wait3A_204, %dma_wait3A_205] : memref<65536x32xf32, #tpu.memory_space<hbm>> -> memref<65536x32xf32, #tpu.memory_space<hbm>>
    tpu.wait_indirect_dma semaphore(%arg15 : memref<!tpu.dma_semaphore, #tpu.memory_space<semaphore_mem>>) src(%dma_wait3A_206 : memref<65536x32xf32, #tpu.memory_space<hbm>>) dst(%dma_wait3A_200 : memref<128x32xf32, #tpu.memory_space<vmem>>)
    %dma_wait3A_207 = arith.constant 2 : i32
    %dma_wait3A_208 = arith.constant 0 : i32
    %dma_wait3A_209 = arith.constant 0 : i32
    %dma_wait3A_210 = arith.constant 0 : i32
    %dma_wait3A_211 = tpu.memref_slice %arg11[%dma_wait3A_208, %dma_wait3A_209, %dma_wait3A_210] : memref<2x128x32xf32, #tpu.memory_space<vmem>> -> memref<1x128x32xf32, #tpu.memory_space<vmem>>
    %dma_wait3A_212 = tpu.memref_squeeze %dma_wait3A_211 : memref<1x128x32xf32, #tpu.memory_space<vmem>> -> memref<128x32xf32, #tpu.memory_space<vmem>>
    %dma_wait3A_213 = arith.constant 0 : i32
    %dma_wait3A_214 = tpu.memref_slice %arg9[%dma_wait3A_207, %dma_wait3A_213] : memref<16x128xi32, #tpu.memory_space<vmem>> -> memref<1x128xi32, #tpu.memory_space<vmem>>
    %dma_wait3A_215 = tpu.memref_squeeze %dma_wait3A_214 : memref<1x128xi32, #tpu.memory_space<vmem>> -> memref<128xi32, #tpu.memory_space<vmem>>
    %dma_wait3A_216 = arith.constant 0 : i32
    %dma_wait3A_217 = arith.constant 0 : i32
    %dma_wait3A_218 = tpu.memref_slice %arg2[%dma_wait3A_216, %dma_wait3A_217] : memref<65536x32xf32, #tpu.memory_space<hbm>> -> memref<65536x32xf32, #tpu.memory_space<hbm>>
    tpu.wait_indirect_dma semaphore(%arg15 : memref<!tpu.dma_semaphore, #tpu.memory_space<semaphore_mem>>) src(%dma_wait3A_218 : memref<65536x32xf32, #tpu.memory_space<hbm>>) dst(%dma_wait3A_212 : memref<128x32xf32, #tpu.memory_space<vmem>>)
    %dma_wait3A_219 = arith.constant 0 : i32
    %dma_wait3A_220 = arith.constant 0 : i32
    %dma_wait3A_221 = arith.constant 0 : i32
    %dma_wait3A_222 = tpu.memref_slice %arg12[%dma_wait3A_219, %dma_wait3A_220, %dma_wait3A_221] : memref<2x128x64xf32, #tpu.memory_space<vmem>> -> memref<1x128x64xf32, #tpu.memory_space<vmem>>
    %dma_wait3A_223 = tpu.memref_squeeze %dma_wait3A_222 : memref<1x128x64xf32, #tpu.memory_space<vmem>> -> memref<128x64xf32, #tpu.memory_space<vmem>>
    %dma_wait3A_224 = arith.constant 0 : i32
    %dma_wait3A_225 = tpu.memref_slice %arg7[%add3A_86, %dma_wait3A_224] : memref<65536x64xf32, #tpu.memory_space<hbm>> -> memref<128x64xf32, #tpu.memory_space<hbm>>
    %dma_wait3A_226 = arith.constant 0 : i32
    %dma_wait3A_227 = tpu.memref_slice %arg7[%add3A_86, %dma_wait3A_226] : memref<65536x64xf32, #tpu.memory_space<hbm>> -> memref<128x64xf32, #tpu.memory_space<hbm>>
    %dma_wait3A_228 = arith.constant 0 : i32
    %dma_wait3A_229 = arith.constant 0 : i32
    %dma_wait3A_230 = tpu.memref_slice %arg12[%dma_wait3A_219, %dma_wait3A_228, %dma_wait3A_229] : memref<2x128x64xf32, #tpu.memory_space<vmem>> -> memref<1x128x64xf32, #tpu.memory_space<vmem>>
    %dma_wait3A_231 = tpu.memref_squeeze %dma_wait3A_230 : memref<1x128x64xf32, #tpu.memory_space<vmem>> -> memref<128x64xf32, #tpu.memory_space<vmem>>
    tpu.wait_dma2 semaphore(%arg17 : memref<!tpu.dma_semaphore, #tpu.memory_space<semaphore_mem>>) src(%dma_wait3A_231 : memref<128x64xf32, #tpu.memory_space<vmem>>) dst(%dma_wait3A_227 : memref<128x64xf32, #tpu.memory_space<hbm>>)
    %scan3A_232 = arith.constant 0 : i32
    %scan3A_233 = arith.constant 0 : i32
    %scan3A_234 = arith.constant 128 : i32
    %scan3A_235 = arith.addi %scan3A_233, %scan3A_234 : i32
    %scan3A_236 = arith.constant 1 : i32
    scf.for %scan3A_1349 = %scan3A_233 to %scan3A_235 step %scan3A_236  : i32 {
      %get3A_1350 = arith.constant 0 : i32
      %get3A_1351 = arith.index_cast %get3A_1350 : i32 to index
      %get3A_1352 = arith.index_cast %scan3A_1349 : i32 to index
      %get3A_1353 = arith.constant 0 : index
      %get3A_1354 = tpu.vector_load %arg10[%get3A_1351, %get3A_1352, %get3A_1353] {strides = array<i32>} : memref<2x128x32xf32, #tpu.memory_space<vmem>>, vector<1x1x16xf32>,
      %get3A_1355 = vector.shape_cast %get3A_1354 : vector<1x1x16xf32> to vector<16xf32>
      %bitcast_convert_type3A = tpu.bitcast %get3A_1355 : vector<16xf32> -> vector<16xi32>
      %get3A_1356 = arith.constant 0 : i32
      %get3A_1357 = arith.index_cast %get3A_1356 : i32 to index
      %get3A_1358 = arith.index_cast %scan3A_1349 : i32 to index
      %get3A_1359 = arith.constant 0 : index
      %get3A_1360 = tpu.vector_load %arg11[%get3A_1357, %get3A_1358, %get3A_1359] {strides = array<i32>} : memref<2x128x32xf32, #tpu.memory_space<vmem>>, vector<1x1x16xf32>,
      %get3A_1361 = vector.shape_cast %get3A_1360 : vector<1x1x16xf32> to vector<16xf32>
      %bitcast_convert_type3A_1362 = tpu.bitcast %get3A_1361 : vector<16xf32> -> vector<16xi32>
      %shift_left3A = arith.constant 16 : i32
      %shift_left3A_1363 = vector.broadcast %shift_left3A : i32 to vector<16xi32>
      %shift_left3A_1364 = arith.shli %bitcast_convert_type3A, %shift_left3A_1363 : vector<16xi32>
      %bitcast_convert_type3A_1365 = tpu.bitcast %shift_left3A_1364 : vector<16xi32> -> vector<16xf32>
      %and3A = arith.constant -65536 : i32
      %and3A_1366 = vector.broadcast %and3A : i32 to vector<16xi32>
      %and3A_1367 = arith.andi %bitcast_convert_type3A, %and3A_1366 : vector<16xi32>
      %bitcast_convert_type3A_1368 = tpu.bitcast %and3A_1367 : vector<16xi32> -> vector<16xf32>
      %shift_left3A_1369 = arith.constant 16 : i32
      %shift_left3A_1370 = vector.broadcast %shift_left3A_1369 : i32 to vector<16xi32>
      %shift_left3A_1371 = arith.shli %bitcast_convert_type3A_1362, %shift_left3A_1370 : vector<16xi32>
      %bitcast_convert_type3A_1372 = tpu.bitcast %shift_left3A_1371 : vector<16xi32> -> vector<16xf32>
      %and3A_1373 = arith.constant -65536 : i32
      %and3A_1374 = vector.broadcast %and3A_1373 : i32 to vector<16xi32>
      %and3A_1375 = arith.andi %bitcast_convert_type3A_1362, %and3A_1374 : vector<16xi32>
      %bitcast_convert_type3A_1376 = tpu.bitcast %and3A_1375 : vector<16xi32> -> vector<16xf32>
      %mul3A_1377 = arith.mulf %bitcast_convert_type3A_1365, %get3A_4 : vector<16xf32>
      %mul3A_1378 = arith.mulf %bitcast_convert_type3A_1372, %get3A_7 : vector<16xf32>
      %add3A_1379 = arith.addf %mul3A_1377, %mul3A_1378 : vector<16xf32>
      %swap3A = arith.constant 0 : i32
      %swap3A_1380 = arith.index_cast %swap3A : i32 to index
      %swap3A_1381 = arith.index_cast %scan3A_1349 : i32 to index
      %swap3A_1382 = arith.constant 0 : index
      %swap3A_1383 = tpu.vector_load %arg12[%swap3A_1380, %swap3A_1381, %swap3A_1382] {strides = array<i32>} : memref<2x128x64xf32, #tpu.memory_space<vmem>>, vector<1x1x16xf32>,
      %swap3A_1384 = vector.shape_cast %swap3A_1383 : vector<1x1x16xf32> to vector<16xf32>
      %swap3A_1385 = vector.shape_cast %add3A_1379 : vector<16xf32> to vector<1x1x16xf32>
      tpu.vector_store %arg12[%swap3A_1380, %swap3A_1381, %swap3A_1382], %swap3A_1385 {strides = array<i32>} : memref<2x128x64xf32, #tpu.memory_space<vmem>>, vector<1x1x16xf32>,
      %mul3A_1386 = arith.mulf %bitcast_convert_type3A_1368, %get3A_4 : vector<16xf32>
      %mul3A_1387 = arith.mulf %bitcast_convert_type3A_1376, %get3A_7 : vector<16xf32>
      %add3A_1388 = arith.addf %mul3A_1386, %mul3A_1387 : vector<16xf32>
      %swap3A_1389 = arith.constant 0 : i32
      %swap3A_1390 = arith.index_cast %swap3A_1389 : i32 to index
      %swap3A_1391 = arith.index_cast %scan3A_1349 : i32 to index
      %swap3A_1392 = arith.constant 32 : index
      %swap3A_1393 = tpu.vector_load %arg12[%swap3A_1390, %swap3A_1391, %swap3A_1392] {strides = array<i32>} : memref<2x128x64xf32, #tpu.memory_space<vmem>>, vector<1x1x16xf32>,
      %swap3A_1394 = vector.shape_cast %swap3A_1393 : vector<1x1x16xf32> to vector<16xf32>
      %swap3A_1395 = vector.shape_cast %add3A_1388 : vector<16xf32> to vector<1x1x16xf32>
      tpu.vector_store %arg12[%swap3A_1390, %swap3A_1391, %swap3A_1392], %swap3A_1395 {strides = array<i32>} : memref<2x128x64xf32, #tpu.memory_space<vmem>>, vector<1x1x16xf32>,
      %get3A_1396 = arith.constant 0 : i32
      %get3A_1397 = arith.index_cast %get3A_1396 : i32 to index
      %get3A_1398 = arith.index_cast %scan3A_1349 : i32 to index
      %get3A_1399 = arith.constant 16 : index
      %get3A_1400 = tpu.vector_load %arg10[%get3A_1397, %get3A_1398, %get3A_1399] {strides = array<i32>} : memref<2x128x32xf32, #tpu.memory_space<vmem>>, vector<1x1x16xf32>,
      %get3A_1401 = vector.shape_cast %get3A_1400 : vector<1x1x16xf32> to vector<16xf32>
      %bitcast_convert_type3A_1402 = tpu.bitcast %get3A_1401 : vector<16xf32> -> vector<16xi32>
      %get3A_1403 = arith.constant 0 : i32
      %get3A_1404 = arith.index_cast %get3A_1403 : i32 to index
      %get3A_1405 = arith.index_cast %scan3A_1349 : i32 to index
      %get3A_1406 = arith.constant 16 : index
      %get3A_1407 = tpu.vector_load %arg11[%get3A_1404, %get3A_1405, %get3A_1406] {strides = array<i32>} : memref<2x128x32xf32, #tpu.memory_space<vmem>>, vector<1x1x16xf32>,
      %get3A_1408 = vector.shape_cast %get3A_1407 : vector<1x1x16xf32> to vector<16xf32>
      %bitcast_convert_type3A_1409 = tpu.bitcast %get3A_1408 : vector<16xf32> -> vector<16xi32>
      %shift_left3A_1410 = arith.constant 16 : i32
      %shift_left3A_1411 = vector.broadcast %shift_left3A_1410 : i32 to vector<16xi32>
      %shift_left3A_1412 = arith.shli %bitcast_convert_type3A_1402, %shift_left3A_1411 : vector<16xi32>
      %bitcast_convert_type3A_1413 = tpu.bitcast %shift_left3A_1412 : vector<16xi32> -> vector<16xf32>
      %and3A_1414 = arith.constant -65536 : i32
      %and3A_1415 = vector.broadcast %and3A_1414 : i32 to vector<16xi32>
      %and3A_1416 = arith.andi %bitcast_convert_type3A_1402, %and3A_1415 : vector<16xi32>
      %bitcast_convert_type3A_1417 = tpu.bitcast %and3A_1416 : vector<16xi32> -> vector<16xf32>
      %shift_left3A_1418 = arith.constant 16 : i32
      %shift_left3A_1419 = vector.broadcast %shift_left3A_1418 : i32 to vector<16xi32>
      %shift_left3A_1420 = arith.shli %bitcast_convert_type3A_1409, %shift_left3A_1419 : vector<16xi32>
      %bitcast_convert_type3A_1421 = tpu.bitcast %shift_left3A_1420 : vector<16xi32> -> vector<16xf32>
      %and3A_1422 = arith.constant -65536 : i32
      %and3A_1423 = vector.broadcast %and3A_1422 : i32 to vector<16xi32>
      %and3A_1424 = arith.andi %bitcast_convert_type3A_1409, %and3A_1423 : vector<16xi32>
      %bitcast_convert_type3A_1425 = tpu.bitcast %and3A_1424 : vector<16xi32> -> vector<16xf32>
      %mul3A_1426 = arith.mulf %bitcast_convert_type3A_1413, %get3A_4 : vector<16xf32>
      %mul3A_1427 = arith.mulf %bitcast_convert_type3A_1421, %get3A_7 : vector<16xf32>
      %add3A_1428 = arith.addf %mul3A_1426, %mul3A_1427 : vector<16xf32>
      %swap3A_1429 = arith.constant 0 : i32
      %swap3A_1430 = arith.index_cast %swap3A_1429 : i32 to index
      %swap3A_1431 = arith.index_cast %scan3A_1349 : i32 to index
      %swap3A_1432 = arith.constant 16 : index
      %swap3A_1433 = tpu.vector_load %arg12[%swap3A_1430, %swap3A_1431, %swap3A_1432] {strides = array<i32>} : memref<2x128x64xf32, #tpu.memory_space<vmem>>, vector<1x1x16xf32>,
      %swap3A_1434 = vector.shape_cast %swap3A_1433 : vector<1x1x16xf32> to vector<16xf32>
      %swap3A_1435 = vector.shape_cast %add3A_1428 : vector<16xf32> to vector<1x1x16xf32>
      tpu.vector_store %arg12[%swap3A_1430, %swap3A_1431, %swap3A_1432], %swap3A_1435 {strides = array<i32>} : memref<2x128x64xf32, #tpu.memory_space<vmem>>, vector<1x1x16xf32>,
      %mul3A_1436 = arith.mulf %bitcast_convert_type3A_1417, %get3A_4 : vector<16xf32>
      %mul3A_1437 = arith.mulf %bitcast_convert_type3A_1425, %get3A_7 : vector<16xf32>
      %add3A_1438 = arith.addf %mul3A_1436, %mul3A_1437 : vector<16xf32>
      %swap3A_1439 = arith.constant 0 : i32
      %swap3A_1440 = arith.index_cast %swap3A_1439 : i32 to index
      %swap3A_1441 = arith.index_cast %scan3A_1349 : i32 to index
      %swap3A_1442 = arith.constant 48 : index
      %swap3A_1443 = tpu.vector_load %arg12[%swap3A_1440, %swap3A_1441, %swap3A_1442] {strides = array<i32>} : memref<2x128x64xf32, #tpu.memory_space<vmem>>, vector<1x1x16xf32>,
      %swap3A_1444 = vector.shape_cast %swap3A_1443 : vector<1x1x16xf32> to vector<16xf32>
      %swap3A_1445 = vector.shape_cast %add3A_1438 : vector<16xf32> to vector<1x1x16xf32>
      tpu.vector_store %arg12[%swap3A_1440, %swap3A_1441, %swap3A_1442], %swap3A_1445 {strides = array<i32>} : memref<2x128x64xf32, #tpu.memory_space<vmem>>, vector<1x1x16xf32>,
    }
    %scan3A_237 = arith.constant 128 : i32
    %mul3A_238 = arith.constant 2048 : i32
    %mul3A_239 = arith.muli %add3A, %mul3A_238 : i32
    %add3A_240 = arith.constant 256 : i32
    %add3A_241 = arith.addi %mul3A_239, %add3A_240 : i32
    %dma_start3A_242 = arith.constant 0 : i32
    %dma_start3A_243 = arith.constant 0 : i32
    %dma_start3A_244 = arith.constant 0 : i32
    %dma_start3A_245 = tpu.memref_slice %arg12[%dma_start3A_242, %dma_start3A_243, %dma_start3A_244] : memref<2x128x64xf32, #tpu.memory_space<vmem>> -> memref<1x128x64xf32, #tpu.memory_space<vmem>>
    %dma_start3A_246 = tpu.memref_squeeze %dma_start3A_245 : memref<1x128x64xf32, #tpu.memory_space<vmem>> -> memref<128x64xf32, #tpu.memory_space<vmem>>
    %dma_start3A_247 = arith.constant 0 : i32
    %dma_start3A_248 = tpu.memref_slice %arg7[%add3A_241, %dma_start3A_247] : memref<65536x64xf32, #tpu.memory_space<hbm>> -> memref<128x64xf32, #tpu.memory_space<hbm>>
    %dma_start3A_249 = arith.constant 0 : i32
    %dma_start3A_250 = tpu.memref_slice %arg7[%add3A_241, %dma_start3A_249] : memref<65536x64xf32, #tpu.memory_space<hbm>> -> memref<128x64xf32, #tpu.memory_space<hbm>>
    %dma_start3A_251 = arith.constant 0 : i32
    %dma_start3A_252 = arith.constant 0 : i32
    %dma_start3A_253 = tpu.memref_slice %arg12[%dma_start3A_242, %dma_start3A_251, %dma_start3A_252] : memref<2x128x64xf32, #tpu.memory_space<vmem>> -> memref<1x128x64xf32, #tpu.memory_space<vmem>>
    %dma_start3A_254 = tpu.memref_squeeze %dma_start3A_253 : memref<1x128x64xf32, #tpu.memory_space<vmem>> -> memref<128x64xf32, #tpu.memory_space<vmem>>
    tpu.enqueue_dma source(%dma_start3A_254 : memref<128x64xf32, #tpu.memory_space<vmem>>) target(%dma_start3A_250 : memref<128x64xf32, #tpu.memory_space<hbm>>) target_semaphore(%arg17 : memref<!tpu.dma_semaphore, #tpu.memory_space<semaphore_mem>>)
    %dma_start3A_255 = arith.constant 4 : i32
    %dma_start3A_256 = arith.constant 0 : i32
    %dma_start3A_257 = arith.constant 0 : i32
    %dma_start3A_258 = arith.constant 0 : i32
    %dma_start3A_259 = tpu.memref_slice %arg10[%dma_start3A_256, %dma_start3A_257, %dma_start3A_258] : memref<2x128x32xf32, #tpu.memory_space<vmem>> -> memref<1x128x32xf32, #tpu.memory_space<vmem>>
    %dma_start3A_260 = tpu.memref_squeeze %dma_start3A_259 : memref<1x128x32xf32, #tpu.memory_space<vmem>> -> memref<128x32xf32, #tpu.memory_space<vmem>>
    %dma_start3A_261 = arith.constant 0 : i32
    %dma_start3A_262 = tpu.memref_slice %arg8[%dma_start3A_255, %dma_start3A_261] : memref<16x128xi32, #tpu.memory_space<vmem>> -> memref<1x128xi32, #tpu.memory_space<vmem>>
    %dma_start3A_263 = tpu.memref_squeeze %dma_start3A_262 : memref<1x128xi32, #tpu.memory_space<vmem>> -> memref<128xi32, #tpu.memory_space<vmem>>
    %dma_start3A_264 = arith.constant 0 : i32
    %dma_start3A_265 = arith.constant 0 : i32
    %dma_start3A_266 = tpu.memref_slice %arg2[%dma_start3A_264, %dma_start3A_265] : memref<65536x32xf32, #tpu.memory_space<hbm>> -> memref<65536x32xf32, #tpu.memory_space<hbm>>
    tpu.enqueue_indirect_dma source(%dma_start3A_266 : memref<65536x32xf32, #tpu.memory_space<hbm>>) target(%dma_start3A_260 : memref<128x32xf32, #tpu.memory_space<vmem>>) offsets(%dma_start3A_263 : memref<128xi32, #tpu.memory_space<vmem>>) semaphore(%arg15 : memref<!tpu.dma_semaphore, #tpu.memory_space<semaphore_mem>>)
    %dma_start3A_267 = arith.constant 4 : i32
    %dma_start3A_268 = arith.constant 0 : i32
    %dma_start3A_269 = arith.constant 0 : i32
    %dma_start3A_270 = arith.constant 0 : i32
    %dma_start3A_271 = tpu.memref_slice %arg11[%dma_start3A_268, %dma_start3A_269, %dma_start3A_270] : memref<2x128x32xf32, #tpu.memory_space<vmem>> -> memref<1x128x32xf32, #tpu.memory_space<vmem>>
    %dma_start3A_272 = tpu.memref_squeeze %dma_start3A_271 : memref<1x128x32xf32, #tpu.memory_space<vmem>> -> memref<128x32xf32, #tpu.memory_space<vmem>>
    %dma_start3A_273 = arith.constant 0 : i32
    %dma_start3A_274 = tpu.memref_slice %arg9[%dma_start3A_267, %dma_start3A_273] : memref<16x128xi32, #tpu.memory_space<vmem>> -> memref<1x128xi32, #tpu.memory_space<vmem>>
    %dma_start3A_275 = tpu.memref_squeeze %dma_start3A_274 : memref<1x128xi32, #tpu.memory_space<vmem>> -> memref<128xi32, #tpu.memory_space<vmem>>
    %dma_start3A_276 = arith.constant 0 : i32
    %dma_start3A_277 = arith.constant 0 : i32
    %dma_start3A_278 = tpu.memref_slice %arg2[%dma_start3A_276, %dma_start3A_277] : memref<65536x32xf32, #tpu.memory_space<hbm>> -> memref<65536x32xf32, #tpu.memory_space<hbm>>
    tpu.enqueue_indirect_dma source(%dma_start3A_278 : memref<65536x32xf32, #tpu.memory_space<hbm>>) target(%dma_start3A_272 : memref<128x32xf32, #tpu.memory_space<vmem>>) offsets(%dma_start3A_275 : memref<128xi32, #tpu.memory_space<vmem>>) semaphore(%arg15 : memref<!tpu.dma_semaphore, #tpu.memory_space<semaphore_mem>>)
    %dma_wait3A_279 = arith.constant 3 : i32
    %dma_wait3A_280 = arith.constant 1 : i32
    %dma_wait3A_281 = arith.constant 0 : i32
    %dma_wait3A_282 = arith.constant 0 : i32
    %dma_wait3A_283 = tpu.memref_slice %arg10[%dma_wait3A_280, %dma_wait3A_281, %dma_wait3A_282] : memref<2x128x32xf32, #tpu.memory_space<vmem>> -> memref<1x128x32xf32, #tpu.memory_space<vmem>>
    %dma_wait3A_284 = tpu.memref_squeeze %dma_wait3A_283 : memref<1x128x32xf32, #tpu.memory_space<vmem>> -> memref<128x32xf32, #tpu.memory_space<vmem>>
    %dma_wait3A_285 = arith.constant 0 : i32
    %dma_wait3A_286 = tpu.memref_slice %arg8[%dma_wait3A_279, %dma_wait3A_285] : memref<16x128xi32, #tpu.memory_space<vmem>> -> memref<1x128xi32, #tpu.memory_space<vmem>>
    %dma_wait3A_287 = tpu.memref_squeeze %dma_wait3A_286 : memref<1x128xi32, #tpu.memory_space<vmem>> -> memref<128xi32, #tpu.memory_space<vmem>>
    %dma_wait3A_288 = arith.constant 0 : i32
    %dma_wait3A_289 = arith.constant 0 : i32
    %dma_wait3A_290 = tpu.memref_slice %arg2[%dma_wait3A_288, %dma_wait3A_289] : memref<65536x32xf32, #tpu.memory_space<hbm>> -> memref<65536x32xf32, #tpu.memory_space<hbm>>
    tpu.wait_indirect_dma semaphore(%arg16 : memref<!tpu.dma_semaphore, #tpu.memory_space<semaphore_mem>>) src(%dma_wait3A_290 : memref<65536x32xf32, #tpu.memory_space<hbm>>) dst(%dma_wait3A_284 : memref<128x32xf32, #tpu.memory_space<vmem>>)
    %dma_wait3A_291 = arith.constant 3 : i32
    %dma_wait3A_292 = arith.constant 1 : i32
    %dma_wait3A_293 = arith.constant 0 : i32
    %dma_wait3A_294 = arith.constant 0 : i32
    %dma_wait3A_295 = tpu.memref_slice %arg11[%dma_wait3A_292, %dma_wait3A_293, %dma_wait3A_294] : memref<2x128x32xf32, #tpu.memory_space<vmem>> -> memref<1x128x32xf32, #tpu.memory_space<vmem>>
    %dma_wait3A_296 = tpu.memref_squeeze %dma_wait3A_295 : memref<1x128x32xf32, #tpu.memory_space<vmem>> -> memref<128x32xf32, #tpu.memory_space<vmem>>
    %dma_wait3A_297 = arith.constant 0 : i32
    %dma_wait3A_298 = tpu.memref_slice %arg9[%dma_wait3A_291, %dma_wait3A_297] : memref<16x128xi32, #tpu.memory_space<vmem>> -> memref<1x128xi32, #tpu.memory_space<vmem>>
    %dma_wait3A_299 = tpu.memref_squeeze %dma_wait3A_298 : memref<1x128xi32, #tpu.memory_space<vmem>> -> memref<128xi32, #tpu.memory_space<vmem>>
    %dma_wait3A_300 = arith.constant 0 : i32
    %dma_wait3A_301 = arith.constant 0 : i32
    %dma_wait3A_302 = tpu.memref_slice %arg2[%dma_wait3A_300, %dma_wait3A_301] : memref<65536x32xf32, #tpu.memory_space<hbm>> -> memref<65536x32xf32, #tpu.memory_space<hbm>>
    tpu.wait_indirect_dma semaphore(%arg16 : memref<!tpu.dma_semaphore, #tpu.memory_space<semaphore_mem>>) src(%dma_wait3A_302 : memref<65536x32xf32, #tpu.memory_space<hbm>>) dst(%dma_wait3A_296 : memref<128x32xf32, #tpu.memory_space<vmem>>)
    %dma_wait3A_303 = arith.constant 1 : i32
    %dma_wait3A_304 = arith.constant 0 : i32
    %dma_wait3A_305 = arith.constant 0 : i32
    %dma_wait3A_306 = tpu.memref_slice %arg12[%dma_wait3A_303, %dma_wait3A_304, %dma_wait3A_305] : memref<2x128x64xf32, #tpu.memory_space<vmem>> -> memref<1x128x64xf32, #tpu.memory_space<vmem>>
    %dma_wait3A_307 = tpu.memref_squeeze %dma_wait3A_306 : memref<1x128x64xf32, #tpu.memory_space<vmem>> -> memref<128x64xf32, #tpu.memory_space<vmem>>
    %dma_wait3A_308 = arith.constant 0 : i32
    %dma_wait3A_309 = tpu.memref_slice %arg7[%add3A_157, %dma_wait3A_308] : memref<65536x64xf32, #tpu.memory_space<hbm>> -> memref<128x64xf32, #tpu.memory_space<hbm>>
    %dma_wait3A_310 = arith.constant 0 : i32
    %dma_wait3A_311 = tpu.memref_slice %arg7[%add3A_157, %dma_wait3A_310] : memref<65536x64xf32, #tpu.memory_space<hbm>> -> memref<128x64xf32, #tpu.memory_space<hbm>>
    %dma_wait3A_312 = arith.constant 0 : i32
    %dma_wait3A_313 = arith.constant 0 : i32
    %dma_wait3A_314 = tpu.memref_slice %arg12[%dma_wait3A_303, %dma_wait3A_312, %dma_wait3A_313] : memref<2x128x64xf32, #tpu.memory_space<vmem>> -> memref<1x128x64xf32, #tpu.memory_space<vmem>>
    %dma_wait3A_315 = tpu.memref_squeeze %dma_wait3A_314 : memref<1x128x64xf32, #tpu.memory_space<vmem>> -> memref<128x64xf32, #tpu.memory_space<vmem>>
    tpu.wait_dma2 semaphore(%arg18 : memref<!tpu.dma_semaphore, #tpu.memory_space<semaphore_mem>>) src(%dma_wait3A_315 : memref<128x64xf32, #tpu.memory_space<vmem>>) dst(%dma_wait3A_311 : memref<128x64xf32, #tpu.memory_space<hbm>>)
    %scan3A_316 = arith.constant 0 : i32
    %scan3A_317 = arith.constant 0 : i32
    %scan3A_318 = arith.constant 128 : i32
    %scan3A_319 = arith.addi %scan3A_317, %scan3A_318 : i32
    %scan3A_320 = arith.constant 1 : i32
    scf.for %scan3A_1349 = %scan3A_317 to %scan3A_319 step %scan3A_320  : i32 {
      %get3A_1350 = arith.constant 1 : i32
      %get3A_1351 = arith.index_cast %get3A_1350 : i32 to index
      %get3A_1352 = arith.index_cast %scan3A_1349 : i32 to index
      %get3A_1353 = arith.constant 0 : index
      %get3A_1354 = tpu.vector_load %arg10[%get3A_1351, %get3A_1352, %get3A_1353] {strides = array<i32>} : memref<2x128x32xf32, #tpu.memory_space<vmem>>, vector<1x1x16xf32>,
      %get3A_1355 = vector.shape_cast %get3A_1354 : vector<1x1x16xf32> to vector<16xf32>
      %bitcast_convert_type3A = tpu.bitcast %get3A_1355 : vector<16xf32> -> vector<16xi32>
      %get3A_1356 = arith.constant 1 : i32
      %get3A_1357 = arith.index_cast %get3A_1356 : i32 to index
      %get3A_1358 = arith.index_cast %scan3A_1349 : i32 to index
      %get3A_1359 = arith.constant 0 : index
      %get3A_1360 = tpu.vector_load %arg11[%get3A_1357, %get3A_1358, %get3A_1359] {strides = array<i32>} : memref<2x128x32xf32, #tpu.memory_space<vmem>>, vector<1x1x16xf32>,
      %get3A_1361 = vector.shape_cast %get3A_1360 : vector<1x1x16xf32> to vector<16xf32>
      %bitcast_convert_type3A_1362 = tpu.bitcast %get3A_1361 : vector<16xf32> -> vector<16xi32>
      %shift_left3A = arith.constant 16 : i32
      %shift_left3A_1363 = vector.broadcast %shift_left3A : i32 to vector<16xi32>
      %shift_left3A_1364 = arith.shli %bitcast_convert_type3A, %shift_left3A_1363 : vector<16xi32>
      %bitcast_convert_type3A_1365 = tpu.bitcast %shift_left3A_1364 : vector<16xi32> -> vector<16xf32>
      %and3A = arith.constant -65536 : i32
      %and3A_1366 = vector.broadcast %and3A : i32 to vector<16xi32>
      %and3A_1367 = arith.andi %bitcast_convert_type3A, %and3A_1366 : vector<16xi32>
      %bitcast_convert_type3A_1368 = tpu.bitcast %and3A_1367 : vector<16xi32> -> vector<16xf32>
      %shift_left3A_1369 = arith.constant 16 : i32
      %shift_left3A_1370 = vector.broadcast %shift_left3A_1369 : i32 to vector<16xi32>
      %shift_left3A_1371 = arith.shli %bitcast_convert_type3A_1362, %shift_left3A_1370 : vector<16xi32>
      %bitcast_convert_type3A_1372 = tpu.bitcast %shift_left3A_1371 : vector<16xi32> -> vector<16xf32>
      %and3A_1373 = arith.constant -65536 : i32
      %and3A_1374 = vector.broadcast %and3A_1373 : i32 to vector<16xi32>
      %and3A_1375 = arith.andi %bitcast_convert_type3A_1362, %and3A_1374 : vector<16xi32>
      %bitcast_convert_type3A_1376 = tpu.bitcast %and3A_1375 : vector<16xi32> -> vector<16xf32>
      %mul3A_1377 = arith.mulf %bitcast_convert_type3A_1365, %get3A_4 : vector<16xf32>
      %mul3A_1378 = arith.mulf %bitcast_convert_type3A_1372, %get3A_7 : vector<16xf32>
      %add3A_1379 = arith.addf %mul3A_1377, %mul3A_1378 : vector<16xf32>
      %swap3A = arith.constant 1 : i32
      %swap3A_1380 = arith.index_cast %swap3A : i32 to index
      %swap3A_1381 = arith.index_cast %scan3A_1349 : i32 to index
      %swap3A_1382 = arith.constant 0 : index
      %swap3A_1383 = tpu.vector_load %arg12[%swap3A_1380, %swap3A_1381, %swap3A_1382] {strides = array<i32>} : memref<2x128x64xf32, #tpu.memory_space<vmem>>, vector<1x1x16xf32>,
      %swap3A_1384 = vector.shape_cast %swap3A_1383 : vector<1x1x16xf32> to vector<16xf32>
      %swap3A_1385 = vector.shape_cast %add3A_1379 : vector<16xf32> to vector<1x1x16xf32>
      tpu.vector_store %arg12[%swap3A_1380, %swap3A_1381, %swap3A_1382], %swap3A_1385 {strides = array<i32>} : memref<2x128x64xf32, #tpu.memory_space<vmem>>, vector<1x1x16xf32>,
      %mul3A_1386 = arith.mulf %bitcast_convert_type3A_1368, %get3A_4 : vector<16xf32>
      %mul3A_1387 = arith.mulf %bitcast_convert_type3A_1376, %get3A_7 : vector<16xf32>
      %add3A_1388 = arith.addf %mul3A_1386, %mul3A_1387 : vector<16xf32>
      %swap3A_1389 = arith.constant 1 : i32
      %swap3A_1390 = arith.index_cast %swap3A_1389 : i32 to index
      %swap3A_1391 = arith.index_cast %scan3A_1349 : i32 to index
      %swap3A_1392 = arith.constant 32 : index
      %swap3A_1393 = tpu.vector_load %arg12[%swap3A_1390, %swap3A_1391, %swap3A_1392] {strides = array<i32>} : memref<2x128x64xf32, #tpu.memory_space<vmem>>, vector<1x1x16xf32>,
      %swap3A_1394 = vector.shape_cast %swap3A_1393 : vector<1x1x16xf32> to vector<16xf32>
      %swap3A_1395 = vector.shape_cast %add3A_1388 : vector<16xf32> to vector<1x1x16xf32>
      tpu.vector_store %arg12[%swap3A_1390, %swap3A_1391, %swap3A_1392], %swap3A_1395 {strides = array<i32>} : memref<2x128x64xf32, #tpu.memory_space<vmem>>, vector<1x1x16xf32>,
      %get3A_1396 = arith.constant 1 : i32
      %get3A_1397 = arith.index_cast %get3A_1396 : i32 to index
      %get3A_1398 = arith.index_cast %scan3A_1349 : i32 to index
      %get3A_1399 = arith.constant 16 : index
      %get3A_1400 = tpu.vector_load %arg10[%get3A_1397, %get3A_1398, %get3A_1399] {strides = array<i32>} : memref<2x128x32xf32, #tpu.memory_space<vmem>>, vector<1x1x16xf32>,
      %get3A_1401 = vector.shape_cast %get3A_1400 : vector<1x1x16xf32> to vector<16xf32>
      %bitcast_convert_type3A_1402 = tpu.bitcast %get3A_1401 : vector<16xf32> -> vector<16xi32>
      %get3A_1403 = arith.constant 1 : i32
      %get3A_1404 = arith.index_cast %get3A_1403 : i32 to index
      %get3A_1405 = arith.index_cast %scan3A_1349 : i32 to index
      %get3A_1406 = arith.constant 16 : index
      %get3A_1407 = tpu.vector_load %arg11[%get3A_1404, %get3A_1405, %get3A_1406] {strides = array<i32>} : memref<2x128x32xf32, #tpu.memory_space<vmem>>, vector<1x1x16xf32>,
      %get3A_1408 = vector.shape_cast %get3A_1407 : vector<1x1x16xf32> to vector<16xf32>
      %bitcast_convert_type3A_1409 = tpu.bitcast %get3A_1408 : vector<16xf32> -> vector<16xi32>
      %shift_left3A_1410 = arith.constant 16 : i32
      %shift_left3A_1411 = vector.broadcast %shift_left3A_1410 : i32 to vector<16xi32>
      %shift_left3A_1412 = arith.shli %bitcast_convert_type3A_1402, %shift_left3A_1411 : vector<16xi32>
      %bitcast_convert_type3A_1413 = tpu.bitcast %shift_left3A_1412 : vector<16xi32> -> vector<16xf32>
      %and3A_1414 = arith.constant -65536 : i32
      %and3A_1415 = vector.broadcast %and3A_1414 : i32 to vector<16xi32>
      %and3A_1416 = arith.andi %bitcast_convert_type3A_1402, %and3A_1415 : vector<16xi32>
      %bitcast_convert_type3A_1417 = tpu.bitcast %and3A_1416 : vector<16xi32> -> vector<16xf32>
      %shift_left3A_1418 = arith.constant 16 : i32
      %shift_left3A_1419 = vector.broadcast %shift_left3A_1418 : i32 to vector<16xi32>
      %shift_left3A_1420 = arith.shli %bitcast_convert_type3A_1409, %shift_left3A_1419 : vector<16xi32>
      %bitcast_convert_type3A_1421 = tpu.bitcast %shift_left3A_1420 : vector<16xi32> -> vector<16xf32>
      %and3A_1422 = arith.constant -65536 : i32
      %and3A_1423 = vector.broadcast %and3A_1422 : i32 to vector<16xi32>
      %and3A_1424 = arith.andi %bitcast_convert_type3A_1409, %and3A_1423 : vector<16xi32>
      %bitcast_convert_type3A_1425 = tpu.bitcast %and3A_1424 : vector<16xi32> -> vector<16xf32>
      %mul3A_1426 = arith.mulf %bitcast_convert_type3A_1413, %get3A_4 : vector<16xf32>
      %mul3A_1427 = arith.mulf %bitcast_convert_type3A_1421, %get3A_7 : vector<16xf32>
      %add3A_1428 = arith.addf %mul3A_1426, %mul3A_1427 : vector<16xf32>
      %swap3A_1429 = arith.constant 1 : i32
      %swap3A_1430 = arith.index_cast %swap3A_1429 : i32 to index
      %swap3A_1431 = arith.index_cast %scan3A_1349 : i32 to index
      %swap3A_1432 = arith.constant 16 : index
      %swap3A_1433 = tpu.vector_load %arg12[%swap3A_1430, %swap3A_1431, %swap3A_1432] {strides = array<i32>} : memref<2x128x64xf32, #tpu.memory_space<vmem>>, vector<1x1x16xf32>,
      %swap3A_1434 = vector.shape_cast %swap3A_1433 : vector<1x1x16xf32> to vector<16xf32>
      %swap3A_1435 = vector.shape_cast %add3A_1428 : vector<16xf32> to vector<1x1x16xf32>
      tpu.vector_store %arg12[%swap3A_1430, %swap3A_1431, %swap3A_1432], %swap3A_1435 {strides = array<i32>} : memref<2x128x64xf32, #tpu.memory_space<vmem>>, vector<1x1x16xf32>,
      %mul3A_1436 = arith.mulf %bitcast_convert_type3A_1417, %get3A_4 : vector<16xf32>
      %mul3A_1437 = arith.mulf %bitcast_convert_type3A_1425, %get3A_7 : vector<16xf32>
      %add3A_1438 = arith.addf %mul3A_1436, %mul3A_1437 : vector<16xf32>
      %swap3A_1439 = arith.constant 1 : i32
      %swap3A_1440 = arith.index_cast %swap3A_1439 : i32 to index
      %swap3A_1441 = arith.index_cast %scan3A_1349 : i32 to index
      %swap3A_1442 = arith.constant 48 : index
      %swap3A_1443 = tpu.vector_load %arg12[%swap3A_1440, %swap3A_1441, %swap3A_1442] {strides = array<i32>} : memref<2x128x64xf32, #tpu.memory_space<vmem>>, vector<1x1x16xf32>,
      %swap3A_1444 = vector.shape_cast %swap3A_1443 : vector<1x1x16xf32> to vector<16xf32>
      %swap3A_1445 = vector.shape_cast %add3A_1438 : vector<16xf32> to vector<1x1x16xf32>
      tpu.vector_store %arg12[%swap3A_1440, %swap3A_1441, %swap3A_1442], %swap3A_1445 {strides = array<i32>} : memref<2x128x64xf32, #tpu.memory_space<vmem>>, vector<1x1x16xf32>,
    }
    %scan3A_321 = arith.constant 128 : i32
    %mul3A_322 = arith.constant 2048 : i32
    %mul3A_323 = arith.muli %add3A, %mul3A_322 : i32
    %add3A_324 = arith.constant 384 : i32
    %add3A_325 = arith.addi %mul3A_323, %add3A_324 : i32
    %dma_start3A_326 = arith.constant 1 : i32
    %dma_start3A_327 = arith.constant 0 : i32
    %dma_start3A_328 = arith.constant 0 : i32
    %dma_start3A_329 = tpu.memref_slice %arg12[%dma_start3A_326, %dma_start3A_327, %dma_start3A_328] : memref<2x128x64xf32, #tpu.memory_space<vmem>> -> memref<1x128x64xf32, #tpu.memory_space<vmem>>
    %dma_start3A_330 = tpu.memref_squeeze %dma_start3A_329 : memref<1x128x64xf32, #tpu.memory_space<vmem>> -> memref<128x64xf32, #tpu.memory_space<vmem>>
    %dma_start3A_331 = arith.constant 0 : i32
    %dma_start3A_332 = tpu.memref_slice %arg7[%add3A_325, %dma_start3A_331] : memref<65536x64xf32, #tpu.memory_space<hbm>> -> memref<128x64xf32, #tpu.memory_space<hbm>>
    %dma_start3A_333 = arith.constant 0 : i32
    %dma_start3A_334 = tpu.memref_slice %arg7[%add3A_325, %dma_start3A_333] : memref<65536x64xf32, #tpu.memory_space<hbm>> -> memref<128x64xf32, #tpu.memory_space<hbm>>
    %dma_start3A_335 = arith.constant 0 : i32
    %dma_start3A_336 = arith.constant 0 : i32
    %dma_start3A_337 = tpu.memref_slice %arg12[%dma_start3A_326, %dma_start3A_335, %dma_start3A_336] : memref<2x128x64xf32, #tpu.memory_space<vmem>> -> memref<1x128x64xf32, #tpu.memory_space<vmem>>
    %dma_start3A_338 = tpu.memref_squeeze %dma_start3A_337 : memref<1x128x64xf32, #tpu.memory_space<vmem>> -> memref<128x64xf32, #tpu.memory_space<vmem>>
    tpu.enqueue_dma source(%dma_start3A_338 : memref<128x64xf32, #tpu.memory_space<vmem>>) target(%dma_start3A_334 : memref<128x64xf32, #tpu.memory_space<hbm>>) target_semaphore(%arg18 : memref<!tpu.dma_semaphore, #tpu.memory_space<semaphore_mem>>)
    %dma_start3A_339 = arith.constant 5 : i32
    %dma_start3A_340 = arith.constant 1 : i32
    %dma_start3A_341 = arith.constant 0 : i32
    %dma_start3A_342 = arith.constant 0 : i32
    %dma_start3A_343 = tpu.memref_slice %arg10[%dma_start3A_340, %dma_start3A_341, %dma_start3A_342] : memref<2x128x32xf32, #tpu.memory_space<vmem>> -> memref<1x128x32xf32, #tpu.memory_space<vmem>>
    %dma_start3A_344 = tpu.memref_squeeze %dma_start3A_343 : memref<1x128x32xf32, #tpu.memory_space<vmem>> -> memref<128x32xf32, #tpu.memory_space<vmem>>
    %dma_start3A_345 = arith.constant 0 : i32
    %dma_start3A_346 = tpu.memref_slice %arg8[%dma_start3A_339, %dma_start3A_345] : memref<16x128xi32, #tpu.memory_space<vmem>> -> memref<1x128xi32, #tpu.memory_space<vmem>>
    %dma_start3A_347 = tpu.memref_squeeze %dma_start3A_346 : memref<1x128xi32, #tpu.memory_space<vmem>> -> memref<128xi32, #tpu.memory_space<vmem>>
    %dma_start3A_348 = arith.constant 0 : i32
    %dma_start3A_349 = arith.constant 0 : i32
    %dma_start3A_350 = tpu.memref_slice %arg2[%dma_start3A_348, %dma_start3A_349] : memref<65536x32xf32, #tpu.memory_space<hbm>> -> memref<65536x32xf32, #tpu.memory_space<hbm>>
    tpu.enqueue_indirect_dma source(%dma_start3A_350 : memref<65536x32xf32, #tpu.memory_space<hbm>>) target(%dma_start3A_344 : memref<128x32xf32, #tpu.memory_space<vmem>>) offsets(%dma_start3A_347 : memref<128xi32, #tpu.memory_space<vmem>>) semaphore(%arg16 : memref<!tpu.dma_semaphore, #tpu.memory_space<semaphore_mem>>)
    %dma_start3A_351 = arith.constant 5 : i32
    %dma_start3A_352 = arith.constant 1 : i32
    %dma_start3A_353 = arith.constant 0 : i32
    %dma_start3A_354 = arith.constant 0 : i32
    %dma_start3A_355 = tpu.memref_slice %arg11[%dma_start3A_352, %dma_start3A_353, %dma_start3A_354] : memref<2x128x32xf32, #tpu.memory_space<vmem>> -> memref<1x128x32xf32, #tpu.memory_space<vmem>>
    %dma_start3A_356 = tpu.memref_squeeze %dma_start3A_355 : memref<1x128x32xf32, #tpu.memory_space<vmem>> -> memref<128x32xf32, #tpu.memory_space<vmem>>
    %dma_start3A_357 = arith.constant 0 : i32
    %dma_start3A_358 = tpu.memref_slice %arg9[%dma_start3A_351, %dma_start3A_357] : memref<16x128xi32, #tpu.memory_space<vmem>> -> memref<1x128xi32, #tpu.memory_space<vmem>>
    %dma_start3A_359 = tpu.memref_squeeze %dma_start3A_358 : memref<1x128xi32, #tpu.memory_space<vmem>> -> memref<128xi32, #tpu.memory_space<vmem>>
    %dma_start3A_360 = arith.constant 0 : i32
    %dma_start3A_361 = arith.constant 0 : i32
    %dma_start3A_362 = tpu.memref_slice %arg2[%dma_start3A_360, %dma_start3A_361] : memref<65536x32xf32, #tpu.memory_space<hbm>> -> memref<65536x32xf32, #tpu.memory_space<hbm>>
    tpu.enqueue_indirect_dma source(%dma_start3A_362 : memref<65536x32xf32, #tpu.memory_space<hbm>>) target(%dma_start3A_356 : memref<128x32xf32, #tpu.memory_space<vmem>>) offsets(%dma_start3A_359 : memref<128xi32, #tpu.memory_space<vmem>>) semaphore(%arg16 : memref<!tpu.dma_semaphore, #tpu.memory_space<semaphore_mem>>)
    %dma_wait3A_363 = arith.constant 4 : i32
    %dma_wait3A_364 = arith.constant 0 : i32
    %dma_wait3A_365 = arith.constant 0 : i32
    %dma_wait3A_366 = arith.constant 0 : i32
    %dma_wait3A_367 = tpu.memref_slice %arg10[%dma_wait3A_364, %dma_wait3A_365, %dma_wait3A_366] : memref<2x128x32xf32, #tpu.memory_space<vmem>> -> memref<1x128x32xf32, #tpu.memory_space<vmem>>
    %dma_wait3A_368 = tpu.memref_squeeze %dma_wait3A_367 : memref<1x128x32xf32, #tpu.memory_space<vmem>> -> memref<128x32xf32, #tpu.memory_space<vmem>>
    %dma_wait3A_369 = arith.constant 0 : i32
    %dma_wait3A_370 = tpu.memref_slice %arg8[%dma_wait3A_363, %dma_wait3A_369] : memref<16x128xi32, #tpu.memory_space<vmem>> -> memref<1x128xi32, #tpu.memory_space<vmem>>
    %dma_wait3A_371 = tpu.memref_squeeze %dma_wait3A_370 : memref<1x128xi32, #tpu.memory_space<vmem>> -> memref<128xi32, #tpu.memory_space<vmem>>
    %dma_wait3A_372 = arith.constant 0 : i32
    %dma_wait3A_373 = arith.constant 0 : i32
    %dma_wait3A_374 = tpu.memref_slice %arg2[%dma_wait3A_372, %dma_wait3A_373] : memref<65536x32xf32, #tpu.memory_space<hbm>> -> memref<65536x32xf32, #tpu.memory_space<hbm>>
    tpu.wait_indirect_dma semaphore(%arg15 : memref<!tpu.dma_semaphore, #tpu.memory_space<semaphore_mem>>) src(%dma_wait3A_374 : memref<65536x32xf32, #tpu.memory_space<hbm>>) dst(%dma_wait3A_368 : memref<128x32xf32, #tpu.memory_space<vmem>>)
    %dma_wait3A_375 = arith.constant 4 : i32
    %dma_wait3A_376 = arith.constant 0 : i32
    %dma_wait3A_377 = arith.constant 0 : i32
    %dma_wait3A_378 = arith.constant 0 : i32
    %dma_wait3A_379 = tpu.memref_slice %arg11[%dma_wait3A_376, %dma_wait3A_377, %dma_wait3A_378] : memref<2x128x32xf32, #tpu.memory_space<vmem>> -> memref<1x128x32xf32, #tpu.memory_space<vmem>>
    %dma_wait3A_380 = tpu.memref_squeeze %dma_wait3A_379 : memref<1x128x32xf32, #tpu.memory_space<vmem>> -> memref<128x32xf32, #tpu.memory_space<vmem>>
    %dma_wait3A_381 = arith.constant 0 : i32
    %dma_wait3A_382 = tpu.memref_slice %arg9[%dma_wait3A_375, %dma_wait3A_381] : memref<16x128xi32, #tpu.memory_space<vmem>> -> memref<1x128xi32, #tpu.memory_space<vmem>>
    %dma_wait3A_383 = tpu.memref_squeeze %dma_wait3A_382 : memref<1x128xi32, #tpu.memory_space<vmem>> -> memref<128xi32, #tpu.memory_space<vmem>>
    %dma_wait3A_384 = arith.constant 0 : i32
    %dma_wait3A_385 = arith.constant 0 : i32
    %dma_wait3A_386 = tpu.memref_slice %arg2[%dma_wait3A_384, %dma_wait3A_385] : memref<65536x32xf32, #tpu.memory_space<hbm>> -> memref<65536x32xf32, #tpu.memory_space<hbm>>
    tpu.wait_indirect_dma semaphore(%arg15 : memref<!tpu.dma_semaphore, #tpu.memory_space<semaphore_mem>>) src(%dma_wait3A_386 : memref<65536x32xf32, #tpu.memory_space<hbm>>) dst(%dma_wait3A_380 : memref<128x32xf32, #tpu.memory_space<vmem>>)
    %dma_wait3A_387 = arith.constant 0 : i32
    %dma_wait3A_388 = arith.constant 0 : i32
    %dma_wait3A_389 = arith.constant 0 : i32
    %dma_wait3A_390 = tpu.memref_slice %arg12[%dma_wait3A_387, %dma_wait3A_388, %dma_wait3A_389] : memref<2x128x64xf32, #tpu.memory_space<vmem>> -> memref<1x128x64xf32, #tpu.memory_space<vmem>>
    %dma_wait3A_391 = tpu.memref_squeeze %dma_wait3A_390 : memref<1x128x64xf32, #tpu.memory_space<vmem>> -> memref<128x64xf32, #tpu.memory_space<vmem>>
    %dma_wait3A_392 = arith.constant 0 : i32
    %dma_wait3A_393 = tpu.memref_slice %arg7[%add3A_241, %dma_wait3A_392] : memref<65536x64xf32, #tpu.memory_space<hbm>> -> memref<128x64xf32, #tpu.memory_space<hbm>>
    %dma_wait3A_394 = arith.constant 0 : i32
    %dma_wait3A_395 = tpu.memref_slice %arg7[%add3A_241, %dma_wait3A_394] : memref<65536x64xf32, #tpu.memory_space<hbm>> -> memref<128x64xf32, #tpu.memory_space<hbm>>
    %dma_wait3A_396 = arith.constant 0 : i32
    %dma_wait3A_397 = arith.constant 0 : i32
    %dma_wait3A_398 = tpu.memref_slice %arg12[%dma_wait3A_387, %dma_wait3A_396, %dma_wait3A_397] : memref<2x128x64xf32, #tpu.memory_space<vmem>> -> memref<1x128x64xf32, #tpu.memory_space<vmem>>
    %dma_wait3A_399 = tpu.memref_squeeze %dma_wait3A_398 : memref<1x128x64xf32, #tpu.memory_space<vmem>> -> memref<128x64xf32, #tpu.memory_space<vmem>>
    tpu.wait_dma2 semaphore(%arg17 : memref<!tpu.dma_semaphore, #tpu.memory_space<semaphore_mem>>) src(%dma_wait3A_399 : memref<128x64xf32, #tpu.memory_space<vmem>>) dst(%dma_wait3A_395 : memref<128x64xf32, #tpu.memory_space<hbm>>)
    %scan3A_400 = arith.constant 0 : i32
    %scan3A_401 = arith.constant 0 : i32
    %scan3A_402 = arith.constant 128 : i32
    %scan3A_403 = arith.addi %scan3A_401, %scan3A_402 : i32
    %scan3A_404 = arith.constant 1 : i32
    scf.for %scan3A_1349 = %scan3A_401 to %scan3A_403 step %scan3A_404  : i32 {
      %get3A_1350 = arith.constant 0 : i32
      %get3A_1351 = arith.index_cast %get3A_1350 : i32 to index
      %get3A_1352 = arith.index_cast %scan3A_1349 : i32 to index
      %get3A_1353 = arith.constant 0 : index
      %get3A_1354 = tpu.vector_load %arg10[%get3A_1351, %get3A_1352, %get3A_1353] {strides = array<i32>} : memref<2x128x32xf32, #tpu.memory_space<vmem>>, vector<1x1x16xf32>,
      %get3A_1355 = vector.shape_cast %get3A_1354 : vector<1x1x16xf32> to vector<16xf32>
      %bitcast_convert_type3A = tpu.bitcast %get3A_1355 : vector<16xf32> -> vector<16xi32>
      %get3A_1356 = arith.constant 0 : i32
      %get3A_1357 = arith.index_cast %get3A_1356 : i32 to index
      %get3A_1358 = arith.index_cast %scan3A_1349 : i32 to index
      %get3A_1359 = arith.constant 0 : index
      %get3A_1360 = tpu.vector_load %arg11[%get3A_1357, %get3A_1358, %get3A_1359] {strides = array<i32>} : memref<2x128x32xf32, #tpu.memory_space<vmem>>, vector<1x1x16xf32>,
      %get3A_1361 = vector.shape_cast %get3A_1360 : vector<1x1x16xf32> to vector<16xf32>
      %bitcast_convert_type3A_1362 = tpu.bitcast %get3A_1361 : vector<16xf32> -> vector<16xi32>
      %shift_left3A = arith.constant 16 : i32
      %shift_left3A_1363 = vector.broadcast %shift_left3A : i32 to vector<16xi32>
      %shift_left3A_1364 = arith.shli %bitcast_convert_type3A, %shift_left3A_1363 : vector<16xi32>
      %bitcast_convert_type3A_1365 = tpu.bitcast %shift_left3A_1364 : vector<16xi32> -> vector<16xf32>
      %and3A = arith.constant -65536 : i32
      %and3A_1366 = vector.broadcast %and3A : i32 to vector<16xi32>
      %and3A_1367 = arith.andi %bitcast_convert_type3A, %and3A_1366 : vector<16xi32>
      %bitcast_convert_type3A_1368 = tpu.bitcast %and3A_1367 : vector<16xi32> -> vector<16xf32>
      %shift_left3A_1369 = arith.constant 16 : i32
      %shift_left3A_1370 = vector.broadcast %shift_left3A_1369 : i32 to vector<16xi32>
      %shift_left3A_1371 = arith.shli %bitcast_convert_type3A_1362, %shift_left3A_1370 : vector<16xi32>
      %bitcast_convert_type3A_1372 = tpu.bitcast %shift_left3A_1371 : vector<16xi32> -> vector<16xf32>
      %and3A_1373 = arith.constant -65536 : i32
      %and3A_1374 = vector.broadcast %and3A_1373 : i32 to vector<16xi32>
      %and3A_1375 = arith.andi %bitcast_convert_type3A_1362, %and3A_1374 : vector<16xi32>
      %bitcast_convert_type3A_1376 = tpu.bitcast %and3A_1375 : vector<16xi32> -> vector<16xf32>
      %mul3A_1377 = arith.mulf %bitcast_convert_type3A_1365, %get3A_4 : vector<16xf32>
      %mul3A_1378 = arith.mulf %bitcast_convert_type3A_1372, %get3A_7 : vector<16xf32>
      %add3A_1379 = arith.addf %mul3A_1377, %mul3A_1378 : vector<16xf32>
      %swap3A = arith.constant 0 : i32
      %swap3A_1380 = arith.index_cast %swap3A : i32 to index
      %swap3A_1381 = arith.index_cast %scan3A_1349 : i32 to index
      %swap3A_1382 = arith.constant 0 : index
      %swap3A_1383 = tpu.vector_load %arg12[%swap3A_1380, %swap3A_1381, %swap3A_1382] {strides = array<i32>} : memref<2x128x64xf32, #tpu.memory_space<vmem>>, vector<1x1x16xf32>,
      %swap3A_1384 = vector.shape_cast %swap3A_1383 : vector<1x1x16xf32> to vector<16xf32>
      %swap3A_1385 = vector.shape_cast %add3A_1379 : vector<16xf32> to vector<1x1x16xf32>
      tpu.vector_store %arg12[%swap3A_1380, %swap3A_1381, %swap3A_1382], %swap3A_1385 {strides = array<i32>} : memref<2x128x64xf32, #tpu.memory_space<vmem>>, vector<1x1x16xf32>,
      %mul3A_1386 = arith.mulf %bitcast_convert_type3A_1368, %get3A_4 : vector<16xf32>
      %mul3A_1387 = arith.mulf %bitcast_convert_type3A_1376, %get3A_7 : vector<16xf32>
      %add3A_1388 = arith.addf %mul3A_1386, %mul3A_1387 : vector<16xf32>
      %swap3A_1389 = arith.constant 0 : i32
      %swap3A_1390 = arith.index_cast %swap3A_1389 : i32 to index
      %swap3A_1391 = arith.index_cast %scan3A_1349 : i32 to index
      %swap3A_1392 = arith.constant 32 : index
      %swap3A_1393 = tpu.vector_load %arg12[%swap3A_1390, %swap3A_1391, %swap3A_1392] {strides = array<i32>} : memref<2x128x64xf32, #tpu.memory_space<vmem>>, vector<1x1x16xf32>,
      %swap3A_1394 = vector.shape_cast %swap3A_1393 : vector<1x1x16xf32> to vector<16xf32>
      %swap3A_1395 = vector.shape_cast %add3A_1388 : vector<16xf32> to vector<1x1x16xf32>
      tpu.vector_store %arg12[%swap3A_1390, %swap3A_1391, %swap3A_1392], %swap3A_1395 {strides = array<i32>} : memref<2x128x64xf32, #tpu.memory_space<vmem>>, vector<1x1x16xf32>,
      %get3A_1396 = arith.constant 0 : i32
      %get3A_1397 = arith.index_cast %get3A_1396 : i32 to index
      %get3A_1398 = arith.index_cast %scan3A_1349 : i32 to index
      %get3A_1399 = arith.constant 16 : index
      %get3A_1400 = tpu.vector_load %arg10[%get3A_1397, %get3A_1398, %get3A_1399] {strides = array<i32>} : memref<2x128x32xf32, #tpu.memory_space<vmem>>, vector<1x1x16xf32>,
      %get3A_1401 = vector.shape_cast %get3A_1400 : vector<1x1x16xf32> to vector<16xf32>
      %bitcast_convert_type3A_1402 = tpu.bitcast %get3A_1401 : vector<16xf32> -> vector<16xi32>
      %get3A_1403 = arith.constant 0 : i32
      %get3A_1404 = arith.index_cast %get3A_1403 : i32 to index
      %get3A_1405 = arith.index_cast %scan3A_1349 : i32 to index
      %get3A_1406 = arith.constant 16 : index
      %get3A_1407 = tpu.vector_load %arg11[%get3A_1404, %get3A_1405, %get3A_1406] {strides = array<i32>} : memref<2x128x32xf32, #tpu.memory_space<vmem>>, vector<1x1x16xf32>,
      %get3A_1408 = vector.shape_cast %get3A_1407 : vector<1x1x16xf32> to vector<16xf32>
      %bitcast_convert_type3A_1409 = tpu.bitcast %get3A_1408 : vector<16xf32> -> vector<16xi32>
      %shift_left3A_1410 = arith.constant 16 : i32
      %shift_left3A_1411 = vector.broadcast %shift_left3A_1410 : i32 to vector<16xi32>
      %shift_left3A_1412 = arith.shli %bitcast_convert_type3A_1402, %shift_left3A_1411 : vector<16xi32>
      %bitcast_convert_type3A_1413 = tpu.bitcast %shift_left3A_1412 : vector<16xi32> -> vector<16xf32>
      %and3A_1414 = arith.constant -65536 : i32
      %and3A_1415 = vector.broadcast %and3A_1414 : i32 to vector<16xi32>
      %and3A_1416 = arith.andi %bitcast_convert_type3A_1402, %and3A_1415 : vector<16xi32>
      %bitcast_convert_type3A_1417 = tpu.bitcast %and3A_1416 : vector<16xi32> -> vector<16xf32>
      %shift_left3A_1418 = arith.constant 16 : i32
      %shift_left3A_1419 = vector.broadcast %shift_left3A_1418 : i32 to vector<16xi32>
      %shift_left3A_1420 = arith.shli %bitcast_convert_type3A_1409, %shift_left3A_1419 : vector<16xi32>
      %bitcast_convert_type3A_1421 = tpu.bitcast %shift_left3A_1420 : vector<16xi32> -> vector<16xf32>
      %and3A_1422 = arith.constant -65536 : i32
      %and3A_1423 = vector.broadcast %and3A_1422 : i32 to vector<16xi32>
      %and3A_1424 = arith.andi %bitcast_convert_type3A_1409, %and3A_1423 : vector<16xi32>
      %bitcast_convert_type3A_1425 = tpu.bitcast %and3A_1424 : vector<16xi32> -> vector<16xf32>
      %mul3A_1426 = arith.mulf %bitcast_convert_type3A_1413, %get3A_4 : vector<16xf32>
      %mul3A_1427 = arith.mulf %bitcast_convert_type3A_1421, %get3A_7 : vector<16xf32>
      %add3A_1428 = arith.addf %mul3A_1426, %mul3A_1427 : vector<16xf32>
      %swap3A_1429 = arith.constant 0 : i32
      %swap3A_1430 = arith.index_cast %swap3A_1429 : i32 to index
      %swap3A_1431 = arith.index_cast %scan3A_1349 : i32 to index
      %swap3A_1432 = arith.constant 16 : index
      %swap3A_1433 = tpu.vector_load %arg12[%swap3A_1430, %swap3A_1431, %swap3A_1432] {strides = array<i32>} : memref<2x128x64xf32, #tpu.memory_space<vmem>>, vector<1x1x16xf32>,
      %swap3A_1434 = vector.shape_cast %swap3A_1433 : vector<1x1x16xf32> to vector<16xf32>
      %swap3A_1435 = vector.shape_cast %add3A_1428 : vector<16xf32> to vector<1x1x16xf32>
      tpu.vector_store %arg12[%swap3A_1430, %swap3A_1431, %swap3A_1432], %swap3A_1435 {strides = array<i32>} : memref<2x128x64xf32, #tpu.memory_space<vmem>>, vector<1x1x16xf32>,
      %mul3A_1436 = arith.mulf %bitcast_convert_type3A_1417, %get3A_4 : vector<16xf32>
      %mul3A_1437 = arith.mulf %bitcast_convert_type3A_1425, %get3A_7 : vector<16xf32>
      %add3A_1438 = arith.addf %mul3A_1436, %mul3A_1437 : vector<16xf32>
      %swap3A_1439 = arith.constant 0 : i32
      %swap3A_1440 = arith.index_cast %swap3A_1439 : i32 to index
      %swap3A_1441 = arith.index_cast %scan3A_1349 : i32 to index
      %swap3A_1442 = arith.constant 48 : index
      %swap3A_1443 = tpu.vector_load %arg12[%swap3A_1440, %swap3A_1441, %swap3A_1442] {strides = array<i32>} : memref<2x128x64xf32, #tpu.memory_space<vmem>>, vector<1x1x16xf32>,
      %swap3A_1444 = vector.shape_cast %swap3A_1443 : vector<1x1x16xf32> to vector<16xf32>
      %swap3A_1445 = vector.shape_cast %add3A_1438 : vector<16xf32> to vector<1x1x16xf32>
      tpu.vector_store %arg12[%swap3A_1440, %swap3A_1441, %swap3A_1442], %swap3A_1445 {strides = array<i32>} : memref<2x128x64xf32, #tpu.memory_space<vmem>>, vector<1x1x16xf32>,
    }
    %scan3A_405 = arith.constant 128 : i32
    %mul3A_406 = arith.constant 2048 : i32
    %mul3A_407 = arith.muli %add3A, %mul3A_406 : i32
    %add3A_408 = arith.constant 512 : i32
    %add3A_409 = arith.addi %mul3A_407, %add3A_408 : i32
    %dma_start3A_410 = arith.constant 0 : i32
    %dma_start3A_411 = arith.constant 0 : i32
    %dma_start3A_412 = arith.constant 0 : i32
    %dma_start3A_413 = tpu.memref_slice %arg12[%dma_start3A_410, %dma_start3A_411, %dma_start3A_412] : memref<2x128x64xf32, #tpu.memory_space<vmem>> -> memref<1x128x64xf32, #tpu.memory_space<vmem>>
    %dma_start3A_414 = tpu.memref_squeeze %dma_start3A_413 : memref<1x128x64xf32, #tpu.memory_space<vmem>> -> memref<128x64xf32, #tpu.memory_space<vmem>>
    %dma_start3A_415 = arith.constant 0 : i32
    %dma_start3A_416 = tpu.memref_slice %arg7[%add3A_409, %dma_start3A_415] : memref<65536x64xf32, #tpu.memory_space<hbm>> -> memref<128x64xf32, #tpu.memory_space<hbm>>
    %dma_start3A_417 = arith.constant 0 : i32
    %dma_start3A_418 = tpu.memref_slice %arg7[%add3A_409, %dma_start3A_417] : memref<65536x64xf32, #tpu.memory_space<hbm>> -> memref<128x64xf32, #tpu.memory_space<hbm>>
    %dma_start3A_419 = arith.constant 0 : i32
    %dma_start3A_420 = arith.constant 0 : i32
    %dma_start3A_421 = tpu.memref_slice %arg12[%dma_start3A_410, %dma_start3A_419, %dma_start3A_420] : memref<2x128x64xf32, #tpu.memory_space<vmem>> -> memref<1x128x64xf32, #tpu.memory_space<vmem>>
    %dma_start3A_422 = tpu.memref_squeeze %dma_start3A_421 : memref<1x128x64xf32, #tpu.memory_space<vmem>> -> memref<128x64xf32, #tpu.memory_space<vmem>>
    tpu.enqueue_dma source(%dma_start3A_422 : memref<128x64xf32, #tpu.memory_space<vmem>>) target(%dma_start3A_418 : memref<128x64xf32, #tpu.memory_space<hbm>>) target_semaphore(%arg17 : memref<!tpu.dma_semaphore, #tpu.memory_space<semaphore_mem>>)
    %dma_start3A_423 = arith.constant 6 : i32
    %dma_start3A_424 = arith.constant 0 : i32
    %dma_start3A_425 = arith.constant 0 : i32
    %dma_start3A_426 = arith.constant 0 : i32
    %dma_start3A_427 = tpu.memref_slice %arg10[%dma_start3A_424, %dma_start3A_425, %dma_start3A_426] : memref<2x128x32xf32, #tpu.memory_space<vmem>> -> memref<1x128x32xf32, #tpu.memory_space<vmem>>
    %dma_start3A_428 = tpu.memref_squeeze %dma_start3A_427 : memref<1x128x32xf32, #tpu.memory_space<vmem>> -> memref<128x32xf32, #tpu.memory_space<vmem>>
    %dma_start3A_429 = arith.constant 0 : i32
    %dma_start3A_430 = tpu.memref_slice %arg8[%dma_start3A_423, %dma_start3A_429] : memref<16x128xi32, #tpu.memory_space<vmem>> -> memref<1x128xi32, #tpu.memory_space<vmem>>
    %dma_start3A_431 = tpu.memref_squeeze %dma_start3A_430 : memref<1x128xi32, #tpu.memory_space<vmem>> -> memref<128xi32, #tpu.memory_space<vmem>>
    %dma_start3A_432 = arith.constant 0 : i32
    %dma_start3A_433 = arith.constant 0 : i32
    %dma_start3A_434 = tpu.memref_slice %arg2[%dma_start3A_432, %dma_start3A_433] : memref<65536x32xf32, #tpu.memory_space<hbm>> -> memref<65536x32xf32, #tpu.memory_space<hbm>>
    tpu.enqueue_indirect_dma source(%dma_start3A_434 : memref<65536x32xf32, #tpu.memory_space<hbm>>) target(%dma_start3A_428 : memref<128x32xf32, #tpu.memory_space<vmem>>) offsets(%dma_start3A_431 : memref<128xi32, #tpu.memory_space<vmem>>) semaphore(%arg15 : memref<!tpu.dma_semaphore, #tpu.memory_space<semaphore_mem>>)
    %dma_start3A_435 = arith.constant 6 : i32
    %dma_start3A_436 = arith.constant 0 : i32
    %dma_start3A_437 = arith.constant 0 : i32
    %dma_start3A_438 = arith.constant 0 : i32
    %dma_start3A_439 = tpu.memref_slice %arg11[%dma_start3A_436, %dma_start3A_437, %dma_start3A_438] : memref<2x128x32xf32, #tpu.memory_space<vmem>> -> memref<1x128x32xf32, #tpu.memory_space<vmem>>
    %dma_start3A_440 = tpu.memref_squeeze %dma_start3A_439 : memref<1x128x32xf32, #tpu.memory_space<vmem>> -> memref<128x32xf32, #tpu.memory_space<vmem>>
    %dma_start3A_441 = arith.constant 0 : i32
    %dma_start3A_442 = tpu.memref_slice %arg9[%dma_start3A_435, %dma_start3A_441] : memref<16x128xi32, #tpu.memory_space<vmem>> -> memref<1x128xi32, #tpu.memory_space<vmem>>
    %dma_start3A_443 = tpu.memref_squeeze %dma_start3A_442 : memref<1x128xi32, #tpu.memory_space<vmem>> -> memref<128xi32, #tpu.memory_space<vmem>>
    %dma_start3A_444 = arith.constant 0 : i32
    %dma_start3A_445 = arith.constant 0 : i32
    %dma_start3A_446 = tpu.memref_slice %arg2[%dma_start3A_444, %dma_start3A_445] : memref<65536x32xf32, #tpu.memory_space<hbm>> -> memref<65536x32xf32, #tpu.memory_space<hbm>>
    tpu.enqueue_indirect_dma source(%dma_start3A_446 : memref<65536x32xf32, #tpu.memory_space<hbm>>) target(%dma_start3A_440 : memref<128x32xf32, #tpu.memory_space<vmem>>) offsets(%dma_start3A_443 : memref<128xi32, #tpu.memory_space<vmem>>) semaphore(%arg15 : memref<!tpu.dma_semaphore, #tpu.memory_space<semaphore_mem>>)
    %dma_wait3A_447 = arith.constant 5 : i32
    %dma_wait3A_448 = arith.constant 1 : i32
    %dma_wait3A_449 = arith.constant 0 : i32
    %dma_wait3A_450 = arith.constant 0 : i32
    %dma_wait3A_451 = tpu.memref_slice %arg10[%dma_wait3A_448, %dma_wait3A_449, %dma_wait3A_450] : memref<2x128x32xf32, #tpu.memory_space<vmem>> -> memref<1x128x32xf32, #tpu.memory_space<vmem>>
    %dma_wait3A_452 = tpu.memref_squeeze %dma_wait3A_451 : memref<1x128x32xf32, #tpu.memory_space<vmem>> -> memref<128x32xf32, #tpu.memory_space<vmem>>
    %dma_wait3A_453 = arith.constant 0 : i32
    %dma_wait3A_454 = tpu.memref_slice %arg8[%dma_wait3A_447, %dma_wait3A_453] : memref<16x128xi32, #tpu.memory_space<vmem>> -> memref<1x128xi32, #tpu.memory_space<vmem>>
    %dma_wait3A_455 = tpu.memref_squeeze %dma_wait3A_454 : memref<1x128xi32, #tpu.memory_space<vmem>> -> memref<128xi32, #tpu.memory_space<vmem>>
    %dma_wait3A_456 = arith.constant 0 : i32
    %dma_wait3A_457 = arith.constant 0 : i32
    %dma_wait3A_458 = tpu.memref_slice %arg2[%dma_wait3A_456, %dma_wait3A_457] : memref<65536x32xf32, #tpu.memory_space<hbm>> -> memref<65536x32xf32, #tpu.memory_space<hbm>>
    tpu.wait_indirect_dma semaphore(%arg16 : memref<!tpu.dma_semaphore, #tpu.memory_space<semaphore_mem>>) src(%dma_wait3A_458 : memref<65536x32xf32, #tpu.memory_space<hbm>>) dst(%dma_wait3A_452 : memref<128x32xf32, #tpu.memory_space<vmem>>)
    %dma_wait3A_459 = arith.constant 5 : i32
    %dma_wait3A_460 = arith.constant 1 : i32
    %dma_wait3A_461 = arith.constant 0 : i32
    %dma_wait3A_462 = arith.constant 0 : i32
    %dma_wait3A_463 = tpu.memref_slice %arg11[%dma_wait3A_460, %dma_wait3A_461, %dma_wait3A_462] : memref<2x128x32xf32, #tpu.memory_space<vmem>> -> memref<1x128x32xf32, #tpu.memory_space<vmem>>
    %dma_wait3A_464 = tpu.memref_squeeze %dma_wait3A_463 : memref<1x128x32xf32, #tpu.memory_space<vmem>> -> memref<128x32xf32, #tpu.memory_space<vmem>>
    %dma_wait3A_465 = arith.constant 0 : i32
    %dma_wait3A_466 = tpu.memref_slice %arg9[%dma_wait3A_459, %dma_wait3A_465] : memref<16x128xi32, #tpu.memory_space<vmem>> -> memref<1x128xi32, #tpu.memory_space<vmem>>
    %dma_wait3A_467 = tpu.memref_squeeze %dma_wait3A_466 : memref<1x128xi32, #tpu.memory_space<vmem>> -> memref<128xi32, #tpu.memory_space<vmem>>
    %dma_wait3A_468 = arith.constant 0 : i32
    %dma_wait3A_469 = arith.constant 0 : i32
    %dma_wait3A_470 = tpu.memref_slice %arg2[%dma_wait3A_468, %dma_wait3A_469] : memref<65536x32xf32, #tpu.memory_space<hbm>> -> memref<65536x32xf32, #tpu.memory_space<hbm>>
    tpu.wait_indirect_dma semaphore(%arg16 : memref<!tpu.dma_semaphore, #tpu.memory_space<semaphore_mem>>) src(%dma_wait3A_470 : memref<65536x32xf32, #tpu.memory_space<hbm>>) dst(%dma_wait3A_464 : memref<128x32xf32, #tpu.memory_space<vmem>>)
    %dma_wait3A_471 = arith.constant 1 : i32
    %dma_wait3A_472 = arith.constant 0 : i32
    %dma_wait3A_473 = arith.constant 0 : i32
    %dma_wait3A_474 = tpu.memref_slice %arg12[%dma_wait3A_471, %dma_wait3A_472, %dma_wait3A_473] : memref<2x128x64xf32, #tpu.memory_space<vmem>> -> memref<1x128x64xf32, #tpu.memory_space<vmem>>
    %dma_wait3A_475 = tpu.memref_squeeze %dma_wait3A_474 : memref<1x128x64xf32, #tpu.memory_space<vmem>> -> memref<128x64xf32, #tpu.memory_space<vmem>>
    %dma_wait3A_476 = arith.constant 0 : i32
    %dma_wait3A_477 = tpu.memref_slice %arg7[%add3A_325, %dma_wait3A_476] : memref<65536x64xf32, #tpu.memory_space<hbm>> -> memref<128x64xf32, #tpu.memory_space<hbm>>
    %dma_wait3A_478 = arith.constant 0 : i32
    %dma_wait3A_479 = tpu.memref_slice %arg7[%add3A_325, %dma_wait3A_478] : memref<65536x64xf32, #tpu.memory_space<hbm>> -> memref<128x64xf32, #tpu.memory_space<hbm>>
    %dma_wait3A_480 = arith.constant 0 : i32
    %dma_wait3A_481 = arith.constant 0 : i32
    %dma_wait3A_482 = tpu.memref_slice %arg12[%dma_wait3A_471, %dma_wait3A_480, %dma_wait3A_481] : memref<2x128x64xf32, #tpu.memory_space<vmem>> -> memref<1x128x64xf32, #tpu.memory_space<vmem>>
    %dma_wait3A_483 = tpu.memref_squeeze %dma_wait3A_482 : memref<1x128x64xf32, #tpu.memory_space<vmem>> -> memref<128x64xf32, #tpu.memory_space<vmem>>
    tpu.wait_dma2 semaphore(%arg18 : memref<!tpu.dma_semaphore, #tpu.memory_space<semaphore_mem>>) src(%dma_wait3A_483 : memref<128x64xf32, #tpu.memory_space<vmem>>) dst(%dma_wait3A_479 : memref<128x64xf32, #tpu.memory_space<hbm>>)
    %scan3A_484 = arith.constant 0 : i32
    %scan3A_485 = arith.constant 0 : i32
    %scan3A_486 = arith.constant 128 : i32
    %scan3A_487 = arith.addi %scan3A_485, %scan3A_486 : i32
    %scan3A_488 = arith.constant 1 : i32
    scf.for %scan3A_1349 = %scan3A_485 to %scan3A_487 step %scan3A_488  : i32 {
      %get3A_1350 = arith.constant 1 : i32
      %get3A_1351 = arith.index_cast %get3A_1350 : i32 to index
      %get3A_1352 = arith.index_cast %scan3A_1349 : i32 to index
      %get3A_1353 = arith.constant 0 : index
      %get3A_1354 = tpu.vector_load %arg10[%get3A_1351, %get3A_1352, %get3A_1353] {strides = array<i32>} : memref<2x128x32xf32, #tpu.memory_space<vmem>>, vector<1x1x16xf32>,
      %get3A_1355 = vector.shape_cast %get3A_1354 : vector<1x1x16xf32> to vector<16xf32>
      %bitcast_convert_type3A = tpu.bitcast %get3A_1355 : vector<16xf32> -> vector<16xi32>
      %get3A_1356 = arith.constant 1 : i32
      %get3A_1357 = arith.index_cast %get3A_1356 : i32 to index
      %get3A_1358 = arith.index_cast %scan3A_1349 : i32 to index
      %get3A_1359 = arith.constant 0 : index
      %get3A_1360 = tpu.vector_load %arg11[%get3A_1357, %get3A_1358, %get3A_1359] {strides = array<i32>} : memref<2x128x32xf32, #tpu.memory_space<vmem>>, vector<1x1x16xf32>,
      %get3A_1361 = vector.shape_cast %get3A_1360 : vector<1x1x16xf32> to vector<16xf32>
      %bitcast_convert_type3A_1362 = tpu.bitcast %get3A_1361 : vector<16xf32> -> vector<16xi32>
      %shift_left3A = arith.constant 16 : i32
      %shift_left3A_1363 = vector.broadcast %shift_left3A : i32 to vector<16xi32>
      %shift_left3A_1364 = arith.shli %bitcast_convert_type3A, %shift_left3A_1363 : vector<16xi32>
      %bitcast_convert_type3A_1365 = tpu.bitcast %shift_left3A_1364 : vector<16xi32> -> vector<16xf32>
      %and3A = arith.constant -65536 : i32
      %and3A_1366 = vector.broadcast %and3A : i32 to vector<16xi32>
      %and3A_1367 = arith.andi %bitcast_convert_type3A, %and3A_1366 : vector<16xi32>
      %bitcast_convert_type3A_1368 = tpu.bitcast %and3A_1367 : vector<16xi32> -> vector<16xf32>
      %shift_left3A_1369 = arith.constant 16 : i32
      %shift_left3A_1370 = vector.broadcast %shift_left3A_1369 : i32 to vector<16xi32>
      %shift_left3A_1371 = arith.shli %bitcast_convert_type3A_1362, %shift_left3A_1370 : vector<16xi32>
      %bitcast_convert_type3A_1372 = tpu.bitcast %shift_left3A_1371 : vector<16xi32> -> vector<16xf32>
      %and3A_1373 = arith.constant -65536 : i32
      %and3A_1374 = vector.broadcast %and3A_1373 : i32 to vector<16xi32>
      %and3A_1375 = arith.andi %bitcast_convert_type3A_1362, %and3A_1374 : vector<16xi32>
      %bitcast_convert_type3A_1376 = tpu.bitcast %and3A_1375 : vector<16xi32> -> vector<16xf32>
      %mul3A_1377 = arith.mulf %bitcast_convert_type3A_1365, %get3A_4 : vector<16xf32>
      %mul3A_1378 = arith.mulf %bitcast_convert_type3A_1372, %get3A_7 : vector<16xf32>
      %add3A_1379 = arith.addf %mul3A_1377, %mul3A_1378 : vector<16xf32>
      %swap3A = arith.constant 1 : i32
      %swap3A_1380 = arith.index_cast %swap3A : i32 to index
      %swap3A_1381 = arith.index_cast %scan3A_1349 : i32 to index
      %swap3A_1382 = arith.constant 0 : index
      %swap3A_1383 = tpu.vector_load %arg12[%swap3A_1380, %swap3A_1381, %swap3A_1382] {strides = array<i32>} : memref<2x128x64xf32, #tpu.memory_space<vmem>>, vector<1x1x16xf32>,
      %swap3A_1384 = vector.shape_cast %swap3A_1383 : vector<1x1x16xf32> to vector<16xf32>
      %swap3A_1385 = vector.shape_cast %add3A_1379 : vector<16xf32> to vector<1x1x16xf32>
      tpu.vector_store %arg12[%swap3A_1380, %swap3A_1381, %swap3A_1382], %swap3A_1385 {strides = array<i32>} : memref<2x128x64xf32, #tpu.memory_space<vmem>>, vector<1x1x16xf32>,
      %mul3A_1386 = arith.mulf %bitcast_convert_type3A_1368, %get3A_4 : vector<16xf32>
      %mul3A_1387 = arith.mulf %bitcast_convert_type3A_1376, %get3A_7 : vector<16xf32>
      %add3A_1388 = arith.addf %mul3A_1386, %mul3A_1387 : vector<16xf32>
      %swap3A_1389 = arith.constant 1 : i32
      %swap3A_1390 = arith.index_cast %swap3A_1389 : i32 to index
      %swap3A_1391 = arith.index_cast %scan3A_1349 : i32 to index
      %swap3A_1392 = arith.constant 32 : index
      %swap3A_1393 = tpu.vector_load %arg12[%swap3A_1390, %swap3A_1391, %swap3A_1392] {strides = array<i32>} : memref<2x128x64xf32, #tpu.memory_space<vmem>>, vector<1x1x16xf32>,
      %swap3A_1394 = vector.shape_cast %swap3A_1393 : vector<1x1x16xf32> to vector<16xf32>
      %swap3A_1395 = vector.shape_cast %add3A_1388 : vector<16xf32> to vector<1x1x16xf32>
      tpu.vector_store %arg12[%swap3A_1390, %swap3A_1391, %swap3A_1392], %swap3A_1395 {strides = array<i32>} : memref<2x128x64xf32, #tpu.memory_space<vmem>>, vector<1x1x16xf32>,
      %get3A_1396 = arith.constant 1 : i32
      %get3A_1397 = arith.index_cast %get3A_1396 : i32 to index
      %get3A_1398 = arith.index_cast %scan3A_1349 : i32 to index
      %get3A_1399 = arith.constant 16 : index
      %get3A_1400 = tpu.vector_load %arg10[%get3A_1397, %get3A_1398, %get3A_1399] {strides = array<i32>} : memref<2x128x32xf32, #tpu.memory_space<vmem>>, vector<1x1x16xf32>,
      %get3A_1401 = vector.shape_cast %get3A_1400 : vector<1x1x16xf32> to vector<16xf32>
      %bitcast_convert_type3A_1402 = tpu.bitcast %get3A_1401 : vector<16xf32> -> vector<16xi32>
      %get3A_1403 = arith.constant 1 : i32
      %get3A_1404 = arith.index_cast %get3A_1403 : i32 to index
      %get3A_1405 = arith.index_cast %scan3A_1349 : i32 to index
      %get3A_1406 = arith.constant 16 : index
      %get3A_1407 = tpu.vector_load %arg11[%get3A_1404, %get3A_1405, %get3A_1406] {strides = array<i32>} : memref<2x128x32xf32, #tpu.memory_space<vmem>>, vector<1x1x16xf32>,
      %get3A_1408 = vector.shape_cast %get3A_1407 : vector<1x1x16xf32> to vector<16xf32>
      %bitcast_convert_type3A_1409 = tpu.bitcast %get3A_1408 : vector<16xf32> -> vector<16xi32>
      %shift_left3A_1410 = arith.constant 16 : i32
      %shift_left3A_1411 = vector.broadcast %shift_left3A_1410 : i32 to vector<16xi32>
      %shift_left3A_1412 = arith.shli %bitcast_convert_type3A_1402, %shift_left3A_1411 : vector<16xi32>
      %bitcast_convert_type3A_1413 = tpu.bitcast %shift_left3A_1412 : vector<16xi32> -> vector<16xf32>
      %and3A_1414 = arith.constant -65536 : i32
      %and3A_1415 = vector.broadcast %and3A_1414 : i32 to vector<16xi32>
      %and3A_1416 = arith.andi %bitcast_convert_type3A_1402, %and3A_1415 : vector<16xi32>
      %bitcast_convert_type3A_1417 = tpu.bitcast %and3A_1416 : vector<16xi32> -> vector<16xf32>
      %shift_left3A_1418 = arith.constant 16 : i32
      %shift_left3A_1419 = vector.broadcast %shift_left3A_1418 : i32 to vector<16xi32>
      %shift_left3A_1420 = arith.shli %bitcast_convert_type3A_1409, %shift_left3A_1419 : vector<16xi32>
      %bitcast_convert_type3A_1421 = tpu.bitcast %shift_left3A_1420 : vector<16xi32> -> vector<16xf32>
      %and3A_1422 = arith.constant -65536 : i32
      %and3A_1423 = vector.broadcast %and3A_1422 : i32 to vector<16xi32>
      %and3A_1424 = arith.andi %bitcast_convert_type3A_1409, %and3A_1423 : vector<16xi32>
      %bitcast_convert_type3A_1425 = tpu.bitcast %and3A_1424 : vector<16xi32> -> vector<16xf32>
      %mul3A_1426 = arith.mulf %bitcast_convert_type3A_1413, %get3A_4 : vector<16xf32>
      %mul3A_1427 = arith.mulf %bitcast_convert_type3A_1421, %get3A_7 : vector<16xf32>
      %add3A_1428 = arith.addf %mul3A_1426, %mul3A_1427 : vector<16xf32>
      %swap3A_1429 = arith.constant 1 : i32
      %swap3A_1430 = arith.index_cast %swap3A_1429 : i32 to index
      %swap3A_1431 = arith.index_cast %scan3A_1349 : i32 to index
      %swap3A_1432 = arith.constant 16 : index
      %swap3A_1433 = tpu.vector_load %arg12[%swap3A_1430, %swap3A_1431, %swap3A_1432] {strides = array<i32>} : memref<2x128x64xf32, #tpu.memory_space<vmem>>, vector<1x1x16xf32>,
      %swap3A_1434 = vector.shape_cast %swap3A_1433 : vector<1x1x16xf32> to vector<16xf32>
      %swap3A_1435 = vector.shape_cast %add3A_1428 : vector<16xf32> to vector<1x1x16xf32>
      tpu.vector_store %arg12[%swap3A_1430, %swap3A_1431, %swap3A_1432], %swap3A_1435 {strides = array<i32>} : memref<2x128x64xf32, #tpu.memory_space<vmem>>, vector<1x1x16xf32>,
      %mul3A_1436 = arith.mulf %bitcast_convert_type3A_1417, %get3A_4 : vector<16xf32>
      %mul3A_1437 = arith.mulf %bitcast_convert_type3A_1425, %get3A_7 : vector<16xf32>
      %add3A_1438 = arith.addf %mul3A_1436, %mul3A_1437 : vector<16xf32>
      %swap3A_1439 = arith.constant 1 : i32
      %swap3A_1440 = arith.index_cast %swap3A_1439 : i32 to index
      %swap3A_1441 = arith.index_cast %scan3A_1349 : i32 to index
      %swap3A_1442 = arith.constant 48 : index
      %swap3A_1443 = tpu.vector_load %arg12[%swap3A_1440, %swap3A_1441, %swap3A_1442] {strides = array<i32>} : memref<2x128x64xf32, #tpu.memory_space<vmem>>, vector<1x1x16xf32>,
      %swap3A_1444 = vector.shape_cast %swap3A_1443 : vector<1x1x16xf32> to vector<16xf32>
      %swap3A_1445 = vector.shape_cast %add3A_1438 : vector<16xf32> to vector<1x1x16xf32>
      tpu.vector_store %arg12[%swap3A_1440, %swap3A_1441, %swap3A_1442], %swap3A_1445 {strides = array<i32>} : memref<2x128x64xf32, #tpu.memory_space<vmem>>, vector<1x1x16xf32>,
    }
    %scan3A_489 = arith.constant 128 : i32
    %mul3A_490 = arith.constant 2048 : i32
    %mul3A_491 = arith.muli %add3A, %mul3A_490 : i32
    %add3A_492 = arith.constant 640 : i32
    %add3A_493 = arith.addi %mul3A_491, %add3A_492 : i32
    %dma_start3A_494 = arith.constant 1 : i32
    %dma_start3A_495 = arith.constant 0 : i32
    %dma_start3A_496 = arith.constant 0 : i32
    %dma_start3A_497 = tpu.memref_slice %arg12[%dma_start3A_494, %dma_start3A_495, %dma_start3A_496] : memref<2x128x64xf32, #tpu.memory_space<vmem>> -> memref<1x128x64xf32, #tpu.memory_space<vmem>>
    %dma_start3A_498 = tpu.memref_squeeze %dma_start3A_497 : memref<1x128x64xf32, #tpu.memory_space<vmem>> -> memref<128x64xf32, #tpu.memory_space<vmem>>
    %dma_start3A_499 = arith.constant 0 : i32
    %dma_start3A_500 = tpu.memref_slice %arg7[%add3A_493, %dma_start3A_499] : memref<65536x64xf32, #tpu.memory_space<hbm>> -> memref<128x64xf32, #tpu.memory_space<hbm>>
    %dma_start3A_501 = arith.constant 0 : i32
    %dma_start3A_502 = tpu.memref_slice %arg7[%add3A_493, %dma_start3A_501] : memref<65536x64xf32, #tpu.memory_space<hbm>> -> memref<128x64xf32, #tpu.memory_space<hbm>>
    %dma_start3A_503 = arith.constant 0 : i32
    %dma_start3A_504 = arith.constant 0 : i32
    %dma_start3A_505 = tpu.memref_slice %arg12[%dma_start3A_494, %dma_start3A_503, %dma_start3A_504] : memref<2x128x64xf32, #tpu.memory_space<vmem>> -> memref<1x128x64xf32, #tpu.memory_space<vmem>>
    %dma_start3A_506 = tpu.memref_squeeze %dma_start3A_505 : memref<1x128x64xf32, #tpu.memory_space<vmem>> -> memref<128x64xf32, #tpu.memory_space<vmem>>
    tpu.enqueue_dma source(%dma_start3A_506 : memref<128x64xf32, #tpu.memory_space<vmem>>) target(%dma_start3A_502 : memref<128x64xf32, #tpu.memory_space<hbm>>) target_semaphore(%arg18 : memref<!tpu.dma_semaphore, #tpu.memory_space<semaphore_mem>>)
    %dma_start3A_507 = arith.constant 7 : i32
    %dma_start3A_508 = arith.constant 1 : i32
    %dma_start3A_509 = arith.constant 0 : i32
    %dma_start3A_510 = arith.constant 0 : i32
    %dma_start3A_511 = tpu.memref_slice %arg10[%dma_start3A_508, %dma_start3A_509, %dma_start3A_510] : memref<2x128x32xf32, #tpu.memory_space<vmem>> -> memref<1x128x32xf32, #tpu.memory_space<vmem>>
    %dma_start3A_512 = tpu.memref_squeeze %dma_start3A_511 : memref<1x128x32xf32, #tpu.memory_space<vmem>> -> memref<128x32xf32, #tpu.memory_space<vmem>>
    %dma_start3A_513 = arith.constant 0 : i32
    %dma_start3A_514 = tpu.memref_slice %arg8[%dma_start3A_507, %dma_start3A_513] : memref<16x128xi32, #tpu.memory_space<vmem>> -> memref<1x128xi32, #tpu.memory_space<vmem>>
    %dma_start3A_515 = tpu.memref_squeeze %dma_start3A_514 : memref<1x128xi32, #tpu.memory_space<vmem>> -> memref<128xi32, #tpu.memory_space<vmem>>
    %dma_start3A_516 = arith.constant 0 : i32
    %dma_start3A_517 = arith.constant 0 : i32
    %dma_start3A_518 = tpu.memref_slice %arg2[%dma_start3A_516, %dma_start3A_517] : memref<65536x32xf32, #tpu.memory_space<hbm>> -> memref<65536x32xf32, #tpu.memory_space<hbm>>
    tpu.enqueue_indirect_dma source(%dma_start3A_518 : memref<65536x32xf32, #tpu.memory_space<hbm>>) target(%dma_start3A_512 : memref<128x32xf32, #tpu.memory_space<vmem>>) offsets(%dma_start3A_515 : memref<128xi32, #tpu.memory_space<vmem>>) semaphore(%arg16 : memref<!tpu.dma_semaphore, #tpu.memory_space<semaphore_mem>>)
    %dma_start3A_519 = arith.constant 7 : i32
    %dma_start3A_520 = arith.constant 1 : i32
    %dma_start3A_521 = arith.constant 0 : i32
    %dma_start3A_522 = arith.constant 0 : i32
    %dma_start3A_523 = tpu.memref_slice %arg11[%dma_start3A_520, %dma_start3A_521, %dma_start3A_522] : memref<2x128x32xf32, #tpu.memory_space<vmem>> -> memref<1x128x32xf32, #tpu.memory_space<vmem>>
    %dma_start3A_524 = tpu.memref_squeeze %dma_start3A_523 : memref<1x128x32xf32, #tpu.memory_space<vmem>> -> memref<128x32xf32, #tpu.memory_space<vmem>>
    %dma_start3A_525 = arith.constant 0 : i32
    %dma_start3A_526 = tpu.memref_slice %arg9[%dma_start3A_519, %dma_start3A_525] : memref<16x128xi32, #tpu.memory_space<vmem>> -> memref<1x128xi32, #tpu.memory_space<vmem>>
    %dma_start3A_527 = tpu.memref_squeeze %dma_start3A_526 : memref<1x128xi32, #tpu.memory_space<vmem>> -> memref<128xi32, #tpu.memory_space<vmem>>
    %dma_start3A_528 = arith.constant 0 : i32
    %dma_start3A_529 = arith.constant 0 : i32
    %dma_start3A_530 = tpu.memref_slice %arg2[%dma_start3A_528, %dma_start3A_529] : memref<65536x32xf32, #tpu.memory_space<hbm>> -> memref<65536x32xf32, #tpu.memory_space<hbm>>
    tpu.enqueue_indirect_dma source(%dma_start3A_530 : memref<65536x32xf32, #tpu.memory_space<hbm>>) target(%dma_start3A_524 : memref<128x32xf32, #tpu.memory_space<vmem>>) offsets(%dma_start3A_527 : memref<128xi32, #tpu.memory_space<vmem>>) semaphore(%arg16 : memref<!tpu.dma_semaphore, #tpu.memory_space<semaphore_mem>>)
    %dma_wait3A_531 = arith.constant 6 : i32
    %dma_wait3A_532 = arith.constant 0 : i32
    %dma_wait3A_533 = arith.constant 0 : i32
    %dma_wait3A_534 = arith.constant 0 : i32
    %dma_wait3A_535 = tpu.memref_slice %arg10[%dma_wait3A_532, %dma_wait3A_533, %dma_wait3A_534] : memref<2x128x32xf32, #tpu.memory_space<vmem>> -> memref<1x128x32xf32, #tpu.memory_space<vmem>>
    %dma_wait3A_536 = tpu.memref_squeeze %dma_wait3A_535 : memref<1x128x32xf32, #tpu.memory_space<vmem>> -> memref<128x32xf32, #tpu.memory_space<vmem>>
    %dma_wait3A_537 = arith.constant 0 : i32
    %dma_wait3A_538 = tpu.memref_slice %arg8[%dma_wait3A_531, %dma_wait3A_537] : memref<16x128xi32, #tpu.memory_space<vmem>> -> memref<1x128xi32, #tpu.memory_space<vmem>>
    %dma_wait3A_539 = tpu.memref_squeeze %dma_wait3A_538 : memref<1x128xi32, #tpu.memory_space<vmem>> -> memref<128xi32, #tpu.memory_space<vmem>>
    %dma_wait3A_540 = arith.constant 0 : i32
    %dma_wait3A_541 = arith.constant 0 : i32
    %dma_wait3A_542 = tpu.memref_slice %arg2[%dma_wait3A_540, %dma_wait3A_541] : memref<65536x32xf32, #tpu.memory_space<hbm>> -> memref<65536x32xf32, #tpu.memory_space<hbm>>
    tpu.wait_indirect_dma semaphore(%arg15 : memref<!tpu.dma_semaphore, #tpu.memory_space<semaphore_mem>>) src(%dma_wait3A_542 : memref<65536x32xf32, #tpu.memory_space<hbm>>) dst(%dma_wait3A_536 : memref<128x32xf32, #tpu.memory_space<vmem>>)
    %dma_wait3A_543 = arith.constant 6 : i32
    %dma_wait3A_544 = arith.constant 0 : i32
    %dma_wait3A_545 = arith.constant 0 : i32
    %dma_wait3A_546 = arith.constant 0 : i32
    %dma_wait3A_547 = tpu.memref_slice %arg11[%dma_wait3A_544, %dma_wait3A_545, %dma_wait3A_546] : memref<2x128x32xf32, #tpu.memory_space<vmem>> -> memref<1x128x32xf32, #tpu.memory_space<vmem>>
    %dma_wait3A_548 = tpu.memref_squeeze %dma_wait3A_547 : memref<1x128x32xf32, #tpu.memory_space<vmem>> -> memref<128x32xf32, #tpu.memory_space<vmem>>
    %dma_wait3A_549 = arith.constant 0 : i32
    %dma_wait3A_550 = tpu.memref_slice %arg9[%dma_wait3A_543, %dma_wait3A_549] : memref<16x128xi32, #tpu.memory_space<vmem>> -> memref<1x128xi32, #tpu.memory_space<vmem>>
    %dma_wait3A_551 = tpu.memref_squeeze %dma_wait3A_550 : memref<1x128xi32, #tpu.memory_space<vmem>> -> memref<128xi32, #tpu.memory_space<vmem>>
    %dma_wait3A_552 = arith.constant 0 : i32
    %dma_wait3A_553 = arith.constant 0 : i32
    %dma_wait3A_554 = tpu.memref_slice %arg2[%dma_wait3A_552, %dma_wait3A_553] : memref<65536x32xf32, #tpu.memory_space<hbm>> -> memref<65536x32xf32, #tpu.memory_space<hbm>>
    tpu.wait_indirect_dma semaphore(%arg15 : memref<!tpu.dma_semaphore, #tpu.memory_space<semaphore_mem>>) src(%dma_wait3A_554 : memref<65536x32xf32, #tpu.memory_space<hbm>>) dst(%dma_wait3A_548 : memref<128x32xf32, #tpu.memory_space<vmem>>)
    %dma_wait3A_555 = arith.constant 0 : i32
    %dma_wait3A_556 = arith.constant 0 : i32
    %dma_wait3A_557 = arith.constant 0 : i32
    %dma_wait3A_558 = tpu.memref_slice %arg12[%dma_wait3A_555, %dma_wait3A_556, %dma_wait3A_557] : memref<2x128x64xf32, #tpu.memory_space<vmem>> -> memref<1x128x64xf32, #tpu.memory_space<vmem>>
    %dma_wait3A_559 = tpu.memref_squeeze %dma_wait3A_558 : memref<1x128x64xf32, #tpu.memory_space<vmem>> -> memref<128x64xf32, #tpu.memory_space<vmem>>
    %dma_wait3A_560 = arith.constant 0 : i32
    %dma_wait3A_561 = tpu.memref_slice %arg7[%add3A_409, %dma_wait3A_560] : memref<65536x64xf32, #tpu.memory_space<hbm>> -> memref<128x64xf32, #tpu.memory_space<hbm>>
    %dma_wait3A_562 = arith.constant 0 : i32
    %dma_wait3A_563 = tpu.memref_slice %arg7[%add3A_409, %dma_wait3A_562] : memref<65536x64xf32, #tpu.memory_space<hbm>> -> memref<128x64xf32, #tpu.memory_space<hbm>>
    %dma_wait3A_564 = arith.constant 0 : i32
    %dma_wait3A_565 = arith.constant 0 : i32
    %dma_wait3A_566 = tpu.memref_slice %arg12[%dma_wait3A_555, %dma_wait3A_564, %dma_wait3A_565] : memref<2x128x64xf32, #tpu.memory_space<vmem>> -> memref<1x128x64xf32, #tpu.memory_space<vmem>>
    %dma_wait3A_567 = tpu.memref_squeeze %dma_wait3A_566 : memref<1x128x64xf32, #tpu.memory_space<vmem>> -> memref<128x64xf32, #tpu.memory_space<vmem>>
    tpu.wait_dma2 semaphore(%arg17 : memref<!tpu.dma_semaphore, #tpu.memory_space<semaphore_mem>>) src(%dma_wait3A_567 : memref<128x64xf32, #tpu.memory_space<vmem>>) dst(%dma_wait3A_563 : memref<128x64xf32, #tpu.memory_space<hbm>>)
    %scan3A_568 = arith.constant 0 : i32
    %scan3A_569 = arith.constant 0 : i32
    %scan3A_570 = arith.constant 128 : i32
    %scan3A_571 = arith.addi %scan3A_569, %scan3A_570 : i32
    %scan3A_572 = arith.constant 1 : i32
    scf.for %scan3A_1349 = %scan3A_569 to %scan3A_571 step %scan3A_572  : i32 {
      %get3A_1350 = arith.constant 0 : i32
      %get3A_1351 = arith.index_cast %get3A_1350 : i32 to index
      %get3A_1352 = arith.index_cast %scan3A_1349 : i32 to index
      %get3A_1353 = arith.constant 0 : index
      %get3A_1354 = tpu.vector_load %arg10[%get3A_1351, %get3A_1352, %get3A_1353] {strides = array<i32>} : memref<2x128x32xf32, #tpu.memory_space<vmem>>, vector<1x1x16xf32>,
      %get3A_1355 = vector.shape_cast %get3A_1354 : vector<1x1x16xf32> to vector<16xf32>
      %bitcast_convert_type3A = tpu.bitcast %get3A_1355 : vector<16xf32> -> vector<16xi32>
      %get3A_1356 = arith.constant 0 : i32
      %get3A_1357 = arith.index_cast %get3A_1356 : i32 to index
      %get3A_1358 = arith.index_cast %scan3A_1349 : i32 to index
      %get3A_1359 = arith.constant 0 : index
      %get3A_1360 = tpu.vector_load %arg11[%get3A_1357, %get3A_1358, %get3A_1359] {strides = array<i32>} : memref<2x128x32xf32, #tpu.memory_space<vmem>>, vector<1x1x16xf32>,
      %get3A_1361 = vector.shape_cast %get3A_1360 : vector<1x1x16xf32> to vector<16xf32>
      %bitcast_convert_type3A_1362 = tpu.bitcast %get3A_1361 : vector<16xf32> -> vector<16xi32>
      %shift_left3A = arith.constant 16 : i32
      %shift_left3A_1363 = vector.broadcast %shift_left3A : i32 to vector<16xi32>
      %shift_left3A_1364 = arith.shli %bitcast_convert_type3A, %shift_left3A_1363 : vector<16xi32>
      %bitcast_convert_type3A_1365 = tpu.bitcast %shift_left3A_1364 : vector<16xi32> -> vector<16xf32>
      %and3A = arith.constant -65536 : i32
      %and3A_1366 = vector.broadcast %and3A : i32 to vector<16xi32>
      %and3A_1367 = arith.andi %bitcast_convert_type3A, %and3A_1366 : vector<16xi32>
      %bitcast_convert_type3A_1368 = tpu.bitcast %and3A_1367 : vector<16xi32> -> vector<16xf32>
      %shift_left3A_1369 = arith.constant 16 : i32
      %shift_left3A_1370 = vector.broadcast %shift_left3A_1369 : i32 to vector<16xi32>
      %shift_left3A_1371 = arith.shli %bitcast_convert_type3A_1362, %shift_left3A_1370 : vector<16xi32>
      %bitcast_convert_type3A_1372 = tpu.bitcast %shift_left3A_1371 : vector<16xi32> -> vector<16xf32>
      %and3A_1373 = arith.constant -65536 : i32
      %and3A_1374 = vector.broadcast %and3A_1373 : i32 to vector<16xi32>
      %and3A_1375 = arith.andi %bitcast_convert_type3A_1362, %and3A_1374 : vector<16xi32>
      %bitcast_convert_type3A_1376 = tpu.bitcast %and3A_1375 : vector<16xi32> -> vector<16xf32>
      %mul3A_1377 = arith.mulf %bitcast_convert_type3A_1365, %get3A_4 : vector<16xf32>
      %mul3A_1378 = arith.mulf %bitcast_convert_type3A_1372, %get3A_7 : vector<16xf32>
      %add3A_1379 = arith.addf %mul3A_1377, %mul3A_1378 : vector<16xf32>
      %swap3A = arith.constant 0 : i32
      %swap3A_1380 = arith.index_cast %swap3A : i32 to index
      %swap3A_1381 = arith.index_cast %scan3A_1349 : i32 to index
      %swap3A_1382 = arith.constant 0 : index
      %swap3A_1383 = tpu.vector_load %arg12[%swap3A_1380, %swap3A_1381, %swap3A_1382] {strides = array<i32>} : memref<2x128x64xf32, #tpu.memory_space<vmem>>, vector<1x1x16xf32>,
      %swap3A_1384 = vector.shape_cast %swap3A_1383 : vector<1x1x16xf32> to vector<16xf32>
      %swap3A_1385 = vector.shape_cast %add3A_1379 : vector<16xf32> to vector<1x1x16xf32>
      tpu.vector_store %arg12[%swap3A_1380, %swap3A_1381, %swap3A_1382], %swap3A_1385 {strides = array<i32>} : memref<2x128x64xf32, #tpu.memory_space<vmem>>, vector<1x1x16xf32>,
      %mul3A_1386 = arith.mulf %bitcast_convert_type3A_1368, %get3A_4 : vector<16xf32>
      %mul3A_1387 = arith.mulf %bitcast_convert_type3A_1376, %get3A_7 : vector<16xf32>
      %add3A_1388 = arith.addf %mul3A_1386, %mul3A_1387 : vector<16xf32>
      %swap3A_1389 = arith.constant 0 : i32
      %swap3A_1390 = arith.index_cast %swap3A_1389 : i32 to index
      %swap3A_1391 = arith.index_cast %scan3A_1349 : i32 to index
      %swap3A_1392 = arith.constant 32 : index
      %swap3A_1393 = tpu.vector_load %arg12[%swap3A_1390, %swap3A_1391, %swap3A_1392] {strides = array<i32>} : memref<2x128x64xf32, #tpu.memory_space<vmem>>, vector<1x1x16xf32>,
      %swap3A_1394 = vector.shape_cast %swap3A_1393 : vector<1x1x16xf32> to vector<16xf32>
      %swap3A_1395 = vector.shape_cast %add3A_1388 : vector<16xf32> to vector<1x1x16xf32>
      tpu.vector_store %arg12[%swap3A_1390, %swap3A_1391, %swap3A_1392], %swap3A_1395 {strides = array<i32>} : memref<2x128x64xf32, #tpu.memory_space<vmem>>, vector<1x1x16xf32>,
      %get3A_1396 = arith.constant 0 : i32
      %get3A_1397 = arith.index_cast %get3A_1396 : i32 to index
      %get3A_1398 = arith.index_cast %scan3A_1349 : i32 to index
      %get3A_1399 = arith.constant 16 : index
      %get3A_1400 = tpu.vector_load %arg10[%get3A_1397, %get3A_1398, %get3A_1399] {strides = array<i32>} : memref<2x128x32xf32, #tpu.memory_space<vmem>>, vector<1x1x16xf32>,
      %get3A_1401 = vector.shape_cast %get3A_1400 : vector<1x1x16xf32> to vector<16xf32>
      %bitcast_convert_type3A_1402 = tpu.bitcast %get3A_1401 : vector<16xf32> -> vector<16xi32>
      %get3A_1403 = arith.constant 0 : i32
      %get3A_1404 = arith.index_cast %get3A_1403 : i32 to index
      %get3A_1405 = arith.index_cast %scan3A_1349 : i32 to index
      %get3A_1406 = arith.constant 16 : index
      %get3A_1407 = tpu.vector_load %arg11[%get3A_1404, %get3A_1405, %get3A_1406] {strides = array<i32>} : memref<2x128x32xf32, #tpu.memory_space<vmem>>, vector<1x1x16xf32>,
      %get3A_1408 = vector.shape_cast %get3A_1407 : vector<1x1x16xf32> to vector<16xf32>
      %bitcast_convert_type3A_1409 = tpu.bitcast %get3A_1408 : vector<16xf32> -> vector<16xi32>
      %shift_left3A_1410 = arith.constant 16 : i32
      %shift_left3A_1411 = vector.broadcast %shift_left3A_1410 : i32 to vector<16xi32>
      %shift_left3A_1412 = arith.shli %bitcast_convert_type3A_1402, %shift_left3A_1411 : vector<16xi32>
      %bitcast_convert_type3A_1413 = tpu.bitcast %shift_left3A_1412 : vector<16xi32> -> vector<16xf32>
      %and3A_1414 = arith.constant -65536 : i32
      %and3A_1415 = vector.broadcast %and3A_1414 : i32 to vector<16xi32>
      %and3A_1416 = arith.andi %bitcast_convert_type3A_1402, %and3A_1415 : vector<16xi32>
      %bitcast_convert_type3A_1417 = tpu.bitcast %and3A_1416 : vector<16xi32> -> vector<16xf32>
      %shift_left3A_1418 = arith.constant 16 : i32
      %shift_left3A_1419 = vector.broadcast %shift_left3A_1418 : i32 to vector<16xi32>
      %shift_left3A_1420 = arith.shli %bitcast_convert_type3A_1409, %shift_left3A_1419 : vector<16xi32>
      %bitcast_convert_type3A_1421 = tpu.bitcast %shift_left3A_1420 : vector<16xi32> -> vector<16xf32>
      %and3A_1422 = arith.constant -65536 : i32
      %and3A_1423 = vector.broadcast %and3A_1422 : i32 to vector<16xi32>
      %and3A_1424 = arith.andi %bitcast_convert_type3A_1409, %and3A_1423 : vector<16xi32>
      %bitcast_convert_type3A_1425 = tpu.bitcast %and3A_1424 : vector<16xi32> -> vector<16xf32>
      %mul3A_1426 = arith.mulf %bitcast_convert_type3A_1413, %get3A_4 : vector<16xf32>
      %mul3A_1427 = arith.mulf %bitcast_convert_type3A_1421, %get3A_7 : vector<16xf32>
      %add3A_1428 = arith.addf %mul3A_1426, %mul3A_1427 : vector<16xf32>
      %swap3A_1429 = arith.constant 0 : i32
      %swap3A_1430 = arith.index_cast %swap3A_1429 : i32 to index
      %swap3A_1431 = arith.index_cast %scan3A_1349 : i32 to index
      %swap3A_1432 = arith.constant 16 : index
      %swap3A_1433 = tpu.vector_load %arg12[%swap3A_1430, %swap3A_1431, %swap3A_1432] {strides = array<i32>} : memref<2x128x64xf32, #tpu.memory_space<vmem>>, vector<1x1x16xf32>,
      %swap3A_1434 = vector.shape_cast %swap3A_1433 : vector<1x1x16xf32> to vector<16xf32>
      %swap3A_1435 = vector.shape_cast %add3A_1428 : vector<16xf32> to vector<1x1x16xf32>
      tpu.vector_store %arg12[%swap3A_1430, %swap3A_1431, %swap3A_1432], %swap3A_1435 {strides = array<i32>} : memref<2x128x64xf32, #tpu.memory_space<vmem>>, vector<1x1x16xf32>,
      %mul3A_1436 = arith.mulf %bitcast_convert_type3A_1417, %get3A_4 : vector<16xf32>
      %mul3A_1437 = arith.mulf %bitcast_convert_type3A_1425, %get3A_7 : vector<16xf32>
      %add3A_1438 = arith.addf %mul3A_1436, %mul3A_1437 : vector<16xf32>
      %swap3A_1439 = arith.constant 0 : i32
      %swap3A_1440 = arith.index_cast %swap3A_1439 : i32 to index
      %swap3A_1441 = arith.index_cast %scan3A_1349 : i32 to index
      %swap3A_1442 = arith.constant 48 : index
      %swap3A_1443 = tpu.vector_load %arg12[%swap3A_1440, %swap3A_1441, %swap3A_1442] {strides = array<i32>} : memref<2x128x64xf32, #tpu.memory_space<vmem>>, vector<1x1x16xf32>,
      %swap3A_1444 = vector.shape_cast %swap3A_1443 : vector<1x1x16xf32> to vector<16xf32>
      %swap3A_1445 = vector.shape_cast %add3A_1438 : vector<16xf32> to vector<1x1x16xf32>
      tpu.vector_store %arg12[%swap3A_1440, %swap3A_1441, %swap3A_1442], %swap3A_1445 {strides = array<i32>} : memref<2x128x64xf32, #tpu.memory_space<vmem>>, vector<1x1x16xf32>,
    }
    %scan3A_573 = arith.constant 128 : i32
    %mul3A_574 = arith.constant 2048 : i32
    %mul3A_575 = arith.muli %add3A, %mul3A_574 : i32
    %add3A_576 = arith.constant 768 : i32
    %add3A_577 = arith.addi %mul3A_575, %add3A_576 : i32
    %dma_start3A_578 = arith.constant 0 : i32
    %dma_start3A_579 = arith.constant 0 : i32
    %dma_start3A_580 = arith.constant 0 : i32
    %dma_start3A_581 = tpu.memref_slice %arg12[%dma_start3A_578, %dma_start3A_579, %dma_start3A_580] : memref<2x128x64xf32, #tpu.memory_space<vmem>> -> memref<1x128x64xf32, #tpu.memory_space<vmem>>
    %dma_start3A_582 = tpu.memref_squeeze %dma_start3A_581 : memref<1x128x64xf32, #tpu.memory_space<vmem>> -> memref<128x64xf32, #tpu.memory_space<vmem>>
    %dma_start3A_583 = arith.constant 0 : i32
    %dma_start3A_584 = tpu.memref_slice %arg7[%add3A_577, %dma_start3A_583] : memref<65536x64xf32, #tpu.memory_space<hbm>> -> memref<128x64xf32, #tpu.memory_space<hbm>>
    %dma_start3A_585 = arith.constant 0 : i32
    %dma_start3A_586 = tpu.memref_slice %arg7[%add3A_577, %dma_start3A_585] : memref<65536x64xf32, #tpu.memory_space<hbm>> -> memref<128x64xf32, #tpu.memory_space<hbm>>
    %dma_start3A_587 = arith.constant 0 : i32
    %dma_start3A_588 = arith.constant 0 : i32
    %dma_start3A_589 = tpu.memref_slice %arg12[%dma_start3A_578, %dma_start3A_587, %dma_start3A_588] : memref<2x128x64xf32, #tpu.memory_space<vmem>> -> memref<1x128x64xf32, #tpu.memory_space<vmem>>
    %dma_start3A_590 = tpu.memref_squeeze %dma_start3A_589 : memref<1x128x64xf32, #tpu.memory_space<vmem>> -> memref<128x64xf32, #tpu.memory_space<vmem>>
    tpu.enqueue_dma source(%dma_start3A_590 : memref<128x64xf32, #tpu.memory_space<vmem>>) target(%dma_start3A_586 : memref<128x64xf32, #tpu.memory_space<hbm>>) target_semaphore(%arg17 : memref<!tpu.dma_semaphore, #tpu.memory_space<semaphore_mem>>)
    %dma_start3A_591 = arith.constant 8 : i32
    %dma_start3A_592 = arith.constant 0 : i32
    %dma_start3A_593 = arith.constant 0 : i32
    %dma_start3A_594 = arith.constant 0 : i32
    %dma_start3A_595 = tpu.memref_slice %arg10[%dma_start3A_592, %dma_start3A_593, %dma_start3A_594] : memref<2x128x32xf32, #tpu.memory_space<vmem>> -> memref<1x128x32xf32, #tpu.memory_space<vmem>>
    %dma_start3A_596 = tpu.memref_squeeze %dma_start3A_595 : memref<1x128x32xf32, #tpu.memory_space<vmem>> -> memref<128x32xf32, #tpu.memory_space<vmem>>
    %dma_start3A_597 = arith.constant 0 : i32
    %dma_start3A_598 = tpu.memref_slice %arg8[%dma_start3A_591, %dma_start3A_597] : memref<16x128xi32, #tpu.memory_space<vmem>> -> memref<1x128xi32, #tpu.memory_space<vmem>>
    %dma_start3A_599 = tpu.memref_squeeze %dma_start3A_598 : memref<1x128xi32, #tpu.memory_space<vmem>> -> memref<128xi32, #tpu.memory_space<vmem>>
    %dma_start3A_600 = arith.constant 0 : i32
    %dma_start3A_601 = arith.constant 0 : i32
    %dma_start3A_602 = tpu.memref_slice %arg2[%dma_start3A_600, %dma_start3A_601] : memref<65536x32xf32, #tpu.memory_space<hbm>> -> memref<65536x32xf32, #tpu.memory_space<hbm>>
    tpu.enqueue_indirect_dma source(%dma_start3A_602 : memref<65536x32xf32, #tpu.memory_space<hbm>>) target(%dma_start3A_596 : memref<128x32xf32, #tpu.memory_space<vmem>>) offsets(%dma_start3A_599 : memref<128xi32, #tpu.memory_space<vmem>>) semaphore(%arg15 : memref<!tpu.dma_semaphore, #tpu.memory_space<semaphore_mem>>)
    %dma_start3A_603 = arith.constant 8 : i32
    %dma_start3A_604 = arith.constant 0 : i32
    %dma_start3A_605 = arith.constant 0 : i32
    %dma_start3A_606 = arith.constant 0 : i32
    %dma_start3A_607 = tpu.memref_slice %arg11[%dma_start3A_604, %dma_start3A_605, %dma_start3A_606] : memref<2x128x32xf32, #tpu.memory_space<vmem>> -> memref<1x128x32xf32, #tpu.memory_space<vmem>>
    %dma_start3A_608 = tpu.memref_squeeze %dma_start3A_607 : memref<1x128x32xf32, #tpu.memory_space<vmem>> -> memref<128x32xf32, #tpu.memory_space<vmem>>
    %dma_start3A_609 = arith.constant 0 : i32
    %dma_start3A_610 = tpu.memref_slice %arg9[%dma_start3A_603, %dma_start3A_609] : memref<16x128xi32, #tpu.memory_space<vmem>> -> memref<1x128xi32, #tpu.memory_space<vmem>>
    %dma_start3A_611 = tpu.memref_squeeze %dma_start3A_610 : memref<1x128xi32, #tpu.memory_space<vmem>> -> memref<128xi32, #tpu.memory_space<vmem>>
    %dma_start3A_612 = arith.constant 0 : i32
    %dma_start3A_613 = arith.constant 0 : i32
    %dma_start3A_614 = tpu.memref_slice %arg2[%dma_start3A_612, %dma_start3A_613] : memref<65536x32xf32, #tpu.memory_space<hbm>> -> memref<65536x32xf32, #tpu.memory_space<hbm>>
    tpu.enqueue_indirect_dma source(%dma_start3A_614 : memref<65536x32xf32, #tpu.memory_space<hbm>>) target(%dma_start3A_608 : memref<128x32xf32, #tpu.memory_space<vmem>>) offsets(%dma_start3A_611 : memref<128xi32, #tpu.memory_space<vmem>>) semaphore(%arg15 : memref<!tpu.dma_semaphore, #tpu.memory_space<semaphore_mem>>)
    %dma_wait3A_615 = arith.constant 7 : i32
    %dma_wait3A_616 = arith.constant 1 : i32
    %dma_wait3A_617 = arith.constant 0 : i32
    %dma_wait3A_618 = arith.constant 0 : i32
    %dma_wait3A_619 = tpu.memref_slice %arg10[%dma_wait3A_616, %dma_wait3A_617, %dma_wait3A_618] : memref<2x128x32xf32, #tpu.memory_space<vmem>> -> memref<1x128x32xf32, #tpu.memory_space<vmem>>
    %dma_wait3A_620 = tpu.memref_squeeze %dma_wait3A_619 : memref<1x128x32xf32, #tpu.memory_space<vmem>> -> memref<128x32xf32, #tpu.memory_space<vmem>>
    %dma_wait3A_621 = arith.constant 0 : i32
    %dma_wait3A_622 = tpu.memref_slice %arg8[%dma_wait3A_615, %dma_wait3A_621] : memref<16x128xi32, #tpu.memory_space<vmem>> -> memref<1x128xi32, #tpu.memory_space<vmem>>
    %dma_wait3A_623 = tpu.memref_squeeze %dma_wait3A_622 : memref<1x128xi32, #tpu.memory_space<vmem>> -> memref<128xi32, #tpu.memory_space<vmem>>
    %dma_wait3A_624 = arith.constant 0 : i32
    %dma_wait3A_625 = arith.constant 0 : i32
    %dma_wait3A_626 = tpu.memref_slice %arg2[%dma_wait3A_624, %dma_wait3A_625] : memref<65536x32xf32, #tpu.memory_space<hbm>> -> memref<65536x32xf32, #tpu.memory_space<hbm>>
    tpu.wait_indirect_dma semaphore(%arg16 : memref<!tpu.dma_semaphore, #tpu.memory_space<semaphore_mem>>) src(%dma_wait3A_626 : memref<65536x32xf32, #tpu.memory_space<hbm>>) dst(%dma_wait3A_620 : memref<128x32xf32, #tpu.memory_space<vmem>>)
    %dma_wait3A_627 = arith.constant 7 : i32
    %dma_wait3A_628 = arith.constant 1 : i32
    %dma_wait3A_629 = arith.constant 0 : i32
    %dma_wait3A_630 = arith.constant 0 : i32
    %dma_wait3A_631 = tpu.memref_slice %arg11[%dma_wait3A_628, %dma_wait3A_629, %dma_wait3A_630] : memref<2x128x32xf32, #tpu.memory_space<vmem>> -> memref<1x128x32xf32, #tpu.memory_space<vmem>>
    %dma_wait3A_632 = tpu.memref_squeeze %dma_wait3A_631 : memref<1x128x32xf32, #tpu.memory_space<vmem>> -> memref<128x32xf32, #tpu.memory_space<vmem>>
    %dma_wait3A_633 = arith.constant 0 : i32
    %dma_wait3A_634 = tpu.memref_slice %arg9[%dma_wait3A_627, %dma_wait3A_633] : memref<16x128xi32, #tpu.memory_space<vmem>> -> memref<1x128xi32, #tpu.memory_space<vmem>>
    %dma_wait3A_635 = tpu.memref_squeeze %dma_wait3A_634 : memref<1x128xi32, #tpu.memory_space<vmem>> -> memref<128xi32, #tpu.memory_space<vmem>>
    %dma_wait3A_636 = arith.constant 0 : i32
    %dma_wait3A_637 = arith.constant 0 : i32
    %dma_wait3A_638 = tpu.memref_slice %arg2[%dma_wait3A_636, %dma_wait3A_637] : memref<65536x32xf32, #tpu.memory_space<hbm>> -> memref<65536x32xf32, #tpu.memory_space<hbm>>
    tpu.wait_indirect_dma semaphore(%arg16 : memref<!tpu.dma_semaphore, #tpu.memory_space<semaphore_mem>>) src(%dma_wait3A_638 : memref<65536x32xf32, #tpu.memory_space<hbm>>) dst(%dma_wait3A_632 : memref<128x32xf32, #tpu.memory_space<vmem>>)
    %dma_wait3A_639 = arith.constant 1 : i32
    %dma_wait3A_640 = arith.constant 0 : i32
    %dma_wait3A_641 = arith.constant 0 : i32
    %dma_wait3A_642 = tpu.memref_slice %arg12[%dma_wait3A_639, %dma_wait3A_640, %dma_wait3A_641] : memref<2x128x64xf32, #tpu.memory_space<vmem>> -> memref<1x128x64xf32, #tpu.memory_space<vmem>>
    %dma_wait3A_643 = tpu.memref_squeeze %dma_wait3A_642 : memref<1x128x64xf32, #tpu.memory_space<vmem>> -> memref<128x64xf32, #tpu.memory_space<vmem>>
    %dma_wait3A_644 = arith.constant 0 : i32
    %dma_wait3A_645 = tpu.memref_slice %arg7[%add3A_493, %dma_wait3A_644] : memref<65536x64xf32, #tpu.memory_space<hbm>> -> memref<128x64xf32, #tpu.memory_space<hbm>>
    %dma_wait3A_646 = arith.constant 0 : i32
    %dma_wait3A_647 = tpu.memref_slice %arg7[%add3A_493, %dma_wait3A_646] : memref<65536x64xf32, #tpu.memory_space<hbm>> -> memref<128x64xf32, #tpu.memory_space<hbm>>
    %dma_wait3A_648 = arith.constant 0 : i32
    %dma_wait3A_649 = arith.constant 0 : i32
    %dma_wait3A_650 = tpu.memref_slice %arg12[%dma_wait3A_639, %dma_wait3A_648, %dma_wait3A_649] : memref<2x128x64xf32, #tpu.memory_space<vmem>> -> memref<1x128x64xf32, #tpu.memory_space<vmem>>
    %dma_wait3A_651 = tpu.memref_squeeze %dma_wait3A_650 : memref<1x128x64xf32, #tpu.memory_space<vmem>> -> memref<128x64xf32, #tpu.memory_space<vmem>>
    tpu.wait_dma2 semaphore(%arg18 : memref<!tpu.dma_semaphore, #tpu.memory_space<semaphore_mem>>) src(%dma_wait3A_651 : memref<128x64xf32, #tpu.memory_space<vmem>>) dst(%dma_wait3A_647 : memref<128x64xf32, #tpu.memory_space<hbm>>)
    %scan3A_652 = arith.constant 0 : i32
    %scan3A_653 = arith.constant 0 : i32
    %scan3A_654 = arith.constant 128 : i32
    %scan3A_655 = arith.addi %scan3A_653, %scan3A_654 : i32
    %scan3A_656 = arith.constant 1 : i32
    scf.for %scan3A_1349 = %scan3A_653 to %scan3A_655 step %scan3A_656  : i32 {
      %get3A_1350 = arith.constant 1 : i32
      %get3A_1351 = arith.index_cast %get3A_1350 : i32 to index
      %get3A_1352 = arith.index_cast %scan3A_1349 : i32 to index
      %get3A_1353 = arith.constant 0 : index
      %get3A_1354 = tpu.vector_load %arg10[%get3A_1351, %get3A_1352, %get3A_1353] {strides = array<i32>} : memref<2x128x32xf32, #tpu.memory_space<vmem>>, vector<1x1x16xf32>,
      %get3A_1355 = vector.shape_cast %get3A_1354 : vector<1x1x16xf32> to vector<16xf32>
      %bitcast_convert_type3A = tpu.bitcast %get3A_1355 : vector<16xf32> -> vector<16xi32>
      %get3A_1356 = arith.constant 1 : i32
      %get3A_1357 = arith.index_cast %get3A_1356 : i32 to index
      %get3A_1358 = arith.index_cast %scan3A_1349 : i32 to index
      %get3A_1359 = arith.constant 0 : index
      %get3A_1360 = tpu.vector_load %arg11[%get3A_1357, %get3A_1358, %get3A_1359] {strides = array<i32>} : memref<2x128x32xf32, #tpu.memory_space<vmem>>, vector<1x1x16xf32>,
      %get3A_1361 = vector.shape_cast %get3A_1360 : vector<1x1x16xf32> to vector<16xf32>
      %bitcast_convert_type3A_1362 = tpu.bitcast %get3A_1361 : vector<16xf32> -> vector<16xi32>
      %shift_left3A = arith.constant 16 : i32
      %shift_left3A_1363 = vector.broadcast %shift_left3A : i32 to vector<16xi32>
      %shift_left3A_1364 = arith.shli %bitcast_convert_type3A, %shift_left3A_1363 : vector<16xi32>
      %bitcast_convert_type3A_1365 = tpu.bitcast %shift_left3A_1364 : vector<16xi32> -> vector<16xf32>
      %and3A = arith.constant -65536 : i32
      %and3A_1366 = vector.broadcast %and3A : i32 to vector<16xi32>
      %and3A_1367 = arith.andi %bitcast_convert_type3A, %and3A_1366 : vector<16xi32>
      %bitcast_convert_type3A_1368 = tpu.bitcast %and3A_1367 : vector<16xi32> -> vector<16xf32>
      %shift_left3A_1369 = arith.constant 16 : i32
      %shift_left3A_1370 = vector.broadcast %shift_left3A_1369 : i32 to vector<16xi32>
      %shift_left3A_1371 = arith.shli %bitcast_convert_type3A_1362, %shift_left3A_1370 : vector<16xi32>
      %bitcast_convert_type3A_1372 = tpu.bitcast %shift_left3A_1371 : vector<16xi32> -> vector<16xf32>
      %and3A_1373 = arith.constant -65536 : i32
      %and3A_1374 = vector.broadcast %and3A_1373 : i32 to vector<16xi32>
      %and3A_1375 = arith.andi %bitcast_convert_type3A_1362, %and3A_1374 : vector<16xi32>
      %bitcast_convert_type3A_1376 = tpu.bitcast %and3A_1375 : vector<16xi32> -> vector<16xf32>
      %mul3A_1377 = arith.mulf %bitcast_convert_type3A_1365, %get3A_4 : vector<16xf32>
      %mul3A_1378 = arith.mulf %bitcast_convert_type3A_1372, %get3A_7 : vector<16xf32>
      %add3A_1379 = arith.addf %mul3A_1377, %mul3A_1378 : vector<16xf32>
      %swap3A = arith.constant 1 : i32
      %swap3A_1380 = arith.index_cast %swap3A : i32 to index
      %swap3A_1381 = arith.index_cast %scan3A_1349 : i32 to index
      %swap3A_1382 = arith.constant 0 : index
      %swap3A_1383 = tpu.vector_load %arg12[%swap3A_1380, %swap3A_1381, %swap3A_1382] {strides = array<i32>} : memref<2x128x64xf32, #tpu.memory_space<vmem>>, vector<1x1x16xf32>,
      %swap3A_1384 = vector.shape_cast %swap3A_1383 : vector<1x1x16xf32> to vector<16xf32>
      %swap3A_1385 = vector.shape_cast %add3A_1379 : vector<16xf32> to vector<1x1x16xf32>
      tpu.vector_store %arg12[%swap3A_1380, %swap3A_1381, %swap3A_1382], %swap3A_1385 {strides = array<i32>} : memref<2x128x64xf32, #tpu.memory_space<vmem>>, vector<1x1x16xf32>,
      %mul3A_1386 = arith.mulf %bitcast_convert_type3A_1368, %get3A_4 : vector<16xf32>
      %mul3A_1387 = arith.mulf %bitcast_convert_type3A_1376, %get3A_7 : vector<16xf32>
      %add3A_1388 = arith.addf %mul3A_1386, %mul3A_1387 : vector<16xf32>
      %swap3A_1389 = arith.constant 1 : i32
      %swap3A_1390 = arith.index_cast %swap3A_1389 : i32 to index
      %swap3A_1391 = arith.index_cast %scan3A_1349 : i32 to index
      %swap3A_1392 = arith.constant 32 : index
      %swap3A_1393 = tpu.vector_load %arg12[%swap3A_1390, %swap3A_1391, %swap3A_1392] {strides = array<i32>} : memref<2x128x64xf32, #tpu.memory_space<vmem>>, vector<1x1x16xf32>,
      %swap3A_1394 = vector.shape_cast %swap3A_1393 : vector<1x1x16xf32> to vector<16xf32>
      %swap3A_1395 = vector.shape_cast %add3A_1388 : vector<16xf32> to vector<1x1x16xf32>
      tpu.vector_store %arg12[%swap3A_1390, %swap3A_1391, %swap3A_1392], %swap3A_1395 {strides = array<i32>} : memref<2x128x64xf32, #tpu.memory_space<vmem>>, vector<1x1x16xf32>,
      %get3A_1396 = arith.constant 1 : i32
      %get3A_1397 = arith.index_cast %get3A_1396 : i32 to index
      %get3A_1398 = arith.index_cast %scan3A_1349 : i32 to index
      %get3A_1399 = arith.constant 16 : index
      %get3A_1400 = tpu.vector_load %arg10[%get3A_1397, %get3A_1398, %get3A_1399] {strides = array<i32>} : memref<2x128x32xf32, #tpu.memory_space<vmem>>, vector<1x1x16xf32>,
      %get3A_1401 = vector.shape_cast %get3A_1400 : vector<1x1x16xf32> to vector<16xf32>
      %bitcast_convert_type3A_1402 = tpu.bitcast %get3A_1401 : vector<16xf32> -> vector<16xi32>
      %get3A_1403 = arith.constant 1 : i32
      %get3A_1404 = arith.index_cast %get3A_1403 : i32 to index
      %get3A_1405 = arith.index_cast %scan3A_1349 : i32 to index
      %get3A_1406 = arith.constant 16 : index
      %get3A_1407 = tpu.vector_load %arg11[%get3A_1404, %get3A_1405, %get3A_1406] {strides = array<i32>} : memref<2x128x32xf32, #tpu.memory_space<vmem>>, vector<1x1x16xf32>,
      %get3A_1408 = vector.shape_cast %get3A_1407 : vector<1x1x16xf32> to vector<16xf32>
      %bitcast_convert_type3A_1409 = tpu.bitcast %get3A_1408 : vector<16xf32> -> vector<16xi32>
      %shift_left3A_1410 = arith.constant 16 : i32
      %shift_left3A_1411 = vector.broadcast %shift_left3A_1410 : i32 to vector<16xi32>
      %shift_left3A_1412 = arith.shli %bitcast_convert_type3A_1402, %shift_left3A_1411 : vector<16xi32>
      %bitcast_convert_type3A_1413 = tpu.bitcast %shift_left3A_1412 : vector<16xi32> -> vector<16xf32>
      %and3A_1414 = arith.constant -65536 : i32
      %and3A_1415 = vector.broadcast %and3A_1414 : i32 to vector<16xi32>
      %and3A_1416 = arith.andi %bitcast_convert_type3A_1402, %and3A_1415 : vector<16xi32>
      %bitcast_convert_type3A_1417 = tpu.bitcast %and3A_1416 : vector<16xi32> -> vector<16xf32>
      %shift_left3A_1418 = arith.constant 16 : i32
      %shift_left3A_1419 = vector.broadcast %shift_left3A_1418 : i32 to vector<16xi32>
      %shift_left3A_1420 = arith.shli %bitcast_convert_type3A_1409, %shift_left3A_1419 : vector<16xi32>
      %bitcast_convert_type3A_1421 = tpu.bitcast %shift_left3A_1420 : vector<16xi32> -> vector<16xf32>
      %and3A_1422 = arith.constant -65536 : i32
      %and3A_1423 = vector.broadcast %and3A_1422 : i32 to vector<16xi32>
      %and3A_1424 = arith.andi %bitcast_convert_type3A_1409, %and3A_1423 : vector<16xi32>
      %bitcast_convert_type3A_1425 = tpu.bitcast %and3A_1424 : vector<16xi32> -> vector<16xf32>
      %mul3A_1426 = arith.mulf %bitcast_convert_type3A_1413, %get3A_4 : vector<16xf32>
      %mul3A_1427 = arith.mulf %bitcast_convert_type3A_1421, %get3A_7 : vector<16xf32>
      %add3A_1428 = arith.addf %mul3A_1426, %mul3A_1427 : vector<16xf32>
      %swap3A_1429 = arith.constant 1 : i32
      %swap3A_1430 = arith.index_cast %swap3A_1429 : i32 to index
      %swap3A_1431 = arith.index_cast %scan3A_1349 : i32 to index
      %swap3A_1432 = arith.constant 16 : index
      %swap3A_1433 = tpu.vector_load %arg12[%swap3A_1430, %swap3A_1431, %swap3A_1432] {strides = array<i32>} : memref<2x128x64xf32, #tpu.memory_space<vmem>>, vector<1x1x16xf32>,
      %swap3A_1434 = vector.shape_cast %swap3A_1433 : vector<1x1x16xf32> to vector<16xf32>
      %swap3A_1435 = vector.shape_cast %add3A_1428 : vector<16xf32> to vector<1x1x16xf32>
      tpu.vector_store %arg12[%swap3A_1430, %swap3A_1431, %swap3A_1432], %swap3A_1435 {strides = array<i32>} : memref<2x128x64xf32, #tpu.memory_space<vmem>>, vector<1x1x16xf32>,
      %mul3A_1436 = arith.mulf %bitcast_convert_type3A_1417, %get3A_4 : vector<16xf32>
      %mul3A_1437 = arith.mulf %bitcast_convert_type3A_1425, %get3A_7 : vector<16xf32>
      %add3A_1438 = arith.addf %mul3A_1436, %mul3A_1437 : vector<16xf32>
      %swap3A_1439 = arith.constant 1 : i32
      %swap3A_1440 = arith.index_cast %swap3A_1439 : i32 to index
      %swap3A_1441 = arith.index_cast %scan3A_1349 : i32 to index
      %swap3A_1442 = arith.constant 48 : index
      %swap3A_1443 = tpu.vector_load %arg12[%swap3A_1440, %swap3A_1441, %swap3A_1442] {strides = array<i32>} : memref<2x128x64xf32, #tpu.memory_space<vmem>>, vector<1x1x16xf32>,
      %swap3A_1444 = vector.shape_cast %swap3A_1443 : vector<1x1x16xf32> to vector<16xf32>
      %swap3A_1445 = vector.shape_cast %add3A_1438 : vector<16xf32> to vector<1x1x16xf32>
      tpu.vector_store %arg12[%swap3A_1440, %swap3A_1441, %swap3A_1442], %swap3A_1445 {strides = array<i32>} : memref<2x128x64xf32, #tpu.memory_space<vmem>>, vector<1x1x16xf32>,
    }
    %scan3A_657 = arith.constant 128 : i32
    %mul3A_658 = arith.constant 2048 : i32
    %mul3A_659 = arith.muli %add3A, %mul3A_658 : i32
    %add3A_660 = arith.constant 896 : i32
    %add3A_661 = arith.addi %mul3A_659, %add3A_660 : i32
    %dma_start3A_662 = arith.constant 1 : i32
    %dma_start3A_663 = arith.constant 0 : i32
    %dma_start3A_664 = arith.constant 0 : i32
    %dma_start3A_665 = tpu.memref_slice %arg12[%dma_start3A_662, %dma_start3A_663, %dma_start3A_664] : memref<2x128x64xf32, #tpu.memory_space<vmem>> -> memref<1x128x64xf32, #tpu.memory_space<vmem>>
    %dma_start3A_666 = tpu.memref_squeeze %dma_start3A_665 : memref<1x128x64xf32, #tpu.memory_space<vmem>> -> memref<128x64xf32, #tpu.memory_space<vmem>>
    %dma_start3A_667 = arith.constant 0 : i32
    %dma_start3A_668 = tpu.memref_slice %arg7[%add3A_661, %dma_start3A_667] : memref<65536x64xf32, #tpu.memory_space<hbm>> -> memref<128x64xf32, #tpu.memory_space<hbm>>
    %dma_start3A_669 = arith.constant 0 : i32
    %dma_start3A_670 = tpu.memref_slice %arg7[%add3A_661, %dma_start3A_669] : memref<65536x64xf32, #tpu.memory_space<hbm>> -> memref<128x64xf32, #tpu.memory_space<hbm>>
    %dma_start3A_671 = arith.constant 0 : i32
    %dma_start3A_672 = arith.constant 0 : i32
    %dma_start3A_673 = tpu.memref_slice %arg12[%dma_start3A_662, %dma_start3A_671, %dma_start3A_672] : memref<2x128x64xf32, #tpu.memory_space<vmem>> -> memref<1x128x64xf32, #tpu.memory_space<vmem>>
    %dma_start3A_674 = tpu.memref_squeeze %dma_start3A_673 : memref<1x128x64xf32, #tpu.memory_space<vmem>> -> memref<128x64xf32, #tpu.memory_space<vmem>>
    tpu.enqueue_dma source(%dma_start3A_674 : memref<128x64xf32, #tpu.memory_space<vmem>>) target(%dma_start3A_670 : memref<128x64xf32, #tpu.memory_space<hbm>>) target_semaphore(%arg18 : memref<!tpu.dma_semaphore, #tpu.memory_space<semaphore_mem>>)
    %dma_start3A_675 = arith.constant 9 : i32
    %dma_start3A_676 = arith.constant 1 : i32
    %dma_start3A_677 = arith.constant 0 : i32
    %dma_start3A_678 = arith.constant 0 : i32
    %dma_start3A_679 = tpu.memref_slice %arg10[%dma_start3A_676, %dma_start3A_677, %dma_start3A_678] : memref<2x128x32xf32, #tpu.memory_space<vmem>> -> memref<1x128x32xf32, #tpu.memory_space<vmem>>
    %dma_start3A_680 = tpu.memref_squeeze %dma_start3A_679 : memref<1x128x32xf32, #tpu.memory_space<vmem>> -> memref<128x32xf32, #tpu.memory_space<vmem>>
    %dma_start3A_681 = arith.constant 0 : i32
    %dma_start3A_682 = tpu.memref_slice %arg8[%dma_start3A_675, %dma_start3A_681] : memref<16x128xi32, #tpu.memory_space<vmem>> -> memref<1x128xi32, #tpu.memory_space<vmem>>
    %dma_start3A_683 = tpu.memref_squeeze %dma_start3A_682 : memref<1x128xi32, #tpu.memory_space<vmem>> -> memref<128xi32, #tpu.memory_space<vmem>>
    %dma_start3A_684 = arith.constant 0 : i32
    %dma_start3A_685 = arith.constant 0 : i32
    %dma_start3A_686 = tpu.memref_slice %arg2[%dma_start3A_684, %dma_start3A_685] : memref<65536x32xf32, #tpu.memory_space<hbm>> -> memref<65536x32xf32, #tpu.memory_space<hbm>>
    tpu.enqueue_indirect_dma source(%dma_start3A_686 : memref<65536x32xf32, #tpu.memory_space<hbm>>) target(%dma_start3A_680 : memref<128x32xf32, #tpu.memory_space<vmem>>) offsets(%dma_start3A_683 : memref<128xi32, #tpu.memory_space<vmem>>) semaphore(%arg16 : memref<!tpu.dma_semaphore, #tpu.memory_space<semaphore_mem>>)
    %dma_start3A_687 = arith.constant 9 : i32
    %dma_start3A_688 = arith.constant 1 : i32
    %dma_start3A_689 = arith.constant 0 : i32
    %dma_start3A_690 = arith.constant 0 : i32
    %dma_start3A_691 = tpu.memref_slice %arg11[%dma_start3A_688, %dma_start3A_689, %dma_start3A_690] : memref<2x128x32xf32, #tpu.memory_space<vmem>> -> memref<1x128x32xf32, #tpu.memory_space<vmem>>
    %dma_start3A_692 = tpu.memref_squeeze %dma_start3A_691 : memref<1x128x32xf32, #tpu.memory_space<vmem>> -> memref<128x32xf32, #tpu.memory_space<vmem>>
    %dma_start3A_693 = arith.constant 0 : i32
    %dma_start3A_694 = tpu.memref_slice %arg9[%dma_start3A_687, %dma_start3A_693] : memref<16x128xi32, #tpu.memory_space<vmem>> -> memref<1x128xi32, #tpu.memory_space<vmem>>
    %dma_start3A_695 = tpu.memref_squeeze %dma_start3A_694 : memref<1x128xi32, #tpu.memory_space<vmem>> -> memref<128xi32, #tpu.memory_space<vmem>>
    %dma_start3A_696 = arith.constant 0 : i32
    %dma_start3A_697 = arith.constant 0 : i32
    %dma_start3A_698 = tpu.memref_slice %arg2[%dma_start3A_696, %dma_start3A_697] : memref<65536x32xf32, #tpu.memory_space<hbm>> -> memref<65536x32xf32, #tpu.memory_space<hbm>>
    tpu.enqueue_indirect_dma source(%dma_start3A_698 : memref<65536x32xf32, #tpu.memory_space<hbm>>) target(%dma_start3A_692 : memref<128x32xf32, #tpu.memory_space<vmem>>) offsets(%dma_start3A_695 : memref<128xi32, #tpu.memory_space<vmem>>) semaphore(%arg16 : memref<!tpu.dma_semaphore, #tpu.memory_space<semaphore_mem>>)
    %dma_wait3A_699 = arith.constant 8 : i32
    %dma_wait3A_700 = arith.constant 0 : i32
    %dma_wait3A_701 = arith.constant 0 : i32
    %dma_wait3A_702 = arith.constant 0 : i32
    %dma_wait3A_703 = tpu.memref_slice %arg10[%dma_wait3A_700, %dma_wait3A_701, %dma_wait3A_702] : memref<2x128x32xf32, #tpu.memory_space<vmem>> -> memref<1x128x32xf32, #tpu.memory_space<vmem>>
    %dma_wait3A_704 = tpu.memref_squeeze %dma_wait3A_703 : memref<1x128x32xf32, #tpu.memory_space<vmem>> -> memref<128x32xf32, #tpu.memory_space<vmem>>
    %dma_wait3A_705 = arith.constant 0 : i32
    %dma_wait3A_706 = tpu.memref_slice %arg8[%dma_wait3A_699, %dma_wait3A_705] : memref<16x128xi32, #tpu.memory_space<vmem>> -> memref<1x128xi32, #tpu.memory_space<vmem>>
    %dma_wait3A_707 = tpu.memref_squeeze %dma_wait3A_706 : memref<1x128xi32, #tpu.memory_space<vmem>> -> memref<128xi32, #tpu.memory_space<vmem>>
    %dma_wait3A_708 = arith.constant 0 : i32
    %dma_wait3A_709 = arith.constant 0 : i32
    %dma_wait3A_710 = tpu.memref_slice %arg2[%dma_wait3A_708, %dma_wait3A_709] : memref<65536x32xf32, #tpu.memory_space<hbm>> -> memref<65536x32xf32, #tpu.memory_space<hbm>>
    tpu.wait_indirect_dma semaphore(%arg15 : memref<!tpu.dma_semaphore, #tpu.memory_space<semaphore_mem>>) src(%dma_wait3A_710 : memref<65536x32xf32, #tpu.memory_space<hbm>>) dst(%dma_wait3A_704 : memref<128x32xf32, #tpu.memory_space<vmem>>)
    %dma_wait3A_711 = arith.constant 8 : i32
    %dma_wait3A_712 = arith.constant 0 : i32
    %dma_wait3A_713 = arith.constant 0 : i32
    %dma_wait3A_714 = arith.constant 0 : i32
    %dma_wait3A_715 = tpu.memref_slice %arg11[%dma_wait3A_712, %dma_wait3A_713, %dma_wait3A_714] : memref<2x128x32xf32, #tpu.memory_space<vmem>> -> memref<1x128x32xf32, #tpu.memory_space<vmem>>
    %dma_wait3A_716 = tpu.memref_squeeze %dma_wait3A_715 : memref<1x128x32xf32, #tpu.memory_space<vmem>> -> memref<128x32xf32, #tpu.memory_space<vmem>>
    %dma_wait3A_717 = arith.constant 0 : i32
    %dma_wait3A_718 = tpu.memref_slice %arg9[%dma_wait3A_711, %dma_wait3A_717] : memref<16x128xi32, #tpu.memory_space<vmem>> -> memref<1x128xi32, #tpu.memory_space<vmem>>
    %dma_wait3A_719 = tpu.memref_squeeze %dma_wait3A_718 : memref<1x128xi32, #tpu.memory_space<vmem>> -> memref<128xi32, #tpu.memory_space<vmem>>
    %dma_wait3A_720 = arith.constant 0 : i32
    %dma_wait3A_721 = arith.constant 0 : i32
    %dma_wait3A_722 = tpu.memref_slice %arg2[%dma_wait3A_720, %dma_wait3A_721] : memref<65536x32xf32, #tpu.memory_space<hbm>> -> memref<65536x32xf32, #tpu.memory_space<hbm>>
    tpu.wait_indirect_dma semaphore(%arg15 : memref<!tpu.dma_semaphore, #tpu.memory_space<semaphore_mem>>) src(%dma_wait3A_722 : memref<65536x32xf32, #tpu.memory_space<hbm>>) dst(%dma_wait3A_716 : memref<128x32xf32, #tpu.memory_space<vmem>>)
    %dma_wait3A_723 = arith.constant 0 : i32
    %dma_wait3A_724 = arith.constant 0 : i32
    %dma_wait3A_725 = arith.constant 0 : i32
    %dma_wait3A_726 = tpu.memref_slice %arg12[%dma_wait3A_723, %dma_wait3A_724, %dma_wait3A_725] : memref<2x128x64xf32, #tpu.memory_space<vmem>> -> memref<1x128x64xf32, #tpu.memory_space<vmem>>
    %dma_wait3A_727 = tpu.memref_squeeze %dma_wait3A_726 : memref<1x128x64xf32, #tpu.memory_space<vmem>> -> memref<128x64xf32, #tpu.memory_space<vmem>>
    %dma_wait3A_728 = arith.constant 0 : i32
    %dma_wait3A_729 = tpu.memref_slice %arg7[%add3A_577, %dma_wait3A_728] : memref<65536x64xf32, #tpu.memory_space<hbm>> -> memref<128x64xf32, #tpu.memory_space<hbm>>
    %dma_wait3A_730 = arith.constant 0 : i32
    %dma_wait3A_731 = tpu.memref_slice %arg7[%add3A_577, %dma_wait3A_730] : memref<65536x64xf32, #tpu.memory_space<hbm>> -> memref<128x64xf32, #tpu.memory_space<hbm>>
    %dma_wait3A_732 = arith.constant 0 : i32
    %dma_wait3A_733 = arith.constant 0 : i32
    %dma_wait3A_734 = tpu.memref_slice %arg12[%dma_wait3A_723, %dma_wait3A_732, %dma_wait3A_733] : memref<2x128x64xf32, #tpu.memory_space<vmem>> -> memref<1x128x64xf32, #tpu.memory_space<vmem>>
    %dma_wait3A_735 = tpu.memref_squeeze %dma_wait3A_734 : memref<1x128x64xf32, #tpu.memory_space<vmem>> -> memref<128x64xf32, #tpu.memory_space<vmem>>
    tpu.wait_dma2 semaphore(%arg17 : memref<!tpu.dma_semaphore, #tpu.memory_space<semaphore_mem>>) src(%dma_wait3A_735 : memref<128x64xf32, #tpu.memory_space<vmem>>) dst(%dma_wait3A_731 : memref<128x64xf32, #tpu.memory_space<hbm>>)
    %scan3A_736 = arith.constant 0 : i32
    %scan3A_737 = arith.constant 0 : i32
    %scan3A_738 = arith.constant 128 : i32
    %scan3A_739 = arith.addi %scan3A_737, %scan3A_738 : i32
    %scan3A_740 = arith.constant 1 : i32
    scf.for %scan3A_1349 = %scan3A_737 to %scan3A_739 step %scan3A_740  : i32 {
      %get3A_1350 = arith.constant 0 : i32
      %get3A_1351 = arith.index_cast %get3A_1350 : i32 to index
      %get3A_1352 = arith.index_cast %scan3A_1349 : i32 to index
      %get3A_1353 = arith.constant 0 : index
      %get3A_1354 = tpu.vector_load %arg10[%get3A_1351, %get3A_1352, %get3A_1353] {strides = array<i32>} : memref<2x128x32xf32, #tpu.memory_space<vmem>>, vector<1x1x16xf32>,
      %get3A_1355 = vector.shape_cast %get3A_1354 : vector<1x1x16xf32> to vector<16xf32>
      %bitcast_convert_type3A = tpu.bitcast %get3A_1355 : vector<16xf32> -> vector<16xi32>
      %get3A_1356 = arith.constant 0 : i32
      %get3A_1357 = arith.index_cast %get3A_1356 : i32 to index
      %get3A_1358 = arith.index_cast %scan3A_1349 : i32 to index
      %get3A_1359 = arith.constant 0 : index
      %get3A_1360 = tpu.vector_load %arg11[%get3A_1357, %get3A_1358, %get3A_1359] {strides = array<i32>} : memref<2x128x32xf32, #tpu.memory_space<vmem>>, vector<1x1x16xf32>,
      %get3A_1361 = vector.shape_cast %get3A_1360 : vector<1x1x16xf32> to vector<16xf32>
      %bitcast_convert_type3A_1362 = tpu.bitcast %get3A_1361 : vector<16xf32> -> vector<16xi32>
      %shift_left3A = arith.constant 16 : i32
      %shift_left3A_1363 = vector.broadcast %shift_left3A : i32 to vector<16xi32>
      %shift_left3A_1364 = arith.shli %bitcast_convert_type3A, %shift_left3A_1363 : vector<16xi32>
      %bitcast_convert_type3A_1365 = tpu.bitcast %shift_left3A_1364 : vector<16xi32> -> vector<16xf32>
      %and3A = arith.constant -65536 : i32
      %and3A_1366 = vector.broadcast %and3A : i32 to vector<16xi32>
      %and3A_1367 = arith.andi %bitcast_convert_type3A, %and3A_1366 : vector<16xi32>
      %bitcast_convert_type3A_1368 = tpu.bitcast %and3A_1367 : vector<16xi32> -> vector<16xf32>
      %shift_left3A_1369 = arith.constant 16 : i32
      %shift_left3A_1370 = vector.broadcast %shift_left3A_1369 : i32 to vector<16xi32>
      %shift_left3A_1371 = arith.shli %bitcast_convert_type3A_1362, %shift_left3A_1370 : vector<16xi32>
      %bitcast_convert_type3A_1372 = tpu.bitcast %shift_left3A_1371 : vector<16xi32> -> vector<16xf32>
      %and3A_1373 = arith.constant -65536 : i32
      %and3A_1374 = vector.broadcast %and3A_1373 : i32 to vector<16xi32>
      %and3A_1375 = arith.andi %bitcast_convert_type3A_1362, %and3A_1374 : vector<16xi32>
      %bitcast_convert_type3A_1376 = tpu.bitcast %and3A_1375 : vector<16xi32> -> vector<16xf32>
      %mul3A_1377 = arith.mulf %bitcast_convert_type3A_1365, %get3A_4 : vector<16xf32>
      %mul3A_1378 = arith.mulf %bitcast_convert_type3A_1372, %get3A_7 : vector<16xf32>
      %add3A_1379 = arith.addf %mul3A_1377, %mul3A_1378 : vector<16xf32>
      %swap3A = arith.constant 0 : i32
      %swap3A_1380 = arith.index_cast %swap3A : i32 to index
      %swap3A_1381 = arith.index_cast %scan3A_1349 : i32 to index
      %swap3A_1382 = arith.constant 0 : index
      %swap3A_1383 = tpu.vector_load %arg12[%swap3A_1380, %swap3A_1381, %swap3A_1382] {strides = array<i32>} : memref<2x128x64xf32, #tpu.memory_space<vmem>>, vector<1x1x16xf32>,
      %swap3A_1384 = vector.shape_cast %swap3A_1383 : vector<1x1x16xf32> to vector<16xf32>
      %swap3A_1385 = vector.shape_cast %add3A_1379 : vector<16xf32> to vector<1x1x16xf32>
      tpu.vector_store %arg12[%swap3A_1380, %swap3A_1381, %swap3A_1382], %swap3A_1385 {strides = array<i32>} : memref<2x128x64xf32, #tpu.memory_space<vmem>>, vector<1x1x16xf32>,
      %mul3A_1386 = arith.mulf %bitcast_convert_type3A_1368, %get3A_4 : vector<16xf32>
      %mul3A_1387 = arith.mulf %bitcast_convert_type3A_1376, %get3A_7 : vector<16xf32>
      %add3A_1388 = arith.addf %mul3A_1386, %mul3A_1387 : vector<16xf32>
      %swap3A_1389 = arith.constant 0 : i32
      %swap3A_1390 = arith.index_cast %swap3A_1389 : i32 to index
      %swap3A_1391 = arith.index_cast %scan3A_1349 : i32 to index
      %swap3A_1392 = arith.constant 32 : index
      %swap3A_1393 = tpu.vector_load %arg12[%swap3A_1390, %swap3A_1391, %swap3A_1392] {strides = array<i32>} : memref<2x128x64xf32, #tpu.memory_space<vmem>>, vector<1x1x16xf32>,
      %swap3A_1394 = vector.shape_cast %swap3A_1393 : vector<1x1x16xf32> to vector<16xf32>
      %swap3A_1395 = vector.shape_cast %add3A_1388 : vector<16xf32> to vector<1x1x16xf32>
      tpu.vector_store %arg12[%swap3A_1390, %swap3A_1391, %swap3A_1392], %swap3A_1395 {strides = array<i32>} : memref<2x128x64xf32, #tpu.memory_space<vmem>>, vector<1x1x16xf32>,
      %get3A_1396 = arith.constant 0 : i32
      %get3A_1397 = arith.index_cast %get3A_1396 : i32 to index
      %get3A_1398 = arith.index_cast %scan3A_1349 : i32 to index
      %get3A_1399 = arith.constant 16 : index
      %get3A_1400 = tpu.vector_load %arg10[%get3A_1397, %get3A_1398, %get3A_1399] {strides = array<i32>} : memref<2x128x32xf32, #tpu.memory_space<vmem>>, vector<1x1x16xf32>,
      %get3A_1401 = vector.shape_cast %get3A_1400 : vector<1x1x16xf32> to vector<16xf32>
      %bitcast_convert_type3A_1402 = tpu.bitcast %get3A_1401 : vector<16xf32> -> vector<16xi32>
      %get3A_1403 = arith.constant 0 : i32
      %get3A_1404 = arith.index_cast %get3A_1403 : i32 to index
      %get3A_1405 = arith.index_cast %scan3A_1349 : i32 to index
      %get3A_1406 = arith.constant 16 : index
      %get3A_1407 = tpu.vector_load %arg11[%get3A_1404, %get3A_1405, %get3A_1406] {strides = array<i32>} : memref<2x128x32xf32, #tpu.memory_space<vmem>>, vector<1x1x16xf32>,
      %get3A_1408 = vector.shape_cast %get3A_1407 : vector<1x1x16xf32> to vector<16xf32>
      %bitcast_convert_type3A_1409 = tpu.bitcast %get3A_1408 : vector<16xf32> -> vector<16xi32>
      %shift_left3A_1410 = arith.constant 16 : i32
      %shift_left3A_1411 = vector.broadcast %shift_left3A_1410 : i32 to vector<16xi32>
      %shift_left3A_1412 = arith.shli %bitcast_convert_type3A_1402, %shift_left3A_1411 : vector<16xi32>
      %bitcast_convert_type3A_1413 = tpu.bitcast %shift_left3A_1412 : vector<16xi32> -> vector<16xf32>
      %and3A_1414 = arith.constant -65536 : i32
      %and3A_1415 = vector.broadcast %and3A_1414 : i32 to vector<16xi32>
      %and3A_1416 = arith.andi %bitcast_convert_type3A_1402, %and3A_1415 : vector<16xi32>
      %bitcast_convert_type3A_1417 = tpu.bitcast %and3A_1416 : vector<16xi32> -> vector<16xf32>
      %shift_left3A_1418 = arith.constant 16 : i32
      %shift_left3A_1419 = vector.broadcast %shift_left3A_1418 : i32 to vector<16xi32>
      %shift_left3A_1420 = arith.shli %bitcast_convert_type3A_1409, %shift_left3A_1419 : vector<16xi32>
      %bitcast_convert_type3A_1421 = tpu.bitcast %shift_left3A_1420 : vector<16xi32> -> vector<16xf32>
      %and3A_1422 = arith.constant -65536 : i32
      %and3A_1423 = vector.broadcast %and3A_1422 : i32 to vector<16xi32>
      %and3A_1424 = arith.andi %bitcast_convert_type3A_1409, %and3A_1423 : vector<16xi32>
      %bitcast_convert_type3A_1425 = tpu.bitcast %and3A_1424 : vector<16xi32> -> vector<16xf32>
      %mul3A_1426 = arith.mulf %bitcast_convert_type3A_1413, %get3A_4 : vector<16xf32>
      %mul3A_1427 = arith.mulf %bitcast_convert_type3A_1421, %get3A_7 : vector<16xf32>
      %add3A_1428 = arith.addf %mul3A_1426, %mul3A_1427 : vector<16xf32>
      %swap3A_1429 = arith.constant 0 : i32
      %swap3A_1430 = arith.index_cast %swap3A_1429 : i32 to index
      %swap3A_1431 = arith.index_cast %scan3A_1349 : i32 to index
      %swap3A_1432 = arith.constant 16 : index
      %swap3A_1433 = tpu.vector_load %arg12[%swap3A_1430, %swap3A_1431, %swap3A_1432] {strides = array<i32>} : memref<2x128x64xf32, #tpu.memory_space<vmem>>, vector<1x1x16xf32>,
      %swap3A_1434 = vector.shape_cast %swap3A_1433 : vector<1x1x16xf32> to vector<16xf32>
      %swap3A_1435 = vector.shape_cast %add3A_1428 : vector<16xf32> to vector<1x1x16xf32>
      tpu.vector_store %arg12[%swap3A_1430, %swap3A_1431, %swap3A_1432], %swap3A_1435 {strides = array<i32>} : memref<2x128x64xf32, #tpu.memory_space<vmem>>, vector<1x1x16xf32>,
      %mul3A_1436 = arith.mulf %bitcast_convert_type3A_1417, %get3A_4 : vector<16xf32>
      %mul3A_1437 = arith.mulf %bitcast_convert_type3A_1425, %get3A_7 : vector<16xf32>
      %add3A_1438 = arith.addf %mul3A_1436, %mul3A_1437 : vector<16xf32>
      %swap3A_1439 = arith.constant 0 : i32
      %swap3A_1440 = arith.index_cast %swap3A_1439 : i32 to index
      %swap3A_1441 = arith.index_cast %scan3A_1349 : i32 to index
      %swap3A_1442 = arith.constant 48 : index
      %swap3A_1443 = tpu.vector_load %arg12[%swap3A_1440, %swap3A_1441, %swap3A_1442] {strides = array<i32>} : memref<2x128x64xf32, #tpu.memory_space<vmem>>, vector<1x1x16xf32>,
      %swap3A_1444 = vector.shape_cast %swap3A_1443 : vector<1x1x16xf32> to vector<16xf32>
      %swap3A_1445 = vector.shape_cast %add3A_1438 : vector<16xf32> to vector<1x1x16xf32>
      tpu.vector_store %arg12[%swap3A_1440, %swap3A_1441, %swap3A_1442], %swap3A_1445 {strides = array<i32>} : memref<2x128x64xf32, #tpu.memory_space<vmem>>, vector<1x1x16xf32>,
    }
    %scan3A_741 = arith.constant 128 : i32
    %mul3A_742 = arith.constant 2048 : i32
    %mul3A_743 = arith.muli %add3A, %mul3A_742 : i32
    %add3A_744 = arith.constant 1024 : i32
    %add3A_745 = arith.addi %mul3A_743, %add3A_744 : i32
    %dma_start3A_746 = arith.constant 0 : i32
    %dma_start3A_747 = arith.constant 0 : i32
    %dma_start3A_748 = arith.constant 0 : i32
    %dma_start3A_749 = tpu.memref_slice %arg12[%dma_start3A_746, %dma_start3A_747, %dma_start3A_748] : memref<2x128x64xf32, #tpu.memory_space<vmem>> -> memref<1x128x64xf32, #tpu.memory_space<vmem>>
    %dma_start3A_750 = tpu.memref_squeeze %dma_start3A_749 : memref<1x128x64xf32, #tpu.memory_space<vmem>> -> memref<128x64xf32, #tpu.memory_space<vmem>>
    %dma_start3A_751 = arith.constant 0 : i32
    %dma_start3A_752 = tpu.memref_slice %arg7[%add3A_745, %dma_start3A_751] : memref<65536x64xf32, #tpu.memory_space<hbm>> -> memref<128x64xf32, #tpu.memory_space<hbm>>
    %dma_start3A_753 = arith.constant 0 : i32
    %dma_start3A_754 = tpu.memref_slice %arg7[%add3A_745, %dma_start3A_753] : memref<65536x64xf32, #tpu.memory_space<hbm>> -> memref<128x64xf32, #tpu.memory_space<hbm>>
    %dma_start3A_755 = arith.constant 0 : i32
    %dma_start3A_756 = arith.constant 0 : i32
    %dma_start3A_757 = tpu.memref_slice %arg12[%dma_start3A_746, %dma_start3A_755, %dma_start3A_756] : memref<2x128x64xf32, #tpu.memory_space<vmem>> -> memref<1x128x64xf32, #tpu.memory_space<vmem>>
    %dma_start3A_758 = tpu.memref_squeeze %dma_start3A_757 : memref<1x128x64xf32, #tpu.memory_space<vmem>> -> memref<128x64xf32, #tpu.memory_space<vmem>>
    tpu.enqueue_dma source(%dma_start3A_758 : memref<128x64xf32, #tpu.memory_space<vmem>>) target(%dma_start3A_754 : memref<128x64xf32, #tpu.memory_space<hbm>>) target_semaphore(%arg17 : memref<!tpu.dma_semaphore, #tpu.memory_space<semaphore_mem>>)
    %dma_start3A_759 = arith.constant 10 : i32
    %dma_start3A_760 = arith.constant 0 : i32
    %dma_start3A_761 = arith.constant 0 : i32
    %dma_start3A_762 = arith.constant 0 : i32
    %dma_start3A_763 = tpu.memref_slice %arg10[%dma_start3A_760, %dma_start3A_761, %dma_start3A_762] : memref<2x128x32xf32, #tpu.memory_space<vmem>> -> memref<1x128x32xf32, #tpu.memory_space<vmem>>
    %dma_start3A_764 = tpu.memref_squeeze %dma_start3A_763 : memref<1x128x32xf32, #tpu.memory_space<vmem>> -> memref<128x32xf32, #tpu.memory_space<vmem>>
    %dma_start3A_765 = arith.constant 0 : i32
    %dma_start3A_766 = tpu.memref_slice %arg8[%dma_start3A_759, %dma_start3A_765] : memref<16x128xi32, #tpu.memory_space<vmem>> -> memref<1x128xi32, #tpu.memory_space<vmem>>
    %dma_start3A_767 = tpu.memref_squeeze %dma_start3A_766 : memref<1x128xi32, #tpu.memory_space<vmem>> -> memref<128xi32, #tpu.memory_space<vmem>>
    %dma_start3A_768 = arith.constant 0 : i32
    %dma_start3A_769 = arith.constant 0 : i32
    %dma_start3A_770 = tpu.memref_slice %arg2[%dma_start3A_768, %dma_start3A_769] : memref<65536x32xf32, #tpu.memory_space<hbm>> -> memref<65536x32xf32, #tpu.memory_space<hbm>>
    tpu.enqueue_indirect_dma source(%dma_start3A_770 : memref<65536x32xf32, #tpu.memory_space<hbm>>) target(%dma_start3A_764 : memref<128x32xf32, #tpu.memory_space<vmem>>) offsets(%dma_start3A_767 : memref<128xi32, #tpu.memory_space<vmem>>) semaphore(%arg15 : memref<!tpu.dma_semaphore, #tpu.memory_space<semaphore_mem>>)
    %dma_start3A_771 = arith.constant 10 : i32
    %dma_start3A_772 = arith.constant 0 : i32
    %dma_start3A_773 = arith.constant 0 : i32
    %dma_start3A_774 = arith.constant 0 : i32
    %dma_start3A_775 = tpu.memref_slice %arg11[%dma_start3A_772, %dma_start3A_773, %dma_start3A_774] : memref<2x128x32xf32, #tpu.memory_space<vmem>> -> memref<1x128x32xf32, #tpu.memory_space<vmem>>
    %dma_start3A_776 = tpu.memref_squeeze %dma_start3A_775 : memref<1x128x32xf32, #tpu.memory_space<vmem>> -> memref<128x32xf32, #tpu.memory_space<vmem>>
    %dma_start3A_777 = arith.constant 0 : i32
    %dma_start3A_778 = tpu.memref_slice %arg9[%dma_start3A_771, %dma_start3A_777] : memref<16x128xi32, #tpu.memory_space<vmem>> -> memref<1x128xi32, #tpu.memory_space<vmem>>
    %dma_start3A_779 = tpu.memref_squeeze %dma_start3A_778 : memref<1x128xi32, #tpu.memory_space<vmem>> -> memref<128xi32, #tpu.memory_space<vmem>>
    %dma_start3A_780 = arith.constant 0 : i32
    %dma_start3A_781 = arith.constant 0 : i32
    %dma_start3A_782 = tpu.memref_slice %arg2[%dma_start3A_780, %dma_start3A_781] : memref<65536x32xf32, #tpu.memory_space<hbm>> -> memref<65536x32xf32, #tpu.memory_space<hbm>>
    tpu.enqueue_indirect_dma source(%dma_start3A_782 : memref<65536x32xf32, #tpu.memory_space<hbm>>) target(%dma_start3A_776 : memref<128x32xf32, #tpu.memory_space<vmem>>) offsets(%dma_start3A_779 : memref<128xi32, #tpu.memory_space<vmem>>) semaphore(%arg15 : memref<!tpu.dma_semaphore, #tpu.memory_space<semaphore_mem>>)
    %dma_wait3A_783 = arith.constant 9 : i32
    %dma_wait3A_784 = arith.constant 1 : i32
    %dma_wait3A_785 = arith.constant 0 : i32
    %dma_wait3A_786 = arith.constant 0 : i32
    %dma_wait3A_787 = tpu.memref_slice %arg10[%dma_wait3A_784, %dma_wait3A_785, %dma_wait3A_786] : memref<2x128x32xf32, #tpu.memory_space<vmem>> -> memref<1x128x32xf32, #tpu.memory_space<vmem>>
    %dma_wait3A_788 = tpu.memref_squeeze %dma_wait3A_787 : memref<1x128x32xf32, #tpu.memory_space<vmem>> -> memref<128x32xf32, #tpu.memory_space<vmem>>
    %dma_wait3A_789 = arith.constant 0 : i32
    %dma_wait3A_790 = tpu.memref_slice %arg8[%dma_wait3A_783, %dma_wait3A_789] : memref<16x128xi32, #tpu.memory_space<vmem>> -> memref<1x128xi32, #tpu.memory_space<vmem>>
    %dma_wait3A_791 = tpu.memref_squeeze %dma_wait3A_790 : memref<1x128xi32, #tpu.memory_space<vmem>> -> memref<128xi32, #tpu.memory_space<vmem>>
    %dma_wait3A_792 = arith.constant 0 : i32
    %dma_wait3A_793 = arith.constant 0 : i32
    %dma_wait3A_794 = tpu.memref_slice %arg2[%dma_wait3A_792, %dma_wait3A_793] : memref<65536x32xf32, #tpu.memory_space<hbm>> -> memref<65536x32xf32, #tpu.memory_space<hbm>>
    tpu.wait_indirect_dma semaphore(%arg16 : memref<!tpu.dma_semaphore, #tpu.memory_space<semaphore_mem>>) src(%dma_wait3A_794 : memref<65536x32xf32, #tpu.memory_space<hbm>>) dst(%dma_wait3A_788 : memref<128x32xf32, #tpu.memory_space<vmem>>)
    %dma_wait3A_795 = arith.constant 9 : i32
    %dma_wait3A_796 = arith.constant 1 : i32
    %dma_wait3A_797 = arith.constant 0 : i32
    %dma_wait3A_798 = arith.constant 0 : i32
    %dma_wait3A_799 = tpu.memref_slice %arg11[%dma_wait3A_796, %dma_wait3A_797, %dma_wait3A_798] : memref<2x128x32xf32, #tpu.memory_space<vmem>> -> memref<1x128x32xf32, #tpu.memory_space<vmem>>
    %dma_wait3A_800 = tpu.memref_squeeze %dma_wait3A_799 : memref<1x128x32xf32, #tpu.memory_space<vmem>> -> memref<128x32xf32, #tpu.memory_space<vmem>>
    %dma_wait3A_801 = arith.constant 0 : i32
    %dma_wait3A_802 = tpu.memref_slice %arg9[%dma_wait3A_795, %dma_wait3A_801] : memref<16x128xi32, #tpu.memory_space<vmem>> -> memref<1x128xi32, #tpu.memory_space<vmem>>
    %dma_wait3A_803 = tpu.memref_squeeze %dma_wait3A_802 : memref<1x128xi32, #tpu.memory_space<vmem>> -> memref<128xi32, #tpu.memory_space<vmem>>
    %dma_wait3A_804 = arith.constant 0 : i32
    %dma_wait3A_805 = arith.constant 0 : i32
    %dma_wait3A_806 = tpu.memref_slice %arg2[%dma_wait3A_804, %dma_wait3A_805] : memref<65536x32xf32, #tpu.memory_space<hbm>> -> memref<65536x32xf32, #tpu.memory_space<hbm>>
    tpu.wait_indirect_dma semaphore(%arg16 : memref<!tpu.dma_semaphore, #tpu.memory_space<semaphore_mem>>) src(%dma_wait3A_806 : memref<65536x32xf32, #tpu.memory_space<hbm>>) dst(%dma_wait3A_800 : memref<128x32xf32, #tpu.memory_space<vmem>>)
    %dma_wait3A_807 = arith.constant 1 : i32
    %dma_wait3A_808 = arith.constant 0 : i32
    %dma_wait3A_809 = arith.constant 0 : i32
    %dma_wait3A_810 = tpu.memref_slice %arg12[%dma_wait3A_807, %dma_wait3A_808, %dma_wait3A_809] : memref<2x128x64xf32, #tpu.memory_space<vmem>> -> memref<1x128x64xf32, #tpu.memory_space<vmem>>
    %dma_wait3A_811 = tpu.memref_squeeze %dma_wait3A_810 : memref<1x128x64xf32, #tpu.memory_space<vmem>> -> memref<128x64xf32, #tpu.memory_space<vmem>>
    %dma_wait3A_812 = arith.constant 0 : i32
    %dma_wait3A_813 = tpu.memref_slice %arg7[%add3A_661, %dma_wait3A_812] : memref<65536x64xf32, #tpu.memory_space<hbm>> -> memref<128x64xf32, #tpu.memory_space<hbm>>
    %dma_wait3A_814 = arith.constant 0 : i32
    %dma_wait3A_815 = tpu.memref_slice %arg7[%add3A_661, %dma_wait3A_814] : memref<65536x64xf32, #tpu.memory_space<hbm>> -> memref<128x64xf32, #tpu.memory_space<hbm>>
    %dma_wait3A_816 = arith.constant 0 : i32
    %dma_wait3A_817 = arith.constant 0 : i32
    %dma_wait3A_818 = tpu.memref_slice %arg12[%dma_wait3A_807, %dma_wait3A_816, %dma_wait3A_817] : memref<2x128x64xf32, #tpu.memory_space<vmem>> -> memref<1x128x64xf32, #tpu.memory_space<vmem>>
    %dma_wait3A_819 = tpu.memref_squeeze %dma_wait3A_818 : memref<1x128x64xf32, #tpu.memory_space<vmem>> -> memref<128x64xf32, #tpu.memory_space<vmem>>
    tpu.wait_dma2 semaphore(%arg18 : memref<!tpu.dma_semaphore, #tpu.memory_space<semaphore_mem>>) src(%dma_wait3A_819 : memref<128x64xf32, #tpu.memory_space<vmem>>) dst(%dma_wait3A_815 : memref<128x64xf32, #tpu.memory_space<hbm>>)
    %scan3A_820 = arith.constant 0 : i32
    %scan3A_821 = arith.constant 0 : i32
    %scan3A_822 = arith.constant 128 : i32
    %scan3A_823 = arith.addi %scan3A_821, %scan3A_822 : i32
    %scan3A_824 = arith.constant 1 : i32
    scf.for %scan3A_1349 = %scan3A_821 to %scan3A_823 step %scan3A_824  : i32 {
      %get3A_1350 = arith.constant 1 : i32
      %get3A_1351 = arith.index_cast %get3A_1350 : i32 to index
      %get3A_1352 = arith.index_cast %scan3A_1349 : i32 to index
      %get3A_1353 = arith.constant 0 : index
      %get3A_1354 = tpu.vector_load %arg10[%get3A_1351, %get3A_1352, %get3A_1353] {strides = array<i32>} : memref<2x128x32xf32, #tpu.memory_space<vmem>>, vector<1x1x16xf32>,
      %get3A_1355 = vector.shape_cast %get3A_1354 : vector<1x1x16xf32> to vector<16xf32>
      %bitcast_convert_type3A = tpu.bitcast %get3A_1355 : vector<16xf32> -> vector<16xi32>
      %get3A_1356 = arith.constant 1 : i32
      %get3A_1357 = arith.index_cast %get3A_1356 : i32 to index
      %get3A_1358 = arith.index_cast %scan3A_1349 : i32 to index
      %get3A_1359 = arith.constant 0 : index
      %get3A_1360 = tpu.vector_load %arg11[%get3A_1357, %get3A_1358, %get3A_1359] {strides = array<i32>} : memref<2x128x32xf32, #tpu.memory_space<vmem>>, vector<1x1x16xf32>,
      %get3A_1361 = vector.shape_cast %get3A_1360 : vector<1x1x16xf32> to vector<16xf32>
      %bitcast_convert_type3A_1362 = tpu.bitcast %get3A_1361 : vector<16xf32> -> vector<16xi32>
      %shift_left3A = arith.constant 16 : i32
      %shift_left3A_1363 = vector.broadcast %shift_left3A : i32 to vector<16xi32>
      %shift_left3A_1364 = arith.shli %bitcast_convert_type3A, %shift_left3A_1363 : vector<16xi32>
      %bitcast_convert_type3A_1365 = tpu.bitcast %shift_left3A_1364 : vector<16xi32> -> vector<16xf32>
      %and3A = arith.constant -65536 : i32
      %and3A_1366 = vector.broadcast %and3A : i32 to vector<16xi32>
      %and3A_1367 = arith.andi %bitcast_convert_type3A, %and3A_1366 : vector<16xi32>
      %bitcast_convert_type3A_1368 = tpu.bitcast %and3A_1367 : vector<16xi32> -> vector<16xf32>
      %shift_left3A_1369 = arith.constant 16 : i32
      %shift_left3A_1370 = vector.broadcast %shift_left3A_1369 : i32 to vector<16xi32>
      %shift_left3A_1371 = arith.shli %bitcast_convert_type3A_1362, %shift_left3A_1370 : vector<16xi32>
      %bitcast_convert_type3A_1372 = tpu.bitcast %shift_left3A_1371 : vector<16xi32> -> vector<16xf32>
      %and3A_1373 = arith.constant -65536 : i32
      %and3A_1374 = vector.broadcast %and3A_1373 : i32 to vector<16xi32>
      %and3A_1375 = arith.andi %bitcast_convert_type3A_1362, %and3A_1374 : vector<16xi32>
      %bitcast_convert_type3A_1376 = tpu.bitcast %and3A_1375 : vector<16xi32> -> vector<16xf32>
      %mul3A_1377 = arith.mulf %bitcast_convert_type3A_1365, %get3A_4 : vector<16xf32>
      %mul3A_1378 = arith.mulf %bitcast_convert_type3A_1372, %get3A_7 : vector<16xf32>
      %add3A_1379 = arith.addf %mul3A_1377, %mul3A_1378 : vector<16xf32>
      %swap3A = arith.constant 1 : i32
      %swap3A_1380 = arith.index_cast %swap3A : i32 to index
      %swap3A_1381 = arith.index_cast %scan3A_1349 : i32 to index
      %swap3A_1382 = arith.constant 0 : index
      %swap3A_1383 = tpu.vector_load %arg12[%swap3A_1380, %swap3A_1381, %swap3A_1382] {strides = array<i32>} : memref<2x128x64xf32, #tpu.memory_space<vmem>>, vector<1x1x16xf32>,
      %swap3A_1384 = vector.shape_cast %swap3A_1383 : vector<1x1x16xf32> to vector<16xf32>
      %swap3A_1385 = vector.shape_cast %add3A_1379 : vector<16xf32> to vector<1x1x16xf32>
      tpu.vector_store %arg12[%swap3A_1380, %swap3A_1381, %swap3A_1382], %swap3A_1385 {strides = array<i32>} : memref<2x128x64xf32, #tpu.memory_space<vmem>>, vector<1x1x16xf32>,
      %mul3A_1386 = arith.mulf %bitcast_convert_type3A_1368, %get3A_4 : vector<16xf32>
      %mul3A_1387 = arith.mulf %bitcast_convert_type3A_1376, %get3A_7 : vector<16xf32>
      %add3A_1388 = arith.addf %mul3A_1386, %mul3A_1387 : vector<16xf32>
      %swap3A_1389 = arith.constant 1 : i32
      %swap3A_1390 = arith.index_cast %swap3A_1389 : i32 to index
      %swap3A_1391 = arith.index_cast %scan3A_1349 : i32 to index
      %swap3A_1392 = arith.constant 32 : index
      %swap3A_1393 = tpu.vector_load %arg12[%swap3A_1390, %swap3A_1391, %swap3A_1392] {strides = array<i32>} : memref<2x128x64xf32, #tpu.memory_space<vmem>>, vector<1x1x16xf32>,
      %swap3A_1394 = vector.shape_cast %swap3A_1393 : vector<1x1x16xf32> to vector<16xf32>
      %swap3A_1395 = vector.shape_cast %add3A_1388 : vector<16xf32> to vector<1x1x16xf32>
      tpu.vector_store %arg12[%swap3A_1390, %swap3A_1391, %swap3A_1392], %swap3A_1395 {strides = array<i32>} : memref<2x128x64xf32, #tpu.memory_space<vmem>>, vector<1x1x16xf32>,
      %get3A_1396 = arith.constant 1 : i32
      %get3A_1397 = arith.index_cast %get3A_1396 : i32 to index
      %get3A_1398 = arith.index_cast %scan3A_1349 : i32 to index
      %get3A_1399 = arith.constant 16 : index
      %get3A_1400 = tpu.vector_load %arg10[%get3A_1397, %get3A_1398, %get3A_1399] {strides = array<i32>} : memref<2x128x32xf32, #tpu.memory_space<vmem>>, vector<1x1x16xf32>,
      %get3A_1401 = vector.shape_cast %get3A_1400 : vector<1x1x16xf32> to vector<16xf32>
      %bitcast_convert_type3A_1402 = tpu.bitcast %get3A_1401 : vector<16xf32> -> vector<16xi32>
      %get3A_1403 = arith.constant 1 : i32
      %get3A_1404 = arith.index_cast %get3A_1403 : i32 to index
      %get3A_1405 = arith.index_cast %scan3A_1349 : i32 to index
      %get3A_1406 = arith.constant 16 : index
      %get3A_1407 = tpu.vector_load %arg11[%get3A_1404, %get3A_1405, %get3A_1406] {strides = array<i32>} : memref<2x128x32xf32, #tpu.memory_space<vmem>>, vector<1x1x16xf32>,
      %get3A_1408 = vector.shape_cast %get3A_1407 : vector<1x1x16xf32> to vector<16xf32>
      %bitcast_convert_type3A_1409 = tpu.bitcast %get3A_1408 : vector<16xf32> -> vector<16xi32>
      %shift_left3A_1410 = arith.constant 16 : i32
      %shift_left3A_1411 = vector.broadcast %shift_left3A_1410 : i32 to vector<16xi32>
      %shift_left3A_1412 = arith.shli %bitcast_convert_type3A_1402, %shift_left3A_1411 : vector<16xi32>
      %bitcast_convert_type3A_1413 = tpu.bitcast %shift_left3A_1412 : vector<16xi32> -> vector<16xf32>
      %and3A_1414 = arith.constant -65536 : i32
      %and3A_1415 = vector.broadcast %and3A_1414 : i32 to vector<16xi32>
      %and3A_1416 = arith.andi %bitcast_convert_type3A_1402, %and3A_1415 : vector<16xi32>
      %bitcast_convert_type3A_1417 = tpu.bitcast %and3A_1416 : vector<16xi32> -> vector<16xf32>
      %shift_left3A_1418 = arith.constant 16 : i32
      %shift_left3A_1419 = vector.broadcast %shift_left3A_1418 : i32 to vector<16xi32>
      %shift_left3A_1420 = arith.shli %bitcast_convert_type3A_1409, %shift_left3A_1419 : vector<16xi32>
      %bitcast_convert_type3A_1421 = tpu.bitcast %shift_left3A_1420 : vector<16xi32> -> vector<16xf32>
      %and3A_1422 = arith.constant -65536 : i32
      %and3A_1423 = vector.broadcast %and3A_1422 : i32 to vector<16xi32>
      %and3A_1424 = arith.andi %bitcast_convert_type3A_1409, %and3A_1423 : vector<16xi32>
      %bitcast_convert_type3A_1425 = tpu.bitcast %and3A_1424 : vector<16xi32> -> vector<16xf32>
      %mul3A_1426 = arith.mulf %bitcast_convert_type3A_1413, %get3A_4 : vector<16xf32>
      %mul3A_1427 = arith.mulf %bitcast_convert_type3A_1421, %get3A_7 : vector<16xf32>
      %add3A_1428 = arith.addf %mul3A_1426, %mul3A_1427 : vector<16xf32>
      %swap3A_1429 = arith.constant 1 : i32
      %swap3A_1430 = arith.index_cast %swap3A_1429 : i32 to index
      %swap3A_1431 = arith.index_cast %scan3A_1349 : i32 to index
      %swap3A_1432 = arith.constant 16 : index
      %swap3A_1433 = tpu.vector_load %arg12[%swap3A_1430, %swap3A_1431, %swap3A_1432] {strides = array<i32>} : memref<2x128x64xf32, #tpu.memory_space<vmem>>, vector<1x1x16xf32>,
      %swap3A_1434 = vector.shape_cast %swap3A_1433 : vector<1x1x16xf32> to vector<16xf32>
      %swap3A_1435 = vector.shape_cast %add3A_1428 : vector<16xf32> to vector<1x1x16xf32>
      tpu.vector_store %arg12[%swap3A_1430, %swap3A_1431, %swap3A_1432], %swap3A_1435 {strides = array<i32>} : memref<2x128x64xf32, #tpu.memory_space<vmem>>, vector<1x1x16xf32>,
      %mul3A_1436 = arith.mulf %bitcast_convert_type3A_1417, %get3A_4 : vector<16xf32>
      %mul3A_1437 = arith.mulf %bitcast_convert_type3A_1425, %get3A_7 : vector<16xf32>
      %add3A_1438 = arith.addf %mul3A_1436, %mul3A_1437 : vector<16xf32>
      %swap3A_1439 = arith.constant 1 : i32
      %swap3A_1440 = arith.index_cast %swap3A_1439 : i32 to index
      %swap3A_1441 = arith.index_cast %scan3A_1349 : i32 to index
      %swap3A_1442 = arith.constant 48 : index
      %swap3A_1443 = tpu.vector_load %arg12[%swap3A_1440, %swap3A_1441, %swap3A_1442] {strides = array<i32>} : memref<2x128x64xf32, #tpu.memory_space<vmem>>, vector<1x1x16xf32>,
      %swap3A_1444 = vector.shape_cast %swap3A_1443 : vector<1x1x16xf32> to vector<16xf32>
      %swap3A_1445 = vector.shape_cast %add3A_1438 : vector<16xf32> to vector<1x1x16xf32>
      tpu.vector_store %arg12[%swap3A_1440, %swap3A_1441, %swap3A_1442], %swap3A_1445 {strides = array<i32>} : memref<2x128x64xf32, #tpu.memory_space<vmem>>, vector<1x1x16xf32>,
    }
    %scan3A_825 = arith.constant 128 : i32
    %mul3A_826 = arith.constant 2048 : i32
    %mul3A_827 = arith.muli %add3A, %mul3A_826 : i32
    %add3A_828 = arith.constant 1152 : i32
    %add3A_829 = arith.addi %mul3A_827, %add3A_828 : i32
    %dma_start3A_830 = arith.constant 1 : i32
    %dma_start3A_831 = arith.constant 0 : i32
    %dma_start3A_832 = arith.constant 0 : i32
    %dma_start3A_833 = tpu.memref_slice %arg12[%dma_start3A_830, %dma_start3A_831, %dma_start3A_832] : memref<2x128x64xf32, #tpu.memory_space<vmem>> -> memref<1x128x64xf32, #tpu.memory_space<vmem>>
    %dma_start3A_834 = tpu.memref_squeeze %dma_start3A_833 : memref<1x128x64xf32, #tpu.memory_space<vmem>> -> memref<128x64xf32, #tpu.memory_space<vmem>>
    %dma_start3A_835 = arith.constant 0 : i32
    %dma_start3A_836 = tpu.memref_slice %arg7[%add3A_829, %dma_start3A_835] : memref<65536x64xf32, #tpu.memory_space<hbm>> -> memref<128x64xf32, #tpu.memory_space<hbm>>
    %dma_start3A_837 = arith.constant 0 : i32
    %dma_start3A_838 = tpu.memref_slice %arg7[%add3A_829, %dma_start3A_837] : memref<65536x64xf32, #tpu.memory_space<hbm>> -> memref<128x64xf32, #tpu.memory_space<hbm>>
    %dma_start3A_839 = arith.constant 0 : i32
    %dma_start3A_840 = arith.constant 0 : i32
    %dma_start3A_841 = tpu.memref_slice %arg12[%dma_start3A_830, %dma_start3A_839, %dma_start3A_840] : memref<2x128x64xf32, #tpu.memory_space<vmem>> -> memref<1x128x64xf32, #tpu.memory_space<vmem>>
    %dma_start3A_842 = tpu.memref_squeeze %dma_start3A_841 : memref<1x128x64xf32, #tpu.memory_space<vmem>> -> memref<128x64xf32, #tpu.memory_space<vmem>>
    tpu.enqueue_dma source(%dma_start3A_842 : memref<128x64xf32, #tpu.memory_space<vmem>>) target(%dma_start3A_838 : memref<128x64xf32, #tpu.memory_space<hbm>>) target_semaphore(%arg18 : memref<!tpu.dma_semaphore, #tpu.memory_space<semaphore_mem>>)
    %dma_start3A_843 = arith.constant 11 : i32
    %dma_start3A_844 = arith.constant 1 : i32
    %dma_start3A_845 = arith.constant 0 : i32
    %dma_start3A_846 = arith.constant 0 : i32
    %dma_start3A_847 = tpu.memref_slice %arg10[%dma_start3A_844, %dma_start3A_845, %dma_start3A_846] : memref<2x128x32xf32, #tpu.memory_space<vmem>> -> memref<1x128x32xf32, #tpu.memory_space<vmem>>
    %dma_start3A_848 = tpu.memref_squeeze %dma_start3A_847 : memref<1x128x32xf32, #tpu.memory_space<vmem>> -> memref<128x32xf32, #tpu.memory_space<vmem>>
    %dma_start3A_849 = arith.constant 0 : i32
    %dma_start3A_850 = tpu.memref_slice %arg8[%dma_start3A_843, %dma_start3A_849] : memref<16x128xi32, #tpu.memory_space<vmem>> -> memref<1x128xi32, #tpu.memory_space<vmem>>
    %dma_start3A_851 = tpu.memref_squeeze %dma_start3A_850 : memref<1x128xi32, #tpu.memory_space<vmem>> -> memref<128xi32, #tpu.memory_space<vmem>>
    %dma_start3A_852 = arith.constant 0 : i32
    %dma_start3A_853 = arith.constant 0 : i32
    %dma_start3A_854 = tpu.memref_slice %arg2[%dma_start3A_852, %dma_start3A_853] : memref<65536x32xf32, #tpu.memory_space<hbm>> -> memref<65536x32xf32, #tpu.memory_space<hbm>>
    tpu.enqueue_indirect_dma source(%dma_start3A_854 : memref<65536x32xf32, #tpu.memory_space<hbm>>) target(%dma_start3A_848 : memref<128x32xf32, #tpu.memory_space<vmem>>) offsets(%dma_start3A_851 : memref<128xi32, #tpu.memory_space<vmem>>) semaphore(%arg16 : memref<!tpu.dma_semaphore, #tpu.memory_space<semaphore_mem>>)
    %dma_start3A_855 = arith.constant 11 : i32
    %dma_start3A_856 = arith.constant 1 : i32
    %dma_start3A_857 = arith.constant 0 : i32
    %dma_start3A_858 = arith.constant 0 : i32
    %dma_start3A_859 = tpu.memref_slice %arg11[%dma_start3A_856, %dma_start3A_857, %dma_start3A_858] : memref<2x128x32xf32, #tpu.memory_space<vmem>> -> memref<1x128x32xf32, #tpu.memory_space<vmem>>
    %dma_start3A_860 = tpu.memref_squeeze %dma_start3A_859 : memref<1x128x32xf32, #tpu.memory_space<vmem>> -> memref<128x32xf32, #tpu.memory_space<vmem>>
    %dma_start3A_861 = arith.constant 0 : i32
    %dma_start3A_862 = tpu.memref_slice %arg9[%dma_start3A_855, %dma_start3A_861] : memref<16x128xi32, #tpu.memory_space<vmem>> -> memref<1x128xi32, #tpu.memory_space<vmem>>
    %dma_start3A_863 = tpu.memref_squeeze %dma_start3A_862 : memref<1x128xi32, #tpu.memory_space<vmem>> -> memref<128xi32, #tpu.memory_space<vmem>>
    %dma_start3A_864 = arith.constant 0 : i32
    %dma_start3A_865 = arith.constant 0 : i32
    %dma_start3A_866 = tpu.memref_slice %arg2[%dma_start3A_864, %dma_start3A_865] : memref<65536x32xf32, #tpu.memory_space<hbm>> -> memref<65536x32xf32, #tpu.memory_space<hbm>>
    tpu.enqueue_indirect_dma source(%dma_start3A_866 : memref<65536x32xf32, #tpu.memory_space<hbm>>) target(%dma_start3A_860 : memref<128x32xf32, #tpu.memory_space<vmem>>) offsets(%dma_start3A_863 : memref<128xi32, #tpu.memory_space<vmem>>) semaphore(%arg16 : memref<!tpu.dma_semaphore, #tpu.memory_space<semaphore_mem>>)
    %dma_wait3A_867 = arith.constant 10 : i32
    %dma_wait3A_868 = arith.constant 0 : i32
    %dma_wait3A_869 = arith.constant 0 : i32
    %dma_wait3A_870 = arith.constant 0 : i32
    %dma_wait3A_871 = tpu.memref_slice %arg10[%dma_wait3A_868, %dma_wait3A_869, %dma_wait3A_870] : memref<2x128x32xf32, #tpu.memory_space<vmem>> -> memref<1x128x32xf32, #tpu.memory_space<vmem>>
    %dma_wait3A_872 = tpu.memref_squeeze %dma_wait3A_871 : memref<1x128x32xf32, #tpu.memory_space<vmem>> -> memref<128x32xf32, #tpu.memory_space<vmem>>
    %dma_wait3A_873 = arith.constant 0 : i32
    %dma_wait3A_874 = tpu.memref_slice %arg8[%dma_wait3A_867, %dma_wait3A_873] : memref<16x128xi32, #tpu.memory_space<vmem>> -> memref<1x128xi32, #tpu.memory_space<vmem>>
    %dma_wait3A_875 = tpu.memref_squeeze %dma_wait3A_874 : memref<1x128xi32, #tpu.memory_space<vmem>> -> memref<128xi32, #tpu.memory_space<vmem>>
    %dma_wait3A_876 = arith.constant 0 : i32
    %dma_wait3A_877 = arith.constant 0 : i32
    %dma_wait3A_878 = tpu.memref_slice %arg2[%dma_wait3A_876, %dma_wait3A_877] : memref<65536x32xf32, #tpu.memory_space<hbm>> -> memref<65536x32xf32, #tpu.memory_space<hbm>>
    tpu.wait_indirect_dma semaphore(%arg15 : memref<!tpu.dma_semaphore, #tpu.memory_space<semaphore_mem>>) src(%dma_wait3A_878 : memref<65536x32xf32, #tpu.memory_space<hbm>>) dst(%dma_wait3A_872 : memref<128x32xf32, #tpu.memory_space<vmem>>)
    %dma_wait3A_879 = arith.constant 10 : i32
    %dma_wait3A_880 = arith.constant 0 : i32
    %dma_wait3A_881 = arith.constant 0 : i32
    %dma_wait3A_882 = arith.constant 0 : i32
    %dma_wait3A_883 = tpu.memref_slice %arg11[%dma_wait3A_880, %dma_wait3A_881, %dma_wait3A_882] : memref<2x128x32xf32, #tpu.memory_space<vmem>> -> memref<1x128x32xf32, #tpu.memory_space<vmem>>
    %dma_wait3A_884 = tpu.memref_squeeze %dma_wait3A_883 : memref<1x128x32xf32, #tpu.memory_space<vmem>> -> memref<128x32xf32, #tpu.memory_space<vmem>>
    %dma_wait3A_885 = arith.constant 0 : i32
    %dma_wait3A_886 = tpu.memref_slice %arg9[%dma_wait3A_879, %dma_wait3A_885] : memref<16x128xi32, #tpu.memory_space<vmem>> -> memref<1x128xi32, #tpu.memory_space<vmem>>
    %dma_wait3A_887 = tpu.memref_squeeze %dma_wait3A_886 : memref<1x128xi32, #tpu.memory_space<vmem>> -> memref<128xi32, #tpu.memory_space<vmem>>
    %dma_wait3A_888 = arith.constant 0 : i32
    %dma_wait3A_889 = arith.constant 0 : i32
    %dma_wait3A_890 = tpu.memref_slice %arg2[%dma_wait3A_888, %dma_wait3A_889] : memref<65536x32xf32, #tpu.memory_space<hbm>> -> memref<65536x32xf32, #tpu.memory_space<hbm>>
    tpu.wait_indirect_dma semaphore(%arg15 : memref<!tpu.dma_semaphore, #tpu.memory_space<semaphore_mem>>) src(%dma_wait3A_890 : memref<65536x32xf32, #tpu.memory_space<hbm>>) dst(%dma_wait3A_884 : memref<128x32xf32, #tpu.memory_space<vmem>>)
    %dma_wait3A_891 = arith.constant 0 : i32
    %dma_wait3A_892 = arith.constant 0 : i32
    %dma_wait3A_893 = arith.constant 0 : i32
    %dma_wait3A_894 = tpu.memref_slice %arg12[%dma_wait3A_891, %dma_wait3A_892, %dma_wait3A_893] : memref<2x128x64xf32, #tpu.memory_space<vmem>> -> memref<1x128x64xf32, #tpu.memory_space<vmem>>
    %dma_wait3A_895 = tpu.memref_squeeze %dma_wait3A_894 : memref<1x128x64xf32, #tpu.memory_space<vmem>> -> memref<128x64xf32, #tpu.memory_space<vmem>>
    %dma_wait3A_896 = arith.constant 0 : i32
    %dma_wait3A_897 = tpu.memref_slice %arg7[%add3A_745, %dma_wait3A_896] : memref<65536x64xf32, #tpu.memory_space<hbm>> -> memref<128x64xf32, #tpu.memory_space<hbm>>
    %dma_wait3A_898 = arith.constant 0 : i32
    %dma_wait3A_899 = tpu.memref_slice %arg7[%add3A_745, %dma_wait3A_898] : memref<65536x64xf32, #tpu.memory_space<hbm>> -> memref<128x64xf32, #tpu.memory_space<hbm>>
    %dma_wait3A_900 = arith.constant 0 : i32
    %dma_wait3A_901 = arith.constant 0 : i32
    %dma_wait3A_902 = tpu.memref_slice %arg12[%dma_wait3A_891, %dma_wait3A_900, %dma_wait3A_901] : memref<2x128x64xf32, #tpu.memory_space<vmem>> -> memref<1x128x64xf32, #tpu.memory_space<vmem>>
    %dma_wait3A_903 = tpu.memref_squeeze %dma_wait3A_902 : memref<1x128x64xf32, #tpu.memory_space<vmem>> -> memref<128x64xf32, #tpu.memory_space<vmem>>
    tpu.wait_dma2 semaphore(%arg17 : memref<!tpu.dma_semaphore, #tpu.memory_space<semaphore_mem>>) src(%dma_wait3A_903 : memref<128x64xf32, #tpu.memory_space<vmem>>) dst(%dma_wait3A_899 : memref<128x64xf32, #tpu.memory_space<hbm>>)
    %scan3A_904 = arith.constant 0 : i32
    %scan3A_905 = arith.constant 0 : i32
    %scan3A_906 = arith.constant 128 : i32
    %scan3A_907 = arith.addi %scan3A_905, %scan3A_906 : i32
    %scan3A_908 = arith.constant 1 : i32
    scf.for %scan3A_1349 = %scan3A_905 to %scan3A_907 step %scan3A_908  : i32 {
      %get3A_1350 = arith.constant 0 : i32
      %get3A_1351 = arith.index_cast %get3A_1350 : i32 to index
      %get3A_1352 = arith.index_cast %scan3A_1349 : i32 to index
      %get3A_1353 = arith.constant 0 : index
      %get3A_1354 = tpu.vector_load %arg10[%get3A_1351, %get3A_1352, %get3A_1353] {strides = array<i32>} : memref<2x128x32xf32, #tpu.memory_space<vmem>>, vector<1x1x16xf32>,
      %get3A_1355 = vector.shape_cast %get3A_1354 : vector<1x1x16xf32> to vector<16xf32>
      %bitcast_convert_type3A = tpu.bitcast %get3A_1355 : vector<16xf32> -> vector<16xi32>
      %get3A_1356 = arith.constant 0 : i32
      %get3A_1357 = arith.index_cast %get3A_1356 : i32 to index
      %get3A_1358 = arith.index_cast %scan3A_1349 : i32 to index
      %get3A_1359 = arith.constant 0 : index
      %get3A_1360 = tpu.vector_load %arg11[%get3A_1357, %get3A_1358, %get3A_1359] {strides = array<i32>} : memref<2x128x32xf32, #tpu.memory_space<vmem>>, vector<1x1x16xf32>,
      %get3A_1361 = vector.shape_cast %get3A_1360 : vector<1x1x16xf32> to vector<16xf32>
      %bitcast_convert_type3A_1362 = tpu.bitcast %get3A_1361 : vector<16xf32> -> vector<16xi32>
      %shift_left3A = arith.constant 16 : i32
      %shift_left3A_1363 = vector.broadcast %shift_left3A : i32 to vector<16xi32>
      %shift_left3A_1364 = arith.shli %bitcast_convert_type3A, %shift_left3A_1363 : vector<16xi32>
      %bitcast_convert_type3A_1365 = tpu.bitcast %shift_left3A_1364 : vector<16xi32> -> vector<16xf32>
      %and3A = arith.constant -65536 : i32
      %and3A_1366 = vector.broadcast %and3A : i32 to vector<16xi32>
      %and3A_1367 = arith.andi %bitcast_convert_type3A, %and3A_1366 : vector<16xi32>
      %bitcast_convert_type3A_1368 = tpu.bitcast %and3A_1367 : vector<16xi32> -> vector<16xf32>
      %shift_left3A_1369 = arith.constant 16 : i32
      %shift_left3A_1370 = vector.broadcast %shift_left3A_1369 : i32 to vector<16xi32>
      %shift_left3A_1371 = arith.shli %bitcast_convert_type3A_1362, %shift_left3A_1370 : vector<16xi32>
      %bitcast_convert_type3A_1372 = tpu.bitcast %shift_left3A_1371 : vector<16xi32> -> vector<16xf32>
      %and3A_1373 = arith.constant -65536 : i32
      %and3A_1374 = vector.broadcast %and3A_1373 : i32 to vector<16xi32>
      %and3A_1375 = arith.andi %bitcast_convert_type3A_1362, %and3A_1374 : vector<16xi32>
      %bitcast_convert_type3A_1376 = tpu.bitcast %and3A_1375 : vector<16xi32> -> vector<16xf32>
      %mul3A_1377 = arith.mulf %bitcast_convert_type3A_1365, %get3A_4 : vector<16xf32>
      %mul3A_1378 = arith.mulf %bitcast_convert_type3A_1372, %get3A_7 : vector<16xf32>
      %add3A_1379 = arith.addf %mul3A_1377, %mul3A_1378 : vector<16xf32>
      %swap3A = arith.constant 0 : i32
      %swap3A_1380 = arith.index_cast %swap3A : i32 to index
      %swap3A_1381 = arith.index_cast %scan3A_1349 : i32 to index
      %swap3A_1382 = arith.constant 0 : index
      %swap3A_1383 = tpu.vector_load %arg12[%swap3A_1380, %swap3A_1381, %swap3A_1382] {strides = array<i32>} : memref<2x128x64xf32, #tpu.memory_space<vmem>>, vector<1x1x16xf32>,
      %swap3A_1384 = vector.shape_cast %swap3A_1383 : vector<1x1x16xf32> to vector<16xf32>
      %swap3A_1385 = vector.shape_cast %add3A_1379 : vector<16xf32> to vector<1x1x16xf32>
      tpu.vector_store %arg12[%swap3A_1380, %swap3A_1381, %swap3A_1382], %swap3A_1385 {strides = array<i32>} : memref<2x128x64xf32, #tpu.memory_space<vmem>>, vector<1x1x16xf32>,
      %mul3A_1386 = arith.mulf %bitcast_convert_type3A_1368, %get3A_4 : vector<16xf32>
      %mul3A_1387 = arith.mulf %bitcast_convert_type3A_1376, %get3A_7 : vector<16xf32>
      %add3A_1388 = arith.addf %mul3A_1386, %mul3A_1387 : vector<16xf32>
      %swap3A_1389 = arith.constant 0 : i32
      %swap3A_1390 = arith.index_cast %swap3A_1389 : i32 to index
      %swap3A_1391 = arith.index_cast %scan3A_1349 : i32 to index
      %swap3A_1392 = arith.constant 32 : index
      %swap3A_1393 = tpu.vector_load %arg12[%swap3A_1390, %swap3A_1391, %swap3A_1392] {strides = array<i32>} : memref<2x128x64xf32, #tpu.memory_space<vmem>>, vector<1x1x16xf32>,
      %swap3A_1394 = vector.shape_cast %swap3A_1393 : vector<1x1x16xf32> to vector<16xf32>
      %swap3A_1395 = vector.shape_cast %add3A_1388 : vector<16xf32> to vector<1x1x16xf32>
      tpu.vector_store %arg12[%swap3A_1390, %swap3A_1391, %swap3A_1392], %swap3A_1395 {strides = array<i32>} : memref<2x128x64xf32, #tpu.memory_space<vmem>>, vector<1x1x16xf32>,
      %get3A_1396 = arith.constant 0 : i32
      %get3A_1397 = arith.index_cast %get3A_1396 : i32 to index
      %get3A_1398 = arith.index_cast %scan3A_1349 : i32 to index
      %get3A_1399 = arith.constant 16 : index
      %get3A_1400 = tpu.vector_load %arg10[%get3A_1397, %get3A_1398, %get3A_1399] {strides = array<i32>} : memref<2x128x32xf32, #tpu.memory_space<vmem>>, vector<1x1x16xf32>,
      %get3A_1401 = vector.shape_cast %get3A_1400 : vector<1x1x16xf32> to vector<16xf32>
      %bitcast_convert_type3A_1402 = tpu.bitcast %get3A_1401 : vector<16xf32> -> vector<16xi32>
      %get3A_1403 = arith.constant 0 : i32
      %get3A_1404 = arith.index_cast %get3A_1403 : i32 to index
      %get3A_1405 = arith.index_cast %scan3A_1349 : i32 to index
      %get3A_1406 = arith.constant 16 : index
      %get3A_1407 = tpu.vector_load %arg11[%get3A_1404, %get3A_1405, %get3A_1406] {strides = array<i32>} : memref<2x128x32xf32, #tpu.memory_space<vmem>>, vector<1x1x16xf32>,
      %get3A_1408 = vector.shape_cast %get3A_1407 : vector<1x1x16xf32> to vector<16xf32>
      %bitcast_convert_type3A_1409 = tpu.bitcast %get3A_1408 : vector<16xf32> -> vector<16xi32>
      %shift_left3A_1410 = arith.constant 16 : i32
      %shift_left3A_1411 = vector.broadcast %shift_left3A_1410 : i32 to vector<16xi32>
      %shift_left3A_1412 = arith.shli %bitcast_convert_type3A_1402, %shift_left3A_1411 : vector<16xi32>
      %bitcast_convert_type3A_1413 = tpu.bitcast %shift_left3A_1412 : vector<16xi32> -> vector<16xf32>
      %and3A_1414 = arith.constant -65536 : i32
      %and3A_1415 = vector.broadcast %and3A_1414 : i32 to vector<16xi32>
      %and3A_1416 = arith.andi %bitcast_convert_type3A_1402, %and3A_1415 : vector<16xi32>
      %bitcast_convert_type3A_1417 = tpu.bitcast %and3A_1416 : vector<16xi32> -> vector<16xf32>
      %shift_left3A_1418 = arith.constant 16 : i32
      %shift_left3A_1419 = vector.broadcast %shift_left3A_1418 : i32 to vector<16xi32>
      %shift_left3A_1420 = arith.shli %bitcast_convert_type3A_1409, %shift_left3A_1419 : vector<16xi32>
      %bitcast_convert_type3A_1421 = tpu.bitcast %shift_left3A_1420 : vector<16xi32> -> vector<16xf32>
      %and3A_1422 = arith.constant -65536 : i32
      %and3A_1423 = vector.broadcast %and3A_1422 : i32 to vector<16xi32>
      %and3A_1424 = arith.andi %bitcast_convert_type3A_1409, %and3A_1423 : vector<16xi32>
      %bitcast_convert_type3A_1425 = tpu.bitcast %and3A_1424 : vector<16xi32> -> vector<16xf32>
      %mul3A_1426 = arith.mulf %bitcast_convert_type3A_1413, %get3A_4 : vector<16xf32>
      %mul3A_1427 = arith.mulf %bitcast_convert_type3A_1421, %get3A_7 : vector<16xf32>
      %add3A_1428 = arith.addf %mul3A_1426, %mul3A_1427 : vector<16xf32>
      %swap3A_1429 = arith.constant 0 : i32
      %swap3A_1430 = arith.index_cast %swap3A_1429 : i32 to index
      %swap3A_1431 = arith.index_cast %scan3A_1349 : i32 to index
      %swap3A_1432 = arith.constant 16 : index
      %swap3A_1433 = tpu.vector_load %arg12[%swap3A_1430, %swap3A_1431, %swap3A_1432] {strides = array<i32>} : memref<2x128x64xf32, #tpu.memory_space<vmem>>, vector<1x1x16xf32>,
      %swap3A_1434 = vector.shape_cast %swap3A_1433 : vector<1x1x16xf32> to vector<16xf32>
      %swap3A_1435 = vector.shape_cast %add3A_1428 : vector<16xf32> to vector<1x1x16xf32>
      tpu.vector_store %arg12[%swap3A_1430, %swap3A_1431, %swap3A_1432], %swap3A_1435 {strides = array<i32>} : memref<2x128x64xf32, #tpu.memory_space<vmem>>, vector<1x1x16xf32>,
      %mul3A_1436 = arith.mulf %bitcast_convert_type3A_1417, %get3A_4 : vector<16xf32>
      %mul3A_1437 = arith.mulf %bitcast_convert_type3A_1425, %get3A_7 : vector<16xf32>
      %add3A_1438 = arith.addf %mul3A_1436, %mul3A_1437 : vector<16xf32>
      %swap3A_1439 = arith.constant 0 : i32
      %swap3A_1440 = arith.index_cast %swap3A_1439 : i32 to index
      %swap3A_1441 = arith.index_cast %scan3A_1349 : i32 to index
      %swap3A_1442 = arith.constant 48 : index
      %swap3A_1443 = tpu.vector_load %arg12[%swap3A_1440, %swap3A_1441, %swap3A_1442] {strides = array<i32>} : memref<2x128x64xf32, #tpu.memory_space<vmem>>, vector<1x1x16xf32>,
      %swap3A_1444 = vector.shape_cast %swap3A_1443 : vector<1x1x16xf32> to vector<16xf32>
      %swap3A_1445 = vector.shape_cast %add3A_1438 : vector<16xf32> to vector<1x1x16xf32>
      tpu.vector_store %arg12[%swap3A_1440, %swap3A_1441, %swap3A_1442], %swap3A_1445 {strides = array<i32>} : memref<2x128x64xf32, #tpu.memory_space<vmem>>, vector<1x1x16xf32>,
    }
    %scan3A_909 = arith.constant 128 : i32
    %mul3A_910 = arith.constant 2048 : i32
    %mul3A_911 = arith.muli %add3A, %mul3A_910 : i32
    %add3A_912 = arith.constant 1280 : i32
    %add3A_913 = arith.addi %mul3A_911, %add3A_912 : i32
    %dma_start3A_914 = arith.constant 0 : i32
    %dma_start3A_915 = arith.constant 0 : i32
    %dma_start3A_916 = arith.constant 0 : i32
    %dma_start3A_917 = tpu.memref_slice %arg12[%dma_start3A_914, %dma_start3A_915, %dma_start3A_916] : memref<2x128x64xf32, #tpu.memory_space<vmem>> -> memref<1x128x64xf32, #tpu.memory_space<vmem>>
    %dma_start3A_918 = tpu.memref_squeeze %dma_start3A_917 : memref<1x128x64xf32, #tpu.memory_space<vmem>> -> memref<128x64xf32, #tpu.memory_space<vmem>>
    %dma_start3A_919 = arith.constant 0 : i32
    %dma_start3A_920 = tpu.memref_slice %arg7[%add3A_913, %dma_start3A_919] : memref<65536x64xf32, #tpu.memory_space<hbm>> -> memref<128x64xf32, #tpu.memory_space<hbm>>
    %dma_start3A_921 = arith.constant 0 : i32
    %dma_start3A_922 = tpu.memref_slice %arg7[%add3A_913, %dma_start3A_921] : memref<65536x64xf32, #tpu.memory_space<hbm>> -> memref<128x64xf32, #tpu.memory_space<hbm>>
    %dma_start3A_923 = arith.constant 0 : i32
    %dma_start3A_924 = arith.constant 0 : i32
    %dma_start3A_925 = tpu.memref_slice %arg12[%dma_start3A_914, %dma_start3A_923, %dma_start3A_924] : memref<2x128x64xf32, #tpu.memory_space<vmem>> -> memref<1x128x64xf32, #tpu.memory_space<vmem>>
    %dma_start3A_926 = tpu.memref_squeeze %dma_start3A_925 : memref<1x128x64xf32, #tpu.memory_space<vmem>> -> memref<128x64xf32, #tpu.memory_space<vmem>>
    tpu.enqueue_dma source(%dma_start3A_926 : memref<128x64xf32, #tpu.memory_space<vmem>>) target(%dma_start3A_922 : memref<128x64xf32, #tpu.memory_space<hbm>>) target_semaphore(%arg17 : memref<!tpu.dma_semaphore, #tpu.memory_space<semaphore_mem>>)
    %dma_start3A_927 = arith.constant 12 : i32
    %dma_start3A_928 = arith.constant 0 : i32
    %dma_start3A_929 = arith.constant 0 : i32
    %dma_start3A_930 = arith.constant 0 : i32
    %dma_start3A_931 = tpu.memref_slice %arg10[%dma_start3A_928, %dma_start3A_929, %dma_start3A_930] : memref<2x128x32xf32, #tpu.memory_space<vmem>> -> memref<1x128x32xf32, #tpu.memory_space<vmem>>
    %dma_start3A_932 = tpu.memref_squeeze %dma_start3A_931 : memref<1x128x32xf32, #tpu.memory_space<vmem>> -> memref<128x32xf32, #tpu.memory_space<vmem>>
    %dma_start3A_933 = arith.constant 0 : i32
    %dma_start3A_934 = tpu.memref_slice %arg8[%dma_start3A_927, %dma_start3A_933] : memref<16x128xi32, #tpu.memory_space<vmem>> -> memref<1x128xi32, #tpu.memory_space<vmem>>
    %dma_start3A_935 = tpu.memref_squeeze %dma_start3A_934 : memref<1x128xi32, #tpu.memory_space<vmem>> -> memref<128xi32, #tpu.memory_space<vmem>>
    %dma_start3A_936 = arith.constant 0 : i32
    %dma_start3A_937 = arith.constant 0 : i32
    %dma_start3A_938 = tpu.memref_slice %arg2[%dma_start3A_936, %dma_start3A_937] : memref<65536x32xf32, #tpu.memory_space<hbm>> -> memref<65536x32xf32, #tpu.memory_space<hbm>>
    tpu.enqueue_indirect_dma source(%dma_start3A_938 : memref<65536x32xf32, #tpu.memory_space<hbm>>) target(%dma_start3A_932 : memref<128x32xf32, #tpu.memory_space<vmem>>) offsets(%dma_start3A_935 : memref<128xi32, #tpu.memory_space<vmem>>) semaphore(%arg15 : memref<!tpu.dma_semaphore, #tpu.memory_space<semaphore_mem>>)
    %dma_start3A_939 = arith.constant 12 : i32
    %dma_start3A_940 = arith.constant 0 : i32
    %dma_start3A_941 = arith.constant 0 : i32
    %dma_start3A_942 = arith.constant 0 : i32
    %dma_start3A_943 = tpu.memref_slice %arg11[%dma_start3A_940, %dma_start3A_941, %dma_start3A_942] : memref<2x128x32xf32, #tpu.memory_space<vmem>> -> memref<1x128x32xf32, #tpu.memory_space<vmem>>
    %dma_start3A_944 = tpu.memref_squeeze %dma_start3A_943 : memref<1x128x32xf32, #tpu.memory_space<vmem>> -> memref<128x32xf32, #tpu.memory_space<vmem>>
    %dma_start3A_945 = arith.constant 0 : i32
    %dma_start3A_946 = tpu.memref_slice %arg9[%dma_start3A_939, %dma_start3A_945] : memref<16x128xi32, #tpu.memory_space<vmem>> -> memref<1x128xi32, #tpu.memory_space<vmem>>
    %dma_start3A_947 = tpu.memref_squeeze %dma_start3A_946 : memref<1x128xi32, #tpu.memory_space<vmem>> -> memref<128xi32, #tpu.memory_space<vmem>>
    %dma_start3A_948 = arith.constant 0 : i32
    %dma_start3A_949 = arith.constant 0 : i32
    %dma_start3A_950 = tpu.memref_slice %arg2[%dma_start3A_948, %dma_start3A_949] : memref<65536x32xf32, #tpu.memory_space<hbm>> -> memref<65536x32xf32, #tpu.memory_space<hbm>>
    tpu.enqueue_indirect_dma source(%dma_start3A_950 : memref<65536x32xf32, #tpu.memory_space<hbm>>) target(%dma_start3A_944 : memref<128x32xf32, #tpu.memory_space<vmem>>) offsets(%dma_start3A_947 : memref<128xi32, #tpu.memory_space<vmem>>) semaphore(%arg15 : memref<!tpu.dma_semaphore, #tpu.memory_space<semaphore_mem>>)
    %dma_wait3A_951 = arith.constant 11 : i32
    %dma_wait3A_952 = arith.constant 1 : i32
    %dma_wait3A_953 = arith.constant 0 : i32
    %dma_wait3A_954 = arith.constant 0 : i32
    %dma_wait3A_955 = tpu.memref_slice %arg10[%dma_wait3A_952, %dma_wait3A_953, %dma_wait3A_954] : memref<2x128x32xf32, #tpu.memory_space<vmem>> -> memref<1x128x32xf32, #tpu.memory_space<vmem>>
    %dma_wait3A_956 = tpu.memref_squeeze %dma_wait3A_955 : memref<1x128x32xf32, #tpu.memory_space<vmem>> -> memref<128x32xf32, #tpu.memory_space<vmem>>
    %dma_wait3A_957 = arith.constant 0 : i32
    %dma_wait3A_958 = tpu.memref_slice %arg8[%dma_wait3A_951, %dma_wait3A_957] : memref<16x128xi32, #tpu.memory_space<vmem>> -> memref<1x128xi32, #tpu.memory_space<vmem>>
    %dma_wait3A_959 = tpu.memref_squeeze %dma_wait3A_958 : memref<1x128xi32, #tpu.memory_space<vmem>> -> memref<128xi32, #tpu.memory_space<vmem>>
    %dma_wait3A_960 = arith.constant 0 : i32
    %dma_wait3A_961 = arith.constant 0 : i32
    %dma_wait3A_962 = tpu.memref_slice %arg2[%dma_wait3A_960, %dma_wait3A_961] : memref<65536x32xf32, #tpu.memory_space<hbm>> -> memref<65536x32xf32, #tpu.memory_space<hbm>>
    tpu.wait_indirect_dma semaphore(%arg16 : memref<!tpu.dma_semaphore, #tpu.memory_space<semaphore_mem>>) src(%dma_wait3A_962 : memref<65536x32xf32, #tpu.memory_space<hbm>>) dst(%dma_wait3A_956 : memref<128x32xf32, #tpu.memory_space<vmem>>)
    %dma_wait3A_963 = arith.constant 11 : i32
    %dma_wait3A_964 = arith.constant 1 : i32
    %dma_wait3A_965 = arith.constant 0 : i32
    %dma_wait3A_966 = arith.constant 0 : i32
    %dma_wait3A_967 = tpu.memref_slice %arg11[%dma_wait3A_964, %dma_wait3A_965, %dma_wait3A_966] : memref<2x128x32xf32, #tpu.memory_space<vmem>> -> memref<1x128x32xf32, #tpu.memory_space<vmem>>
    %dma_wait3A_968 = tpu.memref_squeeze %dma_wait3A_967 : memref<1x128x32xf32, #tpu.memory_space<vmem>> -> memref<128x32xf32, #tpu.memory_space<vmem>>
    %dma_wait3A_969 = arith.constant 0 : i32
    %dma_wait3A_970 = tpu.memref_slice %arg9[%dma_wait3A_963, %dma_wait3A_969] : memref<16x128xi32, #tpu.memory_space<vmem>> -> memref<1x128xi32, #tpu.memory_space<vmem>>
    %dma_wait3A_971 = tpu.memref_squeeze %dma_wait3A_970 : memref<1x128xi32, #tpu.memory_space<vmem>> -> memref<128xi32, #tpu.memory_space<vmem>>
    %dma_wait3A_972 = arith.constant 0 : i32
    %dma_wait3A_973 = arith.constant 0 : i32
    %dma_wait3A_974 = tpu.memref_slice %arg2[%dma_wait3A_972, %dma_wait3A_973] : memref<65536x32xf32, #tpu.memory_space<hbm>> -> memref<65536x32xf32, #tpu.memory_space<hbm>>
    tpu.wait_indirect_dma semaphore(%arg16 : memref<!tpu.dma_semaphore, #tpu.memory_space<semaphore_mem>>) src(%dma_wait3A_974 : memref<65536x32xf32, #tpu.memory_space<hbm>>) dst(%dma_wait3A_968 : memref<128x32xf32, #tpu.memory_space<vmem>>)
    %dma_wait3A_975 = arith.constant 1 : i32
    %dma_wait3A_976 = arith.constant 0 : i32
    %dma_wait3A_977 = arith.constant 0 : i32
    %dma_wait3A_978 = tpu.memref_slice %arg12[%dma_wait3A_975, %dma_wait3A_976, %dma_wait3A_977] : memref<2x128x64xf32, #tpu.memory_space<vmem>> -> memref<1x128x64xf32, #tpu.memory_space<vmem>>
    %dma_wait3A_979 = tpu.memref_squeeze %dma_wait3A_978 : memref<1x128x64xf32, #tpu.memory_space<vmem>> -> memref<128x64xf32, #tpu.memory_space<vmem>>
    %dma_wait3A_980 = arith.constant 0 : i32
    %dma_wait3A_981 = tpu.memref_slice %arg7[%add3A_829, %dma_wait3A_980] : memref<65536x64xf32, #tpu.memory_space<hbm>> -> memref<128x64xf32, #tpu.memory_space<hbm>>
    %dma_wait3A_982 = arith.constant 0 : i32
    %dma_wait3A_983 = tpu.memref_slice %arg7[%add3A_829, %dma_wait3A_982] : memref<65536x64xf32, #tpu.memory_space<hbm>> -> memref<128x64xf32, #tpu.memory_space<hbm>>
    %dma_wait3A_984 = arith.constant 0 : i32
    %dma_wait3A_985 = arith.constant 0 : i32
    %dma_wait3A_986 = tpu.memref_slice %arg12[%dma_wait3A_975, %dma_wait3A_984, %dma_wait3A_985] : memref<2x128x64xf32, #tpu.memory_space<vmem>> -> memref<1x128x64xf32, #tpu.memory_space<vmem>>
    %dma_wait3A_987 = tpu.memref_squeeze %dma_wait3A_986 : memref<1x128x64xf32, #tpu.memory_space<vmem>> -> memref<128x64xf32, #tpu.memory_space<vmem>>
    tpu.wait_dma2 semaphore(%arg18 : memref<!tpu.dma_semaphore, #tpu.memory_space<semaphore_mem>>) src(%dma_wait3A_987 : memref<128x64xf32, #tpu.memory_space<vmem>>) dst(%dma_wait3A_983 : memref<128x64xf32, #tpu.memory_space<hbm>>)
    %scan3A_988 = arith.constant 0 : i32
    %scan3A_989 = arith.constant 0 : i32
    %scan3A_990 = arith.constant 128 : i32
    %scan3A_991 = arith.addi %scan3A_989, %scan3A_990 : i32
    %scan3A_992 = arith.constant 1 : i32
    scf.for %scan3A_1349 = %scan3A_989 to %scan3A_991 step %scan3A_992  : i32 {
      %get3A_1350 = arith.constant 1 : i32
      %get3A_1351 = arith.index_cast %get3A_1350 : i32 to index
      %get3A_1352 = arith.index_cast %scan3A_1349 : i32 to index
      %get3A_1353 = arith.constant 0 : index
      %get3A_1354 = tpu.vector_load %arg10[%get3A_1351, %get3A_1352, %get3A_1353] {strides = array<i32>} : memref<2x128x32xf32, #tpu.memory_space<vmem>>, vector<1x1x16xf32>,
      %get3A_1355 = vector.shape_cast %get3A_1354 : vector<1x1x16xf32> to vector<16xf32>
      %bitcast_convert_type3A = tpu.bitcast %get3A_1355 : vector<16xf32> -> vector<16xi32>
      %get3A_1356 = arith.constant 1 : i32
      %get3A_1357 = arith.index_cast %get3A_1356 : i32 to index
      %get3A_1358 = arith.index_cast %scan3A_1349 : i32 to index
      %get3A_1359 = arith.constant 0 : index
      %get3A_1360 = tpu.vector_load %arg11[%get3A_1357, %get3A_1358, %get3A_1359] {strides = array<i32>} : memref<2x128x32xf32, #tpu.memory_space<vmem>>, vector<1x1x16xf32>,
      %get3A_1361 = vector.shape_cast %get3A_1360 : vector<1x1x16xf32> to vector<16xf32>
      %bitcast_convert_type3A_1362 = tpu.bitcast %get3A_1361 : vector<16xf32> -> vector<16xi32>
      %shift_left3A = arith.constant 16 : i32
      %shift_left3A_1363 = vector.broadcast %shift_left3A : i32 to vector<16xi32>
      %shift_left3A_1364 = arith.shli %bitcast_convert_type3A, %shift_left3A_1363 : vector<16xi32>
      %bitcast_convert_type3A_1365 = tpu.bitcast %shift_left3A_1364 : vector<16xi32> -> vector<16xf32>
      %and3A = arith.constant -65536 : i32
      %and3A_1366 = vector.broadcast %and3A : i32 to vector<16xi32>
      %and3A_1367 = arith.andi %bitcast_convert_type3A, %and3A_1366 : vector<16xi32>
      %bitcast_convert_type3A_1368 = tpu.bitcast %and3A_1367 : vector<16xi32> -> vector<16xf32>
      %shift_left3A_1369 = arith.constant 16 : i32
      %shift_left3A_1370 = vector.broadcast %shift_left3A_1369 : i32 to vector<16xi32>
      %shift_left3A_1371 = arith.shli %bitcast_convert_type3A_1362, %shift_left3A_1370 : vector<16xi32>
      %bitcast_convert_type3A_1372 = tpu.bitcast %shift_left3A_1371 : vector<16xi32> -> vector<16xf32>
      %and3A_1373 = arith.constant -65536 : i32
      %and3A_1374 = vector.broadcast %and3A_1373 : i32 to vector<16xi32>
      %and3A_1375 = arith.andi %bitcast_convert_type3A_1362, %and3A_1374 : vector<16xi32>
      %bitcast_convert_type3A_1376 = tpu.bitcast %and3A_1375 : vector<16xi32> -> vector<16xf32>
      %mul3A_1377 = arith.mulf %bitcast_convert_type3A_1365, %get3A_4 : vector<16xf32>
      %mul3A_1378 = arith.mulf %bitcast_convert_type3A_1372, %get3A_7 : vector<16xf32>
      %add3A_1379 = arith.addf %mul3A_1377, %mul3A_1378 : vector<16xf32>
      %swap3A = arith.constant 1 : i32
      %swap3A_1380 = arith.index_cast %swap3A : i32 to index
      %swap3A_1381 = arith.index_cast %scan3A_1349 : i32 to index
      %swap3A_1382 = arith.constant 0 : index
      %swap3A_1383 = tpu.vector_load %arg12[%swap3A_1380, %swap3A_1381, %swap3A_1382] {strides = array<i32>} : memref<2x128x64xf32, #tpu.memory_space<vmem>>, vector<1x1x16xf32>,
      %swap3A_1384 = vector.shape_cast %swap3A_1383 : vector<1x1x16xf32> to vector<16xf32>
      %swap3A_1385 = vector.shape_cast %add3A_1379 : vector<16xf32> to vector<1x1x16xf32>
      tpu.vector_store %arg12[%swap3A_1380, %swap3A_1381, %swap3A_1382], %swap3A_1385 {strides = array<i32>} : memref<2x128x64xf32, #tpu.memory_space<vmem>>, vector<1x1x16xf32>,
      %mul3A_1386 = arith.mulf %bitcast_convert_type3A_1368, %get3A_4 : vector<16xf32>
      %mul3A_1387 = arith.mulf %bitcast_convert_type3A_1376, %get3A_7 : vector<16xf32>
      %add3A_1388 = arith.addf %mul3A_1386, %mul3A_1387 : vector<16xf32>
      %swap3A_1389 = arith.constant 1 : i32
      %swap3A_1390 = arith.index_cast %swap3A_1389 : i32 to index
      %swap3A_1391 = arith.index_cast %scan3A_1349 : i32 to index
      %swap3A_1392 = arith.constant 32 : index
      %swap3A_1393 = tpu.vector_load %arg12[%swap3A_1390, %swap3A_1391, %swap3A_1392] {strides = array<i32>} : memref<2x128x64xf32, #tpu.memory_space<vmem>>, vector<1x1x16xf32>,
      %swap3A_1394 = vector.shape_cast %swap3A_1393 : vector<1x1x16xf32> to vector<16xf32>
      %swap3A_1395 = vector.shape_cast %add3A_1388 : vector<16xf32> to vector<1x1x16xf32>
      tpu.vector_store %arg12[%swap3A_1390, %swap3A_1391, %swap3A_1392], %swap3A_1395 {strides = array<i32>} : memref<2x128x64xf32, #tpu.memory_space<vmem>>, vector<1x1x16xf32>,
      %get3A_1396 = arith.constant 1 : i32
      %get3A_1397 = arith.index_cast %get3A_1396 : i32 to index
      %get3A_1398 = arith.index_cast %scan3A_1349 : i32 to index
      %get3A_1399 = arith.constant 16 : index
      %get3A_1400 = tpu.vector_load %arg10[%get3A_1397, %get3A_1398, %get3A_1399] {strides = array<i32>} : memref<2x128x32xf32, #tpu.memory_space<vmem>>, vector<1x1x16xf32>,
      %get3A_1401 = vector.shape_cast %get3A_1400 : vector<1x1x16xf32> to vector<16xf32>
      %bitcast_convert_type3A_1402 = tpu.bitcast %get3A_1401 : vector<16xf32> -> vector<16xi32>
      %get3A_1403 = arith.constant 1 : i32
      %get3A_1404 = arith.index_cast %get3A_1403 : i32 to index
      %get3A_1405 = arith.index_cast %scan3A_1349 : i32 to index
      %get3A_1406 = arith.constant 16 : index
      %get3A_1407 = tpu.vector_load %arg11[%get3A_1404, %get3A_1405, %get3A_1406] {strides = array<i32>} : memref<2x128x32xf32, #tpu.memory_space<vmem>>, vector<1x1x16xf32>,
      %get3A_1408 = vector.shape_cast %get3A_1407 : vector<1x1x16xf32> to vector<16xf32>
      %bitcast_convert_type3A_1409 = tpu.bitcast %get3A_1408 : vector<16xf32> -> vector<16xi32>
      %shift_left3A_1410 = arith.constant 16 : i32
      %shift_left3A_1411 = vector.broadcast %shift_left3A_1410 : i32 to vector<16xi32>
      %shift_left3A_1412 = arith.shli %bitcast_convert_type3A_1402, %shift_left3A_1411 : vector<16xi32>
      %bitcast_convert_type3A_1413 = tpu.bitcast %shift_left3A_1412 : vector<16xi32> -> vector<16xf32>
      %and3A_1414 = arith.constant -65536 : i32
      %and3A_1415 = vector.broadcast %and3A_1414 : i32 to vector<16xi32>
      %and3A_1416 = arith.andi %bitcast_convert_type3A_1402, %and3A_1415 : vector<16xi32>
      %bitcast_convert_type3A_1417 = tpu.bitcast %and3A_1416 : vector<16xi32> -> vector<16xf32>
      %shift_left3A_1418 = arith.constant 16 : i32
      %shift_left3A_1419 = vector.broadcast %shift_left3A_1418 : i32 to vector<16xi32>
      %shift_left3A_1420 = arith.shli %bitcast_convert_type3A_1409, %shift_left3A_1419 : vector<16xi32>
      %bitcast_convert_type3A_1421 = tpu.bitcast %shift_left3A_1420 : vector<16xi32> -> vector<16xf32>
      %and3A_1422 = arith.constant -65536 : i32
      %and3A_1423 = vector.broadcast %and3A_1422 : i32 to vector<16xi32>
      %and3A_1424 = arith.andi %bitcast_convert_type3A_1409, %and3A_1423 : vector<16xi32>
      %bitcast_convert_type3A_1425 = tpu.bitcast %and3A_1424 : vector<16xi32> -> vector<16xf32>
      %mul3A_1426 = arith.mulf %bitcast_convert_type3A_1413, %get3A_4 : vector<16xf32>
      %mul3A_1427 = arith.mulf %bitcast_convert_type3A_1421, %get3A_7 : vector<16xf32>
      %add3A_1428 = arith.addf %mul3A_1426, %mul3A_1427 : vector<16xf32>
      %swap3A_1429 = arith.constant 1 : i32
      %swap3A_1430 = arith.index_cast %swap3A_1429 : i32 to index
      %swap3A_1431 = arith.index_cast %scan3A_1349 : i32 to index
      %swap3A_1432 = arith.constant 16 : index
      %swap3A_1433 = tpu.vector_load %arg12[%swap3A_1430, %swap3A_1431, %swap3A_1432] {strides = array<i32>} : memref<2x128x64xf32, #tpu.memory_space<vmem>>, vector<1x1x16xf32>,
      %swap3A_1434 = vector.shape_cast %swap3A_1433 : vector<1x1x16xf32> to vector<16xf32>
      %swap3A_1435 = vector.shape_cast %add3A_1428 : vector<16xf32> to vector<1x1x16xf32>
      tpu.vector_store %arg12[%swap3A_1430, %swap3A_1431, %swap3A_1432], %swap3A_1435 {strides = array<i32>} : memref<2x128x64xf32, #tpu.memory_space<vmem>>, vector<1x1x16xf32>,
      %mul3A_1436 = arith.mulf %bitcast_convert_type3A_1417, %get3A_4 : vector<16xf32>
      %mul3A_1437 = arith.mulf %bitcast_convert_type3A_1425, %get3A_7 : vector<16xf32>
      %add3A_1438 = arith.addf %mul3A_1436, %mul3A_1437 : vector<16xf32>
      %swap3A_1439 = arith.constant 1 : i32
      %swap3A_1440 = arith.index_cast %swap3A_1439 : i32 to index
      %swap3A_1441 = arith.index_cast %scan3A_1349 : i32 to index
      %swap3A_1442 = arith.constant 48 : index
      %swap3A_1443 = tpu.vector_load %arg12[%swap3A_1440, %swap3A_1441, %swap3A_1442] {strides = array<i32>} : memref<2x128x64xf32, #tpu.memory_space<vmem>>, vector<1x1x16xf32>,
      %swap3A_1444 = vector.shape_cast %swap3A_1443 : vector<1x1x16xf32> to vector<16xf32>
      %swap3A_1445 = vector.shape_cast %add3A_1438 : vector<16xf32> to vector<1x1x16xf32>
      tpu.vector_store %arg12[%swap3A_1440, %swap3A_1441, %swap3A_1442], %swap3A_1445 {strides = array<i32>} : memref<2x128x64xf32, #tpu.memory_space<vmem>>, vector<1x1x16xf32>,
    }
    %scan3A_993 = arith.constant 128 : i32
    %mul3A_994 = arith.constant 2048 : i32
    %mul3A_995 = arith.muli %add3A, %mul3A_994 : i32
    %add3A_996 = arith.constant 1408 : i32
    %add3A_997 = arith.addi %mul3A_995, %add3A_996 : i32
    %dma_start3A_998 = arith.constant 1 : i32
    %dma_start3A_999 = arith.constant 0 : i32
    %dma_start3A_1000 = arith.constant 0 : i32
    %dma_start3A_1001 = tpu.memref_slice %arg12[%dma_start3A_998, %dma_start3A_999, %dma_start3A_1000] : memref<2x128x64xf32, #tpu.memory_space<vmem>> -> memref<1x128x64xf32, #tpu.memory_space<vmem>>
    %dma_start3A_1002 = tpu.memref_squeeze %dma_start3A_1001 : memref<1x128x64xf32, #tpu.memory_space<vmem>> -> memref<128x64xf32, #tpu.memory_space<vmem>>
    %dma_start3A_1003 = arith.constant 0 : i32
    %dma_start3A_1004 = tpu.memref_slice %arg7[%add3A_997, %dma_start3A_1003] : memref<65536x64xf32, #tpu.memory_space<hbm>> -> memref<128x64xf32, #tpu.memory_space<hbm>>
    %dma_start3A_1005 = arith.constant 0 : i32
    %dma_start3A_1006 = tpu.memref_slice %arg7[%add3A_997, %dma_start3A_1005] : memref<65536x64xf32, #tpu.memory_space<hbm>> -> memref<128x64xf32, #tpu.memory_space<hbm>>
    %dma_start3A_1007 = arith.constant 0 : i32
    %dma_start3A_1008 = arith.constant 0 : i32
    %dma_start3A_1009 = tpu.memref_slice %arg12[%dma_start3A_998, %dma_start3A_1007, %dma_start3A_1008] : memref<2x128x64xf32, #tpu.memory_space<vmem>> -> memref<1x128x64xf32, #tpu.memory_space<vmem>>
    %dma_start3A_1010 = tpu.memref_squeeze %dma_start3A_1009 : memref<1x128x64xf32, #tpu.memory_space<vmem>> -> memref<128x64xf32, #tpu.memory_space<vmem>>
    tpu.enqueue_dma source(%dma_start3A_1010 : memref<128x64xf32, #tpu.memory_space<vmem>>) target(%dma_start3A_1006 : memref<128x64xf32, #tpu.memory_space<hbm>>) target_semaphore(%arg18 : memref<!tpu.dma_semaphore, #tpu.memory_space<semaphore_mem>>)
    %dma_start3A_1011 = arith.constant 13 : i32
    %dma_start3A_1012 = arith.constant 1 : i32
    %dma_start3A_1013 = arith.constant 0 : i32
    %dma_start3A_1014 = arith.constant 0 : i32
    %dma_start3A_1015 = tpu.memref_slice %arg10[%dma_start3A_1012, %dma_start3A_1013, %dma_start3A_1014] : memref<2x128x32xf32, #tpu.memory_space<vmem>> -> memref<1x128x32xf32, #tpu.memory_space<vmem>>
    %dma_start3A_1016 = tpu.memref_squeeze %dma_start3A_1015 : memref<1x128x32xf32, #tpu.memory_space<vmem>> -> memref<128x32xf32, #tpu.memory_space<vmem>>
    %dma_start3A_1017 = arith.constant 0 : i32
    %dma_start3A_1018 = tpu.memref_slice %arg8[%dma_start3A_1011, %dma_start3A_1017] : memref<16x128xi32, #tpu.memory_space<vmem>> -> memref<1x128xi32, #tpu.memory_space<vmem>>
    %dma_start3A_1019 = tpu.memref_squeeze %dma_start3A_1018 : memref<1x128xi32, #tpu.memory_space<vmem>> -> memref<128xi32, #tpu.memory_space<vmem>>
    %dma_start3A_1020 = arith.constant 0 : i32
    %dma_start3A_1021 = arith.constant 0 : i32
    %dma_start3A_1022 = tpu.memref_slice %arg2[%dma_start3A_1020, %dma_start3A_1021] : memref<65536x32xf32, #tpu.memory_space<hbm>> -> memref<65536x32xf32, #tpu.memory_space<hbm>>
    tpu.enqueue_indirect_dma source(%dma_start3A_1022 : memref<65536x32xf32, #tpu.memory_space<hbm>>) target(%dma_start3A_1016 : memref<128x32xf32, #tpu.memory_space<vmem>>) offsets(%dma_start3A_1019 : memref<128xi32, #tpu.memory_space<vmem>>) semaphore(%arg16 : memref<!tpu.dma_semaphore, #tpu.memory_space<semaphore_mem>>)
    %dma_start3A_1023 = arith.constant 13 : i32
    %dma_start3A_1024 = arith.constant 1 : i32
    %dma_start3A_1025 = arith.constant 0 : i32
    %dma_start3A_1026 = arith.constant 0 : i32
    %dma_start3A_1027 = tpu.memref_slice %arg11[%dma_start3A_1024, %dma_start3A_1025, %dma_start3A_1026] : memref<2x128x32xf32, #tpu.memory_space<vmem>> -> memref<1x128x32xf32, #tpu.memory_space<vmem>>
    %dma_start3A_1028 = tpu.memref_squeeze %dma_start3A_1027 : memref<1x128x32xf32, #tpu.memory_space<vmem>> -> memref<128x32xf32, #tpu.memory_space<vmem>>
    %dma_start3A_1029 = arith.constant 0 : i32
    %dma_start3A_1030 = tpu.memref_slice %arg9[%dma_start3A_1023, %dma_start3A_1029] : memref<16x128xi32, #tpu.memory_space<vmem>> -> memref<1x128xi32, #tpu.memory_space<vmem>>
    %dma_start3A_1031 = tpu.memref_squeeze %dma_start3A_1030 : memref<1x128xi32, #tpu.memory_space<vmem>> -> memref<128xi32, #tpu.memory_space<vmem>>
    %dma_start3A_1032 = arith.constant 0 : i32
    %dma_start3A_1033 = arith.constant 0 : i32
    %dma_start3A_1034 = tpu.memref_slice %arg2[%dma_start3A_1032, %dma_start3A_1033] : memref<65536x32xf32, #tpu.memory_space<hbm>> -> memref<65536x32xf32, #tpu.memory_space<hbm>>
    tpu.enqueue_indirect_dma source(%dma_start3A_1034 : memref<65536x32xf32, #tpu.memory_space<hbm>>) target(%dma_start3A_1028 : memref<128x32xf32, #tpu.memory_space<vmem>>) offsets(%dma_start3A_1031 : memref<128xi32, #tpu.memory_space<vmem>>) semaphore(%arg16 : memref<!tpu.dma_semaphore, #tpu.memory_space<semaphore_mem>>)
    %dma_wait3A_1035 = arith.constant 12 : i32
    %dma_wait3A_1036 = arith.constant 0 : i32
    %dma_wait3A_1037 = arith.constant 0 : i32
    %dma_wait3A_1038 = arith.constant 0 : i32
    %dma_wait3A_1039 = tpu.memref_slice %arg10[%dma_wait3A_1036, %dma_wait3A_1037, %dma_wait3A_1038] : memref<2x128x32xf32, #tpu.memory_space<vmem>> -> memref<1x128x32xf32, #tpu.memory_space<vmem>>
    %dma_wait3A_1040 = tpu.memref_squeeze %dma_wait3A_1039 : memref<1x128x32xf32, #tpu.memory_space<vmem>> -> memref<128x32xf32, #tpu.memory_space<vmem>>
    %dma_wait3A_1041 = arith.constant 0 : i32
    %dma_wait3A_1042 = tpu.memref_slice %arg8[%dma_wait3A_1035, %dma_wait3A_1041] : memref<16x128xi32, #tpu.memory_space<vmem>> -> memref<1x128xi32, #tpu.memory_space<vmem>>
    %dma_wait3A_1043 = tpu.memref_squeeze %dma_wait3A_1042 : memref<1x128xi32, #tpu.memory_space<vmem>> -> memref<128xi32, #tpu.memory_space<vmem>>
    %dma_wait3A_1044 = arith.constant 0 : i32
    %dma_wait3A_1045 = arith.constant 0 : i32
    %dma_wait3A_1046 = tpu.memref_slice %arg2[%dma_wait3A_1044, %dma_wait3A_1045] : memref<65536x32xf32, #tpu.memory_space<hbm>> -> memref<65536x32xf32, #tpu.memory_space<hbm>>
    tpu.wait_indirect_dma semaphore(%arg15 : memref<!tpu.dma_semaphore, #tpu.memory_space<semaphore_mem>>) src(%dma_wait3A_1046 : memref<65536x32xf32, #tpu.memory_space<hbm>>) dst(%dma_wait3A_1040 : memref<128x32xf32, #tpu.memory_space<vmem>>)
    %dma_wait3A_1047 = arith.constant 12 : i32
    %dma_wait3A_1048 = arith.constant 0 : i32
    %dma_wait3A_1049 = arith.constant 0 : i32
    %dma_wait3A_1050 = arith.constant 0 : i32
    %dma_wait3A_1051 = tpu.memref_slice %arg11[%dma_wait3A_1048, %dma_wait3A_1049, %dma_wait3A_1050] : memref<2x128x32xf32, #tpu.memory_space<vmem>> -> memref<1x128x32xf32, #tpu.memory_space<vmem>>
    %dma_wait3A_1052 = tpu.memref_squeeze %dma_wait3A_1051 : memref<1x128x32xf32, #tpu.memory_space<vmem>> -> memref<128x32xf32, #tpu.memory_space<vmem>>
    %dma_wait3A_1053 = arith.constant 0 : i32
    %dma_wait3A_1054 = tpu.memref_slice %arg9[%dma_wait3A_1047, %dma_wait3A_1053] : memref<16x128xi32, #tpu.memory_space<vmem>> -> memref<1x128xi32, #tpu.memory_space<vmem>>
    %dma_wait3A_1055 = tpu.memref_squeeze %dma_wait3A_1054 : memref<1x128xi32, #tpu.memory_space<vmem>> -> memref<128xi32, #tpu.memory_space<vmem>>
    %dma_wait3A_1056 = arith.constant 0 : i32
    %dma_wait3A_1057 = arith.constant 0 : i32
    %dma_wait3A_1058 = tpu.memref_slice %arg2[%dma_wait3A_1056, %dma_wait3A_1057] : memref<65536x32xf32, #tpu.memory_space<hbm>> -> memref<65536x32xf32, #tpu.memory_space<hbm>>
    tpu.wait_indirect_dma semaphore(%arg15 : memref<!tpu.dma_semaphore, #tpu.memory_space<semaphore_mem>>) src(%dma_wait3A_1058 : memref<65536x32xf32, #tpu.memory_space<hbm>>) dst(%dma_wait3A_1052 : memref<128x32xf32, #tpu.memory_space<vmem>>)
    %dma_wait3A_1059 = arith.constant 0 : i32
    %dma_wait3A_1060 = arith.constant 0 : i32
    %dma_wait3A_1061 = arith.constant 0 : i32
    %dma_wait3A_1062 = tpu.memref_slice %arg12[%dma_wait3A_1059, %dma_wait3A_1060, %dma_wait3A_1061] : memref<2x128x64xf32, #tpu.memory_space<vmem>> -> memref<1x128x64xf32, #tpu.memory_space<vmem>>
    %dma_wait3A_1063 = tpu.memref_squeeze %dma_wait3A_1062 : memref<1x128x64xf32, #tpu.memory_space<vmem>> -> memref<128x64xf32, #tpu.memory_space<vmem>>
    %dma_wait3A_1064 = arith.constant 0 : i32
    %dma_wait3A_1065 = tpu.memref_slice %arg7[%add3A_913, %dma_wait3A_1064] : memref<65536x64xf32, #tpu.memory_space<hbm>> -> memref<128x64xf32, #tpu.memory_space<hbm>>
    %dma_wait3A_1066 = arith.constant 0 : i32
    %dma_wait3A_1067 = tpu.memref_slice %arg7[%add3A_913, %dma_wait3A_1066] : memref<65536x64xf32, #tpu.memory_space<hbm>> -> memref<128x64xf32, #tpu.memory_space<hbm>>
    %dma_wait3A_1068 = arith.constant 0 : i32
    %dma_wait3A_1069 = arith.constant 0 : i32
    %dma_wait3A_1070 = tpu.memref_slice %arg12[%dma_wait3A_1059, %dma_wait3A_1068, %dma_wait3A_1069] : memref<2x128x64xf32, #tpu.memory_space<vmem>> -> memref<1x128x64xf32, #tpu.memory_space<vmem>>
    %dma_wait3A_1071 = tpu.memref_squeeze %dma_wait3A_1070 : memref<1x128x64xf32, #tpu.memory_space<vmem>> -> memref<128x64xf32, #tpu.memory_space<vmem>>
    tpu.wait_dma2 semaphore(%arg17 : memref<!tpu.dma_semaphore, #tpu.memory_space<semaphore_mem>>) src(%dma_wait3A_1071 : memref<128x64xf32, #tpu.memory_space<vmem>>) dst(%dma_wait3A_1067 : memref<128x64xf32, #tpu.memory_space<hbm>>)
    %scan3A_1072 = arith.constant 0 : i32
    %scan3A_1073 = arith.constant 0 : i32
    %scan3A_1074 = arith.constant 128 : i32
    %scan3A_1075 = arith.addi %scan3A_1073, %scan3A_1074 : i32
    %scan3A_1076 = arith.constant 1 : i32
    scf.for %scan3A_1349 = %scan3A_1073 to %scan3A_1075 step %scan3A_1076  : i32 {
      %get3A_1350 = arith.constant 0 : i32
      %get3A_1351 = arith.index_cast %get3A_1350 : i32 to index
      %get3A_1352 = arith.index_cast %scan3A_1349 : i32 to index
      %get3A_1353 = arith.constant 0 : index
      %get3A_1354 = tpu.vector_load %arg10[%get3A_1351, %get3A_1352, %get3A_1353] {strides = array<i32>} : memref<2x128x32xf32, #tpu.memory_space<vmem>>, vector<1x1x16xf32>,
      %get3A_1355 = vector.shape_cast %get3A_1354 : vector<1x1x16xf32> to vector<16xf32>
      %bitcast_convert_type3A = tpu.bitcast %get3A_1355 : vector<16xf32> -> vector<16xi32>
      %get3A_1356 = arith.constant 0 : i32
      %get3A_1357 = arith.index_cast %get3A_1356 : i32 to index
      %get3A_1358 = arith.index_cast %scan3A_1349 : i32 to index
      %get3A_1359 = arith.constant 0 : index
      %get3A_1360 = tpu.vector_load %arg11[%get3A_1357, %get3A_1358, %get3A_1359] {strides = array<i32>} : memref<2x128x32xf32, #tpu.memory_space<vmem>>, vector<1x1x16xf32>,
      %get3A_1361 = vector.shape_cast %get3A_1360 : vector<1x1x16xf32> to vector<16xf32>
      %bitcast_convert_type3A_1362 = tpu.bitcast %get3A_1361 : vector<16xf32> -> vector<16xi32>
      %shift_left3A = arith.constant 16 : i32
      %shift_left3A_1363 = vector.broadcast %shift_left3A : i32 to vector<16xi32>
      %shift_left3A_1364 = arith.shli %bitcast_convert_type3A, %shift_left3A_1363 : vector<16xi32>
      %bitcast_convert_type3A_1365 = tpu.bitcast %shift_left3A_1364 : vector<16xi32> -> vector<16xf32>
      %and3A = arith.constant -65536 : i32
      %and3A_1366 = vector.broadcast %and3A : i32 to vector<16xi32>
      %and3A_1367 = arith.andi %bitcast_convert_type3A, %and3A_1366 : vector<16xi32>
      %bitcast_convert_type3A_1368 = tpu.bitcast %and3A_1367 : vector<16xi32> -> vector<16xf32>
      %shift_left3A_1369 = arith.constant 16 : i32
      %shift_left3A_1370 = vector.broadcast %shift_left3A_1369 : i32 to vector<16xi32>
      %shift_left3A_1371 = arith.shli %bitcast_convert_type3A_1362, %shift_left3A_1370 : vector<16xi32>
      %bitcast_convert_type3A_1372 = tpu.bitcast %shift_left3A_1371 : vector<16xi32> -> vector<16xf32>
      %and3A_1373 = arith.constant -65536 : i32
      %and3A_1374 = vector.broadcast %and3A_1373 : i32 to vector<16xi32>
      %and3A_1375 = arith.andi %bitcast_convert_type3A_1362, %and3A_1374 : vector<16xi32>
      %bitcast_convert_type3A_1376 = tpu.bitcast %and3A_1375 : vector<16xi32> -> vector<16xf32>
      %mul3A_1377 = arith.mulf %bitcast_convert_type3A_1365, %get3A_4 : vector<16xf32>
      %mul3A_1378 = arith.mulf %bitcast_convert_type3A_1372, %get3A_7 : vector<16xf32>
      %add3A_1379 = arith.addf %mul3A_1377, %mul3A_1378 : vector<16xf32>
      %swap3A = arith.constant 0 : i32
      %swap3A_1380 = arith.index_cast %swap3A : i32 to index
      %swap3A_1381 = arith.index_cast %scan3A_1349 : i32 to index
      %swap3A_1382 = arith.constant 0 : index
      %swap3A_1383 = tpu.vector_load %arg12[%swap3A_1380, %swap3A_1381, %swap3A_1382] {strides = array<i32>} : memref<2x128x64xf32, #tpu.memory_space<vmem>>, vector<1x1x16xf32>,
      %swap3A_1384 = vector.shape_cast %swap3A_1383 : vector<1x1x16xf32> to vector<16xf32>
      %swap3A_1385 = vector.shape_cast %add3A_1379 : vector<16xf32> to vector<1x1x16xf32>
      tpu.vector_store %arg12[%swap3A_1380, %swap3A_1381, %swap3A_1382], %swap3A_1385 {strides = array<i32>} : memref<2x128x64xf32, #tpu.memory_space<vmem>>, vector<1x1x16xf32>,
      %mul3A_1386 = arith.mulf %bitcast_convert_type3A_1368, %get3A_4 : vector<16xf32>
      %mul3A_1387 = arith.mulf %bitcast_convert_type3A_1376, %get3A_7 : vector<16xf32>
      %add3A_1388 = arith.addf %mul3A_1386, %mul3A_1387 : vector<16xf32>
      %swap3A_1389 = arith.constant 0 : i32
      %swap3A_1390 = arith.index_cast %swap3A_1389 : i32 to index
      %swap3A_1391 = arith.index_cast %scan3A_1349 : i32 to index
      %swap3A_1392 = arith.constant 32 : index
      %swap3A_1393 = tpu.vector_load %arg12[%swap3A_1390, %swap3A_1391, %swap3A_1392] {strides = array<i32>} : memref<2x128x64xf32, #tpu.memory_space<vmem>>, vector<1x1x16xf32>,
      %swap3A_1394 = vector.shape_cast %swap3A_1393 : vector<1x1x16xf32> to vector<16xf32>
      %swap3A_1395 = vector.shape_cast %add3A_1388 : vector<16xf32> to vector<1x1x16xf32>
      tpu.vector_store %arg12[%swap3A_1390, %swap3A_1391, %swap3A_1392], %swap3A_1395 {strides = array<i32>} : memref<2x128x64xf32, #tpu.memory_space<vmem>>, vector<1x1x16xf32>,
      %get3A_1396 = arith.constant 0 : i32
      %get3A_1397 = arith.index_cast %get3A_1396 : i32 to index
      %get3A_1398 = arith.index_cast %scan3A_1349 : i32 to index
      %get3A_1399 = arith.constant 16 : index
      %get3A_1400 = tpu.vector_load %arg10[%get3A_1397, %get3A_1398, %get3A_1399] {strides = array<i32>} : memref<2x128x32xf32, #tpu.memory_space<vmem>>, vector<1x1x16xf32>,
      %get3A_1401 = vector.shape_cast %get3A_1400 : vector<1x1x16xf32> to vector<16xf32>
      %bitcast_convert_type3A_1402 = tpu.bitcast %get3A_1401 : vector<16xf32> -> vector<16xi32>
      %get3A_1403 = arith.constant 0 : i32
      %get3A_1404 = arith.index_cast %get3A_1403 : i32 to index
      %get3A_1405 = arith.index_cast %scan3A_1349 : i32 to index
      %get3A_1406 = arith.constant 16 : index
      %get3A_1407 = tpu.vector_load %arg11[%get3A_1404, %get3A_1405, %get3A_1406] {strides = array<i32>} : memref<2x128x32xf32, #tpu.memory_space<vmem>>, vector<1x1x16xf32>,
      %get3A_1408 = vector.shape_cast %get3A_1407 : vector<1x1x16xf32> to vector<16xf32>
      %bitcast_convert_type3A_1409 = tpu.bitcast %get3A_1408 : vector<16xf32> -> vector<16xi32>
      %shift_left3A_1410 = arith.constant 16 : i32
      %shift_left3A_1411 = vector.broadcast %shift_left3A_1410 : i32 to vector<16xi32>
      %shift_left3A_1412 = arith.shli %bitcast_convert_type3A_1402, %shift_left3A_1411 : vector<16xi32>
      %bitcast_convert_type3A_1413 = tpu.bitcast %shift_left3A_1412 : vector<16xi32> -> vector<16xf32>
      %and3A_1414 = arith.constant -65536 : i32
      %and3A_1415 = vector.broadcast %and3A_1414 : i32 to vector<16xi32>
      %and3A_1416 = arith.andi %bitcast_convert_type3A_1402, %and3A_1415 : vector<16xi32>
      %bitcast_convert_type3A_1417 = tpu.bitcast %and3A_1416 : vector<16xi32> -> vector<16xf32>
      %shift_left3A_1418 = arith.constant 16 : i32
      %shift_left3A_1419 = vector.broadcast %shift_left3A_1418 : i32 to vector<16xi32>
      %shift_left3A_1420 = arith.shli %bitcast_convert_type3A_1409, %shift_left3A_1419 : vector<16xi32>
      %bitcast_convert_type3A_1421 = tpu.bitcast %shift_left3A_1420 : vector<16xi32> -> vector<16xf32>
      %and3A_1422 = arith.constant -65536 : i32
      %and3A_1423 = vector.broadcast %and3A_1422 : i32 to vector<16xi32>
      %and3A_1424 = arith.andi %bitcast_convert_type3A_1409, %and3A_1423 : vector<16xi32>
      %bitcast_convert_type3A_1425 = tpu.bitcast %and3A_1424 : vector<16xi32> -> vector<16xf32>
      %mul3A_1426 = arith.mulf %bitcast_convert_type3A_1413, %get3A_4 : vector<16xf32>
      %mul3A_1427 = arith.mulf %bitcast_convert_type3A_1421, %get3A_7 : vector<16xf32>
      %add3A_1428 = arith.addf %mul3A_1426, %mul3A_1427 : vector<16xf32>
      %swap3A_1429 = arith.constant 0 : i32
      %swap3A_1430 = arith.index_cast %swap3A_1429 : i32 to index
      %swap3A_1431 = arith.index_cast %scan3A_1349 : i32 to index
      %swap3A_1432 = arith.constant 16 : index
      %swap3A_1433 = tpu.vector_load %arg12[%swap3A_1430, %swap3A_1431, %swap3A_1432] {strides = array<i32>} : memref<2x128x64xf32, #tpu.memory_space<vmem>>, vector<1x1x16xf32>,
      %swap3A_1434 = vector.shape_cast %swap3A_1433 : vector<1x1x16xf32> to vector<16xf32>
      %swap3A_1435 = vector.shape_cast %add3A_1428 : vector<16xf32> to vector<1x1x16xf32>
      tpu.vector_store %arg12[%swap3A_1430, %swap3A_1431, %swap3A_1432], %swap3A_1435 {strides = array<i32>} : memref<2x128x64xf32, #tpu.memory_space<vmem>>, vector<1x1x16xf32>,
      %mul3A_1436 = arith.mulf %bitcast_convert_type3A_1417, %get3A_4 : vector<16xf32>
      %mul3A_1437 = arith.mulf %bitcast_convert_type3A_1425, %get3A_7 : vector<16xf32>
      %add3A_1438 = arith.addf %mul3A_1436, %mul3A_1437 : vector<16xf32>
      %swap3A_1439 = arith.constant 0 : i32
      %swap3A_1440 = arith.index_cast %swap3A_1439 : i32 to index
      %swap3A_1441 = arith.index_cast %scan3A_1349 : i32 to index
      %swap3A_1442 = arith.constant 48 : index
      %swap3A_1443 = tpu.vector_load %arg12[%swap3A_1440, %swap3A_1441, %swap3A_1442] {strides = array<i32>} : memref<2x128x64xf32, #tpu.memory_space<vmem>>, vector<1x1x16xf32>,
      %swap3A_1444 = vector.shape_cast %swap3A_1443 : vector<1x1x16xf32> to vector<16xf32>
      %swap3A_1445 = vector.shape_cast %add3A_1438 : vector<16xf32> to vector<1x1x16xf32>
      tpu.vector_store %arg12[%swap3A_1440, %swap3A_1441, %swap3A_1442], %swap3A_1445 {strides = array<i32>} : memref<2x128x64xf32, #tpu.memory_space<vmem>>, vector<1x1x16xf32>,
    }
    %scan3A_1077 = arith.constant 128 : i32
    %mul3A_1078 = arith.constant 2048 : i32
    %mul3A_1079 = arith.muli %add3A, %mul3A_1078 : i32
    %add3A_1080 = arith.constant 1536 : i32
    %add3A_1081 = arith.addi %mul3A_1079, %add3A_1080 : i32
    %dma_start3A_1082 = arith.constant 0 : i32
    %dma_start3A_1083 = arith.constant 0 : i32
    %dma_start3A_1084 = arith.constant 0 : i32
    %dma_start3A_1085 = tpu.memref_slice %arg12[%dma_start3A_1082, %dma_start3A_1083, %dma_start3A_1084] : memref<2x128x64xf32, #tpu.memory_space<vmem>> -> memref<1x128x64xf32, #tpu.memory_space<vmem>>
    %dma_start3A_1086 = tpu.memref_squeeze %dma_start3A_1085 : memref<1x128x64xf32, #tpu.memory_space<vmem>> -> memref<128x64xf32, #tpu.memory_space<vmem>>
    %dma_start3A_1087 = arith.constant 0 : i32
    %dma_start3A_1088 = tpu.memref_slice %arg7[%add3A_1081, %dma_start3A_1087] : memref<65536x64xf32, #tpu.memory_space<hbm>> -> memref<128x64xf32, #tpu.memory_space<hbm>>
    %dma_start3A_1089 = arith.constant 0 : i32
    %dma_start3A_1090 = tpu.memref_slice %arg7[%add3A_1081, %dma_start3A_1089] : memref<65536x64xf32, #tpu.memory_space<hbm>> -> memref<128x64xf32, #tpu.memory_space<hbm>>
    %dma_start3A_1091 = arith.constant 0 : i32
    %dma_start3A_1092 = arith.constant 0 : i32
    %dma_start3A_1093 = tpu.memref_slice %arg12[%dma_start3A_1082, %dma_start3A_1091, %dma_start3A_1092] : memref<2x128x64xf32, #tpu.memory_space<vmem>> -> memref<1x128x64xf32, #tpu.memory_space<vmem>>
    %dma_start3A_1094 = tpu.memref_squeeze %dma_start3A_1093 : memref<1x128x64xf32, #tpu.memory_space<vmem>> -> memref<128x64xf32, #tpu.memory_space<vmem>>
    tpu.enqueue_dma source(%dma_start3A_1094 : memref<128x64xf32, #tpu.memory_space<vmem>>) target(%dma_start3A_1090 : memref<128x64xf32, #tpu.memory_space<hbm>>) target_semaphore(%arg17 : memref<!tpu.dma_semaphore, #tpu.memory_space<semaphore_mem>>)
    %dma_start3A_1095 = arith.constant 14 : i32
    %dma_start3A_1096 = arith.constant 0 : i32
    %dma_start3A_1097 = arith.constant 0 : i32
    %dma_start3A_1098 = arith.constant 0 : i32
    %dma_start3A_1099 = tpu.memref_slice %arg10[%dma_start3A_1096, %dma_start3A_1097, %dma_start3A_1098] : memref<2x128x32xf32, #tpu.memory_space<vmem>> -> memref<1x128x32xf32, #tpu.memory_space<vmem>>
    %dma_start3A_1100 = tpu.memref_squeeze %dma_start3A_1099 : memref<1x128x32xf32, #tpu.memory_space<vmem>> -> memref<128x32xf32, #tpu.memory_space<vmem>>
    %dma_start3A_1101 = arith.constant 0 : i32
    %dma_start3A_1102 = tpu.memref_slice %arg8[%dma_start3A_1095, %dma_start3A_1101] : memref<16x128xi32, #tpu.memory_space<vmem>> -> memref<1x128xi32, #tpu.memory_space<vmem>>
    %dma_start3A_1103 = tpu.memref_squeeze %dma_start3A_1102 : memref<1x128xi32, #tpu.memory_space<vmem>> -> memref<128xi32, #tpu.memory_space<vmem>>
    %dma_start3A_1104 = arith.constant 0 : i32
    %dma_start3A_1105 = arith.constant 0 : i32
    %dma_start3A_1106 = tpu.memref_slice %arg2[%dma_start3A_1104, %dma_start3A_1105] : memref<65536x32xf32, #tpu.memory_space<hbm>> -> memref<65536x32xf32, #tpu.memory_space<hbm>>
    tpu.enqueue_indirect_dma source(%dma_start3A_1106 : memref<65536x32xf32, #tpu.memory_space<hbm>>) target(%dma_start3A_1100 : memref<128x32xf32, #tpu.memory_space<vmem>>) offsets(%dma_start3A_1103 : memref<128xi32, #tpu.memory_space<vmem>>) semaphore(%arg15 : memref<!tpu.dma_semaphore, #tpu.memory_space<semaphore_mem>>)
    %dma_start3A_1107 = arith.constant 14 : i32
    %dma_start3A_1108 = arith.constant 0 : i32
    %dma_start3A_1109 = arith.constant 0 : i32
    %dma_start3A_1110 = arith.constant 0 : i32
    %dma_start3A_1111 = tpu.memref_slice %arg11[%dma_start3A_1108, %dma_start3A_1109, %dma_start3A_1110] : memref<2x128x32xf32, #tpu.memory_space<vmem>> -> memref<1x128x32xf32, #tpu.memory_space<vmem>>
    %dma_start3A_1112 = tpu.memref_squeeze %dma_start3A_1111 : memref<1x128x32xf32, #tpu.memory_space<vmem>> -> memref<128x32xf32, #tpu.memory_space<vmem>>
    %dma_start3A_1113 = arith.constant 0 : i32
    %dma_start3A_1114 = tpu.memref_slice %arg9[%dma_start3A_1107, %dma_start3A_1113] : memref<16x128xi32, #tpu.memory_space<vmem>> -> memref<1x128xi32, #tpu.memory_space<vmem>>
    %dma_start3A_1115 = tpu.memref_squeeze %dma_start3A_1114 : memref<1x128xi32, #tpu.memory_space<vmem>> -> memref<128xi32, #tpu.memory_space<vmem>>
    %dma_start3A_1116 = arith.constant 0 : i32
    %dma_start3A_1117 = arith.constant 0 : i32
    %dma_start3A_1118 = tpu.memref_slice %arg2[%dma_start3A_1116, %dma_start3A_1117] : memref<65536x32xf32, #tpu.memory_space<hbm>> -> memref<65536x32xf32, #tpu.memory_space<hbm>>
    tpu.enqueue_indirect_dma source(%dma_start3A_1118 : memref<65536x32xf32, #tpu.memory_space<hbm>>) target(%dma_start3A_1112 : memref<128x32xf32, #tpu.memory_space<vmem>>) offsets(%dma_start3A_1115 : memref<128xi32, #tpu.memory_space<vmem>>) semaphore(%arg15 : memref<!tpu.dma_semaphore, #tpu.memory_space<semaphore_mem>>)
    %dma_wait3A_1119 = arith.constant 13 : i32
    %dma_wait3A_1120 = arith.constant 1 : i32
    %dma_wait3A_1121 = arith.constant 0 : i32
    %dma_wait3A_1122 = arith.constant 0 : i32
    %dma_wait3A_1123 = tpu.memref_slice %arg10[%dma_wait3A_1120, %dma_wait3A_1121, %dma_wait3A_1122] : memref<2x128x32xf32, #tpu.memory_space<vmem>> -> memref<1x128x32xf32, #tpu.memory_space<vmem>>
    %dma_wait3A_1124 = tpu.memref_squeeze %dma_wait3A_1123 : memref<1x128x32xf32, #tpu.memory_space<vmem>> -> memref<128x32xf32, #tpu.memory_space<vmem>>
    %dma_wait3A_1125 = arith.constant 0 : i32
    %dma_wait3A_1126 = tpu.memref_slice %arg8[%dma_wait3A_1119, %dma_wait3A_1125] : memref<16x128xi32, #tpu.memory_space<vmem>> -> memref<1x128xi32, #tpu.memory_space<vmem>>
    %dma_wait3A_1127 = tpu.memref_squeeze %dma_wait3A_1126 : memref<1x128xi32, #tpu.memory_space<vmem>> -> memref<128xi32, #tpu.memory_space<vmem>>
    %dma_wait3A_1128 = arith.constant 0 : i32
    %dma_wait3A_1129 = arith.constant 0 : i32
    %dma_wait3A_1130 = tpu.memref_slice %arg2[%dma_wait3A_1128, %dma_wait3A_1129] : memref<65536x32xf32, #tpu.memory_space<hbm>> -> memref<65536x32xf32, #tpu.memory_space<hbm>>
    tpu.wait_indirect_dma semaphore(%arg16 : memref<!tpu.dma_semaphore, #tpu.memory_space<semaphore_mem>>) src(%dma_wait3A_1130 : memref<65536x32xf32, #tpu.memory_space<hbm>>) dst(%dma_wait3A_1124 : memref<128x32xf32, #tpu.memory_space<vmem>>)
    %dma_wait3A_1131 = arith.constant 13 : i32
    %dma_wait3A_1132 = arith.constant 1 : i32
    %dma_wait3A_1133 = arith.constant 0 : i32
    %dma_wait3A_1134 = arith.constant 0 : i32
    %dma_wait3A_1135 = tpu.memref_slice %arg11[%dma_wait3A_1132, %dma_wait3A_1133, %dma_wait3A_1134] : memref<2x128x32xf32, #tpu.memory_space<vmem>> -> memref<1x128x32xf32, #tpu.memory_space<vmem>>
    %dma_wait3A_1136 = tpu.memref_squeeze %dma_wait3A_1135 : memref<1x128x32xf32, #tpu.memory_space<vmem>> -> memref<128x32xf32, #tpu.memory_space<vmem>>
    %dma_wait3A_1137 = arith.constant 0 : i32
    %dma_wait3A_1138 = tpu.memref_slice %arg9[%dma_wait3A_1131, %dma_wait3A_1137] : memref<16x128xi32, #tpu.memory_space<vmem>> -> memref<1x128xi32, #tpu.memory_space<vmem>>
    %dma_wait3A_1139 = tpu.memref_squeeze %dma_wait3A_1138 : memref<1x128xi32, #tpu.memory_space<vmem>> -> memref<128xi32, #tpu.memory_space<vmem>>
    %dma_wait3A_1140 = arith.constant 0 : i32
    %dma_wait3A_1141 = arith.constant 0 : i32
    %dma_wait3A_1142 = tpu.memref_slice %arg2[%dma_wait3A_1140, %dma_wait3A_1141] : memref<65536x32xf32, #tpu.memory_space<hbm>> -> memref<65536x32xf32, #tpu.memory_space<hbm>>
    tpu.wait_indirect_dma semaphore(%arg16 : memref<!tpu.dma_semaphore, #tpu.memory_space<semaphore_mem>>) src(%dma_wait3A_1142 : memref<65536x32xf32, #tpu.memory_space<hbm>>) dst(%dma_wait3A_1136 : memref<128x32xf32, #tpu.memory_space<vmem>>)
    %dma_wait3A_1143 = arith.constant 1 : i32
    %dma_wait3A_1144 = arith.constant 0 : i32
    %dma_wait3A_1145 = arith.constant 0 : i32
    %dma_wait3A_1146 = tpu.memref_slice %arg12[%dma_wait3A_1143, %dma_wait3A_1144, %dma_wait3A_1145] : memref<2x128x64xf32, #tpu.memory_space<vmem>> -> memref<1x128x64xf32, #tpu.memory_space<vmem>>
    %dma_wait3A_1147 = tpu.memref_squeeze %dma_wait3A_1146 : memref<1x128x64xf32, #tpu.memory_space<vmem>> -> memref<128x64xf32, #tpu.memory_space<vmem>>
    %dma_wait3A_1148 = arith.constant 0 : i32
    %dma_wait3A_1149 = tpu.memref_slice %arg7[%add3A_997, %dma_wait3A_1148] : memref<65536x64xf32, #tpu.memory_space<hbm>> -> memref<128x64xf32, #tpu.memory_space<hbm>>
    %dma_wait3A_1150 = arith.constant 0 : i32
    %dma_wait3A_1151 = tpu.memref_slice %arg7[%add3A_997, %dma_wait3A_1150] : memref<65536x64xf32, #tpu.memory_space<hbm>> -> memref<128x64xf32, #tpu.memory_space<hbm>>
    %dma_wait3A_1152 = arith.constant 0 : i32
    %dma_wait3A_1153 = arith.constant 0 : i32
    %dma_wait3A_1154 = tpu.memref_slice %arg12[%dma_wait3A_1143, %dma_wait3A_1152, %dma_wait3A_1153] : memref<2x128x64xf32, #tpu.memory_space<vmem>> -> memref<1x128x64xf32, #tpu.memory_space<vmem>>
    %dma_wait3A_1155 = tpu.memref_squeeze %dma_wait3A_1154 : memref<1x128x64xf32, #tpu.memory_space<vmem>> -> memref<128x64xf32, #tpu.memory_space<vmem>>
    tpu.wait_dma2 semaphore(%arg18 : memref<!tpu.dma_semaphore, #tpu.memory_space<semaphore_mem>>) src(%dma_wait3A_1155 : memref<128x64xf32, #tpu.memory_space<vmem>>) dst(%dma_wait3A_1151 : memref<128x64xf32, #tpu.memory_space<hbm>>)
    %scan3A_1156 = arith.constant 0 : i32
    %scan3A_1157 = arith.constant 0 : i32
    %scan3A_1158 = arith.constant 128 : i32
    %scan3A_1159 = arith.addi %scan3A_1157, %scan3A_1158 : i32
    %scan3A_1160 = arith.constant 1 : i32
    scf.for %scan3A_1349 = %scan3A_1157 to %scan3A_1159 step %scan3A_1160  : i32 {
      %get3A_1350 = arith.constant 1 : i32
      %get3A_1351 = arith.index_cast %get3A_1350 : i32 to index
      %get3A_1352 = arith.index_cast %scan3A_1349 : i32 to index
      %get3A_1353 = arith.constant 0 : index
      %get3A_1354 = tpu.vector_load %arg10[%get3A_1351, %get3A_1352, %get3A_1353] {strides = array<i32>} : memref<2x128x32xf32, #tpu.memory_space<vmem>>, vector<1x1x16xf32>,
      %get3A_1355 = vector.shape_cast %get3A_1354 : vector<1x1x16xf32> to vector<16xf32>
      %bitcast_convert_type3A = tpu.bitcast %get3A_1355 : vector<16xf32> -> vector<16xi32>
      %get3A_1356 = arith.constant 1 : i32
      %get3A_1357 = arith.index_cast %get3A_1356 : i32 to index
      %get3A_1358 = arith.index_cast %scan3A_1349 : i32 to index
      %get3A_1359 = arith.constant 0 : index
      %get3A_1360 = tpu.vector_load %arg11[%get3A_1357, %get3A_1358, %get3A_1359] {strides = array<i32>} : memref<2x128x32xf32, #tpu.memory_space<vmem>>, vector<1x1x16xf32>,
      %get3A_1361 = vector.shape_cast %get3A_1360 : vector<1x1x16xf32> to vector<16xf32>
      %bitcast_convert_type3A_1362 = tpu.bitcast %get3A_1361 : vector<16xf32> -> vector<16xi32>
      %shift_left3A = arith.constant 16 : i32
      %shift_left3A_1363 = vector.broadcast %shift_left3A : i32 to vector<16xi32>
      %shift_left3A_1364 = arith.shli %bitcast_convert_type3A, %shift_left3A_1363 : vector<16xi32>
      %bitcast_convert_type3A_1365 = tpu.bitcast %shift_left3A_1364 : vector<16xi32> -> vector<16xf32>
      %and3A = arith.constant -65536 : i32
      %and3A_1366 = vector.broadcast %and3A : i32 to vector<16xi32>
      %and3A_1367 = arith.andi %bitcast_convert_type3A, %and3A_1366 : vector<16xi32>
      %bitcast_convert_type3A_1368 = tpu.bitcast %and3A_1367 : vector<16xi32> -> vector<16xf32>
      %shift_left3A_1369 = arith.constant 16 : i32
      %shift_left3A_1370 = vector.broadcast %shift_left3A_1369 : i32 to vector<16xi32>
      %shift_left3A_1371 = arith.shli %bitcast_convert_type3A_1362, %shift_left3A_1370 : vector<16xi32>
      %bitcast_convert_type3A_1372 = tpu.bitcast %shift_left3A_1371 : vector<16xi32> -> vector<16xf32>
      %and3A_1373 = arith.constant -65536 : i32
      %and3A_1374 = vector.broadcast %and3A_1373 : i32 to vector<16xi32>
      %and3A_1375 = arith.andi %bitcast_convert_type3A_1362, %and3A_1374 : vector<16xi32>
      %bitcast_convert_type3A_1376 = tpu.bitcast %and3A_1375 : vector<16xi32> -> vector<16xf32>
      %mul3A_1377 = arith.mulf %bitcast_convert_type3A_1365, %get3A_4 : vector<16xf32>
      %mul3A_1378 = arith.mulf %bitcast_convert_type3A_1372, %get3A_7 : vector<16xf32>
      %add3A_1379 = arith.addf %mul3A_1377, %mul3A_1378 : vector<16xf32>
      %swap3A = arith.constant 1 : i32
      %swap3A_1380 = arith.index_cast %swap3A : i32 to index
      %swap3A_1381 = arith.index_cast %scan3A_1349 : i32 to index
      %swap3A_1382 = arith.constant 0 : index
      %swap3A_1383 = tpu.vector_load %arg12[%swap3A_1380, %swap3A_1381, %swap3A_1382] {strides = array<i32>} : memref<2x128x64xf32, #tpu.memory_space<vmem>>, vector<1x1x16xf32>,
      %swap3A_1384 = vector.shape_cast %swap3A_1383 : vector<1x1x16xf32> to vector<16xf32>
      %swap3A_1385 = vector.shape_cast %add3A_1379 : vector<16xf32> to vector<1x1x16xf32>
      tpu.vector_store %arg12[%swap3A_1380, %swap3A_1381, %swap3A_1382], %swap3A_1385 {strides = array<i32>} : memref<2x128x64xf32, #tpu.memory_space<vmem>>, vector<1x1x16xf32>,
      %mul3A_1386 = arith.mulf %bitcast_convert_type3A_1368, %get3A_4 : vector<16xf32>
      %mul3A_1387 = arith.mulf %bitcast_convert_type3A_1376, %get3A_7 : vector<16xf32>
      %add3A_1388 = arith.addf %mul3A_1386, %mul3A_1387 : vector<16xf32>
      %swap3A_1389 = arith.constant 1 : i32
      %swap3A_1390 = arith.index_cast %swap3A_1389 : i32 to index
      %swap3A_1391 = arith.index_cast %scan3A_1349 : i32 to index
      %swap3A_1392 = arith.constant 32 : index
      %swap3A_1393 = tpu.vector_load %arg12[%swap3A_1390, %swap3A_1391, %swap3A_1392] {strides = array<i32>} : memref<2x128x64xf32, #tpu.memory_space<vmem>>, vector<1x1x16xf32>,
      %swap3A_1394 = vector.shape_cast %swap3A_1393 : vector<1x1x16xf32> to vector<16xf32>
      %swap3A_1395 = vector.shape_cast %add3A_1388 : vector<16xf32> to vector<1x1x16xf32>
      tpu.vector_store %arg12[%swap3A_1390, %swap3A_1391, %swap3A_1392], %swap3A_1395 {strides = array<i32>} : memref<2x128x64xf32, #tpu.memory_space<vmem>>, vector<1x1x16xf32>,
      %get3A_1396 = arith.constant 1 : i32
      %get3A_1397 = arith.index_cast %get3A_1396 : i32 to index
      %get3A_1398 = arith.index_cast %scan3A_1349 : i32 to index
      %get3A_1399 = arith.constant 16 : index
      %get3A_1400 = tpu.vector_load %arg10[%get3A_1397, %get3A_1398, %get3A_1399] {strides = array<i32>} : memref<2x128x32xf32, #tpu.memory_space<vmem>>, vector<1x1x16xf32>,
      %get3A_1401 = vector.shape_cast %get3A_1400 : vector<1x1x16xf32> to vector<16xf32>
      %bitcast_convert_type3A_1402 = tpu.bitcast %get3A_1401 : vector<16xf32> -> vector<16xi32>
      %get3A_1403 = arith.constant 1 : i32
      %get3A_1404 = arith.index_cast %get3A_1403 : i32 to index
      %get3A_1405 = arith.index_cast %scan3A_1349 : i32 to index
      %get3A_1406 = arith.constant 16 : index
      %get3A_1407 = tpu.vector_load %arg11[%get3A_1404, %get3A_1405, %get3A_1406] {strides = array<i32>} : memref<2x128x32xf32, #tpu.memory_space<vmem>>, vector<1x1x16xf32>,
      %get3A_1408 = vector.shape_cast %get3A_1407 : vector<1x1x16xf32> to vector<16xf32>
      %bitcast_convert_type3A_1409 = tpu.bitcast %get3A_1408 : vector<16xf32> -> vector<16xi32>
      %shift_left3A_1410 = arith.constant 16 : i32
      %shift_left3A_1411 = vector.broadcast %shift_left3A_1410 : i32 to vector<16xi32>
      %shift_left3A_1412 = arith.shli %bitcast_convert_type3A_1402, %shift_left3A_1411 : vector<16xi32>
      %bitcast_convert_type3A_1413 = tpu.bitcast %shift_left3A_1412 : vector<16xi32> -> vector<16xf32>
      %and3A_1414 = arith.constant -65536 : i32
      %and3A_1415 = vector.broadcast %and3A_1414 : i32 to vector<16xi32>
      %and3A_1416 = arith.andi %bitcast_convert_type3A_1402, %and3A_1415 : vector<16xi32>
      %bitcast_convert_type3A_1417 = tpu.bitcast %and3A_1416 : vector<16xi32> -> vector<16xf32>
      %shift_left3A_1418 = arith.constant 16 : i32
      %shift_left3A_1419 = vector.broadcast %shift_left3A_1418 : i32 to vector<16xi32>
      %shift_left3A_1420 = arith.shli %bitcast_convert_type3A_1409, %shift_left3A_1419 : vector<16xi32>
      %bitcast_convert_type3A_1421 = tpu.bitcast %shift_left3A_1420 : vector<16xi32> -> vector<16xf32>
      %and3A_1422 = arith.constant -65536 : i32
      %and3A_1423 = vector.broadcast %and3A_1422 : i32 to vector<16xi32>
      %and3A_1424 = arith.andi %bitcast_convert_type3A_1409, %and3A_1423 : vector<16xi32>
      %bitcast_convert_type3A_1425 = tpu.bitcast %and3A_1424 : vector<16xi32> -> vector<16xf32>
      %mul3A_1426 = arith.mulf %bitcast_convert_type3A_1413, %get3A_4 : vector<16xf32>
      %mul3A_1427 = arith.mulf %bitcast_convert_type3A_1421, %get3A_7 : vector<16xf32>
      %add3A_1428 = arith.addf %mul3A_1426, %mul3A_1427 : vector<16xf32>
      %swap3A_1429 = arith.constant 1 : i32
      %swap3A_1430 = arith.index_cast %swap3A_1429 : i32 to index
      %swap3A_1431 = arith.index_cast %scan3A_1349 : i32 to index
      %swap3A_1432 = arith.constant 16 : index
      %swap3A_1433 = tpu.vector_load %arg12[%swap3A_1430, %swap3A_1431, %swap3A_1432] {strides = array<i32>} : memref<2x128x64xf32, #tpu.memory_space<vmem>>, vector<1x1x16xf32>,
      %swap3A_1434 = vector.shape_cast %swap3A_1433 : vector<1x1x16xf32> to vector<16xf32>
      %swap3A_1435 = vector.shape_cast %add3A_1428 : vector<16xf32> to vector<1x1x16xf32>
      tpu.vector_store %arg12[%swap3A_1430, %swap3A_1431, %swap3A_1432], %swap3A_1435 {strides = array<i32>} : memref<2x128x64xf32, #tpu.memory_space<vmem>>, vector<1x1x16xf32>,
      %mul3A_1436 = arith.mulf %bitcast_convert_type3A_1417, %get3A_4 : vector<16xf32>
      %mul3A_1437 = arith.mulf %bitcast_convert_type3A_1425, %get3A_7 : vector<16xf32>
      %add3A_1438 = arith.addf %mul3A_1436, %mul3A_1437 : vector<16xf32>
      %swap3A_1439 = arith.constant 1 : i32
      %swap3A_1440 = arith.index_cast %swap3A_1439 : i32 to index
      %swap3A_1441 = arith.index_cast %scan3A_1349 : i32 to index
      %swap3A_1442 = arith.constant 48 : index
      %swap3A_1443 = tpu.vector_load %arg12[%swap3A_1440, %swap3A_1441, %swap3A_1442] {strides = array<i32>} : memref<2x128x64xf32, #tpu.memory_space<vmem>>, vector<1x1x16xf32>,
      %swap3A_1444 = vector.shape_cast %swap3A_1443 : vector<1x1x16xf32> to vector<16xf32>
      %swap3A_1445 = vector.shape_cast %add3A_1438 : vector<16xf32> to vector<1x1x16xf32>
      tpu.vector_store %arg12[%swap3A_1440, %swap3A_1441, %swap3A_1442], %swap3A_1445 {strides = array<i32>} : memref<2x128x64xf32, #tpu.memory_space<vmem>>, vector<1x1x16xf32>,
    }
    %scan3A_1161 = arith.constant 128 : i32
    %mul3A_1162 = arith.constant 2048 : i32
    %mul3A_1163 = arith.muli %add3A, %mul3A_1162 : i32
    %add3A_1164 = arith.constant 1664 : i32
    %add3A_1165 = arith.addi %mul3A_1163, %add3A_1164 : i32
    %dma_start3A_1166 = arith.constant 1 : i32
    %dma_start3A_1167 = arith.constant 0 : i32
    %dma_start3A_1168 = arith.constant 0 : i32
    %dma_start3A_1169 = tpu.memref_slice %arg12[%dma_start3A_1166, %dma_start3A_1167, %dma_start3A_1168] : memref<2x128x64xf32, #tpu.memory_space<vmem>> -> memref<1x128x64xf32, #tpu.memory_space<vmem>>
    %dma_start3A_1170 = tpu.memref_squeeze %dma_start3A_1169 : memref<1x128x64xf32, #tpu.memory_space<vmem>> -> memref<128x64xf32, #tpu.memory_space<vmem>>
    %dma_start3A_1171 = arith.constant 0 : i32
    %dma_start3A_1172 = tpu.memref_slice %arg7[%add3A_1165, %dma_start3A_1171] : memref<65536x64xf32, #tpu.memory_space<hbm>> -> memref<128x64xf32, #tpu.memory_space<hbm>>
    %dma_start3A_1173 = arith.constant 0 : i32
    %dma_start3A_1174 = tpu.memref_slice %arg7[%add3A_1165, %dma_start3A_1173] : memref<65536x64xf32, #tpu.memory_space<hbm>> -> memref<128x64xf32, #tpu.memory_space<hbm>>
    %dma_start3A_1175 = arith.constant 0 : i32
    %dma_start3A_1176 = arith.constant 0 : i32
    %dma_start3A_1177 = tpu.memref_slice %arg12[%dma_start3A_1166, %dma_start3A_1175, %dma_start3A_1176] : memref<2x128x64xf32, #tpu.memory_space<vmem>> -> memref<1x128x64xf32, #tpu.memory_space<vmem>>
    %dma_start3A_1178 = tpu.memref_squeeze %dma_start3A_1177 : memref<1x128x64xf32, #tpu.memory_space<vmem>> -> memref<128x64xf32, #tpu.memory_space<vmem>>
    tpu.enqueue_dma source(%dma_start3A_1178 : memref<128x64xf32, #tpu.memory_space<vmem>>) target(%dma_start3A_1174 : memref<128x64xf32, #tpu.memory_space<hbm>>) target_semaphore(%arg18 : memref<!tpu.dma_semaphore, #tpu.memory_space<semaphore_mem>>)
    %dma_start3A_1179 = arith.constant 15 : i32
    %dma_start3A_1180 = arith.constant 1 : i32
    %dma_start3A_1181 = arith.constant 0 : i32
    %dma_start3A_1182 = arith.constant 0 : i32
    %dma_start3A_1183 = tpu.memref_slice %arg10[%dma_start3A_1180, %dma_start3A_1181, %dma_start3A_1182] : memref<2x128x32xf32, #tpu.memory_space<vmem>> -> memref<1x128x32xf32, #tpu.memory_space<vmem>>
    %dma_start3A_1184 = tpu.memref_squeeze %dma_start3A_1183 : memref<1x128x32xf32, #tpu.memory_space<vmem>> -> memref<128x32xf32, #tpu.memory_space<vmem>>
    %dma_start3A_1185 = arith.constant 0 : i32
    %dma_start3A_1186 = tpu.memref_slice %arg8[%dma_start3A_1179, %dma_start3A_1185] : memref<16x128xi32, #tpu.memory_space<vmem>> -> memref<1x128xi32, #tpu.memory_space<vmem>>
    %dma_start3A_1187 = tpu.memref_squeeze %dma_start3A_1186 : memref<1x128xi32, #tpu.memory_space<vmem>> -> memref<128xi32, #tpu.memory_space<vmem>>
    %dma_start3A_1188 = arith.constant 0 : i32
    %dma_start3A_1189 = arith.constant 0 : i32
    %dma_start3A_1190 = tpu.memref_slice %arg2[%dma_start3A_1188, %dma_start3A_1189] : memref<65536x32xf32, #tpu.memory_space<hbm>> -> memref<65536x32xf32, #tpu.memory_space<hbm>>
    tpu.enqueue_indirect_dma source(%dma_start3A_1190 : memref<65536x32xf32, #tpu.memory_space<hbm>>) target(%dma_start3A_1184 : memref<128x32xf32, #tpu.memory_space<vmem>>) offsets(%dma_start3A_1187 : memref<128xi32, #tpu.memory_space<vmem>>) semaphore(%arg16 : memref<!tpu.dma_semaphore, #tpu.memory_space<semaphore_mem>>)
    %dma_start3A_1191 = arith.constant 15 : i32
    %dma_start3A_1192 = arith.constant 1 : i32
    %dma_start3A_1193 = arith.constant 0 : i32
    %dma_start3A_1194 = arith.constant 0 : i32
    %dma_start3A_1195 = tpu.memref_slice %arg11[%dma_start3A_1192, %dma_start3A_1193, %dma_start3A_1194] : memref<2x128x32xf32, #tpu.memory_space<vmem>> -> memref<1x128x32xf32, #tpu.memory_space<vmem>>
    %dma_start3A_1196 = tpu.memref_squeeze %dma_start3A_1195 : memref<1x128x32xf32, #tpu.memory_space<vmem>> -> memref<128x32xf32, #tpu.memory_space<vmem>>
    %dma_start3A_1197 = arith.constant 0 : i32
    %dma_start3A_1198 = tpu.memref_slice %arg9[%dma_start3A_1191, %dma_start3A_1197] : memref<16x128xi32, #tpu.memory_space<vmem>> -> memref<1x128xi32, #tpu.memory_space<vmem>>
    %dma_start3A_1199 = tpu.memref_squeeze %dma_start3A_1198 : memref<1x128xi32, #tpu.memory_space<vmem>> -> memref<128xi32, #tpu.memory_space<vmem>>
    %dma_start3A_1200 = arith.constant 0 : i32
    %dma_start3A_1201 = arith.constant 0 : i32
    %dma_start3A_1202 = tpu.memref_slice %arg2[%dma_start3A_1200, %dma_start3A_1201] : memref<65536x32xf32, #tpu.memory_space<hbm>> -> memref<65536x32xf32, #tpu.memory_space<hbm>>
    tpu.enqueue_indirect_dma source(%dma_start3A_1202 : memref<65536x32xf32, #tpu.memory_space<hbm>>) target(%dma_start3A_1196 : memref<128x32xf32, #tpu.memory_space<vmem>>) offsets(%dma_start3A_1199 : memref<128xi32, #tpu.memory_space<vmem>>) semaphore(%arg16 : memref<!tpu.dma_semaphore, #tpu.memory_space<semaphore_mem>>)
    %dma_wait3A_1203 = arith.constant 14 : i32
    %dma_wait3A_1204 = arith.constant 0 : i32
    %dma_wait3A_1205 = arith.constant 0 : i32
    %dma_wait3A_1206 = arith.constant 0 : i32
    %dma_wait3A_1207 = tpu.memref_slice %arg10[%dma_wait3A_1204, %dma_wait3A_1205, %dma_wait3A_1206] : memref<2x128x32xf32, #tpu.memory_space<vmem>> -> memref<1x128x32xf32, #tpu.memory_space<vmem>>
    %dma_wait3A_1208 = tpu.memref_squeeze %dma_wait3A_1207 : memref<1x128x32xf32, #tpu.memory_space<vmem>> -> memref<128x32xf32, #tpu.memory_space<vmem>>
    %dma_wait3A_1209 = arith.constant 0 : i32
    %dma_wait3A_1210 = tpu.memref_slice %arg8[%dma_wait3A_1203, %dma_wait3A_1209] : memref<16x128xi32, #tpu.memory_space<vmem>> -> memref<1x128xi32, #tpu.memory_space<vmem>>
    %dma_wait3A_1211 = tpu.memref_squeeze %dma_wait3A_1210 : memref<1x128xi32, #tpu.memory_space<vmem>> -> memref<128xi32, #tpu.memory_space<vmem>>
    %dma_wait3A_1212 = arith.constant 0 : i32
    %dma_wait3A_1213 = arith.constant 0 : i32
    %dma_wait3A_1214 = tpu.memref_slice %arg2[%dma_wait3A_1212, %dma_wait3A_1213] : memref<65536x32xf32, #tpu.memory_space<hbm>> -> memref<65536x32xf32, #tpu.memory_space<hbm>>
    tpu.wait_indirect_dma semaphore(%arg15 : memref<!tpu.dma_semaphore, #tpu.memory_space<semaphore_mem>>) src(%dma_wait3A_1214 : memref<65536x32xf32, #tpu.memory_space<hbm>>) dst(%dma_wait3A_1208 : memref<128x32xf32, #tpu.memory_space<vmem>>)
    %dma_wait3A_1215 = arith.constant 14 : i32
    %dma_wait3A_1216 = arith.constant 0 : i32
    %dma_wait3A_1217 = arith.constant 0 : i32
    %dma_wait3A_1218 = arith.constant 0 : i32
    %dma_wait3A_1219 = tpu.memref_slice %arg11[%dma_wait3A_1216, %dma_wait3A_1217, %dma_wait3A_1218] : memref<2x128x32xf32, #tpu.memory_space<vmem>> -> memref<1x128x32xf32, #tpu.memory_space<vmem>>
    %dma_wait3A_1220 = tpu.memref_squeeze %dma_wait3A_1219 : memref<1x128x32xf32, #tpu.memory_space<vmem>> -> memref<128x32xf32, #tpu.memory_space<vmem>>
    %dma_wait3A_1221 = arith.constant 0 : i32
    %dma_wait3A_1222 = tpu.memref_slice %arg9[%dma_wait3A_1215, %dma_wait3A_1221] : memref<16x128xi32, #tpu.memory_space<vmem>> -> memref<1x128xi32, #tpu.memory_space<vmem>>
    %dma_wait3A_1223 = tpu.memref_squeeze %dma_wait3A_1222 : memref<1x128xi32, #tpu.memory_space<vmem>> -> memref<128xi32, #tpu.memory_space<vmem>>
    %dma_wait3A_1224 = arith.constant 0 : i32
    %dma_wait3A_1225 = arith.constant 0 : i32
    %dma_wait3A_1226 = tpu.memref_slice %arg2[%dma_wait3A_1224, %dma_wait3A_1225] : memref<65536x32xf32, #tpu.memory_space<hbm>> -> memref<65536x32xf32, #tpu.memory_space<hbm>>
    tpu.wait_indirect_dma semaphore(%arg15 : memref<!tpu.dma_semaphore, #tpu.memory_space<semaphore_mem>>) src(%dma_wait3A_1226 : memref<65536x32xf32, #tpu.memory_space<hbm>>) dst(%dma_wait3A_1220 : memref<128x32xf32, #tpu.memory_space<vmem>>)
    %dma_wait3A_1227 = arith.constant 0 : i32
    %dma_wait3A_1228 = arith.constant 0 : i32
    %dma_wait3A_1229 = arith.constant 0 : i32
    %dma_wait3A_1230 = tpu.memref_slice %arg12[%dma_wait3A_1227, %dma_wait3A_1228, %dma_wait3A_1229] : memref<2x128x64xf32, #tpu.memory_space<vmem>> -> memref<1x128x64xf32, #tpu.memory_space<vmem>>
    %dma_wait3A_1231 = tpu.memref_squeeze %dma_wait3A_1230 : memref<1x128x64xf32, #tpu.memory_space<vmem>> -> memref<128x64xf32, #tpu.memory_space<vmem>>
    %dma_wait3A_1232 = arith.constant 0 : i32
    %dma_wait3A_1233 = tpu.memref_slice %arg7[%add3A_1081, %dma_wait3A_1232] : memref<65536x64xf32, #tpu.memory_space<hbm>> -> memref<128x64xf32, #tpu.memory_space<hbm>>
    %dma_wait3A_1234 = arith.constant 0 : i32
    %dma_wait3A_1235 = tpu.memref_slice %arg7[%add3A_1081, %dma_wait3A_1234] : memref<65536x64xf32, #tpu.memory_space<hbm>> -> memref<128x64xf32, #tpu.memory_space<hbm>>
    %dma_wait3A_1236 = arith.constant 0 : i32
    %dma_wait3A_1237 = arith.constant 0 : i32
    %dma_wait3A_1238 = tpu.memref_slice %arg12[%dma_wait3A_1227, %dma_wait3A_1236, %dma_wait3A_1237] : memref<2x128x64xf32, #tpu.memory_space<vmem>> -> memref<1x128x64xf32, #tpu.memory_space<vmem>>
    %dma_wait3A_1239 = tpu.memref_squeeze %dma_wait3A_1238 : memref<1x128x64xf32, #tpu.memory_space<vmem>> -> memref<128x64xf32, #tpu.memory_space<vmem>>
    tpu.wait_dma2 semaphore(%arg17 : memref<!tpu.dma_semaphore, #tpu.memory_space<semaphore_mem>>) src(%dma_wait3A_1239 : memref<128x64xf32, #tpu.memory_space<vmem>>) dst(%dma_wait3A_1235 : memref<128x64xf32, #tpu.memory_space<hbm>>)
    %scan3A_1240 = arith.constant 0 : i32
    %scan3A_1241 = arith.constant 0 : i32
    %scan3A_1242 = arith.constant 128 : i32
    %scan3A_1243 = arith.addi %scan3A_1241, %scan3A_1242 : i32
    %scan3A_1244 = arith.constant 1 : i32
    scf.for %scan3A_1349 = %scan3A_1241 to %scan3A_1243 step %scan3A_1244  : i32 {
      %get3A_1350 = arith.constant 0 : i32
      %get3A_1351 = arith.index_cast %get3A_1350 : i32 to index
      %get3A_1352 = arith.index_cast %scan3A_1349 : i32 to index
      %get3A_1353 = arith.constant 0 : index
      %get3A_1354 = tpu.vector_load %arg10[%get3A_1351, %get3A_1352, %get3A_1353] {strides = array<i32>} : memref<2x128x32xf32, #tpu.memory_space<vmem>>, vector<1x1x16xf32>,
      %get3A_1355 = vector.shape_cast %get3A_1354 : vector<1x1x16xf32> to vector<16xf32>
      %bitcast_convert_type3A = tpu.bitcast %get3A_1355 : vector<16xf32> -> vector<16xi32>
      %get3A_1356 = arith.constant 0 : i32
      %get3A_1357 = arith.index_cast %get3A_1356 : i32 to index
      %get3A_1358 = arith.index_cast %scan3A_1349 : i32 to index
      %get3A_1359 = arith.constant 0 : index
      %get3A_1360 = tpu.vector_load %arg11[%get3A_1357, %get3A_1358, %get3A_1359] {strides = array<i32>} : memref<2x128x32xf32, #tpu.memory_space<vmem>>, vector<1x1x16xf32>,
      %get3A_1361 = vector.shape_cast %get3A_1360 : vector<1x1x16xf32> to vector<16xf32>
      %bitcast_convert_type3A_1362 = tpu.bitcast %get3A_1361 : vector<16xf32> -> vector<16xi32>
      %shift_left3A = arith.constant 16 : i32
      %shift_left3A_1363 = vector.broadcast %shift_left3A : i32 to vector<16xi32>
      %shift_left3A_1364 = arith.shli %bitcast_convert_type3A, %shift_left3A_1363 : vector<16xi32>
      %bitcast_convert_type3A_1365 = tpu.bitcast %shift_left3A_1364 : vector<16xi32> -> vector<16xf32>
      %and3A = arith.constant -65536 : i32
      %and3A_1366 = vector.broadcast %and3A : i32 to vector<16xi32>
      %and3A_1367 = arith.andi %bitcast_convert_type3A, %and3A_1366 : vector<16xi32>
      %bitcast_convert_type3A_1368 = tpu.bitcast %and3A_1367 : vector<16xi32> -> vector<16xf32>
      %shift_left3A_1369 = arith.constant 16 : i32
      %shift_left3A_1370 = vector.broadcast %shift_left3A_1369 : i32 to vector<16xi32>
      %shift_left3A_1371 = arith.shli %bitcast_convert_type3A_1362, %shift_left3A_1370 : vector<16xi32>
      %bitcast_convert_type3A_1372 = tpu.bitcast %shift_left3A_1371 : vector<16xi32> -> vector<16xf32>
      %and3A_1373 = arith.constant -65536 : i32
      %and3A_1374 = vector.broadcast %and3A_1373 : i32 to vector<16xi32>
      %and3A_1375 = arith.andi %bitcast_convert_type3A_1362, %and3A_1374 : vector<16xi32>
      %bitcast_convert_type3A_1376 = tpu.bitcast %and3A_1375 : vector<16xi32> -> vector<16xf32>
      %mul3A_1377 = arith.mulf %bitcast_convert_type3A_1365, %get3A_4 : vector<16xf32>
      %mul3A_1378 = arith.mulf %bitcast_convert_type3A_1372, %get3A_7 : vector<16xf32>
      %add3A_1379 = arith.addf %mul3A_1377, %mul3A_1378 : vector<16xf32>
      %swap3A = arith.constant 0 : i32
      %swap3A_1380 = arith.index_cast %swap3A : i32 to index
      %swap3A_1381 = arith.index_cast %scan3A_1349 : i32 to index
      %swap3A_1382 = arith.constant 0 : index
      %swap3A_1383 = tpu.vector_load %arg12[%swap3A_1380, %swap3A_1381, %swap3A_1382] {strides = array<i32>} : memref<2x128x64xf32, #tpu.memory_space<vmem>>, vector<1x1x16xf32>,
      %swap3A_1384 = vector.shape_cast %swap3A_1383 : vector<1x1x16xf32> to vector<16xf32>
      %swap3A_1385 = vector.shape_cast %add3A_1379 : vector<16xf32> to vector<1x1x16xf32>
      tpu.vector_store %arg12[%swap3A_1380, %swap3A_1381, %swap3A_1382], %swap3A_1385 {strides = array<i32>} : memref<2x128x64xf32, #tpu.memory_space<vmem>>, vector<1x1x16xf32>,
      %mul3A_1386 = arith.mulf %bitcast_convert_type3A_1368, %get3A_4 : vector<16xf32>
      %mul3A_1387 = arith.mulf %bitcast_convert_type3A_1376, %get3A_7 : vector<16xf32>
      %add3A_1388 = arith.addf %mul3A_1386, %mul3A_1387 : vector<16xf32>
      %swap3A_1389 = arith.constant 0 : i32
      %swap3A_1390 = arith.index_cast %swap3A_1389 : i32 to index
      %swap3A_1391 = arith.index_cast %scan3A_1349 : i32 to index
      %swap3A_1392 = arith.constant 32 : index
      %swap3A_1393 = tpu.vector_load %arg12[%swap3A_1390, %swap3A_1391, %swap3A_1392] {strides = array<i32>} : memref<2x128x64xf32, #tpu.memory_space<vmem>>, vector<1x1x16xf32>,
      %swap3A_1394 = vector.shape_cast %swap3A_1393 : vector<1x1x16xf32> to vector<16xf32>
      %swap3A_1395 = vector.shape_cast %add3A_1388 : vector<16xf32> to vector<1x1x16xf32>
      tpu.vector_store %arg12[%swap3A_1390, %swap3A_1391, %swap3A_1392], %swap3A_1395 {strides = array<i32>} : memref<2x128x64xf32, #tpu.memory_space<vmem>>, vector<1x1x16xf32>,
      %get3A_1396 = arith.constant 0 : i32
      %get3A_1397 = arith.index_cast %get3A_1396 : i32 to index
      %get3A_1398 = arith.index_cast %scan3A_1349 : i32 to index
      %get3A_1399 = arith.constant 16 : index
      %get3A_1400 = tpu.vector_load %arg10[%get3A_1397, %get3A_1398, %get3A_1399] {strides = array<i32>} : memref<2x128x32xf32, #tpu.memory_space<vmem>>, vector<1x1x16xf32>,
      %get3A_1401 = vector.shape_cast %get3A_1400 : vector<1x1x16xf32> to vector<16xf32>
      %bitcast_convert_type3A_1402 = tpu.bitcast %get3A_1401 : vector<16xf32> -> vector<16xi32>
      %get3A_1403 = arith.constant 0 : i32
      %get3A_1404 = arith.index_cast %get3A_1403 : i32 to index
      %get3A_1405 = arith.index_cast %scan3A_1349 : i32 to index
      %get3A_1406 = arith.constant 16 : index
      %get3A_1407 = tpu.vector_load %arg11[%get3A_1404, %get3A_1405, %get3A_1406] {strides = array<i32>} : memref<2x128x32xf32, #tpu.memory_space<vmem>>, vector<1x1x16xf32>,
      %get3A_1408 = vector.shape_cast %get3A_1407 : vector<1x1x16xf32> to vector<16xf32>
      %bitcast_convert_type3A_1409 = tpu.bitcast %get3A_1408 : vector<16xf32> -> vector<16xi32>
      %shift_left3A_1410 = arith.constant 16 : i32
      %shift_left3A_1411 = vector.broadcast %shift_left3A_1410 : i32 to vector<16xi32>
      %shift_left3A_1412 = arith.shli %bitcast_convert_type3A_1402, %shift_left3A_1411 : vector<16xi32>
      %bitcast_convert_type3A_1413 = tpu.bitcast %shift_left3A_1412 : vector<16xi32> -> vector<16xf32>
      %and3A_1414 = arith.constant -65536 : i32
      %and3A_1415 = vector.broadcast %and3A_1414 : i32 to vector<16xi32>
      %and3A_1416 = arith.andi %bitcast_convert_type3A_1402, %and3A_1415 : vector<16xi32>
      %bitcast_convert_type3A_1417 = tpu.bitcast %and3A_1416 : vector<16xi32> -> vector<16xf32>
      %shift_left3A_1418 = arith.constant 16 : i32
      %shift_left3A_1419 = vector.broadcast %shift_left3A_1418 : i32 to vector<16xi32>
      %shift_left3A_1420 = arith.shli %bitcast_convert_type3A_1409, %shift_left3A_1419 : vector<16xi32>
      %bitcast_convert_type3A_1421 = tpu.bitcast %shift_left3A_1420 : vector<16xi32> -> vector<16xf32>
      %and3A_1422 = arith.constant -65536 : i32
      %and3A_1423 = vector.broadcast %and3A_1422 : i32 to vector<16xi32>
      %and3A_1424 = arith.andi %bitcast_convert_type3A_1409, %and3A_1423 : vector<16xi32>
      %bitcast_convert_type3A_1425 = tpu.bitcast %and3A_1424 : vector<16xi32> -> vector<16xf32>
      %mul3A_1426 = arith.mulf %bitcast_convert_type3A_1413, %get3A_4 : vector<16xf32>
      %mul3A_1427 = arith.mulf %bitcast_convert_type3A_1421, %get3A_7 : vector<16xf32>
      %add3A_1428 = arith.addf %mul3A_1426, %mul3A_1427 : vector<16xf32>
      %swap3A_1429 = arith.constant 0 : i32
      %swap3A_1430 = arith.index_cast %swap3A_1429 : i32 to index
      %swap3A_1431 = arith.index_cast %scan3A_1349 : i32 to index
      %swap3A_1432 = arith.constant 16 : index
      %swap3A_1433 = tpu.vector_load %arg12[%swap3A_1430, %swap3A_1431, %swap3A_1432] {strides = array<i32>} : memref<2x128x64xf32, #tpu.memory_space<vmem>>, vector<1x1x16xf32>,
      %swap3A_1434 = vector.shape_cast %swap3A_1433 : vector<1x1x16xf32> to vector<16xf32>
      %swap3A_1435 = vector.shape_cast %add3A_1428 : vector<16xf32> to vector<1x1x16xf32>
      tpu.vector_store %arg12[%swap3A_1430, %swap3A_1431, %swap3A_1432], %swap3A_1435 {strides = array<i32>} : memref<2x128x64xf32, #tpu.memory_space<vmem>>, vector<1x1x16xf32>,
      %mul3A_1436 = arith.mulf %bitcast_convert_type3A_1417, %get3A_4 : vector<16xf32>
      %mul3A_1437 = arith.mulf %bitcast_convert_type3A_1425, %get3A_7 : vector<16xf32>
      %add3A_1438 = arith.addf %mul3A_1436, %mul3A_1437 : vector<16xf32>
      %swap3A_1439 = arith.constant 0 : i32
      %swap3A_1440 = arith.index_cast %swap3A_1439 : i32 to index
      %swap3A_1441 = arith.index_cast %scan3A_1349 : i32 to index
      %swap3A_1442 = arith.constant 48 : index
      %swap3A_1443 = tpu.vector_load %arg12[%swap3A_1440, %swap3A_1441, %swap3A_1442] {strides = array<i32>} : memref<2x128x64xf32, #tpu.memory_space<vmem>>, vector<1x1x16xf32>,
      %swap3A_1444 = vector.shape_cast %swap3A_1443 : vector<1x1x16xf32> to vector<16xf32>
      %swap3A_1445 = vector.shape_cast %add3A_1438 : vector<16xf32> to vector<1x1x16xf32>
      tpu.vector_store %arg12[%swap3A_1440, %swap3A_1441, %swap3A_1442], %swap3A_1445 {strides = array<i32>} : memref<2x128x64xf32, #tpu.memory_space<vmem>>, vector<1x1x16xf32>,
    }
    %scan3A_1245 = arith.constant 128 : i32
    %mul3A_1246 = arith.constant 2048 : i32
    %mul3A_1247 = arith.muli %add3A, %mul3A_1246 : i32
    %add3A_1248 = arith.constant 1792 : i32
    %add3A_1249 = arith.addi %mul3A_1247, %add3A_1248 : i32
    %dma_start3A_1250 = arith.constant 0 : i32
    %dma_start3A_1251 = arith.constant 0 : i32
    %dma_start3A_1252 = arith.constant 0 : i32
    %dma_start3A_1253 = tpu.memref_slice %arg12[%dma_start3A_1250, %dma_start3A_1251, %dma_start3A_1252] : memref<2x128x64xf32, #tpu.memory_space<vmem>> -> memref<1x128x64xf32, #tpu.memory_space<vmem>>
    %dma_start3A_1254 = tpu.memref_squeeze %dma_start3A_1253 : memref<1x128x64xf32, #tpu.memory_space<vmem>> -> memref<128x64xf32, #tpu.memory_space<vmem>>
    %dma_start3A_1255 = arith.constant 0 : i32
    %dma_start3A_1256 = tpu.memref_slice %arg7[%add3A_1249, %dma_start3A_1255] : memref<65536x64xf32, #tpu.memory_space<hbm>> -> memref<128x64xf32, #tpu.memory_space<hbm>>
    %dma_start3A_1257 = arith.constant 0 : i32
    %dma_start3A_1258 = tpu.memref_slice %arg7[%add3A_1249, %dma_start3A_1257] : memref<65536x64xf32, #tpu.memory_space<hbm>> -> memref<128x64xf32, #tpu.memory_space<hbm>>
    %dma_start3A_1259 = arith.constant 0 : i32
    %dma_start3A_1260 = arith.constant 0 : i32
    %dma_start3A_1261 = tpu.memref_slice %arg12[%dma_start3A_1250, %dma_start3A_1259, %dma_start3A_1260] : memref<2x128x64xf32, #tpu.memory_space<vmem>> -> memref<1x128x64xf32, #tpu.memory_space<vmem>>
    %dma_start3A_1262 = tpu.memref_squeeze %dma_start3A_1261 : memref<1x128x64xf32, #tpu.memory_space<vmem>> -> memref<128x64xf32, #tpu.memory_space<vmem>>
    tpu.enqueue_dma source(%dma_start3A_1262 : memref<128x64xf32, #tpu.memory_space<vmem>>) target(%dma_start3A_1258 : memref<128x64xf32, #tpu.memory_space<hbm>>) target_semaphore(%arg17 : memref<!tpu.dma_semaphore, #tpu.memory_space<semaphore_mem>>)
    %dma_wait3A_1263 = arith.constant 15 : i32
    %dma_wait3A_1264 = arith.constant 1 : i32
    %dma_wait3A_1265 = arith.constant 0 : i32
    %dma_wait3A_1266 = arith.constant 0 : i32
    %dma_wait3A_1267 = tpu.memref_slice %arg10[%dma_wait3A_1264, %dma_wait3A_1265, %dma_wait3A_1266] : memref<2x128x32xf32, #tpu.memory_space<vmem>> -> memref<1x128x32xf32, #tpu.memory_space<vmem>>
    %dma_wait3A_1268 = tpu.memref_squeeze %dma_wait3A_1267 : memref<1x128x32xf32, #tpu.memory_space<vmem>> -> memref<128x32xf32, #tpu.memory_space<vmem>>
    %dma_wait3A_1269 = arith.constant 0 : i32
    %dma_wait3A_1270 = tpu.memref_slice %arg8[%dma_wait3A_1263, %dma_wait3A_1269] : memref<16x128xi32, #tpu.memory_space<vmem>> -> memref<1x128xi32, #tpu.memory_space<vmem>>
    %dma_wait3A_1271 = tpu.memref_squeeze %dma_wait3A_1270 : memref<1x128xi32, #tpu.memory_space<vmem>> -> memref<128xi32, #tpu.memory_space<vmem>>
    %dma_wait3A_1272 = arith.constant 0 : i32
    %dma_wait3A_1273 = arith.constant 0 : i32
    %dma_wait3A_1274 = tpu.memref_slice %arg2[%dma_wait3A_1272, %dma_wait3A_1273] : memref<65536x32xf32, #tpu.memory_space<hbm>> -> memref<65536x32xf32, #tpu.memory_space<hbm>>
    tpu.wait_indirect_dma semaphore(%arg16 : memref<!tpu.dma_semaphore, #tpu.memory_space<semaphore_mem>>) src(%dma_wait3A_1274 : memref<65536x32xf32, #tpu.memory_space<hbm>>) dst(%dma_wait3A_1268 : memref<128x32xf32, #tpu.memory_space<vmem>>)
    %dma_wait3A_1275 = arith.constant 15 : i32
    %dma_wait3A_1276 = arith.constant 1 : i32
    %dma_wait3A_1277 = arith.constant 0 : i32
    %dma_wait3A_1278 = arith.constant 0 : i32
    %dma_wait3A_1279 = tpu.memref_slice %arg11[%dma_wait3A_1276, %dma_wait3A_1277, %dma_wait3A_1278] : memref<2x128x32xf32, #tpu.memory_space<vmem>> -> memref<1x128x32xf32, #tpu.memory_space<vmem>>
    %dma_wait3A_1280 = tpu.memref_squeeze %dma_wait3A_1279 : memref<1x128x32xf32, #tpu.memory_space<vmem>> -> memref<128x32xf32, #tpu.memory_space<vmem>>
    %dma_wait3A_1281 = arith.constant 0 : i32
    %dma_wait3A_1282 = tpu.memref_slice %arg9[%dma_wait3A_1275, %dma_wait3A_1281] : memref<16x128xi32, #tpu.memory_space<vmem>> -> memref<1x128xi32, #tpu.memory_space<vmem>>
    %dma_wait3A_1283 = tpu.memref_squeeze %dma_wait3A_1282 : memref<1x128xi32, #tpu.memory_space<vmem>> -> memref<128xi32, #tpu.memory_space<vmem>>
    %dma_wait3A_1284 = arith.constant 0 : i32
    %dma_wait3A_1285 = arith.constant 0 : i32
    %dma_wait3A_1286 = tpu.memref_slice %arg2[%dma_wait3A_1284, %dma_wait3A_1285] : memref<65536x32xf32, #tpu.memory_space<hbm>> -> memref<65536x32xf32, #tpu.memory_space<hbm>>
    tpu.wait_indirect_dma semaphore(%arg16 : memref<!tpu.dma_semaphore, #tpu.memory_space<semaphore_mem>>) src(%dma_wait3A_1286 : memref<65536x32xf32, #tpu.memory_space<hbm>>) dst(%dma_wait3A_1280 : memref<128x32xf32, #tpu.memory_space<vmem>>)
    %dma_wait3A_1287 = arith.constant 1 : i32
    %dma_wait3A_1288 = arith.constant 0 : i32
    %dma_wait3A_1289 = arith.constant 0 : i32
    %dma_wait3A_1290 = tpu.memref_slice %arg12[%dma_wait3A_1287, %dma_wait3A_1288, %dma_wait3A_1289] : memref<2x128x64xf32, #tpu.memory_space<vmem>> -> memref<1x128x64xf32, #tpu.memory_space<vmem>>
    %dma_wait3A_1291 = tpu.memref_squeeze %dma_wait3A_1290 : memref<1x128x64xf32, #tpu.memory_space<vmem>> -> memref<128x64xf32, #tpu.memory_space<vmem>>
    %dma_wait3A_1292 = arith.constant 0 : i32
    %dma_wait3A_1293 = tpu.memref_slice %arg7[%add3A_1165, %dma_wait3A_1292] : memref<65536x64xf32, #tpu.memory_space<hbm>> -> memref<128x64xf32, #tpu.memory_space<hbm>>
    %dma_wait3A_1294 = arith.constant 0 : i32
    %dma_wait3A_1295 = tpu.memref_slice %arg7[%add3A_1165, %dma_wait3A_1294] : memref<65536x64xf32, #tpu.memory_space<hbm>> -> memref<128x64xf32, #tpu.memory_space<hbm>>
    %dma_wait3A_1296 = arith.constant 0 : i32
    %dma_wait3A_1297 = arith.constant 0 : i32
    %dma_wait3A_1298 = tpu.memref_slice %arg12[%dma_wait3A_1287, %dma_wait3A_1296, %dma_wait3A_1297] : memref<2x128x64xf32, #tpu.memory_space<vmem>> -> memref<1x128x64xf32, #tpu.memory_space<vmem>>
    %dma_wait3A_1299 = tpu.memref_squeeze %dma_wait3A_1298 : memref<1x128x64xf32, #tpu.memory_space<vmem>> -> memref<128x64xf32, #tpu.memory_space<vmem>>
    tpu.wait_dma2 semaphore(%arg18 : memref<!tpu.dma_semaphore, #tpu.memory_space<semaphore_mem>>) src(%dma_wait3A_1299 : memref<128x64xf32, #tpu.memory_space<vmem>>) dst(%dma_wait3A_1295 : memref<128x64xf32, #tpu.memory_space<hbm>>)
    %scan3A_1300 = arith.constant 0 : i32
    %scan3A_1301 = arith.constant 0 : i32
    %scan3A_1302 = arith.constant 128 : i32
    %scan3A_1303 = arith.addi %scan3A_1301, %scan3A_1302 : i32
    %scan3A_1304 = arith.constant 1 : i32
    scf.for %scan3A_1349 = %scan3A_1301 to %scan3A_1303 step %scan3A_1304  : i32 {
      %get3A_1350 = arith.constant 1 : i32
      %get3A_1351 = arith.index_cast %get3A_1350 : i32 to index
      %get3A_1352 = arith.index_cast %scan3A_1349 : i32 to index
      %get3A_1353 = arith.constant 0 : index
      %get3A_1354 = tpu.vector_load %arg10[%get3A_1351, %get3A_1352, %get3A_1353] {strides = array<i32>} : memref<2x128x32xf32, #tpu.memory_space<vmem>>, vector<1x1x16xf32>,
      %get3A_1355 = vector.shape_cast %get3A_1354 : vector<1x1x16xf32> to vector<16xf32>
      %bitcast_convert_type3A = tpu.bitcast %get3A_1355 : vector<16xf32> -> vector<16xi32>
      %get3A_1356 = arith.constant 1 : i32
      %get3A_1357 = arith.index_cast %get3A_1356 : i32 to index
      %get3A_1358 = arith.index_cast %scan3A_1349 : i32 to index
      %get3A_1359 = arith.constant 0 : index
      %get3A_1360 = tpu.vector_load %arg11[%get3A_1357, %get3A_1358, %get3A_1359] {strides = array<i32>} : memref<2x128x32xf32, #tpu.memory_space<vmem>>, vector<1x1x16xf32>,
      %get3A_1361 = vector.shape_cast %get3A_1360 : vector<1x1x16xf32> to vector<16xf32>
      %bitcast_convert_type3A_1362 = tpu.bitcast %get3A_1361 : vector<16xf32> -> vector<16xi32>
      %shift_left3A = arith.constant 16 : i32
      %shift_left3A_1363 = vector.broadcast %shift_left3A : i32 to vector<16xi32>
      %shift_left3A_1364 = arith.shli %bitcast_convert_type3A, %shift_left3A_1363 : vector<16xi32>
      %bitcast_convert_type3A_1365 = tpu.bitcast %shift_left3A_1364 : vector<16xi32> -> vector<16xf32>
      %and3A = arith.constant -65536 : i32
      %and3A_1366 = vector.broadcast %and3A : i32 to vector<16xi32>
      %and3A_1367 = arith.andi %bitcast_convert_type3A, %and3A_1366 : vector<16xi32>
      %bitcast_convert_type3A_1368 = tpu.bitcast %and3A_1367 : vector<16xi32> -> vector<16xf32>
      %shift_left3A_1369 = arith.constant 16 : i32
      %shift_left3A_1370 = vector.broadcast %shift_left3A_1369 : i32 to vector<16xi32>
      %shift_left3A_1371 = arith.shli %bitcast_convert_type3A_1362, %shift_left3A_1370 : vector<16xi32>
      %bitcast_convert_type3A_1372 = tpu.bitcast %shift_left3A_1371 : vector<16xi32> -> vector<16xf32>
      %and3A_1373 = arith.constant -65536 : i32
      %and3A_1374 = vector.broadcast %and3A_1373 : i32 to vector<16xi32>
      %and3A_1375 = arith.andi %bitcast_convert_type3A_1362, %and3A_1374 : vector<16xi32>
      %bitcast_convert_type3A_1376 = tpu.bitcast %and3A_1375 : vector<16xi32> -> vector<16xf32>
      %mul3A_1377 = arith.mulf %bitcast_convert_type3A_1365, %get3A_4 : vector<16xf32>
      %mul3A_1378 = arith.mulf %bitcast_convert_type3A_1372, %get3A_7 : vector<16xf32>
      %add3A_1379 = arith.addf %mul3A_1377, %mul3A_1378 : vector<16xf32>
      %swap3A = arith.constant 1 : i32
      %swap3A_1380 = arith.index_cast %swap3A : i32 to index
      %swap3A_1381 = arith.index_cast %scan3A_1349 : i32 to index
      %swap3A_1382 = arith.constant 0 : index
      %swap3A_1383 = tpu.vector_load %arg12[%swap3A_1380, %swap3A_1381, %swap3A_1382] {strides = array<i32>} : memref<2x128x64xf32, #tpu.memory_space<vmem>>, vector<1x1x16xf32>,
      %swap3A_1384 = vector.shape_cast %swap3A_1383 : vector<1x1x16xf32> to vector<16xf32>
      %swap3A_1385 = vector.shape_cast %add3A_1379 : vector<16xf32> to vector<1x1x16xf32>
      tpu.vector_store %arg12[%swap3A_1380, %swap3A_1381, %swap3A_1382], %swap3A_1385 {strides = array<i32>} : memref<2x128x64xf32, #tpu.memory_space<vmem>>, vector<1x1x16xf32>,
      %mul3A_1386 = arith.mulf %bitcast_convert_type3A_1368, %get3A_4 : vector<16xf32>
      %mul3A_1387 = arith.mulf %bitcast_convert_type3A_1376, %get3A_7 : vector<16xf32>
      %add3A_1388 = arith.addf %mul3A_1386, %mul3A_1387 : vector<16xf32>
      %swap3A_1389 = arith.constant 1 : i32
      %swap3A_1390 = arith.index_cast %swap3A_1389 : i32 to index
      %swap3A_1391 = arith.index_cast %scan3A_1349 : i32 to index
      %swap3A_1392 = arith.constant 32 : index
      %swap3A_1393 = tpu.vector_load %arg12[%swap3A_1390, %swap3A_1391, %swap3A_1392] {strides = array<i32>} : memref<2x128x64xf32, #tpu.memory_space<vmem>>, vector<1x1x16xf32>,
      %swap3A_1394 = vector.shape_cast %swap3A_1393 : vector<1x1x16xf32> to vector<16xf32>
      %swap3A_1395 = vector.shape_cast %add3A_1388 : vector<16xf32> to vector<1x1x16xf32>
      tpu.vector_store %arg12[%swap3A_1390, %swap3A_1391, %swap3A_1392], %swap3A_1395 {strides = array<i32>} : memref<2x128x64xf32, #tpu.memory_space<vmem>>, vector<1x1x16xf32>,
      %get3A_1396 = arith.constant 1 : i32
      %get3A_1397 = arith.index_cast %get3A_1396 : i32 to index
      %get3A_1398 = arith.index_cast %scan3A_1349 : i32 to index
      %get3A_1399 = arith.constant 16 : index
      %get3A_1400 = tpu.vector_load %arg10[%get3A_1397, %get3A_1398, %get3A_1399] {strides = array<i32>} : memref<2x128x32xf32, #tpu.memory_space<vmem>>, vector<1x1x16xf32>,
      %get3A_1401 = vector.shape_cast %get3A_1400 : vector<1x1x16xf32> to vector<16xf32>
      %bitcast_convert_type3A_1402 = tpu.bitcast %get3A_1401 : vector<16xf32> -> vector<16xi32>
      %get3A_1403 = arith.constant 1 : i32
      %get3A_1404 = arith.index_cast %get3A_1403 : i32 to index
      %get3A_1405 = arith.index_cast %scan3A_1349 : i32 to index
      %get3A_1406 = arith.constant 16 : index
      %get3A_1407 = tpu.vector_load %arg11[%get3A_1404, %get3A_1405, %get3A_1406] {strides = array<i32>} : memref<2x128x32xf32, #tpu.memory_space<vmem>>, vector<1x1x16xf32>,
      %get3A_1408 = vector.shape_cast %get3A_1407 : vector<1x1x16xf32> to vector<16xf32>
      %bitcast_convert_type3A_1409 = tpu.bitcast %get3A_1408 : vector<16xf32> -> vector<16xi32>
      %shift_left3A_1410 = arith.constant 16 : i32
      %shift_left3A_1411 = vector.broadcast %shift_left3A_1410 : i32 to vector<16xi32>
      %shift_left3A_1412 = arith.shli %bitcast_convert_type3A_1402, %shift_left3A_1411 : vector<16xi32>
      %bitcast_convert_type3A_1413 = tpu.bitcast %shift_left3A_1412 : vector<16xi32> -> vector<16xf32>
      %and3A_1414 = arith.constant -65536 : i32
      %and3A_1415 = vector.broadcast %and3A_1414 : i32 to vector<16xi32>
      %and3A_1416 = arith.andi %bitcast_convert_type3A_1402, %and3A_1415 : vector<16xi32>
      %bitcast_convert_type3A_1417 = tpu.bitcast %and3A_1416 : vector<16xi32> -> vector<16xf32>
      %shift_left3A_1418 = arith.constant 16 : i32
      %shift_left3A_1419 = vector.broadcast %shift_left3A_1418 : i32 to vector<16xi32>
      %shift_left3A_1420 = arith.shli %bitcast_convert_type3A_1409, %shift_left3A_1419 : vector<16xi32>
      %bitcast_convert_type3A_1421 = tpu.bitcast %shift_left3A_1420 : vector<16xi32> -> vector<16xf32>
      %and3A_1422 = arith.constant -65536 : i32
      %and3A_1423 = vector.broadcast %and3A_1422 : i32 to vector<16xi32>
      %and3A_1424 = arith.andi %bitcast_convert_type3A_1409, %and3A_1423 : vector<16xi32>
      %bitcast_convert_type3A_1425 = tpu.bitcast %and3A_1424 : vector<16xi32> -> vector<16xf32>
      %mul3A_1426 = arith.mulf %bitcast_convert_type3A_1413, %get3A_4 : vector<16xf32>
      %mul3A_1427 = arith.mulf %bitcast_convert_type3A_1421, %get3A_7 : vector<16xf32>
      %add3A_1428 = arith.addf %mul3A_1426, %mul3A_1427 : vector<16xf32>
      %swap3A_1429 = arith.constant 1 : i32
      %swap3A_1430 = arith.index_cast %swap3A_1429 : i32 to index
      %swap3A_1431 = arith.index_cast %scan3A_1349 : i32 to index
      %swap3A_1432 = arith.constant 16 : index
      %swap3A_1433 = tpu.vector_load %arg12[%swap3A_1430, %swap3A_1431, %swap3A_1432] {strides = array<i32>} : memref<2x128x64xf32, #tpu.memory_space<vmem>>, vector<1x1x16xf32>,
      %swap3A_1434 = vector.shape_cast %swap3A_1433 : vector<1x1x16xf32> to vector<16xf32>
      %swap3A_1435 = vector.shape_cast %add3A_1428 : vector<16xf32> to vector<1x1x16xf32>
      tpu.vector_store %arg12[%swap3A_1430, %swap3A_1431, %swap3A_1432], %swap3A_1435 {strides = array<i32>} : memref<2x128x64xf32, #tpu.memory_space<vmem>>, vector<1x1x16xf32>,
      %mul3A_1436 = arith.mulf %bitcast_convert_type3A_1417, %get3A_4 : vector<16xf32>
      %mul3A_1437 = arith.mulf %bitcast_convert_type3A_1425, %get3A_7 : vector<16xf32>
      %add3A_1438 = arith.addf %mul3A_1436, %mul3A_1437 : vector<16xf32>
      %swap3A_1439 = arith.constant 1 : i32
      %swap3A_1440 = arith.index_cast %swap3A_1439 : i32 to index
      %swap3A_1441 = arith.index_cast %scan3A_1349 : i32 to index
      %swap3A_1442 = arith.constant 48 : index
      %swap3A_1443 = tpu.vector_load %arg12[%swap3A_1440, %swap3A_1441, %swap3A_1442] {strides = array<i32>} : memref<2x128x64xf32, #tpu.memory_space<vmem>>, vector<1x1x16xf32>,
      %swap3A_1444 = vector.shape_cast %swap3A_1443 : vector<1x1x16xf32> to vector<16xf32>
      %swap3A_1445 = vector.shape_cast %add3A_1438 : vector<16xf32> to vector<1x1x16xf32>
      tpu.vector_store %arg12[%swap3A_1440, %swap3A_1441, %swap3A_1442], %swap3A_1445 {strides = array<i32>} : memref<2x128x64xf32, #tpu.memory_space<vmem>>, vector<1x1x16xf32>,
    }
    %scan3A_1305 = arith.constant 128 : i32
    %mul3A_1306 = arith.constant 2048 : i32
    %mul3A_1307 = arith.muli %add3A, %mul3A_1306 : i32
    %add3A_1308 = arith.constant 1920 : i32
    %add3A_1309 = arith.addi %mul3A_1307, %add3A_1308 : i32
    %dma_start3A_1310 = arith.constant 1 : i32
    %dma_start3A_1311 = arith.constant 0 : i32
    %dma_start3A_1312 = arith.constant 0 : i32
    %dma_start3A_1313 = tpu.memref_slice %arg12[%dma_start3A_1310, %dma_start3A_1311, %dma_start3A_1312] : memref<2x128x64xf32, #tpu.memory_space<vmem>> -> memref<1x128x64xf32, #tpu.memory_space<vmem>>
    %dma_start3A_1314 = tpu.memref_squeeze %dma_start3A_1313 : memref<1x128x64xf32, #tpu.memory_space<vmem>> -> memref<128x64xf32, #tpu.memory_space<vmem>>
    %dma_start3A_1315 = arith.constant 0 : i32
    %dma_start3A_1316 = tpu.memref_slice %arg7[%add3A_1309, %dma_start3A_1315] : memref<65536x64xf32, #tpu.memory_space<hbm>> -> memref<128x64xf32, #tpu.memory_space<hbm>>
    %dma_start3A_1317 = arith.constant 0 : i32
    %dma_start3A_1318 = tpu.memref_slice %arg7[%add3A_1309, %dma_start3A_1317] : memref<65536x64xf32, #tpu.memory_space<hbm>> -> memref<128x64xf32, #tpu.memory_space<hbm>>
    %dma_start3A_1319 = arith.constant 0 : i32
    %dma_start3A_1320 = arith.constant 0 : i32
    %dma_start3A_1321 = tpu.memref_slice %arg12[%dma_start3A_1310, %dma_start3A_1319, %dma_start3A_1320] : memref<2x128x64xf32, #tpu.memory_space<vmem>> -> memref<1x128x64xf32, #tpu.memory_space<vmem>>
    %dma_start3A_1322 = tpu.memref_squeeze %dma_start3A_1321 : memref<1x128x64xf32, #tpu.memory_space<vmem>> -> memref<128x64xf32, #tpu.memory_space<vmem>>
    tpu.enqueue_dma source(%dma_start3A_1322 : memref<128x64xf32, #tpu.memory_space<vmem>>) target(%dma_start3A_1318 : memref<128x64xf32, #tpu.memory_space<hbm>>) target_semaphore(%arg18 : memref<!tpu.dma_semaphore, #tpu.memory_space<semaphore_mem>>)
    %dma_wait3A_1323 = arith.constant 0 : i32
    %dma_wait3A_1324 = arith.constant 0 : i32
    %dma_wait3A_1325 = arith.constant 0 : i32
    %dma_wait3A_1326 = tpu.memref_slice %arg12[%dma_wait3A_1323, %dma_wait3A_1324, %dma_wait3A_1325] : memref<2x128x64xf32, #tpu.memory_space<vmem>> -> memref<1x128x64xf32, #tpu.memory_space<vmem>>
    %dma_wait3A_1327 = tpu.memref_squeeze %dma_wait3A_1326 : memref<1x128x64xf32, #tpu.memory_space<vmem>> -> memref<128x64xf32, #tpu.memory_space<vmem>>
    %dma_wait3A_1328 = arith.constant 0 : i32
    %dma_wait3A_1329 = tpu.memref_slice %arg7[%add3A_1249, %dma_wait3A_1328] : memref<65536x64xf32, #tpu.memory_space<hbm>> -> memref<128x64xf32, #tpu.memory_space<hbm>>
    %dma_wait3A_1330 = arith.constant 0 : i32
    %dma_wait3A_1331 = tpu.memref_slice %arg7[%add3A_1249, %dma_wait3A_1330] : memref<65536x64xf32, #tpu.memory_space<hbm>> -> memref<128x64xf32, #tpu.memory_space<hbm>>
    %dma_wait3A_1332 = arith.constant 0 : i32
    %dma_wait3A_1333 = arith.constant 0 : i32
    %dma_wait3A_1334 = tpu.memref_slice %arg12[%dma_wait3A_1323, %dma_wait3A_1332, %dma_wait3A_1333] : memref<2x128x64xf32, #tpu.memory_space<vmem>> -> memref<1x128x64xf32, #tpu.memory_space<vmem>>
    %dma_wait3A_1335 = tpu.memref_squeeze %dma_wait3A_1334 : memref<1x128x64xf32, #tpu.memory_space<vmem>> -> memref<128x64xf32, #tpu.memory_space<vmem>>
    tpu.wait_dma2 semaphore(%arg17 : memref<!tpu.dma_semaphore, #tpu.memory_space<semaphore_mem>>) src(%dma_wait3A_1335 : memref<128x64xf32, #tpu.memory_space<vmem>>) dst(%dma_wait3A_1331 : memref<128x64xf32, #tpu.memory_space<hbm>>)
    %dma_wait3A_1336 = arith.constant 1 : i32
    %dma_wait3A_1337 = arith.constant 0 : i32
    %dma_wait3A_1338 = arith.constant 0 : i32
    %dma_wait3A_1339 = tpu.memref_slice %arg12[%dma_wait3A_1336, %dma_wait3A_1337, %dma_wait3A_1338] : memref<2x128x64xf32, #tpu.memory_space<vmem>> -> memref<1x128x64xf32, #tpu.memory_space<vmem>>
    %dma_wait3A_1340 = tpu.memref_squeeze %dma_wait3A_1339 : memref<1x128x64xf32, #tpu.memory_space<vmem>> -> memref<128x64xf32, #tpu.memory_space<vmem>>
    %dma_wait3A_1341 = arith.constant 0 : i32
    %dma_wait3A_1342 = tpu.memref_slice %arg7[%add3A_1309, %dma_wait3A_1341] : memref<65536x64xf32, #tpu.memory_space<hbm>> -> memref<128x64xf32, #tpu.memory_space<hbm>>
    %dma_wait3A_1343 = arith.constant 0 : i32
    %dma_wait3A_1344 = tpu.memref_slice %arg7[%add3A_1309, %dma_wait3A_1343] : memref<65536x64xf32, #tpu.memory_space<hbm>> -> memref<128x64xf32, #tpu.memory_space<hbm>>
    %dma_wait3A_1345 = arith.constant 0 : i32
    %dma_wait3A_1346 = arith.constant 0 : i32
    %dma_wait3A_1347 = tpu.memref_slice %arg12[%dma_wait3A_1336, %dma_wait3A_1345, %dma_wait3A_1346] : memref<2x128x64xf32, #tpu.memory_space<vmem>> -> memref<1x128x64xf32, #tpu.memory_space<vmem>>
    %dma_wait3A_1348 = tpu.memref_squeeze %dma_wait3A_1347 : memref<1x128x64xf32, #tpu.memory_space<vmem>> -> memref<128x64xf32, #tpu.memory_space<vmem>>
    tpu.wait_dma2 semaphore(%arg18 : memref<!tpu.dma_semaphore, #tpu.memory_space<semaphore_mem>>) src(%dma_wait3A_1348 : memref<128x64xf32, #tpu.memory_space<vmem>>) dst(%dma_wait3A_1344 : memref<128x64xf32, #tpu.memory_space<hbm>>)
    return
  }
}

module attributes {stable_mosaic.version = 14 : i64} {
  func.func @_tc_body(%arg0: i32, %arg1: i32, %arg2: memref<1024x1024xf32, #tpu.memory_space<vmem>>, %arg3: memref<1024x1024xf32, #tpu.memory_space<vmem>>, %arg4: memref<1x1024xf32, #tpu.memory_space<vmem>>, %arg5: memref<1024x1024xf32, #tpu.memory_space<vmem>>, %arg6: memref<1x1024xf32, #tpu.memory_space<vmem>>, %arg7: memref<1024x16xf32, #tpu.memory_space<vmem>>, %arg8: memref<1024x512xf32, #tpu.memory_space<vmem>>, %arg9: memref<1024x16xi32, #tpu.memory_space<vmem>>, %arg10: memref<1024x16xi32, #tpu.memory_space<vmem>>, %arg11: memref<1x16xi32, #tpu.memory_space<vmem>>, %arg12: memref<1x16xi32, #tpu.memory_space<vmem>>) attributes {dimension_semantics = [#tpu.dimension_semantics<arbitrary>, #tpu.dimension_semantics<arbitrary>], iteration_bounds = array<i64: 2, 2>, scalar_prefetch = 0 : i64, scratch_operands = 2 : i64, tpu.core_type = #tpu.core_type<tc>, window_params = [{transform_indices = @transform_0, window_bounds = array<i64: 1024, 1024>}, {pipeline_mode = #tpu.pipeline_mode<synchronous>, transform_indices = @transform_1, window_bounds = array<i64: 1024, 1024>}, {pipeline_mode = #tpu.pipeline_mode<synchronous>, transform_indices = @transform_2, window_bounds = array<i64: 1, 1024>}, {pipeline_mode = #tpu.pipeline_mode<synchronous>, transform_indices = @transform_3, window_bounds = array<i64: 1024, 1024>}, {pipeline_mode = #tpu.pipeline_mode<synchronous>, transform_indices = @transform_4, window_bounds = array<i64: 1, 1024>}, {pipeline_mode = #tpu.pipeline_mode<synchronous>, transform_indices = @transform_5, window_bounds = array<i64: 1024, 16>}, {transform_indices = @transform_6, window_bounds = array<i64: 1024, 512>}, {transform_indices = @transform_7, window_bounds = array<i64: 1024, 16>}, {transform_indices = @transform_8, window_bounds = array<i64: 1024, 16>}]} {
    %get3A = arith.constant 0 : index
    %get3A_0 = arith.constant 0 : index
    %get3A_1 = vector.load %arg2[%get3A, %get3A_0] : memref<1024x1024xf32, #tpu.memory_space<vmem>>, vector<1024x1024xf32>
    %get3A_2 = arith.constant 0 : index
    %get3A_3 = arith.constant 0 : index
    %get3A_4 = vector.load %arg3[%get3A_2, %get3A_3] : memref<1024x1024xf32, #tpu.memory_space<vmem>>, vector<1024x1024xf32>
    %dot_general3A = arith.constant dense<0.000000e+00> : vector<1024x1024xf32>
    %dot_general3A_5 = tpu.matmul %get3A_1, %get3A_4, %dot_general3A {dimension_numbers = #tpu.dot_dimension_numbers<[1], [0], [0], [1], [0, 0, 1, 1], [], []>, transpose_lhs_hint = false} : vector<1024x1024xf32>, vector<1024x1024xf32>, vector<1024x1024xf32> -> vector<1024x1024xf32>
    %get3A_6 = arith.constant 0 : index
    %get3A_7 = arith.constant 0 : index
    %get3A_8 = vector.load %arg4[%get3A_6, %get3A_7] : memref<1x1024xf32, #tpu.memory_space<vmem>>, vector<1x1024xf32>
    %add3A = vector.broadcast %get3A_8 : vector<1x1024xf32> to vector<1024x1024xf32>
    %add3A_9 = arith.addf %dot_general3A_5, %add3A : vector<1024x1024xf32>
    %max3A = arith.constant 0.000000e+00 : f32
    %max3A_10 = vector.broadcast %max3A : f32 to vector<1024x1024xf32>
    %max3A_11 = arith.maximumf %add3A_9, %max3A_10 : vector<1024x1024xf32>
    %convert_element_type3A = arith.truncf %get3A_1 : vector<1024x1024xf32> to vector<1024x1024xbf16>
    %get3A_12 = arith.constant 0 : index
    %get3A_13 = arith.constant 0 : index
    %get3A_14 = vector.load %arg5[%get3A_12, %get3A_13] : memref<1024x1024xf32, #tpu.memory_space<vmem>>, vector<1024x1024xf32>
    %convert_element_type3A_15 = arith.truncf %get3A_14 : vector<1024x1024xf32> to vector<1024x1024xbf16>
    %dot_general3A_16 = arith.constant dense<0.000000e+00> : vector<1024x1024xf32>
    %dot_general3A_17 = tpu.matmul %convert_element_type3A, %convert_element_type3A_15, %dot_general3A_16 {dimension_numbers = #tpu.dot_dimension_numbers<[1], [0], [0], [1], [0, 0, 1, 1], [], []>, transpose_lhs_hint = false} : vector<1024x1024xbf16>, vector<1024x1024xbf16>, vector<1024x1024xf32> -> vector<1024x1024xf32>
    %get3A_18 = arith.constant 0 : index
    %get3A_19 = arith.constant 0 : index
    %get3A_20 = vector.load %arg6[%get3A_18, %get3A_19] : memref<1x1024xf32, #tpu.memory_space<vmem>>, vector<1x1024xf32>
    %add3A_21 = vector.broadcast %get3A_20 : vector<1x1024xf32> to vector<1024x1024xf32>
    %add3A_22 = arith.addf %dot_general3A_17, %add3A_21 : vector<1024x1024xf32>
    %max3A_23 = arith.constant 0.000000e+00 : f32
    %max3A_24 = vector.broadcast %max3A_23 : f32 to vector<1024x1024xf32>
    %max3A_25 = arith.maximumf %add3A_22, %max3A_24 : vector<1024x1024xf32>
    %bitcast_convert_type3A = tpu.bitcast %max3A_25 : vector<1024x1024xf32> -> vector<1024x1024xi32>
    %add3A_26 = arith.constant 32768 : i32
    %add3A_27 = vector.broadcast %add3A_26 : i32 to vector<1024x1024xi32>
    %add3A_28 = arith.addi %bitcast_convert_type3A, %add3A_27 : vector<1024x1024xi32>
    %slice3A = vector.extract_strided_slice %add3A_28 {offsets = [0, 0], sizes = [1024, 32], strides = [1, 1]} : vector<1024x1024xi32> to vector<1024x32xi32>
    %slice3A_29 = vector.extract_strided_slice %add3A_28 {offsets = [0, 32], sizes = [1024, 32], strides = [1, 1]} : vector<1024x1024xi32> to vector<1024x32xi32>
    %shift_right_logical3A = arith.constant 16 : i32
    %shift_right_logical3A_30 = vector.broadcast %shift_right_logical3A : i32 to vector<1024x32xi32>
    %shift_right_logical3A_31 = arith.shrui %slice3A, %shift_right_logical3A_30 : vector<1024x32xi32>
    %and3A = arith.constant -65536 : i32
    %and3A_32 = vector.broadcast %and3A : i32 to vector<1024x32xi32>
    %and3A_33 = arith.andi %slice3A_29, %and3A_32 : vector<1024x32xi32>
    %or3A = arith.ori %shift_right_logical3A_31, %and3A_33 : vector<1024x32xi32>
    %slice3A_34 = vector.extract_strided_slice %add3A_28 {offsets = [0, 64], sizes = [1024, 32], strides = [1, 1]} : vector<1024x1024xi32> to vector<1024x32xi32>
    %slice3A_35 = vector.extract_strided_slice %add3A_28 {offsets = [0, 96], sizes = [1024, 32], strides = [1, 1]} : vector<1024x1024xi32> to vector<1024x32xi32>
    %shift_right_logical3A_36 = arith.constant 16 : i32
    %shift_right_logical3A_37 = vector.broadcast %shift_right_logical3A_36 : i32 to vector<1024x32xi32>
    %shift_right_logical3A_38 = arith.shrui %slice3A_34, %shift_right_logical3A_37 : vector<1024x32xi32>
    %and3A_39 = arith.constant -65536 : i32
    %and3A_40 = vector.broadcast %and3A_39 : i32 to vector<1024x32xi32>
    %and3A_41 = arith.andi %slice3A_35, %and3A_40 : vector<1024x32xi32>
    %or3A_42 = arith.ori %shift_right_logical3A_38, %and3A_41 : vector<1024x32xi32>
    %slice3A_43 = vector.extract_strided_slice %add3A_28 {offsets = [0, 128], sizes = [1024, 32], strides = [1, 1]} : vector<1024x1024xi32> to vector<1024x32xi32>
    %slice3A_44 = vector.extract_strided_slice %add3A_28 {offsets = [0, 160], sizes = [1024, 32], strides = [1, 1]} : vector<1024x1024xi32> to vector<1024x32xi32>
    %shift_right_logical3A_45 = arith.constant 16 : i32
    %shift_right_logical3A_46 = vector.broadcast %shift_right_logical3A_45 : i32 to vector<1024x32xi32>
    %shift_right_logical3A_47 = arith.shrui %slice3A_43, %shift_right_logical3A_46 : vector<1024x32xi32>
    %and3A_48 = arith.constant -65536 : i32
    %and3A_49 = vector.broadcast %and3A_48 : i32 to vector<1024x32xi32>
    %and3A_50 = arith.andi %slice3A_44, %and3A_49 : vector<1024x32xi32>
    %or3A_51 = arith.ori %shift_right_logical3A_47, %and3A_50 : vector<1024x32xi32>
    %slice3A_52 = vector.extract_strided_slice %add3A_28 {offsets = [0, 192], sizes = [1024, 32], strides = [1, 1]} : vector<1024x1024xi32> to vector<1024x32xi32>
    %slice3A_53 = vector.extract_strided_slice %add3A_28 {offsets = [0, 224], sizes = [1024, 32], strides = [1, 1]} : vector<1024x1024xi32> to vector<1024x32xi32>
    %shift_right_logical3A_54 = arith.constant 16 : i32
    %shift_right_logical3A_55 = vector.broadcast %shift_right_logical3A_54 : i32 to vector<1024x32xi32>
    %shift_right_logical3A_56 = arith.shrui %slice3A_52, %shift_right_logical3A_55 : vector<1024x32xi32>
    %and3A_57 = arith.constant -65536 : i32
    %and3A_58 = vector.broadcast %and3A_57 : i32 to vector<1024x32xi32>
    %and3A_59 = arith.andi %slice3A_53, %and3A_58 : vector<1024x32xi32>
    %or3A_60 = arith.ori %shift_right_logical3A_56, %and3A_59 : vector<1024x32xi32>
    %slice3A_61 = vector.extract_strided_slice %add3A_28 {offsets = [0, 256], sizes = [1024, 32], strides = [1, 1]} : vector<1024x1024xi32> to vector<1024x32xi32>
    %slice3A_62 = vector.extract_strided_slice %add3A_28 {offsets = [0, 288], sizes = [1024, 32], strides = [1, 1]} : vector<1024x1024xi32> to vector<1024x32xi32>
    %shift_right_logical3A_63 = arith.constant 16 : i32
    %shift_right_logical3A_64 = vector.broadcast %shift_right_logical3A_63 : i32 to vector<1024x32xi32>
    %shift_right_logical3A_65 = arith.shrui %slice3A_61, %shift_right_logical3A_64 : vector<1024x32xi32>
    %and3A_66 = arith.constant -65536 : i32
    %and3A_67 = vector.broadcast %and3A_66 : i32 to vector<1024x32xi32>
    %and3A_68 = arith.andi %slice3A_62, %and3A_67 : vector<1024x32xi32>
    %or3A_69 = arith.ori %shift_right_logical3A_65, %and3A_68 : vector<1024x32xi32>
    %slice3A_70 = vector.extract_strided_slice %add3A_28 {offsets = [0, 320], sizes = [1024, 32], strides = [1, 1]} : vector<1024x1024xi32> to vector<1024x32xi32>
    %slice3A_71 = vector.extract_strided_slice %add3A_28 {offsets = [0, 352], sizes = [1024, 32], strides = [1, 1]} : vector<1024x1024xi32> to vector<1024x32xi32>
    %shift_right_logical3A_72 = arith.constant 16 : i32
    %shift_right_logical3A_73 = vector.broadcast %shift_right_logical3A_72 : i32 to vector<1024x32xi32>
    %shift_right_logical3A_74 = arith.shrui %slice3A_70, %shift_right_logical3A_73 : vector<1024x32xi32>
    %and3A_75 = arith.constant -65536 : i32
    %and3A_76 = vector.broadcast %and3A_75 : i32 to vector<1024x32xi32>
    %and3A_77 = arith.andi %slice3A_71, %and3A_76 : vector<1024x32xi32>
    %or3A_78 = arith.ori %shift_right_logical3A_74, %and3A_77 : vector<1024x32xi32>
    %slice3A_79 = vector.extract_strided_slice %add3A_28 {offsets = [0, 384], sizes = [1024, 32], strides = [1, 1]} : vector<1024x1024xi32> to vector<1024x32xi32>
    %slice3A_80 = vector.extract_strided_slice %add3A_28 {offsets = [0, 416], sizes = [1024, 32], strides = [1, 1]} : vector<1024x1024xi32> to vector<1024x32xi32>
    %shift_right_logical3A_81 = arith.constant 16 : i32
    %shift_right_logical3A_82 = vector.broadcast %shift_right_logical3A_81 : i32 to vector<1024x32xi32>
    %shift_right_logical3A_83 = arith.shrui %slice3A_79, %shift_right_logical3A_82 : vector<1024x32xi32>
    %and3A_84 = arith.constant -65536 : i32
    %and3A_85 = vector.broadcast %and3A_84 : i32 to vector<1024x32xi32>
    %and3A_86 = arith.andi %slice3A_80, %and3A_85 : vector<1024x32xi32>
    %or3A_87 = arith.ori %shift_right_logical3A_83, %and3A_86 : vector<1024x32xi32>
    %slice3A_88 = vector.extract_strided_slice %add3A_28 {offsets = [0, 448], sizes = [1024, 32], strides = [1, 1]} : vector<1024x1024xi32> to vector<1024x32xi32>
    %slice3A_89 = vector.extract_strided_slice %add3A_28 {offsets = [0, 480], sizes = [1024, 32], strides = [1, 1]} : vector<1024x1024xi32> to vector<1024x32xi32>
    %shift_right_logical3A_90 = arith.constant 16 : i32
    %shift_right_logical3A_91 = vector.broadcast %shift_right_logical3A_90 : i32 to vector<1024x32xi32>
    %shift_right_logical3A_92 = arith.shrui %slice3A_88, %shift_right_logical3A_91 : vector<1024x32xi32>
    %and3A_93 = arith.constant -65536 : i32
    %and3A_94 = vector.broadcast %and3A_93 : i32 to vector<1024x32xi32>
    %and3A_95 = arith.andi %slice3A_89, %and3A_94 : vector<1024x32xi32>
    %or3A_96 = arith.ori %shift_right_logical3A_92, %and3A_95 : vector<1024x32xi32>
    %slice3A_97 = vector.extract_strided_slice %add3A_28 {offsets = [0, 512], sizes = [1024, 32], strides = [1, 1]} : vector<1024x1024xi32> to vector<1024x32xi32>
    %slice3A_98 = vector.extract_strided_slice %add3A_28 {offsets = [0, 544], sizes = [1024, 32], strides = [1, 1]} : vector<1024x1024xi32> to vector<1024x32xi32>
    %shift_right_logical3A_99 = arith.constant 16 : i32
    %shift_right_logical3A_100 = vector.broadcast %shift_right_logical3A_99 : i32 to vector<1024x32xi32>
    %shift_right_logical3A_101 = arith.shrui %slice3A_97, %shift_right_logical3A_100 : vector<1024x32xi32>
    %and3A_102 = arith.constant -65536 : i32
    %and3A_103 = vector.broadcast %and3A_102 : i32 to vector<1024x32xi32>
    %and3A_104 = arith.andi %slice3A_98, %and3A_103 : vector<1024x32xi32>
    %or3A_105 = arith.ori %shift_right_logical3A_101, %and3A_104 : vector<1024x32xi32>
    %slice3A_106 = vector.extract_strided_slice %add3A_28 {offsets = [0, 576], sizes = [1024, 32], strides = [1, 1]} : vector<1024x1024xi32> to vector<1024x32xi32>
    %slice3A_107 = vector.extract_strided_slice %add3A_28 {offsets = [0, 608], sizes = [1024, 32], strides = [1, 1]} : vector<1024x1024xi32> to vector<1024x32xi32>
    %shift_right_logical3A_108 = arith.constant 16 : i32
    %shift_right_logical3A_109 = vector.broadcast %shift_right_logical3A_108 : i32 to vector<1024x32xi32>
    %shift_right_logical3A_110 = arith.shrui %slice3A_106, %shift_right_logical3A_109 : vector<1024x32xi32>
    %and3A_111 = arith.constant -65536 : i32
    %and3A_112 = vector.broadcast %and3A_111 : i32 to vector<1024x32xi32>
    %and3A_113 = arith.andi %slice3A_107, %and3A_112 : vector<1024x32xi32>
    %or3A_114 = arith.ori %shift_right_logical3A_110, %and3A_113 : vector<1024x32xi32>
    %slice3A_115 = vector.extract_strided_slice %add3A_28 {offsets = [0, 640], sizes = [1024, 32], strides = [1, 1]} : vector<1024x1024xi32> to vector<1024x32xi32>
    %slice3A_116 = vector.extract_strided_slice %add3A_28 {offsets = [0, 672], sizes = [1024, 32], strides = [1, 1]} : vector<1024x1024xi32> to vector<1024x32xi32>
    %shift_right_logical3A_117 = arith.constant 16 : i32
    %shift_right_logical3A_118 = vector.broadcast %shift_right_logical3A_117 : i32 to vector<1024x32xi32>
    %shift_right_logical3A_119 = arith.shrui %slice3A_115, %shift_right_logical3A_118 : vector<1024x32xi32>
    %and3A_120 = arith.constant -65536 : i32
    %and3A_121 = vector.broadcast %and3A_120 : i32 to vector<1024x32xi32>
    %and3A_122 = arith.andi %slice3A_116, %and3A_121 : vector<1024x32xi32>
    %or3A_123 = arith.ori %shift_right_logical3A_119, %and3A_122 : vector<1024x32xi32>
    %slice3A_124 = vector.extract_strided_slice %add3A_28 {offsets = [0, 704], sizes = [1024, 32], strides = [1, 1]} : vector<1024x1024xi32> to vector<1024x32xi32>
    %slice3A_125 = vector.extract_strided_slice %add3A_28 {offsets = [0, 736], sizes = [1024, 32], strides = [1, 1]} : vector<1024x1024xi32> to vector<1024x32xi32>
    %shift_right_logical3A_126 = arith.constant 16 : i32
    %shift_right_logical3A_127 = vector.broadcast %shift_right_logical3A_126 : i32 to vector<1024x32xi32>
    %shift_right_logical3A_128 = arith.shrui %slice3A_124, %shift_right_logical3A_127 : vector<1024x32xi32>
    %and3A_129 = arith.constant -65536 : i32
    %and3A_130 = vector.broadcast %and3A_129 : i32 to vector<1024x32xi32>
    %and3A_131 = arith.andi %slice3A_125, %and3A_130 : vector<1024x32xi32>
    %or3A_132 = arith.ori %shift_right_logical3A_128, %and3A_131 : vector<1024x32xi32>
    %slice3A_133 = vector.extract_strided_slice %add3A_28 {offsets = [0, 768], sizes = [1024, 32], strides = [1, 1]} : vector<1024x1024xi32> to vector<1024x32xi32>
    %slice3A_134 = vector.extract_strided_slice %add3A_28 {offsets = [0, 800], sizes = [1024, 32], strides = [1, 1]} : vector<1024x1024xi32> to vector<1024x32xi32>
    %shift_right_logical3A_135 = arith.constant 16 : i32
    %shift_right_logical3A_136 = vector.broadcast %shift_right_logical3A_135 : i32 to vector<1024x32xi32>
    %shift_right_logical3A_137 = arith.shrui %slice3A_133, %shift_right_logical3A_136 : vector<1024x32xi32>
    %and3A_138 = arith.constant -65536 : i32
    %and3A_139 = vector.broadcast %and3A_138 : i32 to vector<1024x32xi32>
    %and3A_140 = arith.andi %slice3A_134, %and3A_139 : vector<1024x32xi32>
    %or3A_141 = arith.ori %shift_right_logical3A_137, %and3A_140 : vector<1024x32xi32>
    %slice3A_142 = vector.extract_strided_slice %add3A_28 {offsets = [0, 832], sizes = [1024, 32], strides = [1, 1]} : vector<1024x1024xi32> to vector<1024x32xi32>
    %slice3A_143 = vector.extract_strided_slice %add3A_28 {offsets = [0, 864], sizes = [1024, 32], strides = [1, 1]} : vector<1024x1024xi32> to vector<1024x32xi32>
    %shift_right_logical3A_144 = arith.constant 16 : i32
    %shift_right_logical3A_145 = vector.broadcast %shift_right_logical3A_144 : i32 to vector<1024x32xi32>
    %shift_right_logical3A_146 = arith.shrui %slice3A_142, %shift_right_logical3A_145 : vector<1024x32xi32>
    %and3A_147 = arith.constant -65536 : i32
    %and3A_148 = vector.broadcast %and3A_147 : i32 to vector<1024x32xi32>
    %and3A_149 = arith.andi %slice3A_143, %and3A_148 : vector<1024x32xi32>
    %or3A_150 = arith.ori %shift_right_logical3A_146, %and3A_149 : vector<1024x32xi32>
    %slice3A_151 = vector.extract_strided_slice %add3A_28 {offsets = [0, 896], sizes = [1024, 32], strides = [1, 1]} : vector<1024x1024xi32> to vector<1024x32xi32>
    %slice3A_152 = vector.extract_strided_slice %add3A_28 {offsets = [0, 928], sizes = [1024, 32], strides = [1, 1]} : vector<1024x1024xi32> to vector<1024x32xi32>
    %shift_right_logical3A_153 = arith.constant 16 : i32
    %shift_right_logical3A_154 = vector.broadcast %shift_right_logical3A_153 : i32 to vector<1024x32xi32>
    %shift_right_logical3A_155 = arith.shrui %slice3A_151, %shift_right_logical3A_154 : vector<1024x32xi32>
    %and3A_156 = arith.constant -65536 : i32
    %and3A_157 = vector.broadcast %and3A_156 : i32 to vector<1024x32xi32>
    %and3A_158 = arith.andi %slice3A_152, %and3A_157 : vector<1024x32xi32>
    %or3A_159 = arith.ori %shift_right_logical3A_155, %and3A_158 : vector<1024x32xi32>
    %slice3A_160 = vector.extract_strided_slice %add3A_28 {offsets = [0, 960], sizes = [1024, 32], strides = [1, 1]} : vector<1024x1024xi32> to vector<1024x32xi32>
    %slice3A_161 = vector.extract_strided_slice %add3A_28 {offsets = [0, 992], sizes = [1024, 32], strides = [1, 1]} : vector<1024x1024xi32> to vector<1024x32xi32>
    %shift_right_logical3A_162 = arith.constant 16 : i32
    %shift_right_logical3A_163 = vector.broadcast %shift_right_logical3A_162 : i32 to vector<1024x32xi32>
    %shift_right_logical3A_164 = arith.shrui %slice3A_160, %shift_right_logical3A_163 : vector<1024x32xi32>
    %and3A_165 = arith.constant -65536 : i32
    %and3A_166 = vector.broadcast %and3A_165 : i32 to vector<1024x32xi32>
    %and3A_167 = arith.andi %slice3A_161, %and3A_166 : vector<1024x32xi32>
    %or3A_168 = arith.ori %shift_right_logical3A_164, %and3A_167 : vector<1024x32xi32>
    %concatenate3A = tpu.concatenate %or3A, %or3A_42, %or3A_51, %or3A_60, %or3A_69, %or3A_78, %or3A_87, %or3A_96, %or3A_105, %or3A_114, %or3A_123, %or3A_132, %or3A_141, %or3A_150, %or3A_159, %or3A_168 in 1 : vector<1024x32xi32>, vector<1024x32xi32>, vector<1024x32xi32>, vector<1024x32xi32>, vector<1024x32xi32>, vector<1024x32xi32>, vector<1024x32xi32>, vector<1024x32xi32>, vector<1024x32xi32>, vector<1024x32xi32>, vector<1024x32xi32>, vector<1024x32xi32>, vector<1024x32xi32>, vector<1024x32xi32>, vector<1024x32xi32>, vector<1024x32xi32> -> vector<1024x512xi32>
    %bitcast_convert_type3A_169 = tpu.bitcast %concatenate3A : vector<1024x512xi32> -> vector<1024x512xf32>
    %swap3A = arith.constant 0 : index
    %swap3A_170 = arith.constant 0 : index
    %swap3A_171 = vector.load %arg8[%swap3A, %swap3A_170] : memref<1024x512xf32, #tpu.memory_space<vmem>>, vector<1024x512xf32>
    tpu.vector_store %arg8[%swap3A, %swap3A_170], %bitcast_convert_type3A_169 {strides = array<i32>} : memref<1024x512xf32, #tpu.memory_space<vmem>>, vector<1024x512xf32>,
    %get3A_172 = arith.constant 0 : index
    %get3A_173 = arith.constant 0 : index
    %get3A_174 = vector.load %arg7[%get3A_172, %get3A_173] : memref<1024x16xf32, #tpu.memory_space<vmem>>, vector<1024x16xf32>
    %dot_general3A_175 = arith.constant dense<0.000000e+00> : vector<1024x16xf32>
    %dot_general3A_176 = tpu.matmul %max3A_11, %get3A_174, %dot_general3A_175 {dimension_numbers = #tpu.dot_dimension_numbers<[1], [0], [0], [1], [0, 0, 1, 1], [], []>, transpose_lhs_hint = false} : vector<1024x1024xf32>, vector<1024x16xf32>, vector<1024x16xf32> -> vector<1024x16xf32>
    %gt3A = arith.constant 5.000000e-01 : f32
    %gt3A_177 = vector.broadcast %gt3A : f32 to vector<1024x16xf32>
    %gt3A_178 = arith.cmpf ogt, %dot_general3A_176, %gt3A_177 : vector<1024x16xf32>
    %mul3A = arith.constant 1024 : i32
    %mul3A_179 = arith.muli %arg1, %mul3A : i32
    %iota3A = tpu.iota {dimensions = array<i32: 0>} : vector<1024x16xi32>
    %add3A_180 = vector.broadcast %mul3A_179 : i32 to vector<1024x16xi32>
    %add3A_181 = arith.addi %add3A_180, %iota3A : vector<1024x16xi32>
    %broadcast_in_dim3A = arith.constant -1 : i32
    %broadcast_in_dim3A_182 = vector.broadcast %broadcast_in_dim3A : i32 to vector<1024x16xi32>
    %select_n3A = arith.select %gt3A_178, %add3A_181, %broadcast_in_dim3A_182 : vector<1024x16xi1>, vector<1024x16xi32>
    %slice3A_183 = vector.extract_strided_slice %broadcast_in_dim3A_182 {offsets = [0, 0], sizes = [1, 16], strides = [1, 1]} : vector<1024x16xi32> to vector<1x16xi32>
    %slice3A_184 = vector.extract_strided_slice %select_n3A {offsets = [0, 0], sizes = [1023, 16], strides = [1, 1]} : vector<1024x16xi32> to vector<1023x16xi32>
    %concatenate3A_185 = tpu.concatenate %slice3A_183, %slice3A_184 in 0 : vector<1x16xi32>, vector<1023x16xi32> -> vector<1024x16xi32>
    %slice3A_186 = vector.extract_strided_slice %broadcast_in_dim3A_182 {offsets = [0, 0], sizes = [1, 16], strides = [1, 1]} : vector<1024x16xi32> to vector<1x16xi32>
    %slice3A_187 = vector.extract_strided_slice %broadcast_in_dim3A_182 {offsets = [0, 0], sizes = [1023, 16], strides = [1, 1]} : vector<1024x16xi32> to vector<1023x16xi32>
    %concatenate3A_188 = tpu.concatenate %slice3A_186, %slice3A_187 in 0 : vector<1x16xi32>, vector<1023x16xi32> -> vector<1024x16xi32>
    %ge3A = arith.constant 0 : i32
    %ge3A_189 = vector.broadcast %ge3A : i32 to vector<1024x16xi32>
    %ge3A_190 = arith.cmpi sge, %select_n3A, %ge3A_189 : vector<1024x16xi32>
    %select_n3A_191 = arith.select %ge3A_190, %select_n3A, %concatenate3A_185 : vector<1024x16xi1>, vector<1024x16xi32>
    %ge3A_192 = arith.constant 0 : i32
    %ge3A_193 = vector.broadcast %ge3A_192 : i32 to vector<1024x16xi32>
    %ge3A_194 = arith.cmpi sge, %select_n3A, %ge3A_193 : vector<1024x16xi32>
    %ge3A_195 = arith.constant 0 : i32
    %ge3A_196 = vector.broadcast %ge3A_195 : i32 to vector<1024x16xi32>
    %ge3A_197 = arith.cmpi sge, %broadcast_in_dim3A_182, %ge3A_196 : vector<1024x16xi32>
    %select_n3A_198 = arith.select %ge3A_197, %broadcast_in_dim3A_182, %concatenate3A_185 : vector<1024x16xi1>, vector<1024x16xi32>
    %select_n3A_199 = arith.select %ge3A_194, %select_n3A_198, %concatenate3A_188 : vector<1024x16xi1>, vector<1024x16xi32>
    %slice3A_200 = vector.extract_strided_slice %broadcast_in_dim3A_182 {offsets = [0, 0], sizes = [2, 16], strides = [1, 1]} : vector<1024x16xi32> to vector<2x16xi32>
    %slice3A_201 = vector.extract_strided_slice %select_n3A_191 {offsets = [0, 0], sizes = [1022, 16], strides = [1, 1]} : vector<1024x16xi32> to vector<1022x16xi32>
    %concatenate3A_202 = tpu.concatenate %slice3A_200, %slice3A_201 in 0 : vector<2x16xi32>, vector<1022x16xi32> -> vector<1024x16xi32>
    %slice3A_203 = vector.extract_strided_slice %broadcast_in_dim3A_182 {offsets = [0, 0], sizes = [2, 16], strides = [1, 1]} : vector<1024x16xi32> to vector<2x16xi32>
    %slice3A_204 = vector.extract_strided_slice %select_n3A_199 {offsets = [0, 0], sizes = [1022, 16], strides = [1, 1]} : vector<1024x16xi32> to vector<1022x16xi32>
    %concatenate3A_205 = tpu.concatenate %slice3A_203, %slice3A_204 in 0 : vector<2x16xi32>, vector<1022x16xi32> -> vector<1024x16xi32>
    %ge3A_206 = arith.constant 0 : i32
    %ge3A_207 = vector.broadcast %ge3A_206 : i32 to vector<1024x16xi32>
    %ge3A_208 = arith.cmpi sge, %select_n3A_191, %ge3A_207 : vector<1024x16xi32>
    %select_n3A_209 = arith.select %ge3A_208, %select_n3A_191, %concatenate3A_202 : vector<1024x16xi1>, vector<1024x16xi32>
    %ge3A_210 = arith.constant 0 : i32
    %ge3A_211 = vector.broadcast %ge3A_210 : i32 to vector<1024x16xi32>
    %ge3A_212 = arith.cmpi sge, %select_n3A_191, %ge3A_211 : vector<1024x16xi32>
    %ge3A_213 = arith.constant 0 : i32
    %ge3A_214 = vector.broadcast %ge3A_213 : i32 to vector<1024x16xi32>
    %ge3A_215 = arith.cmpi sge, %select_n3A_199, %ge3A_214 : vector<1024x16xi32>
    %select_n3A_216 = arith.select %ge3A_215, %select_n3A_199, %concatenate3A_202 : vector<1024x16xi1>, vector<1024x16xi32>
    %select_n3A_217 = arith.select %ge3A_212, %select_n3A_216, %concatenate3A_205 : vector<1024x16xi1>, vector<1024x16xi32>
    %slice3A_218 = vector.extract_strided_slice %broadcast_in_dim3A_182 {offsets = [0, 0], sizes = [4, 16], strides = [1, 1]} : vector<1024x16xi32> to vector<4x16xi32>
    %slice3A_219 = vector.extract_strided_slice %select_n3A_209 {offsets = [0, 0], sizes = [1020, 16], strides = [1, 1]} : vector<1024x16xi32> to vector<1020x16xi32>
    %concatenate3A_220 = tpu.concatenate %slice3A_218, %slice3A_219 in 0 : vector<4x16xi32>, vector<1020x16xi32> -> vector<1024x16xi32>
    %slice3A_221 = vector.extract_strided_slice %broadcast_in_dim3A_182 {offsets = [0, 0], sizes = [4, 16], strides = [1, 1]} : vector<1024x16xi32> to vector<4x16xi32>
    %slice3A_222 = vector.extract_strided_slice %select_n3A_217 {offsets = [0, 0], sizes = [1020, 16], strides = [1, 1]} : vector<1024x16xi32> to vector<1020x16xi32>
    %concatenate3A_223 = tpu.concatenate %slice3A_221, %slice3A_222 in 0 : vector<4x16xi32>, vector<1020x16xi32> -> vector<1024x16xi32>
    %ge3A_224 = arith.constant 0 : i32
    %ge3A_225 = vector.broadcast %ge3A_224 : i32 to vector<1024x16xi32>
    %ge3A_226 = arith.cmpi sge, %select_n3A_209, %ge3A_225 : vector<1024x16xi32>
    %select_n3A_227 = arith.select %ge3A_226, %select_n3A_209, %concatenate3A_220 : vector<1024x16xi1>, vector<1024x16xi32>
    %ge3A_228 = arith.constant 0 : i32
    %ge3A_229 = vector.broadcast %ge3A_228 : i32 to vector<1024x16xi32>
    %ge3A_230 = arith.cmpi sge, %select_n3A_209, %ge3A_229 : vector<1024x16xi32>
    %ge3A_231 = arith.constant 0 : i32
    %ge3A_232 = vector.broadcast %ge3A_231 : i32 to vector<1024x16xi32>
    %ge3A_233 = arith.cmpi sge, %select_n3A_217, %ge3A_232 : vector<1024x16xi32>
    %select_n3A_234 = arith.select %ge3A_233, %select_n3A_217, %concatenate3A_220 : vector<1024x16xi1>, vector<1024x16xi32>
    %select_n3A_235 = arith.select %ge3A_230, %select_n3A_234, %concatenate3A_223 : vector<1024x16xi1>, vector<1024x16xi32>
    %slice3A_236 = vector.extract_strided_slice %broadcast_in_dim3A_182 {offsets = [0, 0], sizes = [8, 16], strides = [1, 1]} : vector<1024x16xi32> to vector<8x16xi32>
    %slice3A_237 = vector.extract_strided_slice %select_n3A_227 {offsets = [0, 0], sizes = [1016, 16], strides = [1, 1]} : vector<1024x16xi32> to vector<1016x16xi32>
    %concatenate3A_238 = tpu.concatenate %slice3A_236, %slice3A_237 in 0 : vector<8x16xi32>, vector<1016x16xi32> -> vector<1024x16xi32>
    %slice3A_239 = vector.extract_strided_slice %broadcast_in_dim3A_182 {offsets = [0, 0], sizes = [8, 16], strides = [1, 1]} : vector<1024x16xi32> to vector<8x16xi32>
    %slice3A_240 = vector.extract_strided_slice %select_n3A_235 {offsets = [0, 0], sizes = [1016, 16], strides = [1, 1]} : vector<1024x16xi32> to vector<1016x16xi32>
    %concatenate3A_241 = tpu.concatenate %slice3A_239, %slice3A_240 in 0 : vector<8x16xi32>, vector<1016x16xi32> -> vector<1024x16xi32>
    %ge3A_242 = arith.constant 0 : i32
    %ge3A_243 = vector.broadcast %ge3A_242 : i32 to vector<1024x16xi32>
    %ge3A_244 = arith.cmpi sge, %select_n3A_227, %ge3A_243 : vector<1024x16xi32>
    %select_n3A_245 = arith.select %ge3A_244, %select_n3A_227, %concatenate3A_238 : vector<1024x16xi1>, vector<1024x16xi32>
    %ge3A_246 = arith.constant 0 : i32
    %ge3A_247 = vector.broadcast %ge3A_246 : i32 to vector<1024x16xi32>
    %ge3A_248 = arith.cmpi sge, %select_n3A_227, %ge3A_247 : vector<1024x16xi32>
    %ge3A_249 = arith.constant 0 : i32
    %ge3A_250 = vector.broadcast %ge3A_249 : i32 to vector<1024x16xi32>
    %ge3A_251 = arith.cmpi sge, %select_n3A_235, %ge3A_250 : vector<1024x16xi32>
    %select_n3A_252 = arith.select %ge3A_251, %select_n3A_235, %concatenate3A_238 : vector<1024x16xi1>, vector<1024x16xi32>
    %select_n3A_253 = arith.select %ge3A_248, %select_n3A_252, %concatenate3A_241 : vector<1024x16xi1>, vector<1024x16xi32>
    %slice3A_254 = vector.extract_strided_slice %broadcast_in_dim3A_182 {offsets = [0, 0], sizes = [16, 16], strides = [1, 1]} : vector<1024x16xi32> to vector<16x16xi32>
    %slice3A_255 = vector.extract_strided_slice %select_n3A_245 {offsets = [0, 0], sizes = [1008, 16], strides = [1, 1]} : vector<1024x16xi32> to vector<1008x16xi32>
    %concatenate3A_256 = tpu.concatenate %slice3A_254, %slice3A_255 in 0 : vector<16x16xi32>, vector<1008x16xi32> -> vector<1024x16xi32>
    %slice3A_257 = vector.extract_strided_slice %broadcast_in_dim3A_182 {offsets = [0, 0], sizes = [16, 16], strides = [1, 1]} : vector<1024x16xi32> to vector<16x16xi32>
    %slice3A_258 = vector.extract_strided_slice %select_n3A_253 {offsets = [0, 0], sizes = [1008, 16], strides = [1, 1]} : vector<1024x16xi32> to vector<1008x16xi32>
    %concatenate3A_259 = tpu.concatenate %slice3A_257, %slice3A_258 in 0 : vector<16x16xi32>, vector<1008x16xi32> -> vector<1024x16xi32>
    %ge3A_260 = arith.constant 0 : i32
    %ge3A_261 = vector.broadcast %ge3A_260 : i32 to vector<1024x16xi32>
    %ge3A_262 = arith.cmpi sge, %select_n3A_245, %ge3A_261 : vector<1024x16xi32>
    %select_n3A_263 = arith.select %ge3A_262, %select_n3A_245, %concatenate3A_256 : vector<1024x16xi1>, vector<1024x16xi32>
    %ge3A_264 = arith.constant 0 : i32
    %ge3A_265 = vector.broadcast %ge3A_264 : i32 to vector<1024x16xi32>
    %ge3A_266 = arith.cmpi sge, %select_n3A_245, %ge3A_265 : vector<1024x16xi32>
    %ge3A_267 = arith.constant 0 : i32
    %ge3A_268 = vector.broadcast %ge3A_267 : i32 to vector<1024x16xi32>
    %ge3A_269 = arith.cmpi sge, %select_n3A_253, %ge3A_268 : vector<1024x16xi32>
    %select_n3A_270 = arith.select %ge3A_269, %select_n3A_253, %concatenate3A_256 : vector<1024x16xi1>, vector<1024x16xi32>
    %select_n3A_271 = arith.select %ge3A_266, %select_n3A_270, %concatenate3A_259 : vector<1024x16xi1>, vector<1024x16xi32>
    %slice3A_272 = vector.extract_strided_slice %broadcast_in_dim3A_182 {offsets = [0, 0], sizes = [32, 16], strides = [1, 1]} : vector<1024x16xi32> to vector<32x16xi32>
    %slice3A_273 = vector.extract_strided_slice %select_n3A_263 {offsets = [0, 0], sizes = [992, 16], strides = [1, 1]} : vector<1024x16xi32> to vector<992x16xi32>
    %concatenate3A_274 = tpu.concatenate %slice3A_272, %slice3A_273 in 0 : vector<32x16xi32>, vector<992x16xi32> -> vector<1024x16xi32>
    %slice3A_275 = vector.extract_strided_slice %broadcast_in_dim3A_182 {offsets = [0, 0], sizes = [32, 16], strides = [1, 1]} : vector<1024x16xi32> to vector<32x16xi32>
    %slice3A_276 = vector.extract_strided_slice %select_n3A_271 {offsets = [0, 0], sizes = [992, 16], strides = [1, 1]} : vector<1024x16xi32> to vector<992x16xi32>
    %concatenate3A_277 = tpu.concatenate %slice3A_275, %slice3A_276 in 0 : vector<32x16xi32>, vector<992x16xi32> -> vector<1024x16xi32>
    %ge3A_278 = arith.constant 0 : i32
    %ge3A_279 = vector.broadcast %ge3A_278 : i32 to vector<1024x16xi32>
    %ge3A_280 = arith.cmpi sge, %select_n3A_263, %ge3A_279 : vector<1024x16xi32>
    %select_n3A_281 = arith.select %ge3A_280, %select_n3A_263, %concatenate3A_274 : vector<1024x16xi1>, vector<1024x16xi32>
    %ge3A_282 = arith.constant 0 : i32
    %ge3A_283 = vector.broadcast %ge3A_282 : i32 to vector<1024x16xi32>
    %ge3A_284 = arith.cmpi sge, %select_n3A_263, %ge3A_283 : vector<1024x16xi32>
    %ge3A_285 = arith.constant 0 : i32
    %ge3A_286 = vector.broadcast %ge3A_285 : i32 to vector<1024x16xi32>
    %ge3A_287 = arith.cmpi sge, %select_n3A_271, %ge3A_286 : vector<1024x16xi32>
    %select_n3A_288 = arith.select %ge3A_287, %select_n3A_271, %concatenate3A_274 : vector<1024x16xi1>, vector<1024x16xi32>
    %select_n3A_289 = arith.select %ge3A_284, %select_n3A_288, %concatenate3A_277 : vector<1024x16xi1>, vector<1024x16xi32>
    %slice3A_290 = vector.extract_strided_slice %broadcast_in_dim3A_182 {offsets = [0, 0], sizes = [64, 16], strides = [1, 1]} : vector<1024x16xi32> to vector<64x16xi32>
    %slice3A_291 = vector.extract_strided_slice %select_n3A_281 {offsets = [0, 0], sizes = [960, 16], strides = [1, 1]} : vector<1024x16xi32> to vector<960x16xi32>
    %concatenate3A_292 = tpu.concatenate %slice3A_290, %slice3A_291 in 0 : vector<64x16xi32>, vector<960x16xi32> -> vector<1024x16xi32>
    %slice3A_293 = vector.extract_strided_slice %broadcast_in_dim3A_182 {offsets = [0, 0], sizes = [64, 16], strides = [1, 1]} : vector<1024x16xi32> to vector<64x16xi32>
    %slice3A_294 = vector.extract_strided_slice %select_n3A_289 {offsets = [0, 0], sizes = [960, 16], strides = [1, 1]} : vector<1024x16xi32> to vector<960x16xi32>
    %concatenate3A_295 = tpu.concatenate %slice3A_293, %slice3A_294 in 0 : vector<64x16xi32>, vector<960x16xi32> -> vector<1024x16xi32>
    %ge3A_296 = arith.constant 0 : i32
    %ge3A_297 = vector.broadcast %ge3A_296 : i32 to vector<1024x16xi32>
    %ge3A_298 = arith.cmpi sge, %select_n3A_281, %ge3A_297 : vector<1024x16xi32>
    %select_n3A_299 = arith.select %ge3A_298, %select_n3A_281, %concatenate3A_292 : vector<1024x16xi1>, vector<1024x16xi32>
    %ge3A_300 = arith.constant 0 : i32
    %ge3A_301 = vector.broadcast %ge3A_300 : i32 to vector<1024x16xi32>
    %ge3A_302 = arith.cmpi sge, %select_n3A_281, %ge3A_301 : vector<1024x16xi32>
    %ge3A_303 = arith.constant 0 : i32
    %ge3A_304 = vector.broadcast %ge3A_303 : i32 to vector<1024x16xi32>
    %ge3A_305 = arith.cmpi sge, %select_n3A_289, %ge3A_304 : vector<1024x16xi32>
    %select_n3A_306 = arith.select %ge3A_305, %select_n3A_289, %concatenate3A_292 : vector<1024x16xi1>, vector<1024x16xi32>
    %select_n3A_307 = arith.select %ge3A_302, %select_n3A_306, %concatenate3A_295 : vector<1024x16xi1>, vector<1024x16xi32>
    %slice3A_308 = vector.extract_strided_slice %broadcast_in_dim3A_182 {offsets = [0, 0], sizes = [128, 16], strides = [1, 1]} : vector<1024x16xi32> to vector<128x16xi32>
    %slice3A_309 = vector.extract_strided_slice %select_n3A_299 {offsets = [0, 0], sizes = [896, 16], strides = [1, 1]} : vector<1024x16xi32> to vector<896x16xi32>
    %concatenate3A_310 = tpu.concatenate %slice3A_308, %slice3A_309 in 0 : vector<128x16xi32>, vector<896x16xi32> -> vector<1024x16xi32>
    %slice3A_311 = vector.extract_strided_slice %broadcast_in_dim3A_182 {offsets = [0, 0], sizes = [128, 16], strides = [1, 1]} : vector<1024x16xi32> to vector<128x16xi32>
    %slice3A_312 = vector.extract_strided_slice %select_n3A_307 {offsets = [0, 0], sizes = [896, 16], strides = [1, 1]} : vector<1024x16xi32> to vector<896x16xi32>
    %concatenate3A_313 = tpu.concatenate %slice3A_311, %slice3A_312 in 0 : vector<128x16xi32>, vector<896x16xi32> -> vector<1024x16xi32>
    %ge3A_314 = arith.constant 0 : i32
    %ge3A_315 = vector.broadcast %ge3A_314 : i32 to vector<1024x16xi32>
    %ge3A_316 = arith.cmpi sge, %select_n3A_299, %ge3A_315 : vector<1024x16xi32>
    %select_n3A_317 = arith.select %ge3A_316, %select_n3A_299, %concatenate3A_310 : vector<1024x16xi1>, vector<1024x16xi32>
    %ge3A_318 = arith.constant 0 : i32
    %ge3A_319 = vector.broadcast %ge3A_318 : i32 to vector<1024x16xi32>
    %ge3A_320 = arith.cmpi sge, %select_n3A_299, %ge3A_319 : vector<1024x16xi32>
    %ge3A_321 = arith.constant 0 : i32
    %ge3A_322 = vector.broadcast %ge3A_321 : i32 to vector<1024x16xi32>
    %ge3A_323 = arith.cmpi sge, %select_n3A_307, %ge3A_322 : vector<1024x16xi32>
    %select_n3A_324 = arith.select %ge3A_323, %select_n3A_307, %concatenate3A_310 : vector<1024x16xi1>, vector<1024x16xi32>
    %select_n3A_325 = arith.select %ge3A_320, %select_n3A_324, %concatenate3A_313 : vector<1024x16xi1>, vector<1024x16xi32>
    %slice3A_326 = vector.extract_strided_slice %broadcast_in_dim3A_182 {offsets = [0, 0], sizes = [256, 16], strides = [1, 1]} : vector<1024x16xi32> to vector<256x16xi32>
    %slice3A_327 = vector.extract_strided_slice %select_n3A_317 {offsets = [0, 0], sizes = [768, 16], strides = [1, 1]} : vector<1024x16xi32> to vector<768x16xi32>
    %concatenate3A_328 = tpu.concatenate %slice3A_326, %slice3A_327 in 0 : vector<256x16xi32>, vector<768x16xi32> -> vector<1024x16xi32>
    %slice3A_329 = vector.extract_strided_slice %broadcast_in_dim3A_182 {offsets = [0, 0], sizes = [256, 16], strides = [1, 1]} : vector<1024x16xi32> to vector<256x16xi32>
    %slice3A_330 = vector.extract_strided_slice %select_n3A_325 {offsets = [0, 0], sizes = [768, 16], strides = [1, 1]} : vector<1024x16xi32> to vector<768x16xi32>
    %concatenate3A_331 = tpu.concatenate %slice3A_329, %slice3A_330 in 0 : vector<256x16xi32>, vector<768x16xi32> -> vector<1024x16xi32>
    %ge3A_332 = arith.constant 0 : i32
    %ge3A_333 = vector.broadcast %ge3A_332 : i32 to vector<1024x16xi32>
    %ge3A_334 = arith.cmpi sge, %select_n3A_317, %ge3A_333 : vector<1024x16xi32>
    %select_n3A_335 = arith.select %ge3A_334, %select_n3A_317, %concatenate3A_328 : vector<1024x16xi1>, vector<1024x16xi32>
    %ge3A_336 = arith.constant 0 : i32
    %ge3A_337 = vector.broadcast %ge3A_336 : i32 to vector<1024x16xi32>
    %ge3A_338 = arith.cmpi sge, %select_n3A_317, %ge3A_337 : vector<1024x16xi32>
    %ge3A_339 = arith.constant 0 : i32
    %ge3A_340 = vector.broadcast %ge3A_339 : i32 to vector<1024x16xi32>
    %ge3A_341 = arith.cmpi sge, %select_n3A_325, %ge3A_340 : vector<1024x16xi32>
    %select_n3A_342 = arith.select %ge3A_341, %select_n3A_325, %concatenate3A_328 : vector<1024x16xi1>, vector<1024x16xi32>
    %select_n3A_343 = arith.select %ge3A_338, %select_n3A_342, %concatenate3A_331 : vector<1024x16xi1>, vector<1024x16xi32>
    %slice3A_344 = vector.extract_strided_slice %broadcast_in_dim3A_182 {offsets = [0, 0], sizes = [512, 16], strides = [1, 1]} : vector<1024x16xi32> to vector<512x16xi32>
    %slice3A_345 = vector.extract_strided_slice %select_n3A_335 {offsets = [0, 0], sizes = [512, 16], strides = [1, 1]} : vector<1024x16xi32> to vector<512x16xi32>
    %concatenate3A_346 = tpu.concatenate %slice3A_344, %slice3A_345 in 0 : vector<512x16xi32>, vector<512x16xi32> -> vector<1024x16xi32>
    %slice3A_347 = vector.extract_strided_slice %broadcast_in_dim3A_182 {offsets = [0, 0], sizes = [512, 16], strides = [1, 1]} : vector<1024x16xi32> to vector<512x16xi32>
    %slice3A_348 = vector.extract_strided_slice %select_n3A_343 {offsets = [0, 0], sizes = [512, 16], strides = [1, 1]} : vector<1024x16xi32> to vector<512x16xi32>
    %concatenate3A_349 = tpu.concatenate %slice3A_347, %slice3A_348 in 0 : vector<512x16xi32>, vector<512x16xi32> -> vector<1024x16xi32>
    %ge3A_350 = arith.constant 0 : i32
    %ge3A_351 = vector.broadcast %ge3A_350 : i32 to vector<1024x16xi32>
    %ge3A_352 = arith.cmpi sge, %select_n3A_335, %ge3A_351 : vector<1024x16xi32>
    %select_n3A_353 = arith.select %ge3A_352, %select_n3A_335, %concatenate3A_346 : vector<1024x16xi1>, vector<1024x16xi32>
    %ge3A_354 = arith.constant 0 : i32
    %ge3A_355 = vector.broadcast %ge3A_354 : i32 to vector<1024x16xi32>
    %ge3A_356 = arith.cmpi sge, %select_n3A_335, %ge3A_355 : vector<1024x16xi32>
    %ge3A_357 = arith.constant 0 : i32
    %ge3A_358 = vector.broadcast %ge3A_357 : i32 to vector<1024x16xi32>
    %ge3A_359 = arith.cmpi sge, %select_n3A_343, %ge3A_358 : vector<1024x16xi32>
    %select_n3A_360 = arith.select %ge3A_359, %select_n3A_343, %concatenate3A_346 : vector<1024x16xi1>, vector<1024x16xi32>
    %select_n3A_361 = arith.select %ge3A_356, %select_n3A_360, %concatenate3A_349 : vector<1024x16xi1>, vector<1024x16xi32>
    %eq3A = arith.constant 0 : i32
    %eq3A_362 = arith.cmpi eq, %arg1, %eq3A : i32
    %convert_element_type3A_363 = arith.extui %eq3A_362 : i1 to i32
    %cond3A = arith.constant 0 : i32
    %cond3A_364 = arith.cmpi ne, %convert_element_type3A_363, %cond3A : i32
    scf.if %cond3A_364 {
      %broadcast_in_dim3A_424 = arith.constant -1 : i32
      %broadcast_in_dim3A_425 = vector.broadcast %broadcast_in_dim3A_424 : i32 to vector<1x16xi32>
      %swap3A_426 = arith.constant 0 : index
      %swap3A_427 = arith.constant 0 : index
      %swap3A_428 = vector.load %arg11[%swap3A_426, %swap3A_427] : memref<1x16xi32, #tpu.memory_space<vmem>>, vector<1x16xi32>
      tpu.vector_store %arg11[%swap3A_426, %swap3A_427], %broadcast_in_dim3A_425 {strides = array<i32>} : memref<1x16xi32, #tpu.memory_space<vmem>>, vector<1x16xi32>,
      %broadcast_in_dim3A_429 = arith.constant -1 : i32
      %broadcast_in_dim3A_430 = vector.broadcast %broadcast_in_dim3A_429 : i32 to vector<1x16xi32>
      %swap3A_431 = arith.constant 0 : index
      %swap3A_432 = arith.constant 0 : index
      %swap3A_433 = vector.load %arg12[%swap3A_431, %swap3A_432] : memref<1x16xi32, #tpu.memory_space<vmem>>, vector<1x16xi32>
      tpu.vector_store %arg12[%swap3A_431, %swap3A_432], %broadcast_in_dim3A_430 {strides = array<i32>} : memref<1x16xi32, #tpu.memory_space<vmem>>, vector<1x16xi32>,
    } else {
    }
    %get3A_365 = arith.constant 0 : index
    %get3A_366 = arith.constant 0 : index
    %get3A_367 = vector.load %arg11[%get3A_365, %get3A_366] : memref<1x16xi32, #tpu.memory_space<vmem>>, vector<1x16xi32>
    %get3A_368 = arith.constant 0 : index
    %get3A_369 = arith.constant 0 : index
    %get3A_370 = vector.load %arg12[%get3A_368, %get3A_369] : memref<1x16xi32, #tpu.memory_space<vmem>>, vector<1x16xi32>
    %ge3A_371 = arith.constant 0 : i32
    %ge3A_372 = vector.broadcast %ge3A_371 : i32 to vector<1024x16xi32>
    %ge3A_373 = arith.cmpi sge, %select_n3A_353, %ge3A_372 : vector<1024x16xi32>
    %broadcast_in_dim3A_374 = vector.shape_cast %get3A_367 : vector<1x16xi32> to vector<1x16xi32>
    %broadcast_in_dim3A_375 = vector.broadcast %broadcast_in_dim3A_374 : vector<1x16xi32> to vector<1024x16xi32>
    %select_n3A_376 = arith.select %ge3A_373, %select_n3A_353, %broadcast_in_dim3A_375 : vector<1024x16xi1>, vector<1024x16xi32>
    %ge3A_377 = arith.constant 0 : i32
    %ge3A_378 = vector.broadcast %ge3A_377 : i32 to vector<1024x16xi32>
    %ge3A_379 = arith.cmpi sge, %select_n3A_353, %ge3A_378 : vector<1024x16xi32>
    %ge3A_380 = arith.constant 0 : i32
    %ge3A_381 = vector.broadcast %ge3A_380 : i32 to vector<1024x16xi32>
    %ge3A_382 = arith.cmpi sge, %select_n3A_361, %ge3A_381 : vector<1024x16xi32>
    %broadcast_in_dim3A_383 = vector.shape_cast %get3A_367 : vector<1x16xi32> to vector<1x16xi32>
    %broadcast_in_dim3A_384 = vector.broadcast %broadcast_in_dim3A_383 : vector<1x16xi32> to vector<1024x16xi32>
    %select_n3A_385 = arith.select %ge3A_382, %select_n3A_361, %broadcast_in_dim3A_384 : vector<1024x16xi1>, vector<1024x16xi32>
    %broadcast_in_dim3A_386 = vector.shape_cast %get3A_370 : vector<1x16xi32> to vector<1x16xi32>
    %broadcast_in_dim3A_387 = vector.broadcast %broadcast_in_dim3A_386 : vector<1x16xi32> to vector<1024x16xi32>
    %select_n3A_388 = arith.select %ge3A_379, %select_n3A_385, %broadcast_in_dim3A_387 : vector<1024x16xi1>, vector<1024x16xi32>
    %slice3A_389 = vector.extract_strided_slice %select_n3A_376 {offsets = [1023, 0], sizes = [1, 16], strides = [1, 1]} : vector<1024x16xi32> to vector<1x16xi32>
    %swap3A_390 = arith.constant 0 : index
    %swap3A_391 = arith.constant 0 : index
    %swap3A_392 = vector.load %arg11[%swap3A_390, %swap3A_391] : memref<1x16xi32, #tpu.memory_space<vmem>>, vector<1x16xi32>
    tpu.vector_store %arg11[%swap3A_390, %swap3A_391], %slice3A_389 {strides = array<i32>} : memref<1x16xi32, #tpu.memory_space<vmem>>, vector<1x16xi32>,
    %slice3A_393 = vector.extract_strided_slice %select_n3A_388 {offsets = [1023, 0], sizes = [1, 16], strides = [1, 1]} : vector<1024x16xi32> to vector<1x16xi32>
    %swap3A_394 = arith.constant 0 : index
    %swap3A_395 = arith.constant 0 : index
    %swap3A_396 = vector.load %arg12[%swap3A_394, %swap3A_395] : memref<1x16xi32, #tpu.memory_space<vmem>>, vector<1x16xi32>
    tpu.vector_store %arg12[%swap3A_394, %swap3A_395], %slice3A_393 {strides = array<i32>} : memref<1x16xi32, #tpu.memory_space<vmem>>, vector<1x16xi32>,
    %max3A_397 = arith.constant 0 : i32
    %max3A_398 = vector.broadcast %max3A_397 : i32 to vector<1024x16xi32>
    %max3A_399 = arith.maxsi %select_n3A_376, %max3A_398 : vector<1024x16xi32>
    %max3A_400 = arith.constant 0 : i32
    %max3A_401 = vector.broadcast %max3A_400 : i32 to vector<1024x16xi32>
    %max3A_402 = arith.maxsi %select_n3A_388, %max3A_401 : vector<1024x16xi32>
    %iota3A_403 = tpu.iota {dimensions = array<i32: 1>} : vector<1024x16xi32>
    %mul3A_404 = arith.constant 32768 : i32
    %mul3A_405 = arith.muli %arg0, %mul3A_404 : i32
    %mul3A_406 = arith.constant 16 : i32
    %mul3A_407 = vector.broadcast %mul3A_406 : i32 to vector<1024x16xi32>
    %mul3A_408 = arith.muli %max3A_399, %mul3A_407 : vector<1024x16xi32>
    %add3A_409 = vector.broadcast %mul3A_405 : i32 to vector<1024x16xi32>
    %add3A_410 = arith.addi %add3A_409, %mul3A_408 : vector<1024x16xi32>
    %add3A_411 = arith.addi %add3A_410, %iota3A_403 : vector<1024x16xi32>
    %swap3A_412 = arith.constant 0 : index
    %swap3A_413 = arith.constant 0 : index
    %swap3A_414 = vector.load %arg9[%swap3A_412, %swap3A_413] : memref<1024x16xi32, #tpu.memory_space<vmem>>, vector<1024x16xi32>
    tpu.vector_store %arg9[%swap3A_412, %swap3A_413], %add3A_411 {strides = array<i32>} : memref<1024x16xi32, #tpu.memory_space<vmem>>, vector<1024x16xi32>,
    %mul3A_415 = arith.constant 16 : i32
    %mul3A_416 = vector.broadcast %mul3A_415 : i32 to vector<1024x16xi32>
    %mul3A_417 = arith.muli %max3A_402, %mul3A_416 : vector<1024x16xi32>
    %add3A_418 = vector.broadcast %mul3A_405 : i32 to vector<1024x16xi32>
    %add3A_419 = arith.addi %add3A_418, %mul3A_417 : vector<1024x16xi32>
    %add3A_420 = arith.addi %add3A_419, %iota3A_403 : vector<1024x16xi32>
    %swap3A_421 = arith.constant 0 : index
    %swap3A_422 = arith.constant 0 : index
    %swap3A_423 = vector.load %arg10[%swap3A_421, %swap3A_422] : memref<1024x16xi32, #tpu.memory_space<vmem>>, vector<1024x16xi32>
    tpu.vector_store %arg10[%swap3A_421, %swap3A_422], %add3A_420 {strides = array<i32>} : memref<1024x16xi32, #tpu.memory_space<vmem>>, vector<1024x16xi32>,
    return
  }
  func.func @transform_0(%arg0: i32, %arg1: i32) -> (i32, i32) {
    %mul3A = arith.constant 2 : i32
    %mul3A_0 = arith.muli %arg0, %mul3A : i32
    %add3A = arith.addi %mul3A_0, %arg1 : i32
    %c0_i32 = arith.constant 0 : i32
    %c0_i32_1 = arith.constant 0 : i32
    return %add3A, %c0_i32 : i32, i32
  }
  func.func @transform_1(%arg0: i32, %arg1: i32) -> (i32, i32) {
    %c0_i32 = arith.constant 0 : i32
    %c0_i32_0 = arith.constant 0 : i32
    %c0_i32_1 = arith.constant 0 : i32
    return %c0_i32, %c0_i32_0 : i32, i32
  }
  func.func @transform_2(%arg0: i32, %arg1: i32) -> (i32, i32) {
    %c0_i32 = arith.constant 0 : i32
    %c0_i32_0 = arith.constant 0 : i32
    %c0_i32_1 = arith.constant 0 : i32
    return %c0_i32, %c0_i32_0 : i32, i32
  }
  func.func @transform_3(%arg0: i32, %arg1: i32) -> (i32, i32) {
    %c0_i32 = arith.constant 0 : i32
    %c0_i32_0 = arith.constant 0 : i32
    %c0_i32_1 = arith.constant 0 : i32
    return %c0_i32, %c0_i32_0 : i32, i32
  }
  func.func @transform_4(%arg0: i32, %arg1: i32) -> (i32, i32) {
    %c0_i32 = arith.constant 0 : i32
    %c0_i32_0 = arith.constant 0 : i32
    %c0_i32_1 = arith.constant 0 : i32
    return %c0_i32, %c0_i32_0 : i32, i32
  }
  func.func @transform_5(%arg0: i32, %arg1: i32) -> (i32, i32) {
    %c0_i32 = arith.constant 0 : i32
    %c0_i32_0 = arith.constant 0 : i32
    %c0_i32_1 = arith.constant 0 : i32
    return %c0_i32, %c0_i32_0 : i32, i32
  }
  func.func @transform_6(%arg0: i32, %arg1: i32) -> (i32, i32) {
    %mul3A = arith.constant 2 : i32
    %mul3A_0 = arith.muli %arg0, %mul3A : i32
    %add3A = arith.addi %mul3A_0, %arg1 : i32
    %c0_i32 = arith.constant 0 : i32
    %c0_i32_1 = arith.constant 0 : i32
    return %add3A, %c0_i32 : i32, i32
  }
  func.func @transform_7(%arg0: i32, %arg1: i32) -> (i32, i32) {
    %mul3A = arith.constant 2 : i32
    %mul3A_0 = arith.muli %arg0, %mul3A : i32
    %add3A = arith.addi %mul3A_0, %arg1 : i32
    %c0_i32 = arith.constant 0 : i32
    %c0_i32_1 = arith.constant 0 : i32
    return %add3A, %c0_i32 : i32, i32
  }
  func.func @transform_8(%arg0: i32, %arg1: i32) -> (i32, i32) {
    %mul3A = arith.constant 2 : i32
    %mul3A_0 = arith.muli %arg0, %mul3A : i32
    %add3A = arith.addi %mul3A_0, %arg1 : i32
    %c0_i32 = arith.constant 0 : i32
    %c0_i32_1 = arith.constant 0 : i32
    return %add3A, %c0_i32 : i32, i32
  }
}

</mosaic_0001>

<sc_bundles>
// kernel: kernel.4.cloned.1.call-start
scs
__scs_entry_jumppad:
0x0: {  	(pc) =	sbr.rel $0x88, $3  }
0x1: {  	(tag) =	ssettag $0x0;
	lr =	simm.s32 $0x1  }
0x2: {  	[smem:$0x3F99] =	sst lr;
	_ =	strace $0xD0000000  }
0x3: {  	_ = 	snop  }
0x4: {  	_ = 	snop  }
0x5: {  	_ = 	snop  }
0x6: {  	_ = 	snop  }
0x7: {  	_ = 	snop  }
__scs_overlays_trampoline_lowered:
0x8: {  	[smem:$0x3FA8] =	sst s0  }
0x9: {  	[smem:$0x3FA9] =	sst s1  }
0xa: {  	[smem:$0x3FAA] =	sst s2  }
0xb: {  	[smem:$0x3FAB] =	sst s3  }
0xc: {  	[smem:$0x3FAC] =	sst s4  }
0xd: {  	[smem:$0x3FAD] =	sst s5  }
0xe: {  	[smem:$0x3FAE] =	sst s6  }
0xf: {  	[smem:$0x3FAF] =	sst s7  }
0x10: {  	[smem:$0x3FB0] =	sst s8  }
0x11: {  	[smem:$0x3FB1] =	sst s9;
	s0 =	simm.s32 @!p0 $0x0  }
0x12: {  	s1 =	sld [smem:$0x3F97];
	s0 =	simm.s32 @p0 $0x1  }
0x13: {  	[smem:$0x3FB2] =	sst s0;
	s0 =	simm.s32 @!p1 $0x0  }
0x14: {  	s2 =	sld [smem:$0x3F96];
	s0 =	simm.s32 @p1 $0x1  }
0x15: {  	[smem:$0x3FB3] =	sst s0;
	s0 =	simm.s32 @!p2 $0x0  }
0x16: {  	s3 =	sld [smem:$0x3FDB];
	s0 =	simm.s32 @p2 $0x1  }
0x17: {  	s4 =	simm.s32 $0x1BF5;
	[smem:$0x3FB5] =	sst s0  }
0x18: {  	s0 =	sld [smem:$0x3F98];
	_ =	swait.ge [sflag:s4], $0x0  }
0x19: {  	s7 =	sld [smem:$0x3F99]  }
0x1a: {  	s8 =	sadd.s32 $0xFFFFE003, lr  }
0x1b: {  	s9 =	sadd.s32 $0xFFFFFEF7, lr;
	s5 =	simm.s32 $0xFFFFFFFF;
	p2 =	slt.u32 s8, $0xFFFFF086  }
0x1c: {  	p1 =	slt.u32 s9, $0xF7A;
	s5 =	simm.s32 @!p2 $0x0  }
0x1d: {  	s5 =	simm.s32 @p1 $0x1;
	p0 =	seq.s32 s7, s2  }
0x1e: {  	s7 =	smul.u32 @!p0 $0xF7A, s2;
	p2 =	seq.s32 @!p0 s5, $0x0  }
0x1f: {  	s9 =	smul.u32 $0xF7A, s1;
	s8 =	simm.s32 @!p0 $0x1BF5;
	p2 =	por !p2, p0  }
0x20: {  	[sflag:s8] =	ssyncset.s32 @!p0 $0xFFFFF086;
	s6 =	sadd.s32 @!p0 s3, s7;
	s7 =	simm.s32 @!p0 $0x108  }
0x21: {  	s3 =	sadd.s32 s3, s9;
	s6 =	sadd.s32 @!p0 $0x88, s6;
	s7 =	simm.s32 @p2 $0x1082  }
0x22: {  	[simem:s7], [sflag:s8] =	dma.local @!p0 [hbm:s6], $0xF7A  }
0x23: {  	s9 =	sor.u32 $0xD0000000, s2;
	s6 =	simm.s32 $0x108;
	_ =	swait.ge @!p0 [sflag:s8], $0x0  }
0x24: {  	s3 =	sadd.s32 $0x88, s3;
	s6 =	simm.s32 @!p1 $0x1082;
	[sflag:s4] =	ssyncset.s32 $0xFFFFF086  }
0x25: {  	[simem:s6], [sflag:s4] =	dma.local [hbm:s3], $0xF7A  }
0x26: {  	[smem:$0x3F99] =	sst s1;
	(tag) =	ssettag s2;
	_ =	strace s9  }
0x27: {  	s1 =	sld [smem:$0x3FA9]  }
0x28: {  	s2 =	sld [smem:$0x3FAA]  }
0x29: {  	s4 =	sld [smem:$0x3FAC]  }
0x2a: {  	p0 =	seq.s32 s5, $0x0;
	s5 =	sld [smem:$0x3FAD]  }
0x2b: {  	s6 =	sld [smem:$0x3FAE]  }
0x2c: {  	s7 =	sld [smem:$0x3FAF]  }
0x2d: {  	s3 =	simm.s32 $0x108;
	s8 =	sld [smem:$0x3FB0]  }
0x2e: {  	s3 =	simm.s32 @!p0 $0x1082;
	s9 =	sld [smem:$0x3FB1]  }
0x2f: {  	lr =	sadd.s32 s0, s3;
	s0 =	sld [smem:$0x3FA8]  }
0x30: {  	s3 =	sld [smem:$0x3FAB]  }
0x31: {  	[smem:$0x3FB4] =	sst s10  }
0x32: {  	s10 =	sld [smem:$0x3FB2];
	_ =	sdelay $0x3  }
0x33: {  	p0 =	seq.s32 s10, $0x1;
	s10 =	sld [smem:$0x3FB4];
	_ =	sdelay $0x3  }
0x34: {  	[smem:$0x3FB4] =	sst s10  }
0x35: {  	s10 =	sld [smem:$0x3FB3];
	_ =	sdelay $0x3  }
0x36: {  	p1 =	seq.s32 s10, $0x1;
	s10 =	sld [smem:$0x3FB4];
	_ =	sdelay $0x3  }
0x37: {  	[smem:$0x3FB4] =	sst s10  }
0x38: {  	s10 =	sld [smem:$0x3FB5]  }
0x39: {  	_ = 	snop;
	(pc) =	sbr.ind lr, $3  }
0x3a: {  	_ = 	snop  }
0x3b: {  	_ = 	snop  }
0x3c: {  	p2 =	seq.s32 s10, $0x1;
	s10 =	sld [smem:$0x3FB4]  }
0x3d: {  	_ =	shalt  }
0x3e: {  	_ =	shalt  }
0x3f: {  	_ =	shalt  }
0x40: {  	_ =	shalt  }
0x41: {  	_ =	shalt  }
0x42: {  	_ =	shalt  }
0x43: {  	_ =	shalt  }
0x44: {  	_ =	shalt  }
0x45: {  	_ =	shalt  }
0x46: {  	_ =	shalt  }
0x47: {  	_ =	shalt  }
0x48: {  	_ =	shalt  }
0x49: {  	_ =	shalt  }
0x4a: {  	_ =	shalt  }
0x4b: {  	_ =	shalt  }
0x4c: {  	_ =	shalt  }
0x4d: {  	_ =	shalt  }
0x4e: {  	_ =	shalt  }
0x4f: {  	_ =	shalt  }
0x50: {  	_ =	shalt  }
0x51: {  	_ =	shalt  }
0x52: {  	_ =	shalt  }
0x53: {  	_ =	shalt  }
0x54: {  	_ =	shalt  }
0x55: {  	_ =	shalt  }
0x56: {  	_ =	shalt  }
0x57: {  	_ =	shalt  }
0x58: {  	_ =	shalt  }
0x59: {  	_ =	shalt  }
0x5a: {  	_ =	shalt  }
0x5b: {  	_ =	shalt  }
0x5c: {  	_ =	shalt  }
0x5d: {  	_ =	shalt  }
0x5e: {  	_ =	shalt  }
0x5f: {  	_ =	shalt  }
0x60: {  	_ =	shalt  }
0x61: {  	_ =	shalt  }
0x62: {  	_ =	shalt  }
0x63: {  	_ =	shalt  }
0x64: {  	_ =	shalt  }
0x65: {  	_ =	shalt  }
0x66: {  	_ =	shalt  }
0x67: {  	_ =	shalt  }
0x68: {  	_ =	shalt  }
0x69: {  	_ =	shalt  }
0x6a: {  	_ =	shalt  }
0x6b: {  	_ =	shalt  }
0x6c: {  	_ =	shalt  }
0x6d: {  	_ =	shalt  }
0x6e: {  	_ =	shalt  }
0x6f: {  	_ =	shalt  }
0x70: {  	_ =	shalt  }
0x71: {  	_ =	shalt  }
0x72: {  	_ =	shalt  }
0x73: {  	_ =	shalt  }
0x74: {  	_ =	shalt  }
0x75: {  	_ =	shalt  }
0x76: {  	_ =	shalt  }
0x77: {  	_ =	shalt  }
0x78: {  	_ =	shalt  }
0x79: {  	_ =	shalt  }
0x7a: {  	_ =	shalt  }
0x7b: {  	_ =	shalt  }
0x7c: {  	_ =	shalt  }
0x7d: {  	_ =	shalt  }
0x7e: {  	_ =	shalt  }
0x7f: {  	_ =	shalt  }
0x80: {  	_ =	shalt  }
0x81: {  	_ =	shalt  }
0x82: {  	_ =	shalt  }
0x83: {  	_ =	shalt  }
0x84: {  	_ =	shalt  }
0x85: {  	_ =	shalt  }
0x86: {  	_ =	shalt  }
0x87: {  	_ =	shalt  }
.Lfunc_end0:
.L_simem_size_0:
called_computation_lowered:
.L_overlay_start_0:
0x88: {  	s2 =	sld [smem:$0x3FD9]  }
0x89: {  	s3 =	sld [smem:$0x3FFE];
	_ =	sdelay $0x1  }
0x8a: {  	s1 =	srdreg.scid  }
0x8b: {  	s0 =	sand.u32 $0x1, s1  }
0x8c: {  	s17 =	sshll.u32 s0, $0xA;
	s2 =	sadd.s32 s3, s2  }
0x8d: {  	s2 =	sadd.s32 s2, s17  }
0x8e: {  	[smem:$0x3FC0] =	sst s2  }
0x8f: {  	_ = 	snop  }
0x90: {  	s2 =	sld [smem:$0x3FD0];
	(tm) =	ssettm $0x1  }
0x91: {  	s18 =	sld [smem:$0x3FFB];
	_ =	sdelay $0x3  }
0x92: {  	_ =	strace s18  }
0x93: {  	s3 =	sld [smem:$0x3FFC];
	_ =	sdelay $0x3  }
0x94: {  	_ =	strace s3  }
0x95: {  	s3 =	sld [smem:$0x3FFD];
	_ =	sdelay $0x3  }
0x96: {  	_ =	strace s3  }
0x97: {  	_ =	strace $0x8FFFFFFF  }
0x98: {  	s19 =	sld [smem:$0x3FDB];
	_ =	sdelay $0x1  }
0x99: {  	s4 =	simm.s32 $_scs_section_size  }
0x9a: {  	s5 =	simm.s32 $_size__tile_overlayer_lowered;
	s6 =	simm.s32 $_tile_overlayer_lowered  }
0x9b: {  	s22 =	simm.s32 $0x1BFF;
	s21 =	sshll.u32 s6, $0x1;
	s3 =	sadd.s32 s4, s19  }
0x9c: {  	s7 =	simm.s32 $0x0;
	s20 =	sshll.u32 s5, $0x1;
	s5 =	sadd.s32 s21, s3  }
0x9d: {  	[timem:s7], [sflag:s22] =	dma.local [hbm:s5], s20  }
0x9e: {  	_ =	swait.ge [sflag:s22], s20  }
0x9f: {  	s4 =	ssub.s32 $0x0, s20;
	[sflag:s22] =	ssyncset.done $0x0  }
0xa0: {  	[sflag:s22] =	ssyncadd.s32 s4;
	_ =	sdelay $0x1  }
0xa1: {  	s23 =	simm.s32 $0x1B8B  }
0xa2: {  	_ =	swait.ge [sflag:s23], $0x1  }
0xa3: {  	[sflag:s23] =	ssyncset.done $0x0  }
0xa4: {  	s25 =	simm.s32 $0x1B8E;
	s24 =	sld [smem:$0x3FFE];
	[sflag:s23] =	ssyncadd.s32 $0xFFFFFFFF  }
0xa5: {  	s26 =	simm.s32 $execute0_lowered;
	[smem:$0x3FD2] =	sst s25  }
0xa6: {  	s5 =	sshll.u32 s26, $0x1;
	_ =	strace $0x80000046;
	[dreg:$0x1] =	wrdreg $0xFFFFFFFF  }
0xa7: {  	s28 =	simm.s32 $_size_execute0_lowered;
	s3 =	sadd.s32 s3, s5;
	[dreg:$0x0] =	wrdreg $0x0  }
0xa8: {  	s5 =	sshll.u32 s28, $0x1;
	[dreg:$0x2] =	wrdreg s3  }
0xa9: {  	[dreg:$0x3] =	wrdreg s5  }
0xaa: {  	[dreg:$0x4] =	wrdreg $0xC0  }
0xab: {  	_ =	task [dreg:s7], $0x5FFFF  }
0xac: {  	[dreg:$0x1] =	wrdreg $0xFFFFFFFF  }
0xad: {  	[dreg:$0x0] =	wrdreg $0x60  }
0xae: {  	[dreg:$0x2] =	wrdreg s2  }
0xaf: {  	[dreg:$0x3] =	wrdreg s24  }
0xb0: {  	[dreg:$0x4] =	wrdreg $0x9  }
0xb1: {  	_ =	task.clear_ibuf [dreg:s7], $0x5FFFF;
	_ =	strace $0x90000046  }
0xb2: {  	s29 =	simm.s32 $0x9;
	_ =	strace $0x80000048  }
0xb3: {  	_ =	swait.ge [sflag:s29], $0x1  }
0xb4: {  	[sflag:s29] =	ssyncadd.s32 $0xFFFFFFFF  }
0xb5: {  	_ =	strace $0x90000048  }
0xb6: {  	_ =	sfence  }
0xb7: {  	s30 =	sld [smem:$0x0];
	_ =	sdelay $0x2  }
0xb8: {  	s31 =	sshll.u32 s1, $0xD;
	s1 =	sshrl.u32 s1, $0x2  }
0xb9: {  	s3 =	sand.u32 $0x4000, s31;
	s1 =	sadd.s32 s1, s30  }
0xba: {  	s0 =	sor.u32 s3, s0;
	s1 =	sshll.u32 s1, $0x11  }
0xbb: {  	s0 =	sor.u32 s1, s0  }
0xbc: {  	s0 =	sadd.s32 $0x8F2B, s0  }
0xbd: {  	[sflag:s0] =	ssyncadd.remote.s32 $0x1  }
0xbe: {  	_ =	sfence.sel $0xFFFF  }
0xbf: {  	[dreg:$0x0] =	wrdreg $0xFFFFFFFF;
	(pc) =	sbr.abs _section_cstart, $3  }
0xc0: {  	[dreg:$0x1] =	wrdreg $0xFFFFFFFF  }
0xc1: {  	_ =	task.clear_ibuf [dreg:s7], $0x2FFFF;
	_ =	strace $0x9FFFFFFF  }
0xc2: {  	(tm) =	ssettm $0x7FFFFFFF  }
0xc3: {  	_ =	shalt  }
tec
execute0_lowered:
.L_overlay_start_1:
0x0: {  	(tag) =	ssettag $0x1  }
0x1: {  	s2 =	rddreg [dreg:$0x0]  }
0x2: {  	s0 =	rddreg [dreg:$0x1];
	s1 =	srdreg.scid  }
0x3: {  	s4 =	stileid.u32;
	s3 =	simm.s32 $0x0;
	s30 =	simm.s32 $0x80  }
0x4: {  	s31 =	simm.s32 $0x1000;
	s29 =	simm.s32 $0x4000;
	s28 =	simm.s32 $0x1  }
0x5: {  	s7 =	simm.s32 $0x4;
	s8 =	simm.s32 $0x0;
	s1 =	sand.u32 $0x1, s1  }
0x6: {  	s4 =	sshll.u32 s4, $0x1;
	[smem:$0x7FF] =	sst s3;
	s6 =	sadd.s32 $0x5200, s0  }
0x7: {  	s18 =	sadd.s32 $0x1000, s0;
	_ =	strace $0x80000047;
	[dreg:$0x3] =	wrdreg s6  }
0x8: {  	s4 =	sor.u32 s1, s4;
	s1 =	ssub.s32 $0x2, s1;
	[dreg:$0x4] =	wrdreg s18  }
0x9: {  	s6 =	simm.s32 $0x3;
	s5 =	sshll.u32 s4, $0x8;
	s4 =	sshll.u32 s4, $0xE  }
0xa: {  	s19 =	sshrl.u32 s1, $0x1;
	s5 =	sadd.s32 s5, s0;
	s0 =	sadd.s32 s4, s0  }
0xb: {  	s1 =	ssub.s32 s1, s19;
	s4 =	simm.s32 $0x2;
	s20 =	sadd.s32 $0x1200, s5  }
0xc: {  	s21 =	sadd.s32 $0x3200, s5;
	s22 =	sadd.s32 $0x5400, s0;
	[dreg:$0x5] =	wrdreg s20  }
0xd: {  	s23 =	sadd.s32 $0x5800, s0;
	s24 =	sadd.s32 $0x5C00, s0;
	[dreg:$0x6] =	wrdreg s21  }
0xe: {  	s25 =	sadd.s32 $0x6000, s0;
	s26 =	sadd.s32 $0x6400, s0;
	[dreg:$0x7] =	wrdreg s22  }
0xf: {  	s13 =	sadd.s32 $0x6800, s0;
	s14 =	sadd.s32 $0x6C00, s0;
	[dreg:$0x8] =	wrdreg s23  }
0x10: {  	s15 =	sadd.s32 $0x7000, s0;
	s16 =	sadd.s32 $0x7400, s0;
	[dreg:$0x9] =	wrdreg s24  }
0x11: {  	s17 =	sadd.s32 $0x7800, s0;
	s18 =	sadd.s32 $0x7C00, s0;
	[dreg:$0xa] =	wrdreg s25  }
0x12: {  	s19 =	sadd.s32 $0x8000, s0;
	s5 =	simm.s32 $0x7000;
	[dreg:$0xb] =	wrdreg s26  }
0x13: {  	s20 =	sadd.s32 $0x8400, s0;
	s21 =	sadd.s32 $0x8800, s0;
	s22 =	sadd.s32 $0x8C00, s0  }
0x14: {  	s23 =	sadd.s32 $0x9000, s0;
	s24 =	smax.u32 s1, $0x1;
	s25 =	simm.s32 $0x5  }
0x15: {  	s0 =	simm.s32 $0x3000;
	s1 =	simm.s32 $0x2000;
	s26 =	simm.s32 $0x5000  }
.LBB2_1:
0x16: {  	s9 =	rddreg [dreg:$0x5]  }
0x17: {  	[tilespmem:s3], [sflag:$0x5] =	stream.linear.gather [hbm4b:s9+s3], $0x800, $0x38;
	[tilespmem:$0x9020] =	vst v63  }
0x18: {  	_ =	swait.ge [sflag:s25], $0x800  }
0x19: {  	[sflag:s25] =	ssyncset.done $0x0  }
0x1a: {  	s10 =	simm.s32 $0x800;
	s11 =	rddreg [dreg:$0x6];
	[sflag:s25] =	ssyncadd.s32 $0xFFFFF800  }
0x1b: {  	[tilespmem:s10], [sflag:$0x5] =	stream.linear.gather [hbm4b:s11+s3], $0x800, $0x38;
	[tilespmem:$0x9020] =	vst v63  }
0x1c: {  	_ =	swait.ge [sflag:s25], $0x800  }
0x1d: {  	[sflag:s25] =	ssyncset.done $0x0  }
0x1e: {  	s11 =	simm.s32 $0x9000;
	s12 =	rddreg [dreg:$0x3];
	[sflag:s25] =	ssyncadd.s32 $0xFFFFF800  }
0x1f: {  	[tilespmem:s11], [sflag:$0x5] =	stream.linear.gather [hbm4b:s12+s3], $0x10, $0x38;
	[tilespmem:$0x9020] =	vst v63  }
0x20: {  	_ =	swait.ge [sflag:s25], $0x10  }
0x21: {  	[sflag:s25] =	ssyncset.done $0x0  }
0x22: {  	s12 =	simm.s32 $0x9010;
	s11 =	rddreg [dreg:$0x4];
	[sflag:s25] =	ssyncadd.s32 $0xFFFFFFF0  }
0x23: {  	[tilespmem:s12], [sflag:$0x5] =	stream.linear.gather [hbm4b:s11+s3], $0x10, $0x38;
	[tilespmem:$0x9020] =	vst v63  }
0x24: {  	_ =	swait.ge [sflag:s25], $0x10  }
0x25: {  	[sflag:s25] =	ssyncset.done $0x0  }
0x26: {  	[sflag:s25] =	ssyncadd.s32 $0xFFFFFFF0  }
0x27: {  	v0 =	vld [tilespmem:$0x9000]  }
0x28: {  	v1 =	vld [tilespmem:$0x9010];
	[tilespmem:s31], [sflag:$0x1] =	stream.indirect.gather [hbm4b:s2+s30], $0x20, s3, s30, $0xb8  }
0x29: {  	_ = 	snop  }
0x2a: {  	[tilespmem:s0], [sflag:$0x1] =	stream.indirect.gather [hbm4b:s2+s30], $0x20, s10, s30, $0xb8;
	[tilespmem:$0x9020] =	vst v63  }
0x2b: {  	_ = 	snop  }
0x2c: {  	[tilespmem:s1], [sflag:$0x2] =	stream.indirect.gather [hbm4b:s2+s30], $0x20, s30, s30, $0xb8;
	[tilespmem:$0x9020] =	vst v63  }
0x2d: {  	s11 =	simm.s32 $0x880  }
0x2e: {  	[tilespmem:s29], [sflag:$0x2] =	stream.indirect.gather [hbm4b:s2+s30], $0x20, s11, s30, $0xb8;
	[tilespmem:$0x9020] =	vst v63  }
0x2f: {  	_ =	swait.ge [sflag:s28], $0x1000  }
0x30: {  	[sflag:s28] =	ssyncset.done $0x0  }
0x31: {  	[sflag:s28] =	ssyncadd.s32 $0xFFFFF000  }
0x32: {  	_ =	swait.ge [sflag:s28], $0x1000  }
0x33: {  	[sflag:s28] =	ssyncset.done $0x0  }
0x34: {  	s12 =	simm.s32 $0x0;
	[sflag:s28] =	ssyncadd.s32 $0xFFFFF000  }
0x35: {  	v2 =	vld [tilespmem:s12+$0x1000]  }
0x36: {  	v3 =	vld [tilespmem:s12+$0x3000];
	_ =	sdelay $0x4  }
0x37: {  	v4 =	vshll.u32 v2, $0x10;
	v2 =	vand.u32 $0xFFFF0000, v2;
	v5 =	vshll.u32 v3, $0x10  }
0x38: {  	v3 =	vand.u32 $0xFFFF0000, v3;
	v4 =	vmul.f32 v4, v0;
	v5 =	vmul.f32 v5, v1  }
0x39: {  	v3 =	vmul.f32 v3, v1;
	v2 =	vmul.f32 v2, v0  }
0x3a: {  	v4 =	vadd.f32 v5, v4  }
0x3b: {  	s9 =	simm.s32 $0x5020;
	v2 =	vadd.f32 v3, v2  }
0x3c: {  	[tilespmem:s9+$0xFFFFFFE0] =	vst v4  }
0x3d: {  	[tilespmem:s9+$0x0] =	vst v2  }
0x3e: {  	v3 =	vld [tilespmem:s12+$0x1010]  }
0x3f: {  	v4 =	vld [tilespmem:s12+$0x3010];
	_ =	sdelay $0x4  }
0x40: {  	v2 =	vshll.u32 v3, $0x10;
	v3 =	vand.u32 $0xFFFF0000, v3;
	v5 =	vand.u32 $0xFFFF0000, v4  }
0x41: {  	s10 =	simm.s32 $0x5020;
	s11 =	simm.s32 $0x80;
	v4 =	vshll.u32 v4, $0x10;
	v3 =	vmul.f32 v3, v0;
	v5 =	vmul.f32 v5, v1  }
.LBB2_2:
0x42: {  	p0 =	sne.s32 s11, $0x3F80  }
0x43: {  	v2 =	vmul.f32 v2, v0;
	v4 =	vmul.f32 v4, v1;
	s9 =	sadd.s32 $0x40, s9;
	s12 =	smov.u32 s11;
	s11 =	sadd.s32 $0x80, s11  }
0x44: {  	v3 =	vadd.f32 v5, v3  }
0x45: {  	v2 =	vadd.f32 v4, v2  }
0x46: {  	[tilespmem:s10+$0x10] =	vst v3  }
0x47: {  	s12 =	sshra.s32 s12, $0x2;
	[tilespmem:s10+$0xFFFFFFF0] =	vst v2;
	s10 =	smov.u32 s9  }
0x48: {  	v2 =	vld [tilespmem:s12+$0x1000]  }
0x49: {  	v3 =	vld [tilespmem:s12+$0x3000];
	_ =	sdelay $0x3  }
0x4a: {  	v4 =	vshll.u32 v2, $0x10;
	v2 =	vand.u32 $0xFFFF0000, v2  }
0x4b: {  	v5 =	vshll.u32 v3, $0x10;
	v3 =	vand.u32 $0xFFFF0000, v3;
	v4 =	vmul.f32 v4, v0  }
0x4c: {  	v5 =	vmul.f32 v5, v1;
	v3 =	vmul.f32 v3, v1  }
0x4d: {  	v2 =	vmul.f32 v2, v0  }
0x4e: {  	v4 =	vadd.f32 v5, v4  }
0x4f: {  	v2 =	vadd.f32 v3, v2  }
0x50: {  	[tilespmem:s9+$0xFFFFFFE0] =	vst v4  }
0x51: {  	[tilespmem:s9+$0x0] =	vst v2  }
0x52: {  	v3 =	vld [tilespmem:s12+$0x1010]  }
0x53: {  	v5 =	vld [tilespmem:s12+$0x3010];
	_ =	sdelay $0x1  }
.Ltmp0:
0x54: {  	(pc) =	sbr.rel @p0 .LBB2_2-.Ltmp0, $4  }
0x55: {  	_ = 	snop  }
0x56: {  	v2 =	vshll.u32 v3, $0x10  }
0x57: {  	v3 =	vand.u32 $0xFFFF0000, v3;
	v4 =	vshll.u32 v5, $0x10;
	v5 =	vand.u32 $0xFFFF0000, v5  }
0x58: {  	v3 =	vmul.f32 v3, v0;
	v5 =	vmul.f32 v5, v1  }
0x59: {  	v2 =	vmul.f32 v2, v0;
	v4 =	vmul.f32 v4, v1  }
0x5a: {  	v3 =	vadd.f32 v5, v3  }
0x5b: {  	v2 =	vadd.f32 v4, v2  }
0x5c: {  	[tilespmem:s10+$0x10] =	vst v3  }
0x5d: {  	s9 =	simm.s32 $0x0;
	s12 =	rddreg [dreg:$0x7];
	[tilespmem:s10+$0xFFFFFFF0] =	vst v2  }
0x5e: {  	[hbm4b:s12+s9] =	stream.linear.scatter [tilespmem:s26], [sflag:$0x3], $0x2000, $0x38;
	[tilespmem:$0x9020] =	vst v63  }
0x5f: {  	s10 =	simm.s32 $0x100  }
0x60: {  	[tilespmem:s31], [sflag:$0x1] =	stream.indirect.gather [hbm4b:s2+s30], $0x20, s10, s30, $0xb8;
	[tilespmem:$0x9020] =	vst v63  }
0x61: {  	s11 =	simm.s32 $0x900  }
0x62: {  	[tilespmem:s0], [sflag:$0x1] =	stream.indirect.gather [hbm4b:s2+s30], $0x20, s11, s30, $0xb8;
	[tilespmem:$0x9020] =	vst v63  }
0x63: {  	_ =	swait.ge [sflag:s4], $0x1000  }
0x64: {  	[sflag:s4] =	ssyncset.done $0x0  }
0x65: {  	[sflag:s4] =	ssyncadd.s32 $0xFFFFF000  }
0x66: {  	_ =	swait.ge [sflag:s4], $0x1000  }
0x67: {  	[sflag:s4] =	ssyncset.done $0x0  }
0x68: {  	s12 =	simm.s32 $0x0;
	[sflag:s4] =	ssyncadd.s32 $0xFFFFF000  }
0x69: {  	v2 =	vld [tilespmem:s12+$0x2000]  }
0x6a: {  	v3 =	vld [tilespmem:s12+$0x4000];
	_ =	sdelay $0x4  }
0x6b: {  	v4 =	vshll.u32 v2, $0x10;
	v2 =	vand.u32 $0xFFFF0000, v2;
	v5 =	vshll.u32 v3, $0x10  }
0x6c: {  	v3 =	vand.u32 $0xFFFF0000, v3;
	v4 =	vmul.f32 v4, v0;
	v5 =	vmul.f32 v5, v1  }
0x6d: {  	v3 =	vmul.f32 v3, v1;
	v2 =	vmul.f32 v2, v0  }
0x6e: {  	v4 =	vadd.f32 v5, v4  }
0x6f: {  	s9 =	simm.s32 $0x7030;
	v2 =	vadd.f32 v3, v2  }
0x70: {  	[tilespmem:s9+$0xFFFFFFD0] =	vst v4  }
0x71: {  	[tilespmem:s9+$0xFFFFFFF0] =	vst v2  }
0x72: {  	v3 =	vld [tilespmem:s12+$0x2010]  }
0x73: {  	v4 =	vld [tilespmem:s12+$0x4010];
	_ =	sdelay $0x4  }
0x74: {  	v2 =	vshll.u32 v3, $0x10;
	v3 =	vand.u32 $0xFFFF0000, v3;
	v5 =	vand.u32 $0xFFFF0000, v4  }
0x75: {  	s10 =	simm.s32 $0x7030;
	s11 =	simm.s32 $0x80;
	v4 =	vshll.u32 v4, $0x10;
	v3 =	vmul.f32 v3, v0;
	v5 =	vmul.f32 v5, v1  }
.LBB2_4:
0x76: {  	p0 =	sne.s32 s11, $0x3F80  }
0x77: {  	v2 =	vmul.f32 v2, v0;
	v4 =	vmul.f32 v4, v1;
	s9 =	sadd.s32 $0x40, s9;
	s12 =	smov.u32 s11;
	s11 =	sadd.s32 $0x80, s11  }
0x78: {  	v3 =	vadd.f32 v5, v3  }
0x79: {  	v2 =	vadd.f32 v4, v2  }
0x7a: {  	[tilespmem:s10+$0x0] =	vst v3  }
0x7b: {  	s12 =	sshra.s32 s12, $0x2;
	[tilespmem:s10+$0xFFFFFFE0] =	vst v2;
	s10 =	smov.u32 s9  }
0x7c: {  	v2 =	vld [tilespmem:s12+$0x2000]  }
0x7d: {  	v3 =	vld [tilespmem:s12+$0x4000];
	_ =	sdelay $0x3  }
0x7e: {  	v4 =	vshll.u32 v2, $0x10;
	v2 =	vand.u32 $0xFFFF0000, v2  }
0x7f: {  	v5 =	vshll.u32 v3, $0x10;
	v3 =	vand.u32 $0xFFFF0000, v3;
	v4 =	vmul.f32 v4, v0  }
0x80: {  	v5 =	vmul.f32 v5, v1;
	v3 =	vmul.f32 v3, v1  }
0x81: {  	v2 =	vmul.f32 v2, v0  }
0x82: {  	v4 =	vadd.f32 v5, v4  }
0x83: {  	v2 =	vadd.f32 v3, v2  }
0x84: {  	[tilespmem:s9+$0xFFFFFFD0] =	vst v4  }
0x85: {  	[tilespmem:s9+$0xFFFFFFF0] =	vst v2  }
0x86: {  	v3 =	vld [tilespmem:s12+$0x2010]  }
0x87: {  	v5 =	vld [tilespmem:s12+$0x4010];
	_ =	sdelay $0x1  }
.Ltmp1:
0x88: {  	(pc) =	sbr.rel @p0 .LBB2_4-.Ltmp1, $4  }
0x89: {  	_ = 	snop  }
0x8a: {  	v2 =	vshll.u32 v3, $0x10  }
0x8b: {  	v3 =	vand.u32 $0xFFFF0000, v3;
	v4 =	vshll.u32 v5, $0x10;
	v5 =	vand.u32 $0xFFFF0000, v5  }
0x8c: {  	v3 =	vmul.f32 v3, v0;
	v5 =	vmul.f32 v5, v1  }
0x8d: {  	v2 =	vmul.f32 v2, v0;
	v4 =	vmul.f32 v4, v1  }
0x8e: {  	v3 =	vadd.f32 v5, v3  }
0x8f: {  	v2 =	vadd.f32 v4, v2  }
0x90: {  	[tilespmem:s10+$0x0] =	vst v3  }
0x91: {  	s9 =	simm.s32 $0x0;
	s12 =	rddreg [dreg:$0x8];
	[tilespmem:s10+$0xFFFFFFE0] =	vst v2  }
0x92: {  	[hbm4b:s12+s9] =	stream.linear.scatter [tilespmem:s5], [sflag:$0x4], $0x2000, $0x38;
	[tilespmem:$0x9020] =	vst v63  }
0x93: {  	s10 =	simm.s32 $0x180  }
0x94: {  	[tilespmem:s1], [sflag:$0x2] =	stream.indirect.gather [hbm4b:s2+s30], $0x20, s10, s30, $0xb8;
	[tilespmem:$0x9020] =	vst v63  }
0x95: {  	s11 =	simm.s32 $0x980  }
0x96: {  	[tilespmem:s29], [sflag:$0x2] =	stream.indirect.gather [hbm4b:s2+s30], $0x20, s11, s30, $0xb8;
	[tilespmem:$0x9020] =	vst v63  }
0x97: {  	_ =	swait.ge [sflag:s28], $0x1000  }
0x98: {  	[sflag:s28] =	ssyncset.done $0x0  }
0x99: {  	[sflag:s28] =	ssyncadd.s32 $0xFFFFF000  }
0x9a: {  	_ =	swait.ge [sflag:s28], $0x1000  }
0x9b: {  	[sflag:s28] =	ssyncset.done $0x0  }
0x9c: {  	[sflag:s28] =	ssyncadd.s32 $0xFFFFF000  }
0x9d: {  	_ =	swait.ge [sflag:s6], $0x2000  }
0x9e: {  	[sflag:s6] =	ssyncset.done $0x0  }
0x9f: {  	s12 =	simm.s32 $0x0;
	[sflag:s6] =	ssyncadd.s32 $0xFFFFE000  }
0xa0: {  	v2 =	vld [tilespmem:s12+$0x1000]  }
0xa1: {  	v3 =	vld [tilespmem:s12+$0x3000];
	_ =	sdelay $0x4  }
0xa2: {  	v4 =	vshll.u32 v2, $0x10;
	v2 =	vand.u32 $0xFFFF0000, v2;
	v5 =	vshll.u32 v3, $0x10  }
0xa3: {  	v3 =	vand.u32 $0xFFFF0000, v3;
	v4 =	vmul.f32 v4, v0;
	v5 =	vmul.f32 v5, v1  }
0xa4: {  	v3 =	vmul.f32 v3, v1;
	v2 =	vmul.f32 v2, v0  }
0xa5: {  	v4 =	vadd.f32 v5, v4  }
0xa6: {  	s9 =	simm.s32 $0x5020;
	v2 =	vadd.f32 v3, v2  }
0xa7: {  	[tilespmem:s9+$0xFFFFFFE0] =	vst v4  }
0xa8: {  	[tilespmem:s9+$0x0] =	vst v2  }
0xa9: {  	v3 =	vld [tilespmem:s12+$0x1010]  }
0xaa: {  	v4 =	vld [tilespmem:s12+$0x3010];
	_ =	sdelay $0x4  }
0xab: {  	v2 =	vshll.u32 v3, $0x10;
	v3 =	vand.u32 $0xFFFF0000, v3;
	v5 =	vand.u32 $0xFFFF0000, v4  }
0xac: {  	s10 =	simm.s32 $0x5020;
	s11 =	simm.s32 $0x80;
	v4 =	vshll.u32 v4, $0x10;
	v3 =	vmul.f32 v3, v0;
	v5 =	vmul.f32 v5, v1  }
.LBB2_6:
0xad: {  	p0 =	sne.s32 s11, $0x3F80  }
0xae: {  	v2 =	vmul.f32 v2, v0;
	v4 =	vmul.f32 v4, v1;
	s9 =	sadd.s32 $0x40, s9;
	s12 =	smov.u32 s11;
	s11 =	sadd.s32 $0x80, s11  }
0xaf: {  	v3 =	vadd.f32 v5, v3  }
0xb0: {  	v2 =	vadd.f32 v4, v2  }
0xb1: {  	[tilespmem:s10+$0x10] =	vst v3  }
0xb2: {  	s12 =	sshra.s32 s12, $0x2;
	[tilespmem:s10+$0xFFFFFFF0] =	vst v2;
	s10 =	smov.u32 s9  }
0xb3: {  	v2 =	vld [tilespmem:s12+$0x1000]  }
0xb4: {  	v3 =	vld [tilespmem:s12+$0x3000];
	_ =	sdelay $0x3  }
0xb5: {  	v4 =	vshll.u32 v2, $0x10;
	v2 =	vand.u32 $0xFFFF0000, v2  }
0xb6: {  	v5 =	vshll.u32 v3, $0x10;
	v3 =	vand.u32 $0xFFFF0000, v3;
	v4 =	vmul.f32 v4, v0  }
0xb7: {  	v5 =	vmul.f32 v5, v1;
	v3 =	vmul.f32 v3, v1  }
0xb8: {  	v2 =	vmul.f32 v2, v0  }
0xb9: {  	v4 =	vadd.f32 v5, v4  }
0xba: {  	v2 =	vadd.f32 v3, v2  }
0xbb: {  	[tilespmem:s9+$0xFFFFFFE0] =	vst v4  }
0xbc: {  	[tilespmem:s9+$0x0] =	vst v2  }
0xbd: {  	v3 =	vld [tilespmem:s12+$0x1010]  }
0xbe: {  	v5 =	vld [tilespmem:s12+$0x3010];
	_ =	sdelay $0x1  }
.Ltmp2:
0xbf: {  	(pc) =	sbr.rel @p0 .LBB2_6-.Ltmp2, $4  }
0xc0: {  	_ = 	snop  }
0xc1: {  	v2 =	vshll.u32 v3, $0x10  }
0xc2: {  	v3 =	vand.u32 $0xFFFF0000, v3;
	v4 =	vshll.u32 v5, $0x10;
	v5 =	vand.u32 $0xFFFF0000, v5  }
0xc3: {  	v3 =	vmul.f32 v3, v0;
	v5 =	vmul.f32 v5, v1  }
0xc4: {  	v2 =	vmul.f32 v2, v0;
	v4 =	vmul.f32 v4, v1  }
0xc5: {  	v3 =	vadd.f32 v5, v3  }
0xc6: {  	v2 =	vadd.f32 v4, v2  }
0xc7: {  	[tilespmem:s10+$0x10] =	vst v3  }
0xc8: {  	s9 =	simm.s32 $0x0;
	s12 =	rddreg [dreg:$0x9];
	[tilespmem:s10+$0xFFFFFFF0] =	vst v2  }
0xc9: {  	[hbm4b:s12+s9] =	stream.linear.scatter [tilespmem:s26], [sflag:$0x3], $0x2000, $0x38;
	[tilespmem:$0x9020] =	vst v63  }
0xca: {  	s10 =	simm.s32 $0x200  }
0xcb: {  	[tilespmem:s31], [sflag:$0x1] =	stream.indirect.gather [hbm4b:s2+s30], $0x20, s10, s30, $0xb8;
	[tilespmem:$0x9020] =	vst v63  }
0xcc: {  	s11 =	simm.s32 $0xA00  }
0xcd: {  	[tilespmem:s0], [sflag:$0x1] =	stream.indirect.gather [hbm4b:s2+s30], $0x20, s11, s30, $0xb8;
	[tilespmem:$0x9020] =	vst v63  }
0xce: {  	_ =	swait.ge [sflag:s4], $0x1000  }
0xcf: {  	[sflag:s4] =	ssyncset.done $0x0  }
0xd0: {  	[sflag:s4] =	ssyncadd.s32 $0xFFFFF000  }
0xd1: {  	_ =	swait.ge [sflag:s4], $0x1000  }
0xd2: {  	[sflag:s4] =	ssyncset.done $0x0  }
0xd3: {  	[sflag:s4] =	ssyncadd.s32 $0xFFFFF000  }
0xd4: {  	_ =	swait.ge [sflag:s7], $0x2000  }
0xd5: {  	[sflag:s7] =	ssyncset.done $0x0  }
0xd6: {  	s12 =	simm.s32 $0x0;
	[sflag:s7] =	ssyncadd.s32 $0xFFFFE000  }
0xd7: {  	v2 =	vld [tilespmem:s12+$0x2000]  }
0xd8: {  	v3 =	vld [tilespmem:s12+$0x4000];
	_ =	sdelay $0x4  }
0xd9: {  	v4 =	vshll.u32 v2, $0x10;
	v2 =	vand.u32 $0xFFFF0000, v2;
	v5 =	vshll.u32 v3, $0x10  }
0xda: {  	v3 =	vand.u32 $0xFFFF0000, v3;
	v4 =	vmul.f32 v4, v0;
	v5 =	vmul.f32 v5, v1  }
0xdb: {  	v3 =	vmul.f32 v3, v1;
	v2 =	vmul.f32 v2, v0  }
0xdc: {  	v4 =	vadd.f32 v5, v4  }
0xdd: {  	s9 =	simm.s32 $0x7030;
	v2 =	vadd.f32 v3, v2  }
0xde: {  	[tilespmem:s9+$0xFFFFFFD0] =	vst v4  }
0xdf: {  	[tilespmem:s9+$0xFFFFFFF0] =	vst v2  }
0xe0: {  	v3 =	vld [tilespmem:s12+$0x2010]  }
0xe1: {  	v4 =	vld [tilespmem:s12+$0x4010];
	_ =	sdelay $0x4  }
0xe2: {  	v2 =	vshll.u32 v3, $0x10;
	v3 =	vand.u32 $0xFFFF0000, v3;
	v5 =	vand.u32 $0xFFFF0000, v4  }
0xe3: {  	s10 =	simm.s32 $0x7030;
	s11 =	simm.s32 $0x80;
	v4 =	vshll.u32 v4, $0x10;
	v3 =	vmul.f32 v3, v0;
	v5 =	vmul.f32 v5, v1  }
.LBB2_8:
0xe4: {  	p0 =	sne.s32 s11, $0x3F80  }
0xe5: {  	v2 =	vmul.f32 v2, v0;
	v4 =	vmul.f32 v4, v1;
	s9 =	sadd.s32 $0x40, s9;
	s12 =	smov.u32 s11;
	s11 =	sadd.s32 $0x80, s11  }
0xe6: {  	v3 =	vadd.f32 v5, v3  }
0xe7: {  	v2 =	vadd.f32 v4, v2  }
0xe8: {  	[tilespmem:s10+$0x0] =	vst v3  }
0xe9: {  	s12 =	sshra.s32 s12, $0x2;
	[tilespmem:s10+$0xFFFFFFE0] =	vst v2;
	s10 =	smov.u32 s9  }
0xea: {  	v2 =	vld [tilespmem:s12+$0x2000]  }
0xeb: {  	v3 =	vld [tilespmem:s12+$0x4000];
	_ =	sdelay $0x3  }
0xec: {  	v4 =	vshll.u32 v2, $0x10;
	v2 =	vand.u32 $0xFFFF0000, v2  }
0xed: {  	v5 =	vshll.u32 v3, $0x10;
	v3 =	vand.u32 $0xFFFF0000, v3;
	v4 =	vmul.f32 v4, v0  }
0xee: {  	v5 =	vmul.f32 v5, v1;
	v3 =	vmul.f32 v3, v1  }
0xef: {  	v2 =	vmul.f32 v2, v0  }
0xf0: {  	v4 =	vadd.f32 v5, v4  }
0xf1: {  	v2 =	vadd.f32 v3, v2  }
0xf2: {  	[tilespmem:s9+$0xFFFFFFD0] =	vst v4  }
0xf3: {  	[tilespmem:s9+$0xFFFFFFF0] =	vst v2  }
0xf4: {  	v3 =	vld [tilespmem:s12+$0x2010]  }
0xf5: {  	v5 =	vld [tilespmem:s12+$0x4010];
	_ =	sdelay $0x1  }
.Ltmp3:
0xf6: {  	(pc) =	sbr.rel @p0 .LBB2_8-.Ltmp3, $4  }
0xf7: {  	_ = 	snop  }
0xf8: {  	v2 =	vshll.u32 v3, $0x10  }
0xf9: {  	v3 =	vand.u32 $0xFFFF0000, v3;
	v4 =	vshll.u32 v5, $0x10;
	v5 =	vand.u32 $0xFFFF0000, v5  }
0xfa: {  	v3 =	vmul.f32 v3, v0;
	v5 =	vmul.f32 v5, v1  }
0xfb: {  	v2 =	vmul.f32 v2, v0;
	v4 =	vmul.f32 v4, v1  }
0xfc: {  	v3 =	vadd.f32 v5, v3  }
0xfd: {  	v2 =	vadd.f32 v4, v2  }
0xfe: {  	[tilespmem:s10+$0x0] =	vst v3  }
0xff: {  	s9 =	simm.s32 $0x0;
	s12 =	rddreg [dreg:$0xa];
	[tilespmem:s10+$0xFFFFFFE0] =	vst v2  }
0x100: {  	[hbm4b:s12+s9] =	stream.linear.scatter [tilespmem:s5], [sflag:$0x4], $0x2000, $0x38;
	[tilespmem:$0x9020] =	vst v63  }
0x101: {  	s10 =	simm.s32 $0x280  }
0x102: {  	[tilespmem:s1], [sflag:$0x2] =	stream.indirect.gather [hbm4b:s2+s30], $0x20, s10, s30, $0xb8;
	[tilespmem:$0x9020] =	vst v63  }
0x103: {  	s11 =	simm.s32 $0xA80  }
0x104: {  	[tilespmem:s29], [sflag:$0x2] =	stream.indirect.gather [hbm4b:s2+s30], $0x20, s11, s30, $0xb8;
	[tilespmem:$0x9020] =	vst v63  }
0x105: {  	_ =	swait.ge [sflag:s28], $0x1000  }
0x106: {  	[sflag:s28] =	ssyncset.done $0x0  }
0x107: {  	[sflag:s28] =	ssyncadd.s32 $0xFFFFF000  }
0x108: {  	_ =	swait.ge [sflag:s28], $0x1000  }
0x109: {  	[sflag:s28] =	ssyncset.done $0x0  }
0x10a: {  	[sflag:s28] =	ssyncadd.s32 $0xFFFFF000  }
0x10b: {  	_ =	swait.ge [sflag:s6], $0x2000  }
0x10c: {  	[sflag:s6] =	ssyncset.done $0x0  }
0x10d: {  	s12 =	simm.s32 $0x0;
	[sflag:s6] =	ssyncadd.s32 $0xFFFFE000  }
0x10e: {  	v2 =	vld [tilespmem:s12+$0x1000]  }
0x10f: {  	v3 =	vld [tilespmem:s12+$0x3000];
	_ =	sdelay $0x4  }
0x110: {  	v4 =	vshll.u32 v2, $0x10;
	v2 =	vand.u32 $0xFFFF0000, v2;
	v5 =	vshll.u32 v3, $0x10  }
0x111: {  	v3 =	vand.u32 $0xFFFF0000, v3;
	v4 =	vmul.f32 v4, v0;
	v5 =	vmul.f32 v5, v1  }
0x112: {  	v3 =	vmul.f32 v3, v1;
	v2 =	vmul.f32 v2, v0  }
0x113: {  	v4 =	vadd.f32 v5, v4  }
0x114: {  	s9 =	simm.s32 $0x5020;
	v2 =	vadd.f32 v3, v2  }
0x115: {  	[tilespmem:s9+$0xFFFFFFE0] =	vst v4  }
0x116: {  	[tilespmem:s9+$0x0] =	vst v2  }
0x117: {  	v3 =	vld [tilespmem:s12+$0x1010]  }
0x118: {  	v4 =	vld [tilespmem:s12+$0x3010];
	_ =	sdelay $0x4  }
0x119: {  	v2 =	vshll.u32 v3, $0x10;
	v3 =	vand.u32 $0xFFFF0000, v3;
	v5 =	vand.u32 $0xFFFF0000, v4  }
0x11a: {  	s10 =	simm.s32 $0x5020;
	s11 =	simm.s32 $0x80;
	v4 =	vshll.u32 v4, $0x10;
	v3 =	vmul.f32 v3, v0;
	v5 =	vmul.f32 v5, v1  }
.LBB2_10:
0x11b: {  	p0 =	sne.s32 s11, $0x3F80  }
0x11c: {  	v2 =	vmul.f32 v2, v0;
	v4 =	vmul.f32 v4, v1;
	s9 =	sadd.s32 $0x40, s9;
	s12 =	smov.u32 s11;
	s11 =	sadd.s32 $0x80, s11  }
0x11d: {  	v3 =	vadd.f32 v5, v3  }
0x11e: {  	v2 =	vadd.f32 v4, v2  }
0x11f: {  	[tilespmem:s10+$0x10] =	vst v3  }
0x120: {  	s12 =	sshra.s32 s12, $0x2;
	[tilespmem:s10+$0xFFFFFFF0] =	vst v2;
	s10 =	smov.u32 s9  }
0x121: {  	v2 =	vld [tilespmem:s12+$0x1000]  }
0x122: {  	v3 =	vld [tilespmem:s12+$0x3000];
	_ =	sdelay $0x3  }
0x123: {  	v4 =	vshll.u32 v2, $0x10;
	v2 =	vand.u32 $0xFFFF0000, v2  }
0x124: {  	v5 =	vshll.u32 v3, $0x10;
	v3 =	vand.u32 $0xFFFF0000, v3;
	v4 =	vmul.f32 v4, v0  }
0x125: {  	v5 =	vmul.f32 v5, v1;
	v3 =	vmul.f32 v3, v1  }
0x126: {  	v2 =	vmul.f32 v2, v0  }
0x127: {  	v4 =	vadd.f32 v5, v4  }
0x128: {  	v2 =	vadd.f32 v3, v2  }
0x129: {  	[tilespmem:s9+$0xFFFFFFE0] =	vst v4  }
0x12a: {  	[tilespmem:s9+$0x0] =	vst v2  }
0x12b: {  	v3 =	vld [tilespmem:s12+$0x1010]  }
0x12c: {  	v5 =	vld [tilespmem:s12+$0x3010];
	_ =	sdelay $0x1  }
.Ltmp4:
0x12d: {  	(pc) =	sbr.rel @p0 .LBB2_10-.Ltmp4, $4  }
0x12e: {  	_ = 	snop  }
0x12f: {  	v2 =	vshll.u32 v3, $0x10  }
0x130: {  	v3 =	vand.u32 $0xFFFF0000, v3;
	v4 =	vshll.u32 v5, $0x10;
	v5 =	vand.u32 $0xFFFF0000, v5  }
0x131: {  	v3 =	vmul.f32 v3, v0;
	v5 =	vmul.f32 v5, v1  }
0x132: {  	v2 =	vmul.f32 v2, v0;
	v4 =	vmul.f32 v4, v1  }
0x133: {  	v3 =	vadd.f32 v5, v3  }
0x134: {  	v2 =	vadd.f32 v4, v2  }
0x135: {  	[tilespmem:s10+$0x10] =	vst v3  }
0x136: {  	s9 =	simm.s32 $0x0;
	s12 =	rddreg [dreg:$0xb];
	[tilespmem:s10+$0xFFFFFFF0] =	vst v2  }
0x137: {  	[hbm4b:s12+s9] =	stream.linear.scatter [tilespmem:s26], [sflag:$0x3], $0x2000, $0x38;
	[tilespmem:$0x9020] =	vst v63  }
0x138: {  	s10 =	simm.s32 $0x300  }
0x139: {  	[tilespmem:s31], [sflag:$0x1] =	stream.indirect.gather [hbm4b:s2+s30], $0x20, s10, s30, $0xb8;
	[tilespmem:$0x9020] =	vst v63  }
0x13a: {  	s11 =	simm.s32 $0xB00  }
0x13b: {  	[tilespmem:s0], [sflag:$0x1] =	stream.indirect.gather [hbm4b:s2+s30], $0x20, s11, s30, $0xb8;
	[tilespmem:$0x9020] =	vst v63  }
0x13c: {  	_ =	swait.ge [sflag:s4], $0x1000  }
0x13d: {  	[sflag:s4] =	ssyncset.done $0x0  }
0x13e: {  	[sflag:s4] =	ssyncadd.s32 $0xFFFFF000  }
0x13f: {  	_ =	swait.ge [sflag:s4], $0x1000  }
0x140: {  	[sflag:s4] =	ssyncset.done $0x0  }
0x141: {  	[sflag:s4] =	ssyncadd.s32 $0xFFFFF000  }
0x142: {  	_ =	swait.ge [sflag:s7], $0x2000  }
0x143: {  	[sflag:s7] =	ssyncset.done $0x0  }
0x144: {  	s12 =	simm.s32 $0x0;
	[sflag:s7] =	ssyncadd.s32 $0xFFFFE000  }
0x145: {  	v2 =	vld [tilespmem:s12+$0x2000]  }
0x146: {  	v3 =	vld [tilespmem:s12+$0x4000];
	_ =	sdelay $0x4  }
0x147: {  	v4 =	vshll.u32 v2, $0x10;
	v2 =	vand.u32 $0xFFFF0000, v2;
	v5 =	vshll.u32 v3, $0x10  }
0x148: {  	v3 =	vand.u32 $0xFFFF0000, v3;
	v4 =	vmul.f32 v4, v0;
	v5 =	vmul.f32 v5, v1  }
0x149: {  	v3 =	vmul.f32 v3, v1;
	v2 =	vmul.f32 v2, v0  }
0x14a: {  	v4 =	vadd.f32 v5, v4  }
0x14b: {  	s9 =	simm.s32 $0x7030;
	v2 =	vadd.f32 v3, v2  }
0x14c: {  	[tilespmem:s9+$0xFFFFFFD0] =	vst v4  }
0x14d: {  	[tilespmem:s9+$0xFFFFFFF0] =	vst v2  }
0x14e: {  	v3 =	vld [tilespmem:s12+$0x2010]  }
0x14f: {  	v4 =	vld [tilespmem:s12+$0x4010];
	_ =	sdelay $0x4  }
0x150: {  	v2 =	vshll.u32 v3, $0x10;
	v3 =	vand.u32 $0xFFFF0000, v3;
	v5 =	vand.u32 $0xFFFF0000, v4  }
0x151: {  	s10 =	simm.s32 $0x7030;
	s11 =	simm.s32 $0x80;
	v4 =	vshll.u32 v4, $0x10;
	v3 =	vmul.f32 v3, v0;
	v5 =	vmul.f32 v5, v1  }
.LBB2_12:
0x152: {  	p0 =	sne.s32 s11, $0x3F80  }
0x153: {  	v2 =	vmul.f32 v2, v0;
	v4 =	vmul.f32 v4, v1;
	s9 =	sadd.s32 $0x40, s9;
	s12 =	smov.u32 s11;
	s11 =	sadd.s32 $0x80, s11  }
0x154: {  	v3 =	vadd.f32 v5, v3  }
0x155: {  	v2 =	vadd.f32 v4, v2  }
0x156: {  	[tilespmem:s10+$0x0] =	vst v3  }
0x157: {  	s12 =	sshra.s32 s12, $0x2;
	[tilespmem:s10+$0xFFFFFFE0] =	vst v2;
	s10 =	smov.u32 s9  }
0x158: {  	v2 =	vld [tilespmem:s12+$0x2000]  }
0x159: {  	v3 =	vld [tilespmem:s12+$0x4000];
	_ =	sdelay $0x3  }
0x15a: {  	v4 =	vshll.u32 v2, $0x10;
	v2 =	vand.u32 $0xFFFF0000, v2  }
0x15b: {  	v5 =	vshll.u32 v3, $0x10;
	v3 =	vand.u32 $0xFFFF0000, v3;
	v4 =	vmul.f32 v4, v0  }
0x15c: {  	v5 =	vmul.f32 v5, v1;
	v3 =	vmul.f32 v3, v1  }
0x15d: {  	v2 =	vmul.f32 v2, v0  }
0x15e: {  	v4 =	vadd.f32 v5, v4  }
0x15f: {  	v2 =	vadd.f32 v3, v2  }
0x160: {  	[tilespmem:s9+$0xFFFFFFD0] =	vst v4  }
0x161: {  	[tilespmem:s9+$0xFFFFFFF0] =	vst v2  }
0x162: {  	v3 =	vld [tilespmem:s12+$0x2010]  }
0x163: {  	v5 =	vld [tilespmem:s12+$0x4010];
	_ =	sdelay $0x1  }
.Ltmp5:
0x164: {  	(pc) =	sbr.rel @p0 .LBB2_12-.Ltmp5, $4  }
0x165: {  	_ = 	snop  }
0x166: {  	v2 =	vshll.u32 v3, $0x10  }
0x167: {  	v3 =	vand.u32 $0xFFFF0000, v3;
	v4 =	vshll.u32 v5, $0x10;
	v5 =	vand.u32 $0xFFFF0000, v5  }
0x168: {  	v3 =	vmul.f32 v3, v0;
	v5 =	vmul.f32 v5, v1  }
0x169: {  	v2 =	vmul.f32 v2, v0;
	v4 =	vmul.f32 v4, v1  }
0x16a: {  	v3 =	vadd.f32 v5, v3  }
0x16b: {  	v2 =	vadd.f32 v4, v2  }
0x16c: {  	[tilespmem:s10+$0x0] =	vst v3  }
0x16d: {  	s9 =	simm.s32 $0x0;
	[tilespmem:s10+$0xFFFFFFE0] =	vst v2  }
0x16e: {  	[hbm4b:s13+s9] =	stream.linear.scatter [tilespmem:s5], [sflag:$0x4], $0x2000, $0x38;
	[tilespmem:$0x9020] =	vst v63  }
0x16f: {  	s10 =	simm.s32 $0x380  }
0x170: {  	[tilespmem:s1], [sflag:$0x2] =	stream.indirect.gather [hbm4b:s2+s30], $0x20, s10, s30, $0xb8;
	[tilespmem:$0x9020] =	vst v63  }
0x171: {  	s11 =	simm.s32 $0xB80  }
0x172: {  	[tilespmem:s29], [sflag:$0x2] =	stream.indirect.gather [hbm4b:s2+s30], $0x20, s11, s30, $0xb8;
	[tilespmem:$0x9020] =	vst v63  }
0x173: {  	_ =	swait.ge [sflag:s28], $0x1000  }
0x174: {  	[sflag:s28] =	ssyncset.done $0x0  }
0x175: {  	[sflag:s28] =	ssyncadd.s32 $0xFFFFF000  }
0x176: {  	_ =	swait.ge [sflag:s28], $0x1000  }
0x177: {  	[sflag:s28] =	ssyncset.done $0x0  }
0x178: {  	[sflag:s28] =	ssyncadd.s32 $0xFFFFF000  }
0x179: {  	_ =	swait.ge [sflag:s6], $0x2000  }
0x17a: {  	[sflag:s6] =	ssyncset.done $0x0  }
0x17b: {  	s12 =	simm.s32 $0x0;
	[sflag:s6] =	ssyncadd.s32 $0xFFFFE000  }
0x17c: {  	v2 =	vld [tilespmem:s12+$0x1000]  }
0x17d: {  	v3 =	vld [tilespmem:s12+$0x3000];
	_ =	sdelay $0x4  }
0x17e: {  	v4 =	vshll.u32 v2, $0x10;
	v2 =	vand.u32 $0xFFFF0000, v2;
	v5 =	vshll.u32 v3, $0x10  }
0x17f: {  	v3 =	vand.u32 $0xFFFF0000, v3;
	v4 =	vmul.f32 v4, v0;
	v5 =	vmul.f32 v5, v1  }
0x180: {  	v3 =	vmul.f32 v3, v1;
	v2 =	vmul.f32 v2, v0  }
0x181: {  	v4 =	vadd.f32 v5, v4  }
0x182: {  	s9 =	simm.s32 $0x5020;
	v2 =	vadd.f32 v3, v2  }
0x183: {  	[tilespmem:s9+$0xFFFFFFE0] =	vst v4  }
0x184: {  	[tilespmem:s9+$0x0] =	vst v2  }
0x185: {  	v3 =	vld [tilespmem:s12+$0x1010]  }
0x186: {  	v4 =	vld [tilespmem:s12+$0x3010];
	_ =	sdelay $0x4  }
0x187: {  	v2 =	vshll.u32 v3, $0x10;
	v3 =	vand.u32 $0xFFFF0000, v3;
	v5 =	vand.u32 $0xFFFF0000, v4  }
0x188: {  	s10 =	simm.s32 $0x5020;
	s11 =	simm.s32 $0x80;
	v4 =	vshll.u32 v4, $0x10;
	v3 =	vmul.f32 v3, v0;
	v5 =	vmul.f32 v5, v1  }
.LBB2_14:
0x189: {  	p0 =	sne.s32 s11, $0x3F80  }
0x18a: {  	v2 =	vmul.f32 v2, v0;
	v4 =	vmul.f32 v4, v1;
	s9 =	sadd.s32 $0x40, s9;
	s12 =	smov.u32 s11;
	s11 =	sadd.s32 $0x80, s11  }
0x18b: {  	v3 =	vadd.f32 v5, v3  }
0x18c: {  	v2 =	vadd.f32 v4, v2  }
0x18d: {  	[tilespmem:s10+$0x10] =	vst v3  }
0x18e: {  	s12 =	sshra.s32 s12, $0x2;
	[tilespmem:s10+$0xFFFFFFF0] =	vst v2;
	s10 =	smov.u32 s9  }
0x18f: {  	v2 =	vld [tilespmem:s12+$0x1000]  }
0x190: {  	v3 =	vld [tilespmem:s12+$0x3000];
	_ =	sdelay $0x3  }
0x191: {  	v4 =	vshll.u32 v2, $0x10;
	v2 =	vand.u32 $0xFFFF0000, v2  }
0x192: {  	v5 =	vshll.u32 v3, $0x10;
	v3 =	vand.u32 $0xFFFF0000, v3;
	v4 =	vmul.f32 v4, v0  }
0x193: {  	v5 =	vmul.f32 v5, v1;
	v3 =	vmul.f32 v3, v1  }
0x194: {  	v2 =	vmul.f32 v2, v0  }
0x195: {  	v4 =	vadd.f32 v5, v4  }
0x196: {  	v2 =	vadd.f32 v3, v2  }
0x197: {  	[tilespmem:s9+$0xFFFFFFE0] =	vst v4  }
0x198: {  	[tilespmem:s9+$0x0] =	vst v2  }
0x199: {  	v3 =	vld [tilespmem:s12+$0x1010]  }
0x19a: {  	v5 =	vld [tilespmem:s12+$0x3010];
	_ =	sdelay $0x1  }
.Ltmp6:
0x19b: {  	(pc) =	sbr.rel @p0 .LBB2_14-.Ltmp6, $4  }
0x19c: {  	_ = 	snop  }
0x19d: {  	v2 =	vshll.u32 v3, $0x10  }
0x19e: {  	v3 =	vand.u32 $0xFFFF0000, v3;
	v4 =	vshll.u32 v5, $0x10;
	v5 =	vand.u32 $0xFFFF0000, v5  }
0x19f: {  	v3 =	vmul.f32 v3, v0;
	v5 =	vmul.f32 v5, v1  }
0x1a0: {  	v2 =	vmul.f32 v2, v0;
	v4 =	vmul.f32 v4, v1  }
0x1a1: {  	v3 =	vadd.f32 v5, v3  }
0x1a2: {  	v2 =	vadd.f32 v4, v2  }
0x1a3: {  	[tilespmem:s10+$0x10] =	vst v3  }
0x1a4: {  	s9 =	simm.s32 $0x0;
	[tilespmem:s10+$0xFFFFFFF0] =	vst v2  }
0x1a5: {  	[hbm4b:s14+s9] =	stream.linear.scatter [tilespmem:s26], [sflag:$0x3], $0x2000, $0x38;
	[tilespmem:$0x9020] =	vst v63  }
0x1a6: {  	s10 =	simm.s32 $0x400  }
0x1a7: {  	[tilespmem:s31], [sflag:$0x1] =	stream.indirect.gather [hbm4b:s2+s30], $0x20, s10, s30, $0xb8;
	[tilespmem:$0x9020] =	vst v63  }
0x1a8: {  	s11 =	simm.s32 $0xC00  }
0x1a9: {  	[tilespmem:s0], [sflag:$0x1] =	stream.indirect.gather [hbm4b:s2+s30], $0x20, s11, s30, $0xb8;
	[tilespmem:$0x9020] =	vst v63  }
0x1aa: {  	_ =	swait.ge [sflag:s4], $0x1000  }
0x1ab: {  	[sflag:s4] =	ssyncset.done $0x0  }
0x1ac: {  	[sflag:s4] =	ssyncadd.s32 $0xFFFFF000  }
0x1ad: {  	_ =	swait.ge [sflag:s4], $0x1000  }
0x1ae: {  	[sflag:s4] =	ssyncset.done $0x0  }
0x1af: {  	[sflag:s4] =	ssyncadd.s32 $0xFFFFF000  }
0x1b0: {  	_ =	swait.ge [sflag:s7], $0x2000  }
0x1b1: {  	[sflag:s7] =	ssyncset.done $0x0  }
0x1b2: {  	s12 =	simm.s32 $0x0;
	[sflag:s7] =	ssyncadd.s32 $0xFFFFE000  }
0x1b3: {  	v2 =	vld [tilespmem:s12+$0x2000]  }
0x1b4: {  	v3 =	vld [tilespmem:s12+$0x4000];
	_ =	sdelay $0x4  }
0x1b5: {  	v4 =	vshll.u32 v2, $0x10;
	v2 =	vand.u32 $0xFFFF0000, v2;
	v5 =	vshll.u32 v3, $0x10  }
0x1b6: {  	v3 =	vand.u32 $0xFFFF0000, v3;
	v4 =	vmul.f32 v4, v0;
	v5 =	vmul.f32 v5, v1  }
0x1b7: {  	v3 =	vmul.f32 v3, v1;
	v2 =	vmul.f32 v2, v0  }
0x1b8: {  	v4 =	vadd.f32 v5, v4  }
0x1b9: {  	s9 =	simm.s32 $0x7030;
	v2 =	vadd.f32 v3, v2  }
0x1ba: {  	[tilespmem:s9+$0xFFFFFFD0] =	vst v4  }
0x1bb: {  	[tilespmem:s9+$0xFFFFFFF0] =	vst v2  }
0x1bc: {  	v3 =	vld [tilespmem:s12+$0x2010]  }
0x1bd: {  	v4 =	vld [tilespmem:s12+$0x4010];
	_ =	sdelay $0x4  }
0x1be: {  	v2 =	vshll.u32 v3, $0x10;
	v3 =	vand.u32 $0xFFFF0000, v3;
	v5 =	vand.u32 $0xFFFF0000, v4  }
0x1bf: {  	s10 =	simm.s32 $0x7030;
	s11 =	simm.s32 $0x80;
	v4 =	vshll.u32 v4, $0x10;
	v3 =	vmul.f32 v3, v0;
	v5 =	vmul.f32 v5, v1  }
.LBB2_16:
0x1c0: {  	p0 =	sne.s32 s11, $0x3F80  }
0x1c1: {  	v2 =	vmul.f32 v2, v0;
	v4 =	vmul.f32 v4, v1;
	s9 =	sadd.s32 $0x40, s9;
	s12 =	smov.u32 s11;
	s11 =	sadd.s32 $0x80, s11  }
0x1c2: {  	v3 =	vadd.f32 v5, v3  }
0x1c3: {  	v2 =	vadd.f32 v4, v2  }
0x1c4: {  	[tilespmem:s10+$0x0] =	vst v3  }
0x1c5: {  	s12 =	sshra.s32 s12, $0x2;
	[tilespmem:s10+$0xFFFFFFE0] =	vst v2;
	s10 =	smov.u32 s9  }
0x1c6: {  	v2 =	vld [tilespmem:s12+$0x2000]  }
0x1c7: {  	v3 =	vld [tilespmem:s12+$0x4000];
	_ =	sdelay $0x3  }
0x1c8: {  	v4 =	vshll.u32 v2, $0x10;
	v2 =	vand.u32 $0xFFFF0000, v2  }
0x1c9: {  	v5 =	vshll.u32 v3, $0x10;
	v3 =	vand.u32 $0xFFFF0000, v3;
	v4 =	vmul.f32 v4, v0  }
0x1ca: {  	v5 =	vmul.f32 v5, v1;
	v3 =	vmul.f32 v3, v1  }
0x1cb: {  	v2 =	vmul.f32 v2, v0  }
0x1cc: {  	v4 =	vadd.f32 v5, v4  }
0x1cd: {  	v2 =	vadd.f32 v3, v2  }
0x1ce: {  	[tilespmem:s9+$0xFFFFFFD0] =	vst v4  }
0x1cf: {  	[tilespmem:s9+$0xFFFFFFF0] =	vst v2  }
0x1d0: {  	v3 =	vld [tilespmem:s12+$0x2010]  }
0x1d1: {  	v5 =	vld [tilespmem:s12+$0x4010];
	_ =	sdelay $0x1  }
.Ltmp7:
0x1d2: {  	(pc) =	sbr.rel @p0 .LBB2_16-.Ltmp7, $4  }
0x1d3: {  	_ = 	snop  }
0x1d4: {  	v2 =	vshll.u32 v3, $0x10  }
0x1d5: {  	v3 =	vand.u32 $0xFFFF0000, v3;
	v4 =	vshll.u32 v5, $0x10;
	v5 =	vand.u32 $0xFFFF0000, v5  }
0x1d6: {  	v3 =	vmul.f32 v3, v0;
	v5 =	vmul.f32 v5, v1  }
0x1d7: {  	v2 =	vmul.f32 v2, v0;
	v4 =	vmul.f32 v4, v1  }
0x1d8: {  	v3 =	vadd.f32 v5, v3  }
0x1d9: {  	v2 =	vadd.f32 v4, v2  }
0x1da: {  	[tilespmem:s10+$0x0] =	vst v3  }
0x1db: {  	s9 =	simm.s32 $0x0;
	[tilespmem:s10+$0xFFFFFFE0] =	vst v2  }
0x1dc: {  	[hbm4b:s15+s9] =	stream.linear.scatter [tilespmem:s5], [sflag:$0x4], $0x2000, $0x38;
	[tilespmem:$0x9020] =	vst v63  }
0x1dd: {  	s10 =	simm.s32 $0x480  }
0x1de: {  	[tilespmem:s1], [sflag:$0x2] =	stream.indirect.gather [hbm4b:s2+s30], $0x20, s10, s30, $0xb8;
	[tilespmem:$0x9020] =	vst v63  }
0x1df: {  	s11 =	simm.s32 $0xC80  }
0x1e0: {  	[tilespmem:s29], [sflag:$0x2] =	stream.indirect.gather [hbm4b:s2+s30], $0x20, s11, s30, $0xb8;
	[tilespmem:$0x9020] =	vst v63  }
0x1e1: {  	_ =	swait.ge [sflag:s28], $0x1000  }
0x1e2: {  	[sflag:s28] =	ssyncset.done $0x0  }
0x1e3: {  	[sflag:s28] =	ssyncadd.s32 $0xFFFFF000  }
0x1e4: {  	_ =	swait.ge [sflag:s28], $0x1000  }
0x1e5: {  	[sflag:s28] =	ssyncset.done $0x0  }
0x1e6: {  	[sflag:s28] =	ssyncadd.s32 $0xFFFFF000  }
0x1e7: {  	_ =	swait.ge [sflag:s6], $0x2000  }
0x1e8: {  	[sflag:s6] =	ssyncset.done $0x0  }
0x1e9: {  	s12 =	simm.s32 $0x0;
	[sflag:s6] =	ssyncadd.s32 $0xFFFFE000  }
0x1ea: {  	v2 =	vld [tilespmem:s12+$0x1000]  }
0x1eb: {  	v3 =	vld [tilespmem:s12+$0x3000];
	_ =	sdelay $0x4  }
0x1ec: {  	v4 =	vshll.u32 v2, $0x10;
	v2 =	vand.u32 $0xFFFF0000, v2;
	v5 =	vshll.u32 v3, $0x10  }
0x1ed: {  	v3 =	vand.u32 $0xFFFF0000, v3;
	v4 =	vmul.f32 v4, v0;
	v5 =	vmul.f32 v5, v1  }
0x1ee: {  	v3 =	vmul.f32 v3, v1;
	v2 =	vmul.f32 v2, v0  }
0x1ef: {  	v4 =	vadd.f32 v5, v4  }
0x1f0: {  	s9 =	simm.s32 $0x5020;
	v2 =	vadd.f32 v3, v2  }
0x1f1: {  	[tilespmem:s9+$0xFFFFFFE0] =	vst v4  }
0x1f2: {  	[tilespmem:s9+$0x0] =	vst v2  }
0x1f3: {  	v3 =	vld [tilespmem:s12+$0x1010]  }
0x1f4: {  	v4 =	vld [tilespmem:s12+$0x3010];
	_ =	sdelay $0x4  }
0x1f5: {  	v2 =	vshll.u32 v3, $0x10;
	v3 =	vand.u32 $0xFFFF0000, v3;
	v5 =	vand.u32 $0xFFFF0000, v4  }
0x1f6: {  	s10 =	simm.s32 $0x5020;
	s11 =	simm.s32 $0x80;
	v4 =	vshll.u32 v4, $0x10;
	v3 =	vmul.f32 v3, v0;
	v5 =	vmul.f32 v5, v1  }
.LBB2_18:
0x1f7: {  	p0 =	sne.s32 s11, $0x3F80  }
0x1f8: {  	v2 =	vmul.f32 v2, v0;
	v4 =	vmul.f32 v4, v1;
	s9 =	sadd.s32 $0x40, s9;
	s12 =	smov.u32 s11;
	s11 =	sadd.s32 $0x80, s11  }
0x1f9: {  	v3 =	vadd.f32 v5, v3  }
0x1fa: {  	v2 =	vadd.f32 v4, v2  }
0x1fb: {  	[tilespmem:s10+$0x10] =	vst v3  }
0x1fc: {  	s12 =	sshra.s32 s12, $0x2;
	[tilespmem:s10+$0xFFFFFFF0] =	vst v2;
	s10 =	smov.u32 s9  }
0x1fd: {  	v2 =	vld [tilespmem:s12+$0x1000]  }
0x1fe: {  	v3 =	vld [tilespmem:s12+$0x3000];
	_ =	sdelay $0x3  }
0x1ff: {  	v4 =	vshll.u32 v2, $0x10;
	v2 =	vand.u32 $0xFFFF0000, v2  }
0x200: {  	v5 =	vshll.u32 v3, $0x10;
	v3 =	vand.u32 $0xFFFF0000, v3;
	v4 =	vmul.f32 v4, v0  }
0x201: {  	v5 =	vmul.f32 v5, v1;
	v3 =	vmul.f32 v3, v1  }
0x202: {  	v2 =	vmul.f32 v2, v0  }
0x203: {  	v4 =	vadd.f32 v5, v4  }
0x204: {  	v2 =	vadd.f32 v3, v2  }
0x205: {  	[tilespmem:s9+$0xFFFFFFE0] =	vst v4  }
0x206: {  	[tilespmem:s9+$0x0] =	vst v2  }
0x207: {  	v3 =	vld [tilespmem:s12+$0x1010]  }
0x208: {  	v5 =	vld [tilespmem:s12+$0x3010];
	_ =	sdelay $0x1  }
.Ltmp8:
0x209: {  	(pc) =	sbr.rel @p0 .LBB2_18-.Ltmp8, $4  }
0x20a: {  	_ = 	snop  }
0x20b: {  	v2 =	vshll.u32 v3, $0x10  }
0x20c: {  	v3 =	vand.u32 $0xFFFF0000, v3;
	v4 =	vshll.u32 v5, $0x10;
	v5 =	vand.u32 $0xFFFF0000, v5  }
0x20d: {  	v3 =	vmul.f32 v3, v0;
	v5 =	vmul.f32 v5, v1  }
0x20e: {  	v2 =	vmul.f32 v2, v0;
	v4 =	vmul.f32 v4, v1  }
0x20f: {  	v3 =	vadd.f32 v5, v3  }
0x210: {  	v2 =	vadd.f32 v4, v2  }
0x211: {  	[tilespmem:s10+$0x10] =	vst v3  }
0x212: {  	s9 =	simm.s32 $0x0;
	[tilespmem:s10+$0xFFFFFFF0] =	vst v2  }
0x213: {  	[hbm4b:s16+s9] =	stream.linear.scatter [tilespmem:s26], [sflag:$0x3], $0x2000, $0x38;
	[tilespmem:$0x9020] =	vst v63  }
0x214: {  	s10 =	simm.s32 $0x500  }
0x215: {  	[tilespmem:s31], [sflag:$0x1] =	stream.indirect.gather [hbm4b:s2+s30], $0x20, s10, s30, $0xb8;
	[tilespmem:$0x9020] =	vst v63  }
0x216: {  	s11 =	simm.s32 $0xD00  }
0x217: {  	[tilespmem:s0], [sflag:$0x1] =	stream.indirect.gather [hbm4b:s2+s30], $0x20, s11, s30, $0xb8;
	[tilespmem:$0x9020] =	vst v63  }
0x218: {  	_ =	swait.ge [sflag:s4], $0x1000  }
0x219: {  	[sflag:s4] =	ssyncset.done $0x0  }
0x21a: {  	[sflag:s4] =	ssyncadd.s32 $0xFFFFF000  }
0x21b: {  	_ =	swait.ge [sflag:s4], $0x1000  }
0x21c: {  	[sflag:s4] =	ssyncset.done $0x0  }
0x21d: {  	[sflag:s4] =	ssyncadd.s32 $0xFFFFF000  }
0x21e: {  	_ =	swait.ge [sflag:s7], $0x2000  }
0x21f: {  	[sflag:s7] =	ssyncset.done $0x0  }
0x220: {  	s12 =	simm.s32 $0x0;
	[sflag:s7] =	ssyncadd.s32 $0xFFFFE000  }
0x221: {  	v2 =	vld [tilespmem:s12+$0x2000]  }
0x222: {  	v3 =	vld [tilespmem:s12+$0x4000];
	_ =	sdelay $0x4  }
0x223: {  	v4 =	vshll.u32 v2, $0x10;
	v2 =	vand.u32 $0xFFFF0000, v2;
	v5 =	vshll.u32 v3, $0x10  }
0x224: {  	v3 =	vand.u32 $0xFFFF0000, v3;
	v4 =	vmul.f32 v4, v0;
	v5 =	vmul.f32 v5, v1  }
0x225: {  	v3 =	vmul.f32 v3, v1;
	v2 =	vmul.f32 v2, v0  }
0x226: {  	v4 =	vadd.f32 v5, v4  }
0x227: {  	s9 =	simm.s32 $0x7030;
	v2 =	vadd.f32 v3, v2  }
0x228: {  	[tilespmem:s9+$0xFFFFFFD0] =	vst v4  }
0x229: {  	[tilespmem:s9+$0xFFFFFFF0] =	vst v2  }
0x22a: {  	v3 =	vld [tilespmem:s12+$0x2010]  }
0x22b: {  	v4 =	vld [tilespmem:s12+$0x4010];
	_ =	sdelay $0x4  }
0x22c: {  	v2 =	vshll.u32 v3, $0x10;
	v3 =	vand.u32 $0xFFFF0000, v3;
	v5 =	vand.u32 $0xFFFF0000, v4  }
0x22d: {  	s10 =	simm.s32 $0x7030;
	s11 =	simm.s32 $0x80;
	v4 =	vshll.u32 v4, $0x10;
	v3 =	vmul.f32 v3, v0;
	v5 =	vmul.f32 v5, v1  }
.LBB2_20:
0x22e: {  	p0 =	sne.s32 s11, $0x3F80  }
0x22f: {  	v2 =	vmul.f32 v2, v0;
	v4 =	vmul.f32 v4, v1;
	s9 =	sadd.s32 $0x40, s9;
	s12 =	smov.u32 s11;
	s11 =	sadd.s32 $0x80, s11  }
0x230: {  	v3 =	vadd.f32 v5, v3  }
0x231: {  	v2 =	vadd.f32 v4, v2  }
0x232: {  	[tilespmem:s10+$0x0] =	vst v3  }
0x233: {  	s12 =	sshra.s32 s12, $0x2;
	[tilespmem:s10+$0xFFFFFFE0] =	vst v2;
	s10 =	smov.u32 s9  }
0x234: {  	v2 =	vld [tilespmem:s12+$0x2000]  }
0x235: {  	v3 =	vld [tilespmem:s12+$0x4000];
	_ =	sdelay $0x3  }
0x236: {  	v4 =	vshll.u32 v2, $0x10;
	v2 =	vand.u32 $0xFFFF0000, v2  }
0x237: {  	v5 =	vshll.u32 v3, $0x10;
	v3 =	vand.u32 $0xFFFF0000, v3;
	v4 =	vmul.f32 v4, v0  }
0x238: {  	v5 =	vmul.f32 v5, v1;
	v3 =	vmul.f32 v3, v1  }
0x239: {  	v2 =	vmul.f32 v2, v0  }
0x23a: {  	v4 =	vadd.f32 v5, v4  }
0x23b: {  	v2 =	vadd.f32 v3, v2  }
0x23c: {  	[tilespmem:s9+$0xFFFFFFD0] =	vst v4  }
0x23d: {  	[tilespmem:s9+$0xFFFFFFF0] =	vst v2  }
0x23e: {  	v3 =	vld [tilespmem:s12+$0x2010]  }
0x23f: {  	v5 =	vld [tilespmem:s12+$0x4010];
	_ =	sdelay $0x1  }
.Ltmp9:
0x240: {  	(pc) =	sbr.rel @p0 .LBB2_20-.Ltmp9, $4  }
0x241: {  	_ = 	snop  }
0x242: {  	v2 =	vshll.u32 v3, $0x10  }
0x243: {  	v3 =	vand.u32 $0xFFFF0000, v3;
	v4 =	vshll.u32 v5, $0x10;
	v5 =	vand.u32 $0xFFFF0000, v5  }
0x244: {  	v3 =	vmul.f32 v3, v0;
	v5 =	vmul.f32 v5, v1  }
0x245: {  	v2 =	vmul.f32 v2, v0;
	v4 =	vmul.f32 v4, v1  }
0x246: {  	v3 =	vadd.f32 v5, v3  }
0x247: {  	v2 =	vadd.f32 v4, v2  }
0x248: {  	[tilespmem:s10+$0x0] =	vst v3  }
0x249: {  	s9 =	simm.s32 $0x0;
	[tilespmem:s10+$0xFFFFFFE0] =	vst v2  }
0x24a: {  	[hbm4b:s17+s9] =	stream.linear.scatter [tilespmem:s5], [sflag:$0x4], $0x2000, $0x38;
	[tilespmem:$0x9020] =	vst v63  }
0x24b: {  	s10 =	simm.s32 $0x580  }
0x24c: {  	[tilespmem:s1], [sflag:$0x2] =	stream.indirect.gather [hbm4b:s2+s30], $0x20, s10, s30, $0xb8;
	[tilespmem:$0x9020] =	vst v63  }
0x24d: {  	s11 =	simm.s32 $0xD80  }
0x24e: {  	[tilespmem:s29], [sflag:$0x2] =	stream.indirect.gather [hbm4b:s2+s30], $0x20, s11, s30, $0xb8;
	[tilespmem:$0x9020] =	vst v63  }
0x24f: {  	_ =	swait.ge [sflag:s28], $0x1000  }
0x250: {  	[sflag:s28] =	ssyncset.done $0x0  }
0x251: {  	[sflag:s28] =	ssyncadd.s32 $0xFFFFF000  }
0x252: {  	_ =	swait.ge [sflag:s28], $0x1000  }
0x253: {  	[sflag:s28] =	ssyncset.done $0x0  }
0x254: {  	[sflag:s28] =	ssyncadd.s32 $0xFFFFF000  }
0x255: {  	_ =	swait.ge [sflag:s6], $0x2000  }
0x256: {  	[sflag:s6] =	ssyncset.done $0x0  }
0x257: {  	s12 =	simm.s32 $0x0;
	[sflag:s6] =	ssyncadd.s32 $0xFFFFE000  }
0x258: {  	v2 =	vld [tilespmem:s12+$0x1000]  }
0x259: {  	v3 =	vld [tilespmem:s12+$0x3000];
	_ =	sdelay $0x4  }
0x25a: {  	v4 =	vshll.u32 v2, $0x10;
	v2 =	vand.u32 $0xFFFF0000, v2;
	v5 =	vshll.u32 v3, $0x10  }
0x25b: {  	v3 =	vand.u32 $0xFFFF0000, v3;
	v4 =	vmul.f32 v4, v0;
	v5 =	vmul.f32 v5, v1  }
0x25c: {  	v3 =	vmul.f32 v3, v1;
	v2 =	vmul.f32 v2, v0  }
0x25d: {  	v4 =	vadd.f32 v5, v4  }
0x25e: {  	s9 =	simm.s32 $0x5020;
	v2 =	vadd.f32 v3, v2  }
0x25f: {  	[tilespmem:s9+$0xFFFFFFE0] =	vst v4  }
0x260: {  	[tilespmem:s9+$0x0] =	vst v2  }
0x261: {  	v3 =	vld [tilespmem:s12+$0x1010]  }
0x262: {  	v4 =	vld [tilespmem:s12+$0x3010];
	_ =	sdelay $0x4  }
0x263: {  	v2 =	vshll.u32 v3, $0x10;
	v3 =	vand.u32 $0xFFFF0000, v3;
	v5 =	vand.u32 $0xFFFF0000, v4  }
0x264: {  	s10 =	simm.s32 $0x5020;
	s11 =	simm.s32 $0x80;
	v4 =	vshll.u32 v4, $0x10;
	v3 =	vmul.f32 v3, v0;
	v5 =	vmul.f32 v5, v1  }
.LBB2_22:
0x265: {  	p0 =	sne.s32 s11, $0x3F80  }
0x266: {  	v2 =	vmul.f32 v2, v0;
	v4 =	vmul.f32 v4, v1;
	s9 =	sadd.s32 $0x40, s9;
	s12 =	smov.u32 s11;
	s11 =	sadd.s32 $0x80, s11  }
0x267: {  	v3 =	vadd.f32 v5, v3  }
0x268: {  	v2 =	vadd.f32 v4, v2  }
0x269: {  	[tilespmem:s10+$0x10] =	vst v3  }
0x26a: {  	s12 =	sshra.s32 s12, $0x2;
	[tilespmem:s10+$0xFFFFFFF0] =	vst v2;
	s10 =	smov.u32 s9  }
0x26b: {  	v2 =	vld [tilespmem:s12+$0x1000]  }
0x26c: {  	v3 =	vld [tilespmem:s12+$0x3000];
	_ =	sdelay $0x3  }
0x26d: {  	v4 =	vshll.u32 v2, $0x10;
	v2 =	vand.u32 $0xFFFF0000, v2  }
0x26e: {  	v5 =	vshll.u32 v3, $0x10;
	v3 =	vand.u32 $0xFFFF0000, v3;
	v4 =	vmul.f32 v4, v0  }
0x26f: {  	v5 =	vmul.f32 v5, v1;
	v3 =	vmul.f32 v3, v1  }
0x270: {  	v2 =	vmul.f32 v2, v0  }
0x271: {  	v4 =	vadd.f32 v5, v4  }
0x272: {  	v2 =	vadd.f32 v3, v2  }
0x273: {  	[tilespmem:s9+$0xFFFFFFE0] =	vst v4  }
0x274: {  	[tilespmem:s9+$0x0] =	vst v2  }
0x275: {  	v3 =	vld [tilespmem:s12+$0x1010]  }
0x276: {  	v5 =	vld [tilespmem:s12+$0x3010];
	_ =	sdelay $0x1  }
.Ltmp10:
0x277: {  	(pc) =	sbr.rel @p0 .LBB2_22-.Ltmp10, $4  }
0x278: {  	_ = 	snop  }
0x279: {  	v2 =	vshll.u32 v3, $0x10  }
0x27a: {  	v3 =	vand.u32 $0xFFFF0000, v3;
	v4 =	vshll.u32 v5, $0x10;
	v5 =	vand.u32 $0xFFFF0000, v5  }
0x27b: {  	v3 =	vmul.f32 v3, v0;
	v5 =	vmul.f32 v5, v1  }
0x27c: {  	v2 =	vmul.f32 v2, v0;
	v4 =	vmul.f32 v4, v1  }
0x27d: {  	v3 =	vadd.f32 v5, v3  }
0x27e: {  	v2 =	vadd.f32 v4, v2  }
0x27f: {  	[tilespmem:s10+$0x10] =	vst v3  }
0x280: {  	s9 =	simm.s32 $0x0;
	[tilespmem:s10+$0xFFFFFFF0] =	vst v2  }
0x281: {  	[hbm4b:s18+s9] =	stream.linear.scatter [tilespmem:s26], [sflag:$0x3], $0x2000, $0x38;
	[tilespmem:$0x9020] =	vst v63  }
0x282: {  	s10 =	simm.s32 $0x600  }
0x283: {  	[tilespmem:s31], [sflag:$0x1] =	stream.indirect.gather [hbm4b:s2+s30], $0x20, s10, s30, $0xb8;
	[tilespmem:$0x9020] =	vst v63  }
0x284: {  	s11 =	simm.s32 $0xE00  }
0x285: {  	[tilespmem:s0], [sflag:$0x1] =	stream.indirect.gather [hbm4b:s2+s30], $0x20, s11, s30, $0xb8;
	[tilespmem:$0x9020] =	vst v63  }
0x286: {  	_ =	swait.ge [sflag:s4], $0x1000  }
0x287: {  	[sflag:s4] =	ssyncset.done $0x0  }
0x288: {  	[sflag:s4] =	ssyncadd.s32 $0xFFFFF000  }
0x289: {  	_ =	swait.ge [sflag:s4], $0x1000  }
0x28a: {  	[sflag:s4] =	ssyncset.done $0x0  }
0x28b: {  	[sflag:s4] =	ssyncadd.s32 $0xFFFFF000  }
0x28c: {  	_ =	swait.ge [sflag:s7], $0x2000  }
0x28d: {  	[sflag:s7] =	ssyncset.done $0x0  }
0x28e: {  	s12 =	simm.s32 $0x0;
	[sflag:s7] =	ssyncadd.s32 $0xFFFFE000  }
0x28f: {  	v2 =	vld [tilespmem:s12+$0x2000]  }
0x290: {  	v3 =	vld [tilespmem:s12+$0x4000];
	_ =	sdelay $0x4  }
0x291: {  	v4 =	vshll.u32 v2, $0x10;
	v2 =	vand.u32 $0xFFFF0000, v2;
	v5 =	vshll.u32 v3, $0x10  }
0x292: {  	v3 =	vand.u32 $0xFFFF0000, v3;
	v4 =	vmul.f32 v4, v0;
	v5 =	vmul.f32 v5, v1  }
0x293: {  	v3 =	vmul.f32 v3, v1;
	v2 =	vmul.f32 v2, v0  }
0x294: {  	v4 =	vadd.f32 v5, v4  }
0x295: {  	s9 =	simm.s32 $0x7030;
	v2 =	vadd.f32 v3, v2  }
0x296: {  	[tilespmem:s9+$0xFFFFFFD0] =	vst v4  }
0x297: {  	[tilespmem:s9+$0xFFFFFFF0] =	vst v2  }
0x298: {  	v3 =	vld [tilespmem:s12+$0x2010]  }
0x299: {  	v4 =	vld [tilespmem:s12+$0x4010];
	_ =	sdelay $0x4  }
0x29a: {  	v2 =	vshll.u32 v3, $0x10;
	v3 =	vand.u32 $0xFFFF0000, v3;
	v5 =	vand.u32 $0xFFFF0000, v4  }
0x29b: {  	s10 =	simm.s32 $0x7030;
	s11 =	simm.s32 $0x80;
	v4 =	vshll.u32 v4, $0x10;
	v3 =	vmul.f32 v3, v0;
	v5 =	vmul.f32 v5, v1  }
.LBB2_24:
0x29c: {  	p0 =	sne.s32 s11, $0x3F80  }
0x29d: {  	v2 =	vmul.f32 v2, v0;
	v4 =	vmul.f32 v4, v1;
	s9 =	sadd.s32 $0x40, s9;
	s12 =	smov.u32 s11;
	s11 =	sadd.s32 $0x80, s11  }
0x29e: {  	v3 =	vadd.f32 v5, v3  }
0x29f: {  	v2 =	vadd.f32 v4, v2  }
0x2a0: {  	[tilespmem:s10+$0x0] =	vst v3  }
0x2a1: {  	s12 =	sshra.s32 s12, $0x2;
	[tilespmem:s10+$0xFFFFFFE0] =	vst v2;
	s10 =	smov.u32 s9  }
0x2a2: {  	v2 =	vld [tilespmem:s12+$0x2000]  }
0x2a3: {  	v3 =	vld [tilespmem:s12+$0x4000];
	_ =	sdelay $0x3  }
0x2a4: {  	v4 =	vshll.u32 v2, $0x10;
	v2 =	vand.u32 $0xFFFF0000, v2  }
0x2a5: {  	v5 =	vshll.u32 v3, $0x10;
	v3 =	vand.u32 $0xFFFF0000, v3;
	v4 =	vmul.f32 v4, v0  }
0x2a6: {  	v5 =	vmul.f32 v5, v1;
	v3 =	vmul.f32 v3, v1  }
0x2a7: {  	v2 =	vmul.f32 v2, v0  }
0x2a8: {  	v4 =	vadd.f32 v5, v4  }
0x2a9: {  	v2 =	vadd.f32 v3, v2  }
0x2aa: {  	[tilespmem:s9+$0xFFFFFFD0] =	vst v4  }
0x2ab: {  	[tilespmem:s9+$0xFFFFFFF0] =	vst v2  }
0x2ac: {  	v3 =	vld [tilespmem:s12+$0x2010]  }
0x2ad: {  	v5 =	vld [tilespmem:s12+$0x4010];
	_ =	sdelay $0x1  }
.Ltmp11:
0x2ae: {  	(pc) =	sbr.rel @p0 .LBB2_24-.Ltmp11, $4  }
0x2af: {  	_ = 	snop  }
0x2b0: {  	v2 =	vshll.u32 v3, $0x10  }
0x2b1: {  	v3 =	vand.u32 $0xFFFF0000, v3;
	v4 =	vshll.u32 v5, $0x10;
	v5 =	vand.u32 $0xFFFF0000, v5  }
0x2b2: {  	v3 =	vmul.f32 v3, v0;
	v5 =	vmul.f32 v5, v1  }
0x2b3: {  	v2 =	vmul.f32 v2, v0;
	v4 =	vmul.f32 v4, v1  }
0x2b4: {  	v3 =	vadd.f32 v5, v3  }
0x2b5: {  	v2 =	vadd.f32 v4, v2  }
0x2b6: {  	[tilespmem:s10+$0x0] =	vst v3  }
0x2b7: {  	s9 =	simm.s32 $0x0;
	[tilespmem:s10+$0xFFFFFFE0] =	vst v2  }
0x2b8: {  	[hbm4b:s19+s9] =	stream.linear.scatter [tilespmem:s5], [sflag:$0x4], $0x2000, $0x38;
	[tilespmem:$0x9020] =	vst v63  }
0x2b9: {  	s10 =	simm.s32 $0x680  }
0x2ba: {  	[tilespmem:s1], [sflag:$0x2] =	stream.indirect.gather [hbm4b:s2+s30], $0x20, s10, s30, $0xb8;
	[tilespmem:$0x9020] =	vst v63  }
0x2bb: {  	s11 =	simm.s32 $0xE80  }
0x2bc: {  	[tilespmem:s29], [sflag:$0x2] =	stream.indirect.gather [hbm4b:s2+s30], $0x20, s11, s30, $0xb8;
	[tilespmem:$0x9020] =	vst v63  }
0x2bd: {  	_ =	swait.ge [sflag:s28], $0x1000  }
0x2be: {  	[sflag:s28] =	ssyncset.done $0x0  }
0x2bf: {  	[sflag:s28] =	ssyncadd.s32 $0xFFFFF000  }
0x2c0: {  	_ =	swait.ge [sflag:s28], $0x1000  }
0x2c1: {  	[sflag:s28] =	ssyncset.done $0x0  }
0x2c2: {  	[sflag:s28] =	ssyncadd.s32 $0xFFFFF000  }
0x2c3: {  	_ =	swait.ge [sflag:s6], $0x2000  }
0x2c4: {  	[sflag:s6] =	ssyncset.done $0x0  }
0x2c5: {  	s12 =	simm.s32 $0x0;
	[sflag:s6] =	ssyncadd.s32 $0xFFFFE000  }
0x2c6: {  	v2 =	vld [tilespmem:s12+$0x1000]  }
0x2c7: {  	v3 =	vld [tilespmem:s12+$0x3000];
	_ =	sdelay $0x4  }
0x2c8: {  	v4 =	vshll.u32 v2, $0x10;
	v2 =	vand.u32 $0xFFFF0000, v2;
	v5 =	vshll.u32 v3, $0x10  }
0x2c9: {  	v3 =	vand.u32 $0xFFFF0000, v3;
	v4 =	vmul.f32 v4, v0;
	v5 =	vmul.f32 v5, v1  }
0x2ca: {  	v3 =	vmul.f32 v3, v1;
	v2 =	vmul.f32 v2, v0  }
0x2cb: {  	v4 =	vadd.f32 v5, v4  }
0x2cc: {  	s9 =	simm.s32 $0x5020;
	v2 =	vadd.f32 v3, v2  }
0x2cd: {  	[tilespmem:s9+$0xFFFFFFE0] =	vst v4  }
0x2ce: {  	[tilespmem:s9+$0x0] =	vst v2  }
0x2cf: {  	v3 =	vld [tilespmem:s12+$0x1010]  }
0x2d0: {  	v4 =	vld [tilespmem:s12+$0x3010];
	_ =	sdelay $0x4  }
0x2d1: {  	v2 =	vshll.u32 v3, $0x10;
	v3 =	vand.u32 $0xFFFF0000, v3;
	v5 =	vand.u32 $0xFFFF0000, v4  }
0x2d2: {  	s10 =	simm.s32 $0x5020;
	s11 =	simm.s32 $0x80;
	v4 =	vshll.u32 v4, $0x10;
	v3 =	vmul.f32 v3, v0;
	v5 =	vmul.f32 v5, v1  }
.LBB2_26:
0x2d3: {  	p0 =	sne.s32 s11, $0x3F80  }
0x2d4: {  	v2 =	vmul.f32 v2, v0;
	v4 =	vmul.f32 v4, v1;
	s9 =	sadd.s32 $0x40, s9;
	s12 =	smov.u32 s11;
	s11 =	sadd.s32 $0x80, s11  }
0x2d5: {  	v3 =	vadd.f32 v5, v3  }
0x2d6: {  	v2 =	vadd.f32 v4, v2  }
0x2d7: {  	[tilespmem:s10+$0x10] =	vst v3  }
0x2d8: {  	s12 =	sshra.s32 s12, $0x2;
	[tilespmem:s10+$0xFFFFFFF0] =	vst v2;
	s10 =	smov.u32 s9  }
0x2d9: {  	v2 =	vld [tilespmem:s12+$0x1000]  }
0x2da: {  	v3 =	vld [tilespmem:s12+$0x3000];
	_ =	sdelay $0x3  }
0x2db: {  	v4 =	vshll.u32 v2, $0x10;
	v2 =	vand.u32 $0xFFFF0000, v2  }
0x2dc: {  	v5 =	vshll.u32 v3, $0x10;
	v3 =	vand.u32 $0xFFFF0000, v3;
	v4 =	vmul.f32 v4, v0  }
0x2dd: {  	v5 =	vmul.f32 v5, v1;
	v3 =	vmul.f32 v3, v1  }
0x2de: {  	v2 =	vmul.f32 v2, v0  }
0x2df: {  	v4 =	vadd.f32 v5, v4  }
0x2e0: {  	v2 =	vadd.f32 v3, v2  }
0x2e1: {  	[tilespmem:s9+$0xFFFFFFE0] =	vst v4  }
0x2e2: {  	[tilespmem:s9+$0x0] =	vst v2  }
0x2e3: {  	v3 =	vld [tilespmem:s12+$0x1010]  }
0x2e4: {  	v5 =	vld [tilespmem:s12+$0x3010];
	_ =	sdelay $0x1  }
.Ltmp12:
0x2e5: {  	(pc) =	sbr.rel @p0 .LBB2_26-.Ltmp12, $4  }
0x2e6: {  	_ = 	snop  }
0x2e7: {  	v2 =	vshll.u32 v3, $0x10  }
0x2e8: {  	v3 =	vand.u32 $0xFFFF0000, v3;
	v4 =	vshll.u32 v5, $0x10;
	v5 =	vand.u32 $0xFFFF0000, v5  }
0x2e9: {  	v3 =	vmul.f32 v3, v0;
	v5 =	vmul.f32 v5, v1  }
0x2ea: {  	v2 =	vmul.f32 v2, v0;
	v4 =	vmul.f32 v4, v1  }
0x2eb: {  	v3 =	vadd.f32 v5, v3  }
0x2ec: {  	v2 =	vadd.f32 v4, v2  }
0x2ed: {  	[tilespmem:s10+$0x10] =	vst v3  }
0x2ee: {  	s9 =	simm.s32 $0x0;
	[tilespmem:s10+$0xFFFFFFF0] =	vst v2  }
0x2ef: {  	[hbm4b:s20+s9] =	stream.linear.scatter [tilespmem:s26], [sflag:$0x3], $0x2000, $0x38;
	[tilespmem:$0x9020] =	vst v63  }
0x2f0: {  	s10 =	simm.s32 $0x700  }
0x2f1: {  	[tilespmem:s31], [sflag:$0x1] =	stream.indirect.gather [hbm4b:s2+s30], $0x20, s10, s30, $0xb8;
	[tilespmem:$0x9020] =	vst v63  }
0x2f2: {  	s11 =	simm.s32 $0xF00  }
0x2f3: {  	[tilespmem:s0], [sflag:$0x1] =	stream.indirect.gather [hbm4b:s2+s30], $0x20, s11, s30, $0xb8;
	[tilespmem:$0x9020] =	vst v63  }
0x2f4: {  	_ =	swait.ge [sflag:s4], $0x1000  }
0x2f5: {  	[sflag:s4] =	ssyncset.done $0x0  }
0x2f6: {  	[sflag:s4] =	ssyncadd.s32 $0xFFFFF000  }
0x2f7: {  	_ =	swait.ge [sflag:s4], $0x1000  }
0x2f8: {  	[sflag:s4] =	ssyncset.done $0x0  }
0x2f9: {  	[sflag:s4] =	ssyncadd.s32 $0xFFFFF000  }
0x2fa: {  	_ =	swait.ge [sflag:s7], $0x2000  }
0x2fb: {  	[sflag:s7] =	ssyncset.done $0x0  }
0x2fc: {  	s12 =	simm.s32 $0x0;
	[sflag:s7] =	ssyncadd.s32 $0xFFFFE000  }
0x2fd: {  	v2 =	vld [tilespmem:s12+$0x2000]  }
0x2fe: {  	v3 =	vld [tilespmem:s12+$0x4000];
	_ =	sdelay $0x4  }
0x2ff: {  	v4 =	vshll.u32 v2, $0x10;
	v2 =	vand.u32 $0xFFFF0000, v2;
	v5 =	vshll.u32 v3, $0x10  }
0x300: {  	v3 =	vand.u32 $0xFFFF0000, v3;
	v4 =	vmul.f32 v4, v0;
	v5 =	vmul.f32 v5, v1  }
0x301: {  	v3 =	vmul.f32 v3, v1;
	v2 =	vmul.f32 v2, v0  }
0x302: {  	v4 =	vadd.f32 v5, v4  }
0x303: {  	s9 =	simm.s32 $0x7030;
	v2 =	vadd.f32 v3, v2  }
0x304: {  	[tilespmem:s9+$0xFFFFFFD0] =	vst v4  }
0x305: {  	[tilespmem:s9+$0xFFFFFFF0] =	vst v2  }
0x306: {  	v3 =	vld [tilespmem:s12+$0x2010]  }
0x307: {  	v4 =	vld [tilespmem:s12+$0x4010];
	_ =	sdelay $0x4  }
0x308: {  	v2 =	vshll.u32 v3, $0x10;
	v3 =	vand.u32 $0xFFFF0000, v3;
	v5 =	vand.u32 $0xFFFF0000, v4  }
0x309: {  	s10 =	simm.s32 $0x7030;
	s11 =	simm.s32 $0x80;
	v4 =	vshll.u32 v4, $0x10;
	v3 =	vmul.f32 v3, v0;
	v5 =	vmul.f32 v5, v1  }
.LBB2_28:
0x30a: {  	p0 =	sne.s32 s11, $0x3F80  }
0x30b: {  	v2 =	vmul.f32 v2, v0;
	v4 =	vmul.f32 v4, v1;
	s9 =	sadd.s32 $0x40, s9;
	s12 =	smov.u32 s11;
	s11 =	sadd.s32 $0x80, s11  }
0x30c: {  	v3 =	vadd.f32 v5, v3  }
0x30d: {  	v2 =	vadd.f32 v4, v2  }
0x30e: {  	[tilespmem:s10+$0x0] =	vst v3  }
0x30f: {  	s12 =	sshra.s32 s12, $0x2;
	[tilespmem:s10+$0xFFFFFFE0] =	vst v2;
	s10 =	smov.u32 s9  }
0x310: {  	v2 =	vld [tilespmem:s12+$0x2000]  }
0x311: {  	v3 =	vld [tilespmem:s12+$0x4000];
	_ =	sdelay $0x3  }
0x312: {  	v4 =	vshll.u32 v2, $0x10;
	v2 =	vand.u32 $0xFFFF0000, v2  }
0x313: {  	v5 =	vshll.u32 v3, $0x10;
	v3 =	vand.u32 $0xFFFF0000, v3;
	v4 =	vmul.f32 v4, v0  }
0x314: {  	v5 =	vmul.f32 v5, v1;
	v3 =	vmul.f32 v3, v1  }
0x315: {  	v2 =	vmul.f32 v2, v0  }
0x316: {  	v4 =	vadd.f32 v5, v4  }
0x317: {  	v2 =	vadd.f32 v3, v2  }
0x318: {  	[tilespmem:s9+$0xFFFFFFD0] =	vst v4  }
0x319: {  	[tilespmem:s9+$0xFFFFFFF0] =	vst v2  }
0x31a: {  	v3 =	vld [tilespmem:s12+$0x2010]  }
0x31b: {  	v5 =	vld [tilespmem:s12+$0x4010];
	_ =	sdelay $0x1  }
.Ltmp13:
0x31c: {  	(pc) =	sbr.rel @p0 .LBB2_28-.Ltmp13, $4  }
0x31d: {  	_ = 	snop  }
0x31e: {  	v2 =	vshll.u32 v3, $0x10  }
0x31f: {  	v3 =	vand.u32 $0xFFFF0000, v3;
	v4 =	vshll.u32 v5, $0x10;
	v5 =	vand.u32 $0xFFFF0000, v5  }
0x320: {  	v3 =	vmul.f32 v3, v0;
	v5 =	vmul.f32 v5, v1  }
0x321: {  	v2 =	vmul.f32 v2, v0;
	v4 =	vmul.f32 v4, v1  }
0x322: {  	v3 =	vadd.f32 v5, v3  }
0x323: {  	v2 =	vadd.f32 v4, v2  }
0x324: {  	[tilespmem:s10+$0x0] =	vst v3  }
0x325: {  	s9 =	simm.s32 $0x0;
	[tilespmem:s10+$0xFFFFFFE0] =	vst v2  }
0x326: {  	[hbm4b:s21+s9] =	stream.linear.scatter [tilespmem:s5], [sflag:$0x4], $0x2000, $0x38;
	[tilespmem:$0x9020] =	vst v63  }
0x327: {  	s10 =	simm.s32 $0x780  }
0x328: {  	[tilespmem:s1], [sflag:$0x2] =	stream.indirect.gather [hbm4b:s2+s30], $0x20, s10, s30, $0xb8;
	[tilespmem:$0x9020] =	vst v63  }
0x329: {  	s11 =	simm.s32 $0xF80  }
0x32a: {  	[tilespmem:s29], [sflag:$0x2] =	stream.indirect.gather [hbm4b:s2+s30], $0x20, s11, s30, $0xb8;
	[tilespmem:$0x9020] =	vst v63  }
0x32b: {  	_ =	swait.ge [sflag:s28], $0x1000  }
0x32c: {  	[sflag:s28] =	ssyncset.done $0x0  }
0x32d: {  	[sflag:s28] =	ssyncadd.s32 $0xFFFFF000  }
0x32e: {  	_ =	swait.ge [sflag:s28], $0x1000  }
0x32f: {  	[sflag:s28] =	ssyncset.done $0x0  }
0x330: {  	[sflag:s28] =	ssyncadd.s32 $0xFFFFF000  }
0x331: {  	_ =	swait.ge [sflag:s6], $0x2000  }
0x332: {  	[sflag:s6] =	ssyncset.done $0x0  }
0x333: {  	s12 =	simm.s32 $0x0;
	[sflag:s6] =	ssyncadd.s32 $0xFFFFE000  }
0x334: {  	v2 =	vld [tilespmem:s12+$0x1000]  }
0x335: {  	v3 =	vld [tilespmem:s12+$0x3000];
	_ =	sdelay $0x4  }
0x336: {  	v4 =	vshll.u32 v2, $0x10;
	v2 =	vand.u32 $0xFFFF0000, v2;
	v5 =	vshll.u32 v3, $0x10  }
0x337: {  	v3 =	vand.u32 $0xFFFF0000, v3;
	v4 =	vmul.f32 v4, v0;
	v5 =	vmul.f32 v5, v1  }
0x338: {  	v3 =	vmul.f32 v3, v1;
	v2 =	vmul.f32 v2, v0  }
0x339: {  	v4 =	vadd.f32 v5, v4  }
0x33a: {  	s9 =	simm.s32 $0x5020;
	v2 =	vadd.f32 v3, v2  }
0x33b: {  	[tilespmem:s9+$0xFFFFFFE0] =	vst v4  }
0x33c: {  	[tilespmem:s9+$0x0] =	vst v2  }
0x33d: {  	v3 =	vld [tilespmem:s12+$0x1010]  }
0x33e: {  	v4 =	vld [tilespmem:s12+$0x3010];
	_ =	sdelay $0x4  }
0x33f: {  	v2 =	vshll.u32 v3, $0x10;
	v3 =	vand.u32 $0xFFFF0000, v3;
	v5 =	vand.u32 $0xFFFF0000, v4  }
0x340: {  	s10 =	simm.s32 $0x5020;
	s11 =	simm.s32 $0x80;
	v4 =	vshll.u32 v4, $0x10;
	v3 =	vmul.f32 v3, v0;
	v5 =	vmul.f32 v5, v1  }
.LBB2_30:
0x341: {  	p0 =	sne.s32 s11, $0x3F80  }
0x342: {  	v2 =	vmul.f32 v2, v0;
	v4 =	vmul.f32 v4, v1;
	s9 =	sadd.s32 $0x40, s9;
	s12 =	smov.u32 s11;
	s11 =	sadd.s32 $0x80, s11  }
0x343: {  	v3 =	vadd.f32 v5, v3  }
0x344: {  	v2 =	vadd.f32 v4, v2  }
0x345: {  	[tilespmem:s10+$0x10] =	vst v3  }
0x346: {  	s12 =	sshra.s32 s12, $0x2;
	[tilespmem:s10+$0xFFFFFFF0] =	vst v2;
	s10 =	smov.u32 s9  }
0x347: {  	v2 =	vld [tilespmem:s12+$0x1000]  }
0x348: {  	v3 =	vld [tilespmem:s12+$0x3000];
	_ =	sdelay $0x3  }
0x349: {  	v4 =	vshll.u32 v2, $0x10;
	v2 =	vand.u32 $0xFFFF0000, v2  }
0x34a: {  	v5 =	vshll.u32 v3, $0x10;
	v3 =	vand.u32 $0xFFFF0000, v3;
	v4 =	vmul.f32 v4, v0  }
0x34b: {  	v5 =	vmul.f32 v5, v1;
	v3 =	vmul.f32 v3, v1  }
0x34c: {  	v2 =	vmul.f32 v2, v0  }
0x34d: {  	v4 =	vadd.f32 v5, v4  }
0x34e: {  	v2 =	vadd.f32 v3, v2  }
0x34f: {  	[tilespmem:s9+$0xFFFFFFE0] =	vst v4  }
0x350: {  	[tilespmem:s9+$0x0] =	vst v2  }
0x351: {  	v3 =	vld [tilespmem:s12+$0x1010]  }
0x352: {  	v5 =	vld [tilespmem:s12+$0x3010];
	_ =	sdelay $0x1  }
.Ltmp14:
0x353: {  	(pc) =	sbr.rel @p0 .LBB2_30-.Ltmp14, $4  }
0x354: {  	_ = 	snop  }
0x355: {  	v2 =	vshll.u32 v3, $0x10  }
0x356: {  	v3 =	vand.u32 $0xFFFF0000, v3;
	v4 =	vshll.u32 v5, $0x10;
	v5 =	vand.u32 $0xFFFF0000, v5  }
0x357: {  	v3 =	vmul.f32 v3, v0;
	v5 =	vmul.f32 v5, v1  }
0x358: {  	v2 =	vmul.f32 v2, v0;
	v4 =	vmul.f32 v4, v1  }
0x359: {  	v3 =	vadd.f32 v5, v3  }
0x35a: {  	v2 =	vadd.f32 v4, v2  }
0x35b: {  	[tilespmem:s10+$0x10] =	vst v3  }
0x35c: {  	s9 =	simm.s32 $0x0;
	[tilespmem:s10+$0xFFFFFFF0] =	vst v2  }
0x35d: {  	[hbm4b:s22+s9] =	stream.linear.scatter [tilespmem:s26], [sflag:$0x3], $0x2000, $0x38;
	[tilespmem:$0x9020] =	vst v63  }
0x35e: {  	_ =	swait.ge [sflag:s4], $0x1000  }
0x35f: {  	[sflag:s4] =	ssyncset.done $0x0  }
0x360: {  	[sflag:s4] =	ssyncadd.s32 $0xFFFFF000  }
0x361: {  	_ =	swait.ge [sflag:s4], $0x1000  }
0x362: {  	[sflag:s4] =	ssyncset.done $0x0  }
0x363: {  	[sflag:s4] =	ssyncadd.s32 $0xFFFFF000  }
0x364: {  	_ =	swait.ge [sflag:s7], $0x2000  }
0x365: {  	[sflag:s7] =	ssyncset.done $0x0  }
0x366: {  	s12 =	simm.s32 $0x0;
	[sflag:s7] =	ssyncadd.s32 $0xFFFFE000  }
0x367: {  	v2 =	vld [tilespmem:s12+$0x2000]  }
0x368: {  	v3 =	vld [tilespmem:s12+$0x4000];
	_ =	sdelay $0x4  }
0x369: {  	v4 =	vshll.u32 v2, $0x10;
	v2 =	vand.u32 $0xFFFF0000, v2;
	v5 =	vshll.u32 v3, $0x10  }
0x36a: {  	v3 =	vand.u32 $0xFFFF0000, v3;
	v4 =	vmul.f32 v4, v0;
	v5 =	vmul.f32 v5, v1  }
0x36b: {  	v3 =	vmul.f32 v3, v1;
	v2 =	vmul.f32 v2, v0  }
0x36c: {  	v4 =	vadd.f32 v5, v4  }
0x36d: {  	s9 =	simm.s32 $0x7030;
	v2 =	vadd.f32 v3, v2  }
0x36e: {  	[tilespmem:s9+$0xFFFFFFD0] =	vst v4  }
0x36f: {  	[tilespmem:s9+$0xFFFFFFF0] =	vst v2  }
0x370: {  	v3 =	vld [tilespmem:s12+$0x2010]  }
0x371: {  	v4 =	vld [tilespmem:s12+$0x4010];
	_ =	sdelay $0x4  }
0x372: {  	v2 =	vshll.u32 v3, $0x10;
	v3 =	vand.u32 $0xFFFF0000, v3;
	v5 =	vand.u32 $0xFFFF0000, v4  }
0x373: {  	s11 =	simm.s32 $0x80;
	s10 =	simm.s32 $0x7030;
	v4 =	vshll.u32 v4, $0x10;
	v3 =	vmul.f32 v3, v0;
	v5 =	vmul.f32 v5, v1  }
.LBB2_32:
0x374: {  	p0 =	sne.s32 s11, $0x3F80  }
0x375: {  	v2 =	vmul.f32 v2, v0;
	v4 =	vmul.f32 v4, v1;
	s9 =	sadd.s32 $0x40, s9;
	s12 =	smov.u32 s11;
	s11 =	sadd.s32 $0x80, s11  }
0x376: {  	v3 =	vadd.f32 v5, v3  }
0x377: {  	v2 =	vadd.f32 v4, v2  }
0x378: {  	[tilespmem:s10+$0x0] =	vst v3  }
0x379: {  	s12 =	sshra.s32 s12, $0x2;
	[tilespmem:s10+$0xFFFFFFE0] =	vst v2;
	s10 =	smov.u32 s9  }
0x37a: {  	v2 =	vld [tilespmem:s12+$0x2000]  }
0x37b: {  	v3 =	vld [tilespmem:s12+$0x4000];
	_ =	sdelay $0x3  }
0x37c: {  	v4 =	vshll.u32 v2, $0x10;
	v2 =	vand.u32 $0xFFFF0000, v2  }
0x37d: {  	v5 =	vshll.u32 v3, $0x10;
	v3 =	vand.u32 $0xFFFF0000, v3;
	v4 =	vmul.f32 v4, v0  }
0x37e: {  	v5 =	vmul.f32 v5, v1;
	v3 =	vmul.f32 v3, v1  }
0x37f: {  	v2 =	vmul.f32 v2, v0  }
0x380: {  	v4 =	vadd.f32 v5, v4  }
0x381: {  	v2 =	vadd.f32 v3, v2  }
0x382: {  	[tilespmem:s9+$0xFFFFFFD0] =	vst v4  }
0x383: {  	[tilespmem:s9+$0xFFFFFFF0] =	vst v2  }
0x384: {  	v3 =	vld [tilespmem:s12+$0x2010]  }
0x385: {  	v5 =	vld [tilespmem:s12+$0x4010];
	_ =	sdelay $0x1  }
.Ltmp15:
0x386: {  	(pc) =	sbr.rel @p0 .LBB2_32-.Ltmp15, $4  }
0x387: {  	_ = 	snop  }
0x388: {  	v2 =	vshll.u32 v3, $0x10  }
0x389: {  	v3 =	vand.u32 $0xFFFF0000, v3;
	v4 =	vshll.u32 v5, $0x10;
	v5 =	vand.u32 $0xFFFF0000, v5  }
0x38a: {  	v3 =	vmul.f32 v3, v0;
	v5 =	vmul.f32 v5, v1  }
0x38b: {  	v0 =	vmul.f32 v2, v0;
	v1 =	vmul.f32 v4, v1  }
0x38c: {  	v63 =	vadd.f32 v5, v3  }
0x38d: {  	v0 =	vadd.f32 v1, v0  }
0x38e: {  	[tilespmem:s10+$0x0] =	vst v63  }
0x38f: {  	s8 =	sadd.s32 $0x1, s8;
	[tilespmem:s10+$0xFFFFFFE0] =	vst v0  }
0x390: {  	[hbm4b:s23+s3] =	stream.linear.scatter [tilespmem:s5], [sflag:$0x4], $0x2000, $0x38;
	[tilespmem:$0x9020] =	vst v63  }
0x391: {  	p0 =	sne.s32 s8, s24;
	_ =	swait.ge [sflag:s6], $0x2000  }
.Ltmp16:
0x392: {  	[sflag:s6] =	ssyncset.done $0x0;
	(pc) =	sbr.rel @p0 .LBB2_1-.Ltmp16, $4  }
0x393: {  	[sflag:s6] =	ssyncadd.s32 $0xFFFFE000  }
0x394: {  	_ =	swait.ge [sflag:s7], $0x2000  }
0x395: {  	[sflag:s7] =	ssyncset.done $0x0  }
0x396: {  	[sflag:s7] =	ssyncadd.s32 $0xFFFFE000  }
0x397: {  	_ =	sfence.sel $0x180000  }
0x398: {  	[bflag:$0x0] =	sbarrier.arrive $0xFFFF  }
0x399: {  	_ =	strace $0x90000047  }
0x39a: {  	s0 =	stileid.u32;
	[bflag:$0x2] =	sbarrier.arrive $0xFFFF  }
0x39b: {  	p0 =	sne.s32 s0, $0x0;
	s0 =	rddreg [dreg:$0x2]  }
0x39c: {  	s0 =	sadd.s32 @!p0 $0x100000, s0  }
0x39d: {  	[sflag:s0] =	ssyncadd.tile.s32 @!p0 $0x1;
	_ =	shalt  }
.Lfunc_end2:
_tile_overlayer_lowered:
.L_overlay_start_2:
0x39e: {  	(tag) =	ssettag $0x2  }
0x39f: {  	s0 =	rddreg [dreg:$0x0];
	s2 =	stileid.u32  }
0x3a0: {  	s1 =	rddreg [dreg:$0x1];
	p0 =	sne.s32 s2, $0x0  }
0x3a1: {  	s3 =	rddreg [dreg:$0x2];
	[bflag:$0x3] =	sbarrier.arrive $0xFFFF;
	s2 =	simm.s32 @!p0 $0x1C05  }
0x3a2: {  	[timem:s3], [sflag:s2] =	dma.local @!p0 [hbm:s0], s1  }
0x3a3: {  	s0 =	simm.s32 @!p0 $0x5  }
0x3a4: {  	_ =	swait.ge @!p0 [sflag:s0], s1  }
0x3a5: {  	s1 =	ssub.s32 @!p0 $0x0, s1;
	[sflag:s0] =	ssyncset.done @!p0 $0x0  }
0x3a6: {  	[sflag:s0] =	ssyncadd.s32 @!p0 s1  }
0x3a7: {  	[bflag:$0x3] =	sbarrier.arrive $0xFFFF  }
0x3a8: {  	_ =	shalt  }

</sc_bundles>
